<compile_context>
chip_gen: v7x
topology: tpu7x:2x2x1
jax: 0.10.2.dev20260603
libtpu: 0.0.44.dev20260713+nightly
codegen_flags: <defaults>
</compile_context>

<pallas_src>
import functools

import jax
import jax.numpy as jnp
from jax import lax
from jax.experimental import pallas as pl
from jax.experimental.pallas import tpu as pltpu
from jax.experimental.pallas import tpu_sc as plsc

EMBEDDING_SIZE = 64
BATCH = 16384
HIST_LEN = 50

_info = plsc.get_sparse_core_info()
_NC, _NS = _info.num_cores, _info.num_subcores
_NW = _NC * _NS
_NBB = BATCH // 128
_BB_W = _NBB // _NW
_TPAD = 136


def _make_gather():
    mesh = plsc.VectorSubcoreMesh(core_axis_name="c", subcore_axis_name="s")

    @functools.partial(
        pl.kernel,
        mesh=mesh,
        compiler_params=pltpu.CompilerParams(
            use_tc_tiling_on_sc=False, needs_layout_passes=False
        ),
        out_type=jax.ShapeDtypeStruct((HIST_LEN, 8, 128, 8, 128), jnp.float32),
        scratch_types=[
            pltpu.VMEM((6400,), jnp.int32),
            pltpu.VMEM((HIST_LEN, 128), jnp.int32),
            pltpu.VMEM((128, 64), jnp.float32),
            pltpu.VMEM((128, 64), jnp.float32),
            pltpu.VMEM((64, _TPAD), jnp.float32),
            pltpu.VMEM((64, _TPAD), jnp.float32),
            pltpu.SemaphoreType.DMA,
            pltpu.SemaphoreType.DMA,
        ],
    )
    def gather_kernel(idx_hbm, table_hbm, out_hbm, idx_v, idxt_v,
                      g0, g1, t0, t1, gsem, ssem):
        wid = lax.axis_index("s") * _NC + lax.axis_index("c")
        lane = lax.broadcasted_iota(jnp.int32, (16,), 0)

        def fire_gather(h, gb):
            return pltpu.async_copy(table_hbm.at[idxt_v.at[h]], gb, gsem)

        def drain_gather(gb):
            pltpu.make_async_copy(
                table_hbm.at[idxt_v.at[0]], gb, gsem
            ).wait()

        def fire_store(h, bb, tb):
            for do in range(8):
                pltpu.async_copy(
                    tb.at[pl.ds(do * 8, 8), pl.ds(0, 128)],
                    out_hbm.at[h, do, bb, :, :],
                    ssem,
                )

        def drain_store(tb):
            for do in range(8):
                pltpu.make_async_copy(
                    tb.at[pl.ds(do * 8, 8), pl.ds(0, 128)],
                    out_hbm.at[0, 0, 0, :, :],
                    ssem,
                ).wait()

        def transpose_tile(gb, tb):
            rows = [lane + (c * 16) for c in range(4)]

            @plsc.parallel_loop(0, 128, unroll=4)
            def tr_body(b):
                bcol = jnp.broadcast_to(b, (16,)).astype(jnp.int32)
                vs = [gb[b, pl.ds(c * 16, 16)] for c in range(4)]
                for c in range(4):
                    plsc.store_scatter(tb, [rows[c], bcol], vs[c])

        def do_block(bb, _):
            pltpu.sync_copy(idx_hbm.at[pl.ds(bb * 6400, 6400)], idx_v)

            @plsc.parallel_loop(0, HIST_LEN, unroll=2)
            def idx_t_body(h):
                hv = jnp.broadcast_to(h, (16,)).astype(jnp.int32)
                for c in range(8):
                    addr = (lane + (c * 16)) * HIST_LEN + hv
                    idxt_v[h, pl.ds(c * 16, 16)] = plsc.load_gather(
                        idx_v, [addr]
                    )

            fire_gather(0, g0)

            def do_pair(t, carry):
                h0 = 2 * t
                drain_gather(g0)
                fire_gather(h0 + 1, g1)

                @pl.when(t > 0)
                def _():
                    drain_store(t0)

                transpose_tile(g0, t0)
                fire_store(h0, bb, t0)
                drain_gather(g1)

                @pl.when(t < HIST_LEN // 2 - 1)
                def _():
                    fire_gather(h0 + 2, g0)

                @pl.when(t > 0)
                def _():
                    drain_store(t1)

                transpose_tile(g1, t1)
                fire_store(h0 + 1, bb, t1)
                return carry

            lax.fori_loop(0, HIST_LEN // 2, do_pair, 0)
            drain_store(t0)
            drain_store(t1)
            return _

        lax.fori_loop(wid * _BB_W, (wid + 1) * _BB_W, do_block, 0)

    return gather_kernel


_gather = _make_gather()


def kernel(indices_words, table):
    idx_flat = indices_words.astype(jnp.int32).reshape(-1)
    phys = _gather(idx_flat, table)
    return phys.transpose(2, 4, 0, 1, 3).reshape(BATCH, HIST_LEN, EMBEDDING_SIZE)

# --- scband reference (transcript-rebuilt; emitter-appended) ---
"""Pipeline reference for scband-word2-vec-model-50070728737157 (READ-ONLY COPY).

The authoritative reference and input builder live on the scoring server;
editing this copy changes nothing except your own understanding.
"""

import jax, jax.numpy as jnp
import numpy as np

EMBEDDING_SIZE = 64
NUMBER_WORDS = 1000000
BATCH = 16384
HIST_LEN = 50


def setup_inputs(seed: int = 0) -> dict:
    key = jax.random.key(seed)
    k_idx, k_tab = jax.random.split(key)
    indices_words = jax.random.randint(k_idx, (BATCH, HIST_LEN), 0, NUMBER_WORDS + 1, dtype=jnp.int64 if jax.config.read('jax_enable_x64') else jnp.int32)
    # Embedding table: (number_words + 1, embedding_size), as in keras.layers.Embedding
    table = jax.random.uniform(k_tab, (NUMBER_WORDS + 1, EMBEDDING_SIZE), dtype=jnp.float32, minval=-0.05, maxval=0.05)
    return {"indices_words": indices_words, "table": table}


def reference(indices_words, table):
    # Word2VecModel.get_embeddings: self.layer_embedding(indices_words)
    # keras Embedding is a gather on axis 0 of the table.
    return jnp.take(table, indices_words, axis=0)

if __name__ == "__main__":
    import jax
    _d = setup_inputs()
    print(jax.jit(kernel)(*tuple(_d.values())))

</pallas_src>

<mosaic_0001>
#map = affine_map<(d0, d1) -> (0)>
#map1 = affine_map<(d0, d1) -> (0, 0)>
#map2 = affine_map<(d0, d1) -> (0, 0, 0, 0, 0)>
module attributes {stable_mosaic.version = 14 : i64} {
  func.func @gather_kernel(%arg0: i32, %arg1: i32, %arg2: memref<819200xi32, #tpu.memory_space<hbm>>, %arg3: memref<1000001x64xf32, #tpu.memory_space<hbm>>, %arg4: memref<50x8x128x8x128xf32, #tpu.memory_space<hbm>>, %arg5: memref<6400xi32, #tpu.memory_space<vmem>>, %arg6: memref<50x128xi32, #tpu.memory_space<vmem>>, %arg7: memref<128x64xf32, #tpu.memory_space<vmem>>, %arg8: memref<128x64xf32, #tpu.memory_space<vmem>>, %arg9: memref<64x136xf32, #tpu.memory_space<vmem>>, %arg10: memref<64x136xf32, #tpu.memory_space<vmem>>, %arg11: memref<!tpu.dma_semaphore, #tpu.memory_space<semaphore_mem>>, %arg12: memref<!tpu.dma_semaphore, #tpu.memory_space<semaphore_mem>>) attributes {dimension_semantics = [#tpu.dimension_semantics<core_parallel>, #tpu.dimension_semantics<subcore_parallel>], iteration_bounds = array<i64: 2, 16>, scalar_prefetch = 0 : i64, scratch_operands = 8 : i64, tpu.core_type = #tpu.core_type<sc_vector_subcore>, window_params = [{transform_indices = #map}, {transform_indices = #map1}, {transform_indices = #map2}]} {
    %mul3A = arith.constant 2 : i32
    %mul3A_0 = arith.muli %arg1, %mul3A : i32
    %add3A = arith.addi %mul3A_0, %arg0 : i32
    %iota3A = tpu.iota {dimensions = array<i32: 0>} : vector<16xi32>
    %mul3A_1 = arith.constant 4 : i32
    %mul3A_2 = arith.muli %add3A, %mul3A_1 : i32
    %add3A_3 = arith.constant 1 : i32
    %add3A_4 = arith.addi %add3A, %add3A_3 : i32
    %mul3A_5 = arith.constant 4 : i32
    %mul3A_6 = arith.muli %add3A_4, %mul3A_5 : i32
    %while3A = arith.constant 0 : i32
    %while3A_7 = arith.subi %mul3A_6, %mul3A_2 : i32
    %while3A_8 = arith.addi %mul3A_2, %while3A_7 : i32
    %while3A_9 = arith.constant 1 : i32
    %while3A_10 = arith.divsi %while3A_7, %while3A_9 : i32
    %while3A_11 = arith.muli %while3A_10, %while3A_9 : i32
    %while3A_12 = arith.addi %mul3A_2, %while3A_11 : i32
    %while3A_13 = arith.constant 1 : i32
    scf.for %while3A_15 = %mul3A_2 to %while3A_12 step %while3A_13  : i32 {
      %mul3A_16 = arith.constant 6400 : i32
      %mul3A_17 = arith.muli %while3A_15, %mul3A_16 : i32
      "tpu.region"() ({
        %run_scoped3A = tpu.sem_alloc : memref<!tpu.dma_semaphore, #tpu.memory_space<semaphore_mem>>
        %dma_start3A_302 = tpu.memref_slice %arg2[%mul3A_17] : memref<819200xi32, #tpu.memory_space<hbm>> -> memref<6400xi32, #tpu.memory_space<hbm>>
        %dma_start3A_303 = tpu.memref_slice %arg2[%mul3A_17] : memref<819200xi32, #tpu.memory_space<hbm>> -> memref<6400xi32, #tpu.memory_space<hbm>>
        tpu.enqueue_dma source(%dma_start3A_303 : memref<6400xi32, #tpu.memory_space<hbm>>) target(%arg5 : memref<6400xi32, #tpu.memory_space<vmem>>) target_semaphore(%run_scoped3A : memref<!tpu.dma_semaphore, #tpu.memory_space<semaphore_mem>>)
        %dma_wait3A_304 = tpu.memref_slice %arg2[%mul3A_17] : memref<819200xi32, #tpu.memory_space<hbm>> -> memref<6400xi32, #tpu.memory_space<hbm>>
        %dma_wait3A_305 = tpu.memref_slice %arg2[%mul3A_17] : memref<819200xi32, #tpu.memory_space<hbm>> -> memref<6400xi32, #tpu.memory_space<hbm>>
        tpu.wait_dma2 semaphore(%run_scoped3A : memref<!tpu.dma_semaphore, #tpu.memory_space<semaphore_mem>>) src(%dma_wait3A_305 : memref<6400xi32, #tpu.memory_space<hbm>>) dst(%arg5 : memref<6400xi32, #tpu.memory_space<vmem>>)
        tpu.yield
      }) : () -> ()
      %parallel_loop3A = arith.constant 0 : i32
      %parallel_loop3A_18 = arith.constant 50 : i32
      %parallel_loop3A_19 = arith.constant 1 : i32
      scf.for %parallel_loop3A_302 = %parallel_loop3A to %parallel_loop3A_18 step %parallel_loop3A_19  : i32 {
        %parallel_loop3A_303 = vector.broadcast %parallel_loop3A_302 : i32 to vector<16xi32>
        %parallel_loop3A_304 = arith.constant 0 : i32
        %parallel_loop3A_305 = vector.broadcast %parallel_loop3A_304 : i32 to vector<16xi32>
        %parallel_loop3A_306 = arith.addi %iota3A, %parallel_loop3A_305 : vector<16xi32>
        %parallel_loop3A_307 = arith.constant 50 : i32
        %parallel_loop3A_308 = vector.broadcast %parallel_loop3A_307 : i32 to vector<16xi32>
        %parallel_loop3A_309 = arith.muli %parallel_loop3A_306, %parallel_loop3A_308 : vector<16xi32>
        %parallel_loop3A_310 = arith.addi %parallel_loop3A_309, %parallel_loop3A_303 : vector<16xi32>
        %parallel_loop3A_311 = tpu.vector_load_idx %arg5[%parallel_loop3A_310] : memref<6400xi32, #tpu.memory_space<vmem>>[vector<16xi32>], vector<16xi32>,
        %parallel_loop3A_312 = arith.index_cast %parallel_loop3A_302 : i32 to index
        %parallel_loop3A_313 = arith.constant 0 : index
        %parallel_loop3A_314 = tpu.vector_load %arg6[%parallel_loop3A_312, %parallel_loop3A_313] {strides = array<i32>} : memref<50x128xi32, #tpu.memory_space<vmem>>, vector<16xi32>,
        tpu.vector_store %arg6[%parallel_loop3A_312, %parallel_loop3A_313], %parallel_loop3A_311 {strides = array<i32>} : memref<50x128xi32, #tpu.memory_space<vmem>>, vector<16xi32>,
        %parallel_loop3A_315 = arith.constant 16 : i32
        %parallel_loop3A_316 = vector.broadcast %parallel_loop3A_315 : i32 to vector<16xi32>
        %parallel_loop3A_317 = arith.addi %iota3A, %parallel_loop3A_316 : vector<16xi32>
        %parallel_loop3A_318 = arith.constant 50 : i32
        %parallel_loop3A_319 = vector.broadcast %parallel_loop3A_318 : i32 to vector<16xi32>
        %parallel_loop3A_320 = arith.muli %parallel_loop3A_317, %parallel_loop3A_319 : vector<16xi32>
        %parallel_loop3A_321 = arith.addi %parallel_loop3A_320, %parallel_loop3A_303 : vector<16xi32>
        %parallel_loop3A_322 = tpu.vector_load_idx %arg5[%parallel_loop3A_321] : memref<6400xi32, #tpu.memory_space<vmem>>[vector<16xi32>], vector<16xi32>,
        %parallel_loop3A_323 = arith.index_cast %parallel_loop3A_302 : i32 to index
        %parallel_loop3A_324 = arith.constant 16 : index
        %parallel_loop3A_325 = tpu.vector_load %arg6[%parallel_loop3A_323, %parallel_loop3A_324] {strides = array<i32>} : memref<50x128xi32, #tpu.memory_space<vmem>>, vector<16xi32>,
        tpu.vector_store %arg6[%parallel_loop3A_323, %parallel_loop3A_324], %parallel_loop3A_322 {strides = array<i32>} : memref<50x128xi32, #tpu.memory_space<vmem>>, vector<16xi32>,
        %parallel_loop3A_326 = arith.constant 32 : i32
        %parallel_loop3A_327 = vector.broadcast %parallel_loop3A_326 : i32 to vector<16xi32>
        %parallel_loop3A_328 = arith.addi %iota3A, %parallel_loop3A_327 : vector<16xi32>
        %parallel_loop3A_329 = arith.constant 50 : i32
        %parallel_loop3A_330 = vector.broadcast %parallel_loop3A_329 : i32 to vector<16xi32>
        %parallel_loop3A_331 = arith.muli %parallel_loop3A_328, %parallel_loop3A_330 : vector<16xi32>
        %parallel_loop3A_332 = arith.addi %parallel_loop3A_331, %parallel_loop3A_303 : vector<16xi32>
        %parallel_loop3A_333 = tpu.vector_load_idx %arg5[%parallel_loop3A_332] : memref<6400xi32, #tpu.memory_space<vmem>>[vector<16xi32>], vector<16xi32>,
        %parallel_loop3A_334 = arith.index_cast %parallel_loop3A_302 : i32 to index
        %parallel_loop3A_335 = arith.constant 32 : index
        %parallel_loop3A_336 = tpu.vector_load %arg6[%parallel_loop3A_334, %parallel_loop3A_335] {strides = array<i32>} : memref<50x128xi32, #tpu.memory_space<vmem>>, vector<16xi32>,
        tpu.vector_store %arg6[%parallel_loop3A_334, %parallel_loop3A_335], %parallel_loop3A_333 {strides = array<i32>} : memref<50x128xi32, #tpu.memory_space<vmem>>, vector<16xi32>,
        %parallel_loop3A_337 = arith.constant 48 : i32
        %parallel_loop3A_338 = vector.broadcast %parallel_loop3A_337 : i32 to vector<16xi32>
        %parallel_loop3A_339 = arith.addi %iota3A, %parallel_loop3A_338 : vector<16xi32>
        %parallel_loop3A_340 = arith.constant 50 : i32
        %parallel_loop3A_341 = vector.broadcast %parallel_loop3A_340 : i32 to vector<16xi32>
        %parallel_loop3A_342 = arith.muli %parallel_loop3A_339, %parallel_loop3A_341 : vector<16xi32>
        %parallel_loop3A_343 = arith.addi %parallel_loop3A_342, %parallel_loop3A_303 : vector<16xi32>
        %parallel_loop3A_344 = tpu.vector_load_idx %arg5[%parallel_loop3A_343] : memref<6400xi32, #tpu.memory_space<vmem>>[vector<16xi32>], vector<16xi32>,
        %parallel_loop3A_345 = arith.index_cast %parallel_loop3A_302 : i32 to index
        %parallel_loop3A_346 = arith.constant 48 : index
        %parallel_loop3A_347 = tpu.vector_load %arg6[%parallel_loop3A_345, %parallel_loop3A_346] {strides = array<i32>} : memref<50x128xi32, #tpu.memory_space<vmem>>, vector<16xi32>,
        tpu.vector_store %arg6[%parallel_loop3A_345, %parallel_loop3A_346], %parallel_loop3A_344 {strides = array<i32>} : memref<50x128xi32, #tpu.memory_space<vmem>>, vector<16xi32>,
        %parallel_loop3A_348 = arith.constant 64 : i32
        %parallel_loop3A_349 = vector.broadcast %parallel_loop3A_348 : i32 to vector<16xi32>
        %parallel_loop3A_350 = arith.addi %iota3A, %parallel_loop3A_349 : vector<16xi32>
        %parallel_loop3A_351 = arith.constant 50 : i32
        %parallel_loop3A_352 = vector.broadcast %parallel_loop3A_351 : i32 to vector<16xi32>
        %parallel_loop3A_353 = arith.muli %parallel_loop3A_350, %parallel_loop3A_352 : vector<16xi32>
        %parallel_loop3A_354 = arith.addi %parallel_loop3A_353, %parallel_loop3A_303 : vector<16xi32>
        %parallel_loop3A_355 = tpu.vector_load_idx %arg5[%parallel_loop3A_354] : memref<6400xi32, #tpu.memory_space<vmem>>[vector<16xi32>], vector<16xi32>,
        %parallel_loop3A_356 = arith.index_cast %parallel_loop3A_302 : i32 to index
        %parallel_loop3A_357 = arith.constant 64 : index
        %parallel_loop3A_358 = tpu.vector_load %arg6[%parallel_loop3A_356, %parallel_loop3A_357] {strides = array<i32>} : memref<50x128xi32, #tpu.memory_space<vmem>>, vector<16xi32>,
        tpu.vector_store %arg6[%parallel_loop3A_356, %parallel_loop3A_357], %parallel_loop3A_355 {strides = array<i32>} : memref<50x128xi32, #tpu.memory_space<vmem>>, vector<16xi32>,
        %parallel_loop3A_359 = arith.constant 80 : i32
        %parallel_loop3A_360 = vector.broadcast %parallel_loop3A_359 : i32 to vector<16xi32>
        %parallel_loop3A_361 = arith.addi %iota3A, %parallel_loop3A_360 : vector<16xi32>
        %parallel_loop3A_362 = arith.constant 50 : i32
        %parallel_loop3A_363 = vector.broadcast %parallel_loop3A_362 : i32 to vector<16xi32>
        %parallel_loop3A_364 = arith.muli %parallel_loop3A_361, %parallel_loop3A_363 : vector<16xi32>
        %parallel_loop3A_365 = arith.addi %parallel_loop3A_364, %parallel_loop3A_303 : vector<16xi32>
        %parallel_loop3A_366 = tpu.vector_load_idx %arg5[%parallel_loop3A_365] : memref<6400xi32, #tpu.memory_space<vmem>>[vector<16xi32>], vector<16xi32>,
        %parallel_loop3A_367 = arith.index_cast %parallel_loop3A_302 : i32 to index
        %parallel_loop3A_368 = arith.constant 80 : index
        %parallel_loop3A_369 = tpu.vector_load %arg6[%parallel_loop3A_367, %parallel_loop3A_368] {strides = array<i32>} : memref<50x128xi32, #tpu.memory_space<vmem>>, vector<16xi32>,
        tpu.vector_store %arg6[%parallel_loop3A_367, %parallel_loop3A_368], %parallel_loop3A_366 {strides = array<i32>} : memref<50x128xi32, #tpu.memory_space<vmem>>, vector<16xi32>,
        %parallel_loop3A_370 = arith.constant 96 : i32
        %parallel_loop3A_371 = vector.broadcast %parallel_loop3A_370 : i32 to vector<16xi32>
        %parallel_loop3A_372 = arith.addi %iota3A, %parallel_loop3A_371 : vector<16xi32>
        %parallel_loop3A_373 = arith.constant 50 : i32
        %parallel_loop3A_374 = vector.broadcast %parallel_loop3A_373 : i32 to vector<16xi32>
        %parallel_loop3A_375 = arith.muli %parallel_loop3A_372, %parallel_loop3A_374 : vector<16xi32>
        %parallel_loop3A_376 = arith.addi %parallel_loop3A_375, %parallel_loop3A_303 : vector<16xi32>
        %parallel_loop3A_377 = tpu.vector_load_idx %arg5[%parallel_loop3A_376] : memref<6400xi32, #tpu.memory_space<vmem>>[vector<16xi32>], vector<16xi32>,
        %parallel_loop3A_378 = arith.index_cast %parallel_loop3A_302 : i32 to index
        %parallel_loop3A_379 = arith.constant 96 : index
        %parallel_loop3A_380 = tpu.vector_load %arg6[%parallel_loop3A_378, %parallel_loop3A_379] {strides = array<i32>} : memref<50x128xi32, #tpu.memory_space<vmem>>, vector<16xi32>,
        tpu.vector_store %arg6[%parallel_loop3A_378, %parallel_loop3A_379], %parallel_loop3A_377 {strides = array<i32>} : memref<50x128xi32, #tpu.memory_space<vmem>>, vector<16xi32>,
        %parallel_loop3A_381 = arith.constant 112 : i32
        %parallel_loop3A_382 = vector.broadcast %parallel_loop3A_381 : i32 to vector<16xi32>
        %parallel_loop3A_383 = arith.addi %iota3A, %parallel_loop3A_382 : vector<16xi32>
        %parallel_loop3A_384 = arith.constant 50 : i32
        %parallel_loop3A_385 = vector.broadcast %parallel_loop3A_384 : i32 to vector<16xi32>
        %parallel_loop3A_386 = arith.muli %parallel_loop3A_383, %parallel_loop3A_385 : vector<16xi32>
        %parallel_loop3A_387 = arith.addi %parallel_loop3A_386, %parallel_loop3A_303 : vector<16xi32>
        %parallel_loop3A_388 = tpu.vector_load_idx %arg5[%parallel_loop3A_387] : memref<6400xi32, #tpu.memory_space<vmem>>[vector<16xi32>], vector<16xi32>,
        %parallel_loop3A_389 = arith.index_cast %parallel_loop3A_302 : i32 to index
        %parallel_loop3A_390 = arith.constant 112 : index
        %parallel_loop3A_391 = tpu.vector_load %arg6[%parallel_loop3A_389, %parallel_loop3A_390] {strides = array<i32>} : memref<50x128xi32, #tpu.memory_space<vmem>>, vector<16xi32>,
        tpu.vector_store %arg6[%parallel_loop3A_389, %parallel_loop3A_390], %parallel_loop3A_388 {strides = array<i32>} : memref<50x128xi32, #tpu.memory_space<vmem>>, vector<16xi32>,
      } {sc.loop_unroll_factor = 2 : i64, sc.parallel_access}
      %dma_start3A = arith.constant 0 : i32
      %dma_start3A_20 = arith.constant 0 : i32
      %dma_start3A_21 = tpu.memref_slice %arg6[%dma_start3A, %dma_start3A_20] : memref<50x128xi32, #tpu.memory_space<vmem>> -> memref<1x128xi32, #tpu.memory_space<vmem>>
      %dma_start3A_22 = tpu.memref_squeeze %dma_start3A_21 : memref<1x128xi32, #tpu.memory_space<vmem>> -> memref<128xi32, #tpu.memory_space<vmem>>
      %dma_start3A_23 = arith.constant 0 : i32
      %dma_start3A_24 = arith.constant 0 : i32
      %dma_start3A_25 = tpu.memref_slice %arg3[%dma_start3A_23, %dma_start3A_24] : memref<1000001x64xf32, #tpu.memory_space<hbm>> -> memref<1000001x64xf32, #tpu.memory_space<hbm>>
      tpu.enqueue_indirect_dma source(%dma_start3A_25 : memref<1000001x64xf32, #tpu.memory_space<hbm>>) target(%arg7 : memref<128x64xf32, #tpu.memory_space<vmem>>) offsets(%dma_start3A_22 : memref<128xi32, #tpu.memory_space<vmem>>) semaphore(%arg11 : memref<!tpu.dma_semaphore, #tpu.memory_space<semaphore_mem>>)
      %scan3A = arith.constant 0 : i32
      %scan3A_26 = arith.constant 0 : i32
      %scan3A_27 = arith.constant 25 : i32
      %scan3A_28 = arith.addi %scan3A_26, %scan3A_27 : i32
      %scan3A_29 = arith.constant 1 : i32
      scf.for %scan3A_302 = %scan3A_26 to %scan3A_28 step %scan3A_29  : i32 {
        %mul3A_303 = arith.constant 2 : i32
        %mul3A_304 = arith.muli %mul3A_303, %scan3A_302 : i32
        %dma_wait3A_305 = arith.constant 0 : i32
        %dma_wait3A_306 = arith.constant 0 : i32
        %dma_wait3A_307 = tpu.memref_slice %arg6[%dma_wait3A_305, %dma_wait3A_306] : memref<50x128xi32, #tpu.memory_space<vmem>> -> memref<1x128xi32, #tpu.memory_space<vmem>>
        %dma_wait3A_308 = tpu.memref_squeeze %dma_wait3A_307 : memref<1x128xi32, #tpu.memory_space<vmem>> -> memref<128xi32, #tpu.memory_space<vmem>>
        %dma_wait3A_309 = arith.constant 0 : i32
        %dma_wait3A_310 = arith.constant 0 : i32
        %dma_wait3A_311 = tpu.memref_slice %arg3[%dma_wait3A_309, %dma_wait3A_310] : memref<1000001x64xf32, #tpu.memory_space<hbm>> -> memref<1000001x64xf32, #tpu.memory_space<hbm>>
        tpu.wait_indirect_dma semaphore(%arg11 : memref<!tpu.dma_semaphore, #tpu.memory_space<semaphore_mem>>) src(%dma_wait3A_311 : memref<1000001x64xf32, #tpu.memory_space<hbm>>) dst(%arg7 : memref<128x64xf32, #tpu.memory_space<vmem>>)
        %add3A_312 = arith.constant 1 : i32
        %add3A_313 = arith.addi %mul3A_304, %add3A_312 : i32
        %dma_start3A_314 = arith.constant 0 : i32
        %dma_start3A_315 = tpu.memref_slice %arg6[%add3A_313, %dma_start3A_314] : memref<50x128xi32, #tpu.memory_space<vmem>> -> memref<1x128xi32, #tpu.memory_space<vmem>>
        %dma_start3A_316 = tpu.memref_squeeze %dma_start3A_315 : memref<1x128xi32, #tpu.memory_space<vmem>> -> memref<128xi32, #tpu.memory_space<vmem>>
        %dma_start3A_317 = arith.constant 0 : i32
        %dma_start3A_318 = arith.constant 0 : i32
        %dma_start3A_319 = tpu.memref_slice %arg3[%dma_start3A_317, %dma_start3A_318] : memref<1000001x64xf32, #tpu.memory_space<hbm>> -> memref<1000001x64xf32, #tpu.memory_space<hbm>>
        tpu.enqueue_indirect_dma source(%dma_start3A_319 : memref<1000001x64xf32, #tpu.memory_space<hbm>>) target(%arg8 : memref<128x64xf32, #tpu.memory_space<vmem>>) offsets(%dma_start3A_316 : memref<128xi32, #tpu.memory_space<vmem>>) semaphore(%arg11 : memref<!tpu.dma_semaphore, #tpu.memory_space<semaphore_mem>>)
        %gt3A = arith.constant 0 : i32
        %gt3A_320 = arith.cmpi sgt, %scan3A_302, %gt3A : i32
        %convert_element_type3A = arith.extui %gt3A_320 : i1 to i32
        %cond3A = arith.constant 0 : i32
        %cond3A_321 = arith.cmpi ne, %convert_element_type3A, %cond3A : i32
        scf.if %cond3A_321 {
          %dma_wait3A_610 = arith.constant 0 : i32
          %dma_wait3A_611 = arith.constant 0 : i32
          %dma_wait3A_612 = arith.constant 0 : i32
          %dma_wait3A_613 = arith.constant 0 : i32
          %dma_wait3A_614 = arith.constant 0 : i32
          %dma_wait3A_615 = tpu.memref_slice %arg9[%dma_wait3A_613, %dma_wait3A_614] : memref<64x136xf32, #tpu.memory_space<vmem>> -> memref<8x128xf32, #tpu.memory_space<vmem>>
          %dma_wait3A_616 = arith.constant 0 : i32
          %dma_wait3A_617 = arith.constant 0 : i32
          %dma_wait3A_618 = tpu.memref_slice %arg4[%dma_wait3A_610, %dma_wait3A_611, %dma_wait3A_612, %dma_wait3A_616, %dma_wait3A_617] : memref<50x8x128x8x128xf32, #tpu.memory_space<hbm>> -> memref<1x1x1x8x128xf32, #tpu.memory_space<hbm>>
          %dma_wait3A_619 = tpu.memref_squeeze %dma_wait3A_618 : memref<1x1x1x8x128xf32, #tpu.memory_space<hbm>> -> memref<8x128xf32, #tpu.memory_space<hbm>>
          %dma_wait3A_620 = arith.constant 0 : i32
          %dma_wait3A_621 = arith.constant 0 : i32
          %dma_wait3A_622 = tpu.memref_slice %arg4[%dma_wait3A_610, %dma_wait3A_611, %dma_wait3A_612, %dma_wait3A_620, %dma_wait3A_621] : memref<50x8x128x8x128xf32, #tpu.memory_space<hbm>> -> memref<1x1x1x8x128xf32, #tpu.memory_space<hbm>>
          %dma_wait3A_623 = tpu.memref_squeeze %dma_wait3A_622 : memref<1x1x1x8x128xf32, #tpu.memory_space<hbm>> -> memref<8x128xf32, #tpu.memory_space<hbm>>
          %dma_wait3A_624 = arith.constant 0 : i32
          %dma_wait3A_625 = arith.constant 0 : i32
          %dma_wait3A_626 = tpu.memref_slice %arg9[%dma_wait3A_624, %dma_wait3A_625] : memref<64x136xf32, #tpu.memory_space<vmem>> -> memref<8x128xf32, #tpu.memory_space<vmem>>
          tpu.wait_dma2 semaphore(%arg12 : memref<!tpu.dma_semaphore, #tpu.memory_space<semaphore_mem>>) src(%dma_wait3A_626 : memref<8x128xf32, #tpu.memory_space<vmem>>) dst(%dma_wait3A_623 : memref<8x128xf32, #tpu.memory_space<hbm>>)
          %dma_wait3A_627 = arith.constant 0 : i32
          %dma_wait3A_628 = arith.constant 0 : i32
          %dma_wait3A_629 = arith.constant 0 : i32
          %dma_wait3A_630 = arith.constant 8 : i32
          %dma_wait3A_631 = arith.constant 0 : i32
          %dma_wait3A_632 = tpu.memref_slice %arg9[%dma_wait3A_630, %dma_wait3A_631] : memref<64x136xf32, #tpu.memory_space<vmem>> -> memref<8x128xf32, #tpu.memory_space<vmem>>
          %dma_wait3A_633 = arith.constant 0 : i32
          %dma_wait3A_634 = arith.constant 0 : i32
          %dma_wait3A_635 = tpu.memref_slice %arg4[%dma_wait3A_627, %dma_wait3A_628, %dma_wait3A_629, %dma_wait3A_633, %dma_wait3A_634] : memref<50x8x128x8x128xf32, #tpu.memory_space<hbm>> -> memref<1x1x1x8x128xf32, #tpu.memory_space<hbm>>
          %dma_wait3A_636 = tpu.memref_squeeze %dma_wait3A_635 : memref<1x1x1x8x128xf32, #tpu.memory_space<hbm>> -> memref<8x128xf32, #tpu.memory_space<hbm>>
          %dma_wait3A_637 = arith.constant 0 : i32
          %dma_wait3A_638 = arith.constant 0 : i32
          %dma_wait3A_639 = tpu.memref_slice %arg4[%dma_wait3A_627, %dma_wait3A_628, %dma_wait3A_629, %dma_wait3A_637, %dma_wait3A_638] : memref<50x8x128x8x128xf32, #tpu.memory_space<hbm>> -> memref<1x1x1x8x128xf32, #tpu.memory_space<hbm>>
          %dma_wait3A_640 = tpu.memref_squeeze %dma_wait3A_639 : memref<1x1x1x8x128xf32, #tpu.memory_space<hbm>> -> memref<8x128xf32, #tpu.memory_space<hbm>>
          %dma_wait3A_641 = arith.constant 8 : i32
          %dma_wait3A_642 = arith.constant 0 : i32
          %dma_wait3A_643 = tpu.memref_slice %arg9[%dma_wait3A_641, %dma_wait3A_642] : memref<64x136xf32, #tpu.memory_space<vmem>> -> memref<8x128xf32, #tpu.memory_space<vmem>>
          tpu.wait_dma2 semaphore(%arg12 : memref<!tpu.dma_semaphore, #tpu.memory_space<semaphore_mem>>) src(%dma_wait3A_643 : memref<8x128xf32, #tpu.memory_space<vmem>>) dst(%dma_wait3A_640 : memref<8x128xf32, #tpu.memory_space<hbm>>)
          %dma_wait3A_644 = arith.constant 0 : i32
          %dma_wait3A_645 = arith.constant 0 : i32
          %dma_wait3A_646 = arith.constant 0 : i32
          %dma_wait3A_647 = arith.constant 16 : i32
          %dma_wait3A_648 = arith.constant 0 : i32
          %dma_wait3A_649 = tpu.memref_slice %arg9[%dma_wait3A_647, %dma_wait3A_648] : memref<64x136xf32, #tpu.memory_space<vmem>> -> memref<8x128xf32, #tpu.memory_space<vmem>>
          %dma_wait3A_650 = arith.constant 0 : i32
          %dma_wait3A_651 = arith.constant 0 : i32
          %dma_wait3A_652 = tpu.memref_slice %arg4[%dma_wait3A_644, %dma_wait3A_645, %dma_wait3A_646, %dma_wait3A_650, %dma_wait3A_651] : memref<50x8x128x8x128xf32, #tpu.memory_space<hbm>> -> memref<1x1x1x8x128xf32, #tpu.memory_space<hbm>>
          %dma_wait3A_653 = tpu.memref_squeeze %dma_wait3A_652 : memref<1x1x1x8x128xf32, #tpu.memory_space<hbm>> -> memref<8x128xf32, #tpu.memory_space<hbm>>
          %dma_wait3A_654 = arith.constant 0 : i32
          %dma_wait3A_655 = arith.constant 0 : i32
          %dma_wait3A_656 = tpu.memref_slice %arg4[%dma_wait3A_644, %dma_wait3A_645, %dma_wait3A_646, %dma_wait3A_654, %dma_wait3A_655] : memref<50x8x128x8x128xf32, #tpu.memory_space<hbm>> -> memref<1x1x1x8x128xf32, #tpu.memory_space<hbm>>
          %dma_wait3A_657 = tpu.memref_squeeze %dma_wait3A_656 : memref<1x1x1x8x128xf32, #tpu.memory_space<hbm>> -> memref<8x128xf32, #tpu.memory_space<hbm>>
          %dma_wait3A_658 = arith.constant 16 : i32
          %dma_wait3A_659 = arith.constant 0 : i32
          %dma_wait3A_660 = tpu.memref_slice %arg9[%dma_wait3A_658, %dma_wait3A_659] : memref<64x136xf32, #tpu.memory_space<vmem>> -> memref<8x128xf32, #tpu.memory_space<vmem>>
          tpu.wait_dma2 semaphore(%arg12 : memref<!tpu.dma_semaphore, #tpu.memory_space<semaphore_mem>>) src(%dma_wait3A_660 : memref<8x128xf32, #tpu.memory_space<vmem>>) dst(%dma_wait3A_657 : memref<8x128xf32, #tpu.memory_space<hbm>>)
          %dma_wait3A_661 = arith.constant 0 : i32
          %dma_wait3A_662 = arith.constant 0 : i32
          %dma_wait3A_663 = arith.constant 0 : i32
          %dma_wait3A_664 = arith.constant 24 : i32
          %dma_wait3A_665 = arith.constant 0 : i32
          %dma_wait3A_666 = tpu.memref_slice %arg9[%dma_wait3A_664, %dma_wait3A_665] : memref<64x136xf32, #tpu.memory_space<vmem>> -> memref<8x128xf32, #tpu.memory_space<vmem>>
          %dma_wait3A_667 = arith.constant 0 : i32
          %dma_wait3A_668 = arith.constant 0 : i32
          %dma_wait3A_669 = tpu.memref_slice %arg4[%dma_wait3A_661, %dma_wait3A_662, %dma_wait3A_663, %dma_wait3A_667, %dma_wait3A_668] : memref<50x8x128x8x128xf32, #tpu.memory_space<hbm>> -> memref<1x1x1x8x128xf32, #tpu.memory_space<hbm>>
          %dma_wait3A_670 = tpu.memref_squeeze %dma_wait3A_669 : memref<1x1x1x8x128xf32, #tpu.memory_space<hbm>> -> memref<8x128xf32, #tpu.memory_space<hbm>>
          %dma_wait3A_671 = arith.constant 0 : i32
          %dma_wait3A_672 = arith.constant 0 : i32
          %dma_wait3A_673 = tpu.memref_slice %arg4[%dma_wait3A_661, %dma_wait3A_662, %dma_wait3A_663, %dma_wait3A_671, %dma_wait3A_672] : memref<50x8x128x8x128xf32, #tpu.memory_space<hbm>> -> memref<1x1x1x8x128xf32, #tpu.memory_space<hbm>>
          %dma_wait3A_674 = tpu.memref_squeeze %dma_wait3A_673 : memref<1x1x1x8x128xf32, #tpu.memory_space<hbm>> -> memref<8x128xf32, #tpu.memory_space<hbm>>
          %dma_wait3A_675 = arith.constant 24 : i32
          %dma_wait3A_676 = arith.constant 0 : i32
          %dma_wait3A_677 = tpu.memref_slice %arg9[%dma_wait3A_675, %dma_wait3A_676] : memref<64x136xf32, #tpu.memory_space<vmem>> -> memref<8x128xf32, #tpu.memory_space<vmem>>
          tpu.wait_dma2 semaphore(%arg12 : memref<!tpu.dma_semaphore, #tpu.memory_space<semaphore_mem>>) src(%dma_wait3A_677 : memref<8x128xf32, #tpu.memory_space<vmem>>) dst(%dma_wait3A_674 : memref<8x128xf32, #tpu.memory_space<hbm>>)
          %dma_wait3A_678 = arith.constant 0 : i32
          %dma_wait3A_679 = arith.constant 0 : i32
          %dma_wait3A_680 = arith.constant 0 : i32
          %dma_wait3A_681 = arith.constant 32 : i32
          %dma_wait3A_682 = arith.constant 0 : i32
          %dma_wait3A_683 = tpu.memref_slice %arg9[%dma_wait3A_681, %dma_wait3A_682] : memref<64x136xf32, #tpu.memory_space<vmem>> -> memref<8x128xf32, #tpu.memory_space<vmem>>
          %dma_wait3A_684 = arith.constant 0 : i32
          %dma_wait3A_685 = arith.constant 0 : i32
          %dma_wait3A_686 = tpu.memref_slice %arg4[%dma_wait3A_678, %dma_wait3A_679, %dma_wait3A_680, %dma_wait3A_684, %dma_wait3A_685] : memref<50x8x128x8x128xf32, #tpu.memory_space<hbm>> -> memref<1x1x1x8x128xf32, #tpu.memory_space<hbm>>
          %dma_wait3A_687 = tpu.memref_squeeze %dma_wait3A_686 : memref<1x1x1x8x128xf32, #tpu.memory_space<hbm>> -> memref<8x128xf32, #tpu.memory_space<hbm>>
          %dma_wait3A_688 = arith.constant 0 : i32
          %dma_wait3A_689 = arith.constant 0 : i32
          %dma_wait3A_690 = tpu.memref_slice %arg4[%dma_wait3A_678, %dma_wait3A_679, %dma_wait3A_680, %dma_wait3A_688, %dma_wait3A_689] : memref<50x8x128x8x128xf32, #tpu.memory_space<hbm>> -> memref<1x1x1x8x128xf32, #tpu.memory_space<hbm>>
          %dma_wait3A_691 = tpu.memref_squeeze %dma_wait3A_690 : memref<1x1x1x8x128xf32, #tpu.memory_space<hbm>> -> memref<8x128xf32, #tpu.memory_space<hbm>>
          %dma_wait3A_692 = arith.constant 32 : i32
          %dma_wait3A_693 = arith.constant 0 : i32
          %dma_wait3A_694 = tpu.memref_slice %arg9[%dma_wait3A_692, %dma_wait3A_693] : memref<64x136xf32, #tpu.memory_space<vmem>> -> memref<8x128xf32, #tpu.memory_space<vmem>>
          tpu.wait_dma2 semaphore(%arg12 : memref<!tpu.dma_semaphore, #tpu.memory_space<semaphore_mem>>) src(%dma_wait3A_694 : memref<8x128xf32, #tpu.memory_space<vmem>>) dst(%dma_wait3A_691 : memref<8x128xf32, #tpu.memory_space<hbm>>)
          %dma_wait3A_695 = arith.constant 0 : i32
          %dma_wait3A_696 = arith.constant 0 : i32
          %dma_wait3A_697 = arith.constant 0 : i32
          %dma_wait3A_698 = arith.constant 40 : i32
          %dma_wait3A_699 = arith.constant 0 : i32
          %dma_wait3A_700 = tpu.memref_slice %arg9[%dma_wait3A_698, %dma_wait3A_699] : memref<64x136xf32, #tpu.memory_space<vmem>> -> memref<8x128xf32, #tpu.memory_space<vmem>>
          %dma_wait3A_701 = arith.constant 0 : i32
          %dma_wait3A_702 = arith.constant 0 : i32
          %dma_wait3A_703 = tpu.memref_slice %arg4[%dma_wait3A_695, %dma_wait3A_696, %dma_wait3A_697, %dma_wait3A_701, %dma_wait3A_702] : memref<50x8x128x8x128xf32, #tpu.memory_space<hbm>> -> memref<1x1x1x8x128xf32, #tpu.memory_space<hbm>>
          %dma_wait3A_704 = tpu.memref_squeeze %dma_wait3A_703 : memref<1x1x1x8x128xf32, #tpu.memory_space<hbm>> -> memref<8x128xf32, #tpu.memory_space<hbm>>
          %dma_wait3A_705 = arith.constant 0 : i32
          %dma_wait3A_706 = arith.constant 0 : i32
          %dma_wait3A_707 = tpu.memref_slice %arg4[%dma_wait3A_695, %dma_wait3A_696, %dma_wait3A_697, %dma_wait3A_705, %dma_wait3A_706] : memref<50x8x128x8x128xf32, #tpu.memory_space<hbm>> -> memref<1x1x1x8x128xf32, #tpu.memory_space<hbm>>
          %dma_wait3A_708 = tpu.memref_squeeze %dma_wait3A_707 : memref<1x1x1x8x128xf32, #tpu.memory_space<hbm>> -> memref<8x128xf32, #tpu.memory_space<hbm>>
          %dma_wait3A_709 = arith.constant 40 : i32
          %dma_wait3A_710 = arith.constant 0 : i32
          %dma_wait3A_711 = tpu.memref_slice %arg9[%dma_wait3A_709, %dma_wait3A_710] : memref<64x136xf32, #tpu.memory_space<vmem>> -> memref<8x128xf32, #tpu.memory_space<vmem>>
          tpu.wait_dma2 semaphore(%arg12 : memref<!tpu.dma_semaphore, #tpu.memory_space<semaphore_mem>>) src(%dma_wait3A_711 : memref<8x128xf32, #tpu.memory_space<vmem>>) dst(%dma_wait3A_708 : memref<8x128xf32, #tpu.memory_space<hbm>>)
          %dma_wait3A_712 = arith.constant 0 : i32
          %dma_wait3A_713 = arith.constant 0 : i32
          %dma_wait3A_714 = arith.constant 0 : i32
          %dma_wait3A_715 = arith.constant 48 : i32
          %dma_wait3A_716 = arith.constant 0 : i32
          %dma_wait3A_717 = tpu.memref_slice %arg9[%dma_wait3A_715, %dma_wait3A_716] : memref<64x136xf32, #tpu.memory_space<vmem>> -> memref<8x128xf32, #tpu.memory_space<vmem>>
          %dma_wait3A_718 = arith.constant 0 : i32
          %dma_wait3A_719 = arith.constant 0 : i32
          %dma_wait3A_720 = tpu.memref_slice %arg4[%dma_wait3A_712, %dma_wait3A_713, %dma_wait3A_714, %dma_wait3A_718, %dma_wait3A_719] : memref<50x8x128x8x128xf32, #tpu.memory_space<hbm>> -> memref<1x1x1x8x128xf32, #tpu.memory_space<hbm>>
          %dma_wait3A_721 = tpu.memref_squeeze %dma_wait3A_720 : memref<1x1x1x8x128xf32, #tpu.memory_space<hbm>> -> memref<8x128xf32, #tpu.memory_space<hbm>>
          %dma_wait3A_722 = arith.constant 0 : i32
          %dma_wait3A_723 = arith.constant 0 : i32
          %dma_wait3A_724 = tpu.memref_slice %arg4[%dma_wait3A_712, %dma_wait3A_713, %dma_wait3A_714, %dma_wait3A_722, %dma_wait3A_723] : memref<50x8x128x8x128xf32, #tpu.memory_space<hbm>> -> memref<1x1x1x8x128xf32, #tpu.memory_space<hbm>>
          %dma_wait3A_725 = tpu.memref_squeeze %dma_wait3A_724 : memref<1x1x1x8x128xf32, #tpu.memory_space<hbm>> -> memref<8x128xf32, #tpu.memory_space<hbm>>
          %dma_wait3A_726 = arith.constant 48 : i32
          %dma_wait3A_727 = arith.constant 0 : i32
          %dma_wait3A_728 = tpu.memref_slice %arg9[%dma_wait3A_726, %dma_wait3A_727] : memref<64x136xf32, #tpu.memory_space<vmem>> -> memref<8x128xf32, #tpu.memory_space<vmem>>
          tpu.wait_dma2 semaphore(%arg12 : memref<!tpu.dma_semaphore, #tpu.memory_space<semaphore_mem>>) src(%dma_wait3A_728 : memref<8x128xf32, #tpu.memory_space<vmem>>) dst(%dma_wait3A_725 : memref<8x128xf32, #tpu.memory_space<hbm>>)
          %dma_wait3A_729 = arith.constant 0 : i32
          %dma_wait3A_730 = arith.constant 0 : i32
          %dma_wait3A_731 = arith.constant 0 : i32
          %dma_wait3A_732 = arith.constant 56 : i32
          %dma_wait3A_733 = arith.constant 0 : i32
          %dma_wait3A_734 = tpu.memref_slice %arg9[%dma_wait3A_732, %dma_wait3A_733] : memref<64x136xf32, #tpu.memory_space<vmem>> -> memref<8x128xf32, #tpu.memory_space<vmem>>
          %dma_wait3A_735 = arith.constant 0 : i32
          %dma_wait3A_736 = arith.constant 0 : i32
          %dma_wait3A_737 = tpu.memref_slice %arg4[%dma_wait3A_729, %dma_wait3A_730, %dma_wait3A_731, %dma_wait3A_735, %dma_wait3A_736] : memref<50x8x128x8x128xf32, #tpu.memory_space<hbm>> -> memref<1x1x1x8x128xf32, #tpu.memory_space<hbm>>
          %dma_wait3A_738 = tpu.memref_squeeze %dma_wait3A_737 : memref<1x1x1x8x128xf32, #tpu.memory_space<hbm>> -> memref<8x128xf32, #tpu.memory_space<hbm>>
          %dma_wait3A_739 = arith.constant 0 : i32
          %dma_wait3A_740 = arith.constant 0 : i32
          %dma_wait3A_741 = tpu.memref_slice %arg4[%dma_wait3A_729, %dma_wait3A_730, %dma_wait3A_731, %dma_wait3A_739, %dma_wait3A_740] : memref<50x8x128x8x128xf32, #tpu.memory_space<hbm>> -> memref<1x1x1x8x128xf32, #tpu.memory_space<hbm>>
          %dma_wait3A_742 = tpu.memref_squeeze %dma_wait3A_741 : memref<1x1x1x8x128xf32, #tpu.memory_space<hbm>> -> memref<8x128xf32, #tpu.memory_space<hbm>>
          %dma_wait3A_743 = arith.constant 56 : i32
          %dma_wait3A_744 = arith.constant 0 : i32
          %dma_wait3A_745 = tpu.memref_slice %arg9[%dma_wait3A_743, %dma_wait3A_744] : memref<64x136xf32, #tpu.memory_space<vmem>> -> memref<8x128xf32, #tpu.memory_space<vmem>>
          tpu.wait_dma2 semaphore(%arg12 : memref<!tpu.dma_semaphore, #tpu.memory_space<semaphore_mem>>) src(%dma_wait3A_745 : memref<8x128xf32, #tpu.memory_space<vmem>>) dst(%dma_wait3A_742 : memref<8x128xf32, #tpu.memory_space<hbm>>)
        } else {
        }
        %add3A_322 = arith.constant 0 : i32
        %add3A_323 = vector.broadcast %add3A_322 : i32 to vector<16xi32>
        %add3A_324 = arith.addi %iota3A, %add3A_323 : vector<16xi32>
        %add3A_325 = arith.constant 16 : i32
        %add3A_326 = vector.broadcast %add3A_325 : i32 to vector<16xi32>
        %add3A_327 = arith.addi %iota3A, %add3A_326 : vector<16xi32>
        %add3A_328 = arith.constant 32 : i32
        %add3A_329 = vector.broadcast %add3A_328 : i32 to vector<16xi32>
        %add3A_330 = arith.addi %iota3A, %add3A_329 : vector<16xi32>
        %add3A_331 = arith.constant 48 : i32
        %add3A_332 = vector.broadcast %add3A_331 : i32 to vector<16xi32>
        %add3A_333 = arith.addi %iota3A, %add3A_332 : vector<16xi32>
        %parallel_loop3A_334 = arith.constant 0 : i32
        %parallel_loop3A_335 = arith.constant 128 : i32
        %parallel_loop3A_336 = arith.constant 1 : i32
        scf.for %parallel_loop3A_610 = %parallel_loop3A_334 to %parallel_loop3A_335 step %parallel_loop3A_336  : i32 {
          %parallel_loop3A_611 = vector.broadcast %parallel_loop3A_610 : i32 to vector<16xi32>
          %parallel_loop3A_612 = arith.index_cast %parallel_loop3A_610 : i32 to index
          %parallel_loop3A_613 = arith.constant 0 : index
          %parallel_loop3A_614 = tpu.vector_load %arg7[%parallel_loop3A_612, %parallel_loop3A_613] {strides = array<i32>} : memref<128x64xf32, #tpu.memory_space<vmem>>, vector<16xf32>,
          %parallel_loop3A_615 = arith.index_cast %parallel_loop3A_610 : i32 to index
          %parallel_loop3A_616 = arith.constant 16 : index
          %parallel_loop3A_617 = tpu.vector_load %arg7[%parallel_loop3A_615, %parallel_loop3A_616] {strides = array<i32>} : memref<128x64xf32, #tpu.memory_space<vmem>>, vector<16xf32>,
          %parallel_loop3A_618 = arith.index_cast %parallel_loop3A_610 : i32 to index
          %parallel_loop3A_619 = arith.constant 32 : index
          %parallel_loop3A_620 = tpu.vector_load %arg7[%parallel_loop3A_618, %parallel_loop3A_619] {strides = array<i32>} : memref<128x64xf32, #tpu.memory_space<vmem>>, vector<16xf32>,
          %parallel_loop3A_621 = arith.index_cast %parallel_loop3A_610 : i32 to index
          %parallel_loop3A_622 = arith.constant 48 : index
          %parallel_loop3A_623 = tpu.vector_load %arg7[%parallel_loop3A_621, %parallel_loop3A_622] {strides = array<i32>} : memref<128x64xf32, #tpu.memory_space<vmem>>, vector<16xf32>,
          tpu.vector_store_idx %arg9[%add3A_324, %parallel_loop3A_611], %parallel_loop3A_614 : memref<64x136xf32, #tpu.memory_space<vmem>>[vector<16xi32>, vector<16xi32>], vector<16xf32>,
          tpu.vector_store_idx %arg9[%add3A_327, %parallel_loop3A_611], %parallel_loop3A_617 : memref<64x136xf32, #tpu.memory_space<vmem>>[vector<16xi32>, vector<16xi32>], vector<16xf32>,
          tpu.vector_store_idx %arg9[%add3A_330, %parallel_loop3A_611], %parallel_loop3A_620 : memref<64x136xf32, #tpu.memory_space<vmem>>[vector<16xi32>, vector<16xi32>], vector<16xf32>,
          tpu.vector_store_idx %arg9[%add3A_333, %parallel_loop3A_611], %parallel_loop3A_623 : memref<64x136xf32, #tpu.memory_space<vmem>>[vector<16xi32>, vector<16xi32>], vector<16xf32>,
        } {sc.loop_unroll_factor = 4 : i64, sc.parallel_access}
        %dma_start3A_337 = arith.constant 0 : i32
        %dma_start3A_338 = arith.constant 0 : i32
        %dma_start3A_339 = arith.constant 0 : i32
        %dma_start3A_340 = tpu.memref_slice %arg9[%dma_start3A_338, %dma_start3A_339] : memref<64x136xf32, #tpu.memory_space<vmem>> -> memref<8x128xf32, #tpu.memory_space<vmem>>
        %dma_start3A_341 = arith.constant 0 : i32
        %dma_start3A_342 = arith.constant 0 : i32
        %dma_start3A_343 = tpu.memref_slice %arg4[%mul3A_304, %dma_start3A_337, %while3A_15, %dma_start3A_341, %dma_start3A_342] : memref<50x8x128x8x128xf32, #tpu.memory_space<hbm>> -> memref<1x1x1x8x128xf32, #tpu.memory_space<hbm>>
        %dma_start3A_344 = tpu.memref_squeeze %dma_start3A_343 : memref<1x1x1x8x128xf32, #tpu.memory_space<hbm>> -> memref<8x128xf32, #tpu.memory_space<hbm>>
        %dma_start3A_345 = arith.constant 0 : i32
        %dma_start3A_346 = arith.constant 0 : i32
        %dma_start3A_347 = tpu.memref_slice %arg4[%mul3A_304, %dma_start3A_337, %while3A_15, %dma_start3A_345, %dma_start3A_346] : memref<50x8x128x8x128xf32, #tpu.memory_space<hbm>> -> memref<1x1x1x8x128xf32, #tpu.memory_space<hbm>>
        %dma_start3A_348 = tpu.memref_squeeze %dma_start3A_347 : memref<1x1x1x8x128xf32, #tpu.memory_space<hbm>> -> memref<8x128xf32, #tpu.memory_space<hbm>>
        %dma_start3A_349 = arith.constant 0 : i32
        %dma_start3A_350 = arith.constant 0 : i32
        %dma_start3A_351 = tpu.memref_slice %arg9[%dma_start3A_349, %dma_start3A_350] : memref<64x136xf32, #tpu.memory_space<vmem>> -> memref<8x128xf32, #tpu.memory_space<vmem>>
        tpu.enqueue_dma source(%dma_start3A_351 : memref<8x128xf32, #tpu.memory_space<vmem>>) target(%dma_start3A_348 : memref<8x128xf32, #tpu.memory_space<hbm>>) target_semaphore(%arg12 : memref<!tpu.dma_semaphore, #tpu.memory_space<semaphore_mem>>)
        %dma_start3A_352 = arith.constant 1 : i32
        %dma_start3A_353 = arith.constant 8 : i32
        %dma_start3A_354 = arith.constant 0 : i32
        %dma_start3A_355 = tpu.memref_slice %arg9[%dma_start3A_353, %dma_start3A_354] : memref<64x136xf32, #tpu.memory_space<vmem>> -> memref<8x128xf32, #tpu.memory_space<vmem>>
        %dma_start3A_356 = arith.constant 0 : i32
        %dma_start3A_357 = arith.constant 0 : i32
        %dma_start3A_358 = tpu.memref_slice %arg4[%mul3A_304, %dma_start3A_352, %while3A_15, %dma_start3A_356, %dma_start3A_357] : memref<50x8x128x8x128xf32, #tpu.memory_space<hbm>> -> memref<1x1x1x8x128xf32, #tpu.memory_space<hbm>>
        %dma_start3A_359 = tpu.memref_squeeze %dma_start3A_358 : memref<1x1x1x8x128xf32, #tpu.memory_space<hbm>> -> memref<8x128xf32, #tpu.memory_space<hbm>>
        %dma_start3A_360 = arith.constant 0 : i32
        %dma_start3A_361 = arith.constant 0 : i32
        %dma_start3A_362 = tpu.memref_slice %arg4[%mul3A_304, %dma_start3A_352, %while3A_15, %dma_start3A_360, %dma_start3A_361] : memref<50x8x128x8x128xf32, #tpu.memory_space<hbm>> -> memref<1x1x1x8x128xf32, #tpu.memory_space<hbm>>
        %dma_start3A_363 = tpu.memref_squeeze %dma_start3A_362 : memref<1x1x1x8x128xf32, #tpu.memory_space<hbm>> -> memref<8x128xf32, #tpu.memory_space<hbm>>
        %dma_start3A_364 = arith.constant 8 : i32
        %dma_start3A_365 = arith.constant 0 : i32
        %dma_start3A_366 = tpu.memref_slice %arg9[%dma_start3A_364, %dma_start3A_365] : memref<64x136xf32, #tpu.memory_space<vmem>> -> memref<8x128xf32, #tpu.memory_space<vmem>>
        tpu.enqueue_dma source(%dma_start3A_366 : memref<8x128xf32, #tpu.memory_space<vmem>>) target(%dma_start3A_363 : memref<8x128xf32, #tpu.memory_space<hbm>>) target_semaphore(%arg12 : memref<!tpu.dma_semaphore, #tpu.memory_space<semaphore_mem>>)
        %dma_start3A_367 = arith.constant 2 : i32
        %dma_start3A_368 = arith.constant 16 : i32
        %dma_start3A_369 = arith.constant 0 : i32
        %dma_start3A_370 = tpu.memref_slice %arg9[%dma_start3A_368, %dma_start3A_369] : memref<64x136xf32, #tpu.memory_space<vmem>> -> memref<8x128xf32, #tpu.memory_space<vmem>>
        %dma_start3A_371 = arith.constant 0 : i32
        %dma_start3A_372 = arith.constant 0 : i32
        %dma_start3A_373 = tpu.memref_slice %arg4[%mul3A_304, %dma_start3A_367, %while3A_15, %dma_start3A_371, %dma_start3A_372] : memref<50x8x128x8x128xf32, #tpu.memory_space<hbm>> -> memref<1x1x1x8x128xf32, #tpu.memory_space<hbm>>
        %dma_start3A_374 = tpu.memref_squeeze %dma_start3A_373 : memref<1x1x1x8x128xf32, #tpu.memory_space<hbm>> -> memref<8x128xf32, #tpu.memory_space<hbm>>
        %dma_start3A_375 = arith.constant 0 : i32
        %dma_start3A_376 = arith.constant 0 : i32
        %dma_start3A_377 = tpu.memref_slice %arg4[%mul3A_304, %dma_start3A_367, %while3A_15, %dma_start3A_375, %dma_start3A_376] : memref<50x8x128x8x128xf32, #tpu.memory_space<hbm>> -> memref<1x1x1x8x128xf32, #tpu.memory_space<hbm>>
        %dma_start3A_378 = tpu.memref_squeeze %dma_start3A_377 : memref<1x1x1x8x128xf32, #tpu.memory_space<hbm>> -> memref<8x128xf32, #tpu.memory_space<hbm>>
        %dma_start3A_379 = arith.constant 16 : i32
        %dma_start3A_380 = arith.constant 0 : i32
        %dma_start3A_381 = tpu.memref_slice %arg9[%dma_start3A_379, %dma_start3A_380] : memref<64x136xf32, #tpu.memory_space<vmem>> -> memref<8x128xf32, #tpu.memory_space<vmem>>
        tpu.enqueue_dma source(%dma_start3A_381 : memref<8x128xf32, #tpu.memory_space<vmem>>) target(%dma_start3A_378 : memref<8x128xf32, #tpu.memory_space<hbm>>) target_semaphore(%arg12 : memref<!tpu.dma_semaphore, #tpu.memory_space<semaphore_mem>>)
        %dma_start3A_382 = arith.constant 3 : i32
        %dma_start3A_383 = arith.constant 24 : i32
        %dma_start3A_384 = arith.constant 0 : i32
        %dma_start3A_385 = tpu.memref_slice %arg9[%dma_start3A_383, %dma_start3A_384] : memref<64x136xf32, #tpu.memory_space<vmem>> -> memref<8x128xf32, #tpu.memory_space<vmem>>
        %dma_start3A_386 = arith.constant 0 : i32
        %dma_start3A_387 = arith.constant 0 : i32
        %dma_start3A_388 = tpu.memref_slice %arg4[%mul3A_304, %dma_start3A_382, %while3A_15, %dma_start3A_386, %dma_start3A_387] : memref<50x8x128x8x128xf32, #tpu.memory_space<hbm>> -> memref<1x1x1x8x128xf32, #tpu.memory_space<hbm>>
        %dma_start3A_389 = tpu.memref_squeeze %dma_start3A_388 : memref<1x1x1x8x128xf32, #tpu.memory_space<hbm>> -> memref<8x128xf32, #tpu.memory_space<hbm>>
        %dma_start3A_390 = arith.constant 0 : i32
        %dma_start3A_391 = arith.constant 0 : i32
        %dma_start3A_392 = tpu.memref_slice %arg4[%mul3A_304, %dma_start3A_382, %while3A_15, %dma_start3A_390, %dma_start3A_391] : memref<50x8x128x8x128xf32, #tpu.memory_space<hbm>> -> memref<1x1x1x8x128xf32, #tpu.memory_space<hbm>>
        %dma_start3A_393 = tpu.memref_squeeze %dma_start3A_392 : memref<1x1x1x8x128xf32, #tpu.memory_space<hbm>> -> memref<8x128xf32, #tpu.memory_space<hbm>>
        %dma_start3A_394 = arith.constant 24 : i32
        %dma_start3A_395 = arith.constant 0 : i32
        %dma_start3A_396 = tpu.memref_slice %arg9[%dma_start3A_394, %dma_start3A_395] : memref<64x136xf32, #tpu.memory_space<vmem>> -> memref<8x128xf32, #tpu.memory_space<vmem>>
        tpu.enqueue_dma source(%dma_start3A_396 : memref<8x128xf32, #tpu.memory_space<vmem>>) target(%dma_start3A_393 : memref<8x128xf32, #tpu.memory_space<hbm>>) target_semaphore(%arg12 : memref<!tpu.dma_semaphore, #tpu.memory_space<semaphore_mem>>)
        %dma_start3A_397 = arith.constant 4 : i32
        %dma_start3A_398 = arith.constant 32 : i32
        %dma_start3A_399 = arith.constant 0 : i32
        %dma_start3A_400 = tpu.memref_slice %arg9[%dma_start3A_398, %dma_start3A_399] : memref<64x136xf32, #tpu.memory_space<vmem>> -> memref<8x128xf32, #tpu.memory_space<vmem>>
        %dma_start3A_401 = arith.constant 0 : i32
        %dma_start3A_402 = arith.constant 0 : i32
        %dma_start3A_403 = tpu.memref_slice %arg4[%mul3A_304, %dma_start3A_397, %while3A_15, %dma_start3A_401, %dma_start3A_402] : memref<50x8x128x8x128xf32, #tpu.memory_space<hbm>> -> memref<1x1x1x8x128xf32, #tpu.memory_space<hbm>>
        %dma_start3A_404 = tpu.memref_squeeze %dma_start3A_403 : memref<1x1x1x8x128xf32, #tpu.memory_space<hbm>> -> memref<8x128xf32, #tpu.memory_space<hbm>>
        %dma_start3A_405 = arith.constant 0 : i32
        %dma_start3A_406 = arith.constant 0 : i32
        %dma_start3A_407 = tpu.memref_slice %arg4[%mul3A_304, %dma_start3A_397, %while3A_15, %dma_start3A_405, %dma_start3A_406] : memref<50x8x128x8x128xf32, #tpu.memory_space<hbm>> -> memref<1x1x1x8x128xf32, #tpu.memory_space<hbm>>
        %dma_start3A_408 = tpu.memref_squeeze %dma_start3A_407 : memref<1x1x1x8x128xf32, #tpu.memory_space<hbm>> -> memref<8x128xf32, #tpu.memory_space<hbm>>
        %dma_start3A_409 = arith.constant 32 : i32
        %dma_start3A_410 = arith.constant 0 : i32
        %dma_start3A_411 = tpu.memref_slice %arg9[%dma_start3A_409, %dma_start3A_410] : memref<64x136xf32, #tpu.memory_space<vmem>> -> memref<8x128xf32, #tpu.memory_space<vmem>>
        tpu.enqueue_dma source(%dma_start3A_411 : memref<8x128xf32, #tpu.memory_space<vmem>>) target(%dma_start3A_408 : memref<8x128xf32, #tpu.memory_space<hbm>>) target_semaphore(%arg12 : memref<!tpu.dma_semaphore, #tpu.memory_space<semaphore_mem>>)
        %dma_start3A_412 = arith.constant 5 : i32
        %dma_start3A_413 = arith.constant 40 : i32
        %dma_start3A_414 = arith.constant 0 : i32
        %dma_start3A_415 = tpu.memref_slice %arg9[%dma_start3A_413, %dma_start3A_414] : memref<64x136xf32, #tpu.memory_space<vmem>> -> memref<8x128xf32, #tpu.memory_space<vmem>>
        %dma_start3A_416 = arith.constant 0 : i32
        %dma_start3A_417 = arith.constant 0 : i32
        %dma_start3A_418 = tpu.memref_slice %arg4[%mul3A_304, %dma_start3A_412, %while3A_15, %dma_start3A_416, %dma_start3A_417] : memref<50x8x128x8x128xf32, #tpu.memory_space<hbm>> -> memref<1x1x1x8x128xf32, #tpu.memory_space<hbm>>
        %dma_start3A_419 = tpu.memref_squeeze %dma_start3A_418 : memref<1x1x1x8x128xf32, #tpu.memory_space<hbm>> -> memref<8x128xf32, #tpu.memory_space<hbm>>
        %dma_start3A_420 = arith.constant 0 : i32
        %dma_start3A_421 = arith.constant 0 : i32
        %dma_start3A_422 = tpu.memref_slice %arg4[%mul3A_304, %dma_start3A_412, %while3A_15, %dma_start3A_420, %dma_start3A_421] : memref<50x8x128x8x128xf32, #tpu.memory_space<hbm>> -> memref<1x1x1x8x128xf32, #tpu.memory_space<hbm>>
        %dma_start3A_423 = tpu.memref_squeeze %dma_start3A_422 : memref<1x1x1x8x128xf32, #tpu.memory_space<hbm>> -> memref<8x128xf32, #tpu.memory_space<hbm>>
        %dma_start3A_424 = arith.constant 40 : i32
        %dma_start3A_425 = arith.constant 0 : i32
        %dma_start3A_426 = tpu.memref_slice %arg9[%dma_start3A_424, %dma_start3A_425] : memref<64x136xf32, #tpu.memory_space<vmem>> -> memref<8x128xf32, #tpu.memory_space<vmem>>
        tpu.enqueue_dma source(%dma_start3A_426 : memref<8x128xf32, #tpu.memory_space<vmem>>) target(%dma_start3A_423 : memref<8x128xf32, #tpu.memory_space<hbm>>) target_semaphore(%arg12 : memref<!tpu.dma_semaphore, #tpu.memory_space<semaphore_mem>>)
        %dma_start3A_427 = arith.constant 6 : i32
        %dma_start3A_428 = arith.constant 48 : i32
        %dma_start3A_429 = arith.constant 0 : i32
        %dma_start3A_430 = tpu.memref_slice %arg9[%dma_start3A_428, %dma_start3A_429] : memref<64x136xf32, #tpu.memory_space<vmem>> -> memref<8x128xf32, #tpu.memory_space<vmem>>
        %dma_start3A_431 = arith.constant 0 : i32
        %dma_start3A_432 = arith.constant 0 : i32
        %dma_start3A_433 = tpu.memref_slice %arg4[%mul3A_304, %dma_start3A_427, %while3A_15, %dma_start3A_431, %dma_start3A_432] : memref<50x8x128x8x128xf32, #tpu.memory_space<hbm>> -> memref<1x1x1x8x128xf32, #tpu.memory_space<hbm>>
        %dma_start3A_434 = tpu.memref_squeeze %dma_start3A_433 : memref<1x1x1x8x128xf32, #tpu.memory_space<hbm>> -> memref<8x128xf32, #tpu.memory_space<hbm>>
        %dma_start3A_435 = arith.constant 0 : i32
        %dma_start3A_436 = arith.constant 0 : i32
        %dma_start3A_437 = tpu.memref_slice %arg4[%mul3A_304, %dma_start3A_427, %while3A_15, %dma_start3A_435, %dma_start3A_436] : memref<50x8x128x8x128xf32, #tpu.memory_space<hbm>> -> memref<1x1x1x8x128xf32, #tpu.memory_space<hbm>>
        %dma_start3A_438 = tpu.memref_squeeze %dma_start3A_437 : memref<1x1x1x8x128xf32, #tpu.memory_space<hbm>> -> memref<8x128xf32, #tpu.memory_space<hbm>>
        %dma_start3A_439 = arith.constant 48 : i32
        %dma_start3A_440 = arith.constant 0 : i32
        %dma_start3A_441 = tpu.memref_slice %arg9[%dma_start3A_439, %dma_start3A_440] : memref<64x136xf32, #tpu.memory_space<vmem>> -> memref<8x128xf32, #tpu.memory_space<vmem>>
        tpu.enqueue_dma source(%dma_start3A_441 : memref<8x128xf32, #tpu.memory_space<vmem>>) target(%dma_start3A_438 : memref<8x128xf32, #tpu.memory_space<hbm>>) target_semaphore(%arg12 : memref<!tpu.dma_semaphore, #tpu.memory_space<semaphore_mem>>)
        %dma_start3A_442 = arith.constant 7 : i32
        %dma_start3A_443 = arith.constant 56 : i32
        %dma_start3A_444 = arith.constant 0 : i32
        %dma_start3A_445 = tpu.memref_slice %arg9[%dma_start3A_443, %dma_start3A_444] : memref<64x136xf32, #tpu.memory_space<vmem>> -> memref<8x128xf32, #tpu.memory_space<vmem>>
        %dma_start3A_446 = arith.constant 0 : i32
        %dma_start3A_447 = arith.constant 0 : i32
        %dma_start3A_448 = tpu.memref_slice %arg4[%mul3A_304, %dma_start3A_442, %while3A_15, %dma_start3A_446, %dma_start3A_447] : memref<50x8x128x8x128xf32, #tpu.memory_space<hbm>> -> memref<1x1x1x8x128xf32, #tpu.memory_space<hbm>>
        %dma_start3A_449 = tpu.memref_squeeze %dma_start3A_448 : memref<1x1x1x8x128xf32, #tpu.memory_space<hbm>> -> memref<8x128xf32, #tpu.memory_space<hbm>>
        %dma_start3A_450 = arith.constant 0 : i32
        %dma_start3A_451 = arith.constant 0 : i32
        %dma_start3A_452 = tpu.memref_slice %arg4[%mul3A_304, %dma_start3A_442, %while3A_15, %dma_start3A_450, %dma_start3A_451] : memref<50x8x128x8x128xf32, #tpu.memory_space<hbm>> -> memref<1x1x1x8x128xf32, #tpu.memory_space<hbm>>
        %dma_start3A_453 = tpu.memref_squeeze %dma_start3A_452 : memref<1x1x1x8x128xf32, #tpu.memory_space<hbm>> -> memref<8x128xf32, #tpu.memory_space<hbm>>
        %dma_start3A_454 = arith.constant 56 : i32
        %dma_start3A_455 = arith.constant 0 : i32
        %dma_start3A_456 = tpu.memref_slice %arg9[%dma_start3A_454, %dma_start3A_455] : memref<64x136xf32, #tpu.memory_space<vmem>> -> memref<8x128xf32, #tpu.memory_space<vmem>>
        tpu.enqueue_dma source(%dma_start3A_456 : memref<8x128xf32, #tpu.memory_space<vmem>>) target(%dma_start3A_453 : memref<8x128xf32, #tpu.memory_space<hbm>>) target_semaphore(%arg12 : memref<!tpu.dma_semaphore, #tpu.memory_space<semaphore_mem>>)
        %dma_wait3A_457 = arith.constant 0 : i32
        %dma_wait3A_458 = arith.constant 0 : i32
        %dma_wait3A_459 = tpu.memref_slice %arg6[%dma_wait3A_457, %dma_wait3A_458] : memref<50x128xi32, #tpu.memory_space<vmem>> -> memref<1x128xi32, #tpu.memory_space<vmem>>
        %dma_wait3A_460 = tpu.memref_squeeze %dma_wait3A_459 : memref<1x128xi32, #tpu.memory_space<vmem>> -> memref<128xi32, #tpu.memory_space<vmem>>
        %dma_wait3A_461 = arith.constant 0 : i32
        %dma_wait3A_462 = arith.constant 0 : i32
        %dma_wait3A_463 = tpu.memref_slice %arg3[%dma_wait3A_461, %dma_wait3A_462] : memref<1000001x64xf32, #tpu.memory_space<hbm>> -> memref<1000001x64xf32, #tpu.memory_space<hbm>>
        tpu.wait_indirect_dma semaphore(%arg11 : memref<!tpu.dma_semaphore, #tpu.memory_space<semaphore_mem>>) src(%dma_wait3A_463 : memref<1000001x64xf32, #tpu.memory_space<hbm>>) dst(%arg8 : memref<128x64xf32, #tpu.memory_space<vmem>>)
        %lt3A = arith.constant 24 : i32
        %lt3A_464 = arith.cmpi slt, %scan3A_302, %lt3A : i32
        %convert_element_type3A_465 = arith.extui %lt3A_464 : i1 to i32
        %cond3A_466 = arith.constant 0 : i32
        %cond3A_467 = arith.cmpi ne, %convert_element_type3A_465, %cond3A_466 : i32
        scf.if %cond3A_467 {
          %add3A_610 = arith.constant 2 : i32
          %add3A_611 = arith.addi %mul3A_304, %add3A_610 : i32
          %dma_start3A_612 = arith.constant 0 : i32
          %dma_start3A_613 = tpu.memref_slice %arg6[%add3A_611, %dma_start3A_612] : memref<50x128xi32, #tpu.memory_space<vmem>> -> memref<1x128xi32, #tpu.memory_space<vmem>>
          %dma_start3A_614 = tpu.memref_squeeze %dma_start3A_613 : memref<1x128xi32, #tpu.memory_space<vmem>> -> memref<128xi32, #tpu.memory_space<vmem>>
          %dma_start3A_615 = arith.constant 0 : i32
          %dma_start3A_616 = arith.constant 0 : i32
          %dma_start3A_617 = tpu.memref_slice %arg3[%dma_start3A_615, %dma_start3A_616] : memref<1000001x64xf32, #tpu.memory_space<hbm>> -> memref<1000001x64xf32, #tpu.memory_space<hbm>>
          tpu.enqueue_indirect_dma source(%dma_start3A_617 : memref<1000001x64xf32, #tpu.memory_space<hbm>>) target(%arg7 : memref<128x64xf32, #tpu.memory_space<vmem>>) offsets(%dma_start3A_614 : memref<128xi32, #tpu.memory_space<vmem>>) semaphore(%arg11 : memref<!tpu.dma_semaphore, #tpu.memory_space<semaphore_mem>>)
        } else {
        }
        %gt3A_468 = arith.constant 0 : i32
        %gt3A_469 = arith.cmpi sgt, %scan3A_302, %gt3A_468 : i32
        %convert_element_type3A_470 = arith.extui %gt3A_469 : i1 to i32
        %cond3A_471 = arith.constant 0 : i32
        %cond3A_472 = arith.cmpi ne, %convert_element_type3A_470, %cond3A_471 : i32
        scf.if %cond3A_472 {
          %dma_wait3A_610 = arith.constant 0 : i32
          %dma_wait3A_611 = arith.constant 0 : i32
          %dma_wait3A_612 = arith.constant 0 : i32
          %dma_wait3A_613 = arith.constant 0 : i32
          %dma_wait3A_614 = arith.constant 0 : i32
          %dma_wait3A_615 = tpu.memref_slice %arg10[%dma_wait3A_613, %dma_wait3A_614] : memref<64x136xf32, #tpu.memory_space<vmem>> -> memref<8x128xf32, #tpu.memory_space<vmem>>
          %dma_wait3A_616 = arith.constant 0 : i32
          %dma_wait3A_617 = arith.constant 0 : i32
          %dma_wait3A_618 = tpu.memref_slice %arg4[%dma_wait3A_610, %dma_wait3A_611, %dma_wait3A_612, %dma_wait3A_616, %dma_wait3A_617] : memref<50x8x128x8x128xf32, #tpu.memory_space<hbm>> -> memref<1x1x1x8x128xf32, #tpu.memory_space<hbm>>
          %dma_wait3A_619 = tpu.memref_squeeze %dma_wait3A_618 : memref<1x1x1x8x128xf32, #tpu.memory_space<hbm>> -> memref<8x128xf32, #tpu.memory_space<hbm>>
          %dma_wait3A_620 = arith.constant 0 : i32
          %dma_wait3A_621 = arith.constant 0 : i32
          %dma_wait3A_622 = tpu.memref_slice %arg4[%dma_wait3A_610, %dma_wait3A_611, %dma_wait3A_612, %dma_wait3A_620, %dma_wait3A_621] : memref<50x8x128x8x128xf32, #tpu.memory_space<hbm>> -> memref<1x1x1x8x128xf32, #tpu.memory_space<hbm>>
          %dma_wait3A_623 = tpu.memref_squeeze %dma_wait3A_622 : memref<1x1x1x8x128xf32, #tpu.memory_space<hbm>> -> memref<8x128xf32, #tpu.memory_space<hbm>>
          %dma_wait3A_624 = arith.constant 0 : i32
          %dma_wait3A_625 = arith.constant 0 : i32
          %dma_wait3A_626 = tpu.memref_slice %arg10[%dma_wait3A_624, %dma_wait3A_625] : memref<64x136xf32, #tpu.memory_space<vmem>> -> memref<8x128xf32, #tpu.memory_space<vmem>>
          tpu.wait_dma2 semaphore(%arg12 : memref<!tpu.dma_semaphore, #tpu.memory_space<semaphore_mem>>) src(%dma_wait3A_626 : memref<8x128xf32, #tpu.memory_space<vmem>>) dst(%dma_wait3A_623 : memref<8x128xf32, #tpu.memory_space<hbm>>)
          %dma_wait3A_627 = arith.constant 0 : i32
          %dma_wait3A_628 = arith.constant 0 : i32
          %dma_wait3A_629 = arith.constant 0 : i32
          %dma_wait3A_630 = arith.constant 8 : i32
          %dma_wait3A_631 = arith.constant 0 : i32
          %dma_wait3A_632 = tpu.memref_slice %arg10[%dma_wait3A_630, %dma_wait3A_631] : memref<64x136xf32, #tpu.memory_space<vmem>> -> memref<8x128xf32, #tpu.memory_space<vmem>>
          %dma_wait3A_633 = arith.constant 0 : i32
          %dma_wait3A_634 = arith.constant 0 : i32
          %dma_wait3A_635 = tpu.memref_slice %arg4[%dma_wait3A_627, %dma_wait3A_628, %dma_wait3A_629, %dma_wait3A_633, %dma_wait3A_634] : memref<50x8x128x8x128xf32, #tpu.memory_space<hbm>> -> memref<1x1x1x8x128xf32, #tpu.memory_space<hbm>>
          %dma_wait3A_636 = tpu.memref_squeeze %dma_wait3A_635 : memref<1x1x1x8x128xf32, #tpu.memory_space<hbm>> -> memref<8x128xf32, #tpu.memory_space<hbm>>
          %dma_wait3A_637 = arith.constant 0 : i32
          %dma_wait3A_638 = arith.constant 0 : i32
          %dma_wait3A_639 = tpu.memref_slice %arg4[%dma_wait3A_627, %dma_wait3A_628, %dma_wait3A_629, %dma_wait3A_637, %dma_wait3A_638] : memref<50x8x128x8x128xf32, #tpu.memory_space<hbm>> -> memref<1x1x1x8x128xf32, #tpu.memory_space<hbm>>
          %dma_wait3A_640 = tpu.memref_squeeze %dma_wait3A_639 : memref<1x1x1x8x128xf32, #tpu.memory_space<hbm>> -> memref<8x128xf32, #tpu.memory_space<hbm>>
          %dma_wait3A_641 = arith.constant 8 : i32
          %dma_wait3A_642 = arith.constant 0 : i32
          %dma_wait3A_643 = tpu.memref_slice %arg10[%dma_wait3A_641, %dma_wait3A_642] : memref<64x136xf32, #tpu.memory_space<vmem>> -> memref<8x128xf32, #tpu.memory_space<vmem>>
          tpu.wait_dma2 semaphore(%arg12 : memref<!tpu.dma_semaphore, #tpu.memory_space<semaphore_mem>>) src(%dma_wait3A_643 : memref<8x128xf32, #tpu.memory_space<vmem>>) dst(%dma_wait3A_640 : memref<8x128xf32, #tpu.memory_space<hbm>>)
          %dma_wait3A_644 = arith.constant 0 : i32
          %dma_wait3A_645 = arith.constant 0 : i32
          %dma_wait3A_646 = arith.constant 0 : i32
          %dma_wait3A_647 = arith.constant 16 : i32
          %dma_wait3A_648 = arith.constant 0 : i32
          %dma_wait3A_649 = tpu.memref_slice %arg10[%dma_wait3A_647, %dma_wait3A_648] : memref<64x136xf32, #tpu.memory_space<vmem>> -> memref<8x128xf32, #tpu.memory_space<vmem>>
          %dma_wait3A_650 = arith.constant 0 : i32
          %dma_wait3A_651 = arith.constant 0 : i32
          %dma_wait3A_652 = tpu.memref_slice %arg4[%dma_wait3A_644, %dma_wait3A_645, %dma_wait3A_646, %dma_wait3A_650, %dma_wait3A_651] : memref<50x8x128x8x128xf32, #tpu.memory_space<hbm>> -> memref<1x1x1x8x128xf32, #tpu.memory_space<hbm>>
          %dma_wait3A_653 = tpu.memref_squeeze %dma_wait3A_652 : memref<1x1x1x8x128xf32, #tpu.memory_space<hbm>> -> memref<8x128xf32, #tpu.memory_space<hbm>>
          %dma_wait3A_654 = arith.constant 0 : i32
          %dma_wait3A_655 = arith.constant 0 : i32
          %dma_wait3A_656 = tpu.memref_slice %arg4[%dma_wait3A_644, %dma_wait3A_645, %dma_wait3A_646, %dma_wait3A_654, %dma_wait3A_655] : memref<50x8x128x8x128xf32, #tpu.memory_space<hbm>> -> memref<1x1x1x8x128xf32, #tpu.memory_space<hbm>>
          %dma_wait3A_657 = tpu.memref_squeeze %dma_wait3A_656 : memref<1x1x1x8x128xf32, #tpu.memory_space<hbm>> -> memref<8x128xf32, #tpu.memory_space<hbm>>
          %dma_wait3A_658 = arith.constant 16 : i32
          %dma_wait3A_659 = arith.constant 0 : i32
          %dma_wait3A_660 = tpu.memref_slice %arg10[%dma_wait3A_658, %dma_wait3A_659] : memref<64x136xf32, #tpu.memory_space<vmem>> -> memref<8x128xf32, #tpu.memory_space<vmem>>
          tpu.wait_dma2 semaphore(%arg12 : memref<!tpu.dma_semaphore, #tpu.memory_space<semaphore_mem>>) src(%dma_wait3A_660 : memref<8x128xf32, #tpu.memory_space<vmem>>) dst(%dma_wait3A_657 : memref<8x128xf32, #tpu.memory_space<hbm>>)
          %dma_wait3A_661 = arith.constant 0 : i32
          %dma_wait3A_662 = arith.constant 0 : i32
          %dma_wait3A_663 = arith.constant 0 : i32
          %dma_wait3A_664 = arith.constant 24 : i32
          %dma_wait3A_665 = arith.constant 0 : i32
          %dma_wait3A_666 = tpu.memref_slice %arg10[%dma_wait3A_664, %dma_wait3A_665] : memref<64x136xf32, #tpu.memory_space<vmem>> -> memref<8x128xf32, #tpu.memory_space<vmem>>
          %dma_wait3A_667 = arith.constant 0 : i32
          %dma_wait3A_668 = arith.constant 0 : i32
          %dma_wait3A_669 = tpu.memref_slice %arg4[%dma_wait3A_661, %dma_wait3A_662, %dma_wait3A_663, %dma_wait3A_667, %dma_wait3A_668] : memref<50x8x128x8x128xf32, #tpu.memory_space<hbm>> -> memref<1x1x1x8x128xf32, #tpu.memory_space<hbm>>
          %dma_wait3A_670 = tpu.memref_squeeze %dma_wait3A_669 : memref<1x1x1x8x128xf32, #tpu.memory_space<hbm>> -> memref<8x128xf32, #tpu.memory_space<hbm>>
          %dma_wait3A_671 = arith.constant 0 : i32
          %dma_wait3A_672 = arith.constant 0 : i32
          %dma_wait3A_673 = tpu.memref_slice %arg4[%dma_wait3A_661, %dma_wait3A_662, %dma_wait3A_663, %dma_wait3A_671, %dma_wait3A_672] : memref<50x8x128x8x128xf32, #tpu.memory_space<hbm>> -> memref<1x1x1x8x128xf32, #tpu.memory_space<hbm>>
          %dma_wait3A_674 = tpu.memref_squeeze %dma_wait3A_673 : memref<1x1x1x8x128xf32, #tpu.memory_space<hbm>> -> memref<8x128xf32, #tpu.memory_space<hbm>>
          %dma_wait3A_675 = arith.constant 24 : i32
          %dma_wait3A_676 = arith.constant 0 : i32
          %dma_wait3A_677 = tpu.memref_slice %arg10[%dma_wait3A_675, %dma_wait3A_676] : memref<64x136xf32, #tpu.memory_space<vmem>> -> memref<8x128xf32, #tpu.memory_space<vmem>>
          tpu.wait_dma2 semaphore(%arg12 : memref<!tpu.dma_semaphore, #tpu.memory_space<semaphore_mem>>) src(%dma_wait3A_677 : memref<8x128xf32, #tpu.memory_space<vmem>>) dst(%dma_wait3A_674 : memref<8x128xf32, #tpu.memory_space<hbm>>)
          %dma_wait3A_678 = arith.constant 0 : i32
          %dma_wait3A_679 = arith.constant 0 : i32
          %dma_wait3A_680 = arith.constant 0 : i32
          %dma_wait3A_681 = arith.constant 32 : i32
          %dma_wait3A_682 = arith.constant 0 : i32
          %dma_wait3A_683 = tpu.memref_slice %arg10[%dma_wait3A_681, %dma_wait3A_682] : memref<64x136xf32, #tpu.memory_space<vmem>> -> memref<8x128xf32, #tpu.memory_space<vmem>>
          %dma_wait3A_684 = arith.constant 0 : i32
          %dma_wait3A_685 = arith.constant 0 : i32
          %dma_wait3A_686 = tpu.memref_slice %arg4[%dma_wait3A_678, %dma_wait3A_679, %dma_wait3A_680, %dma_wait3A_684, %dma_wait3A_685] : memref<50x8x128x8x128xf32, #tpu.memory_space<hbm>> -> memref<1x1x1x8x128xf32, #tpu.memory_space<hbm>>
          %dma_wait3A_687 = tpu.memref_squeeze %dma_wait3A_686 : memref<1x1x1x8x128xf32, #tpu.memory_space<hbm>> -> memref<8x128xf32, #tpu.memory_space<hbm>>
          %dma_wait3A_688 = arith.constant 0 : i32
          %dma_wait3A_689 = arith.constant 0 : i32
          %dma_wait3A_690 = tpu.memref_slice %arg4[%dma_wait3A_678, %dma_wait3A_679, %dma_wait3A_680, %dma_wait3A_688, %dma_wait3A_689] : memref<50x8x128x8x128xf32, #tpu.memory_space<hbm>> -> memref<1x1x1x8x128xf32, #tpu.memory_space<hbm>>
          %dma_wait3A_691 = tpu.memref_squeeze %dma_wait3A_690 : memref<1x1x1x8x128xf32, #tpu.memory_space<hbm>> -> memref<8x128xf32, #tpu.memory_space<hbm>>
          %dma_wait3A_692 = arith.constant 32 : i32
          %dma_wait3A_693 = arith.constant 0 : i32
          %dma_wait3A_694 = tpu.memref_slice %arg10[%dma_wait3A_692, %dma_wait3A_693] : memref<64x136xf32, #tpu.memory_space<vmem>> -> memref<8x128xf32, #tpu.memory_space<vmem>>
          tpu.wait_dma2 semaphore(%arg12 : memref<!tpu.dma_semaphore, #tpu.memory_space<semaphore_mem>>) src(%dma_wait3A_694 : memref<8x128xf32, #tpu.memory_space<vmem>>) dst(%dma_wait3A_691 : memref<8x128xf32, #tpu.memory_space<hbm>>)
          %dma_wait3A_695 = arith.constant 0 : i32
          %dma_wait3A_696 = arith.constant 0 : i32
          %dma_wait3A_697 = arith.constant 0 : i32
          %dma_wait3A_698 = arith.constant 40 : i32
          %dma_wait3A_699 = arith.constant 0 : i32
          %dma_wait3A_700 = tpu.memref_slice %arg10[%dma_wait3A_698, %dma_wait3A_699] : memref<64x136xf32, #tpu.memory_space<vmem>> -> memref<8x128xf32, #tpu.memory_space<vmem>>
          %dma_wait3A_701 = arith.constant 0 : i32
          %dma_wait3A_702 = arith.constant 0 : i32
          %dma_wait3A_703 = tpu.memref_slice %arg4[%dma_wait3A_695, %dma_wait3A_696, %dma_wait3A_697, %dma_wait3A_701, %dma_wait3A_702] : memref<50x8x128x8x128xf32, #tpu.memory_space<hbm>> -> memref<1x1x1x8x128xf32, #tpu.memory_space<hbm>>
          %dma_wait3A_704 = tpu.memref_squeeze %dma_wait3A_703 : memref<1x1x1x8x128xf32, #tpu.memory_space<hbm>> -> memref<8x128xf32, #tpu.memory_space<hbm>>
          %dma_wait3A_705 = arith.constant 0 : i32
          %dma_wait3A_706 = arith.constant 0 : i32
          %dma_wait3A_707 = tpu.memref_slice %arg4[%dma_wait3A_695, %dma_wait3A_696, %dma_wait3A_697, %dma_wait3A_705, %dma_wait3A_706] : memref<50x8x128x8x128xf32, #tpu.memory_space<hbm>> -> memref<1x1x1x8x128xf32, #tpu.memory_space<hbm>>
          %dma_wait3A_708 = tpu.memref_squeeze %dma_wait3A_707 : memref<1x1x1x8x128xf32, #tpu.memory_space<hbm>> -> memref<8x128xf32, #tpu.memory_space<hbm>>
          %dma_wait3A_709 = arith.constant 40 : i32
          %dma_wait3A_710 = arith.constant 0 : i32
          %dma_wait3A_711 = tpu.memref_slice %arg10[%dma_wait3A_709, %dma_wait3A_710] : memref<64x136xf32, #tpu.memory_space<vmem>> -> memref<8x128xf32, #tpu.memory_space<vmem>>
          tpu.wait_dma2 semaphore(%arg12 : memref<!tpu.dma_semaphore, #tpu.memory_space<semaphore_mem>>) src(%dma_wait3A_711 : memref<8x128xf32, #tpu.memory_space<vmem>>) dst(%dma_wait3A_708 : memref<8x128xf32, #tpu.memory_space<hbm>>)
          %dma_wait3A_712 = arith.constant 0 : i32
          %dma_wait3A_713 = arith.constant 0 : i32
          %dma_wait3A_714 = arith.constant 0 : i32
          %dma_wait3A_715 = arith.constant 48 : i32
          %dma_wait3A_716 = arith.constant 0 : i32
          %dma_wait3A_717 = tpu.memref_slice %arg10[%dma_wait3A_715, %dma_wait3A_716] : memref<64x136xf32, #tpu.memory_space<vmem>> -> memref<8x128xf32, #tpu.memory_space<vmem>>
          %dma_wait3A_718 = arith.constant 0 : i32
          %dma_wait3A_719 = arith.constant 0 : i32
          %dma_wait3A_720 = tpu.memref_slice %arg4[%dma_wait3A_712, %dma_wait3A_713, %dma_wait3A_714, %dma_wait3A_718, %dma_wait3A_719] : memref<50x8x128x8x128xf32, #tpu.memory_space<hbm>> -> memref<1x1x1x8x128xf32, #tpu.memory_space<hbm>>
          %dma_wait3A_721 = tpu.memref_squeeze %dma_wait3A_720 : memref<1x1x1x8x128xf32, #tpu.memory_space<hbm>> -> memref<8x128xf32, #tpu.memory_space<hbm>>
          %dma_wait3A_722 = arith.constant 0 : i32
          %dma_wait3A_723 = arith.constant 0 : i32
          %dma_wait3A_724 = tpu.memref_slice %arg4[%dma_wait3A_712, %dma_wait3A_713, %dma_wait3A_714, %dma_wait3A_722, %dma_wait3A_723] : memref<50x8x128x8x128xf32, #tpu.memory_space<hbm>> -> memref<1x1x1x8x128xf32, #tpu.memory_space<hbm>>
          %dma_wait3A_725 = tpu.memref_squeeze %dma_wait3A_724 : memref<1x1x1x8x128xf32, #tpu.memory_space<hbm>> -> memref<8x128xf32, #tpu.memory_space<hbm>>
          %dma_wait3A_726 = arith.constant 48 : i32
          %dma_wait3A_727 = arith.constant 0 : i32
          %dma_wait3A_728 = tpu.memref_slice %arg10[%dma_wait3A_726, %dma_wait3A_727] : memref<64x136xf32, #tpu.memory_space<vmem>> -> memref<8x128xf32, #tpu.memory_space<vmem>>
          tpu.wait_dma2 semaphore(%arg12 : memref<!tpu.dma_semaphore, #tpu.memory_space<semaphore_mem>>) src(%dma_wait3A_728 : memref<8x128xf32, #tpu.memory_space<vmem>>) dst(%dma_wait3A_725 : memref<8x128xf32, #tpu.memory_space<hbm>>)
          %dma_wait3A_729 = arith.constant 0 : i32
          %dma_wait3A_730 = arith.constant 0 : i32
          %dma_wait3A_731 = arith.constant 0 : i32
          %dma_wait3A_732 = arith.constant 56 : i32
          %dma_wait3A_733 = arith.constant 0 : i32
          %dma_wait3A_734 = tpu.memref_slice %arg10[%dma_wait3A_732, %dma_wait3A_733] : memref<64x136xf32, #tpu.memory_space<vmem>> -> memref<8x128xf32, #tpu.memory_space<vmem>>
          %dma_wait3A_735 = arith.constant 0 : i32
          %dma_wait3A_736 = arith.constant 0 : i32
          %dma_wait3A_737 = tpu.memref_slice %arg4[%dma_wait3A_729, %dma_wait3A_730, %dma_wait3A_731, %dma_wait3A_735, %dma_wait3A_736] : memref<50x8x128x8x128xf32, #tpu.memory_space<hbm>> -> memref<1x1x1x8x128xf32, #tpu.memory_space<hbm>>
          %dma_wait3A_738 = tpu.memref_squeeze %dma_wait3A_737 : memref<1x1x1x8x128xf32, #tpu.memory_space<hbm>> -> memref<8x128xf32, #tpu.memory_space<hbm>>
          %dma_wait3A_739 = arith.constant 0 : i32
          %dma_wait3A_740 = arith.constant 0 : i32
          %dma_wait3A_741 = tpu.memref_slice %arg4[%dma_wait3A_729, %dma_wait3A_730, %dma_wait3A_731, %dma_wait3A_739, %dma_wait3A_740] : memref<50x8x128x8x128xf32, #tpu.memory_space<hbm>> -> memref<1x1x1x8x128xf32, #tpu.memory_space<hbm>>
          %dma_wait3A_742 = tpu.memref_squeeze %dma_wait3A_741 : memref<1x1x1x8x128xf32, #tpu.memory_space<hbm>> -> memref<8x128xf32, #tpu.memory_space<hbm>>
          %dma_wait3A_743 = arith.constant 56 : i32
          %dma_wait3A_744 = arith.constant 0 : i32
          %dma_wait3A_745 = tpu.memref_slice %arg10[%dma_wait3A_743, %dma_wait3A_744] : memref<64x136xf32, #tpu.memory_space<vmem>> -> memref<8x128xf32, #tpu.memory_space<vmem>>
          tpu.wait_dma2 semaphore(%arg12 : memref<!tpu.dma_semaphore, #tpu.memory_space<semaphore_mem>>) src(%dma_wait3A_745 : memref<8x128xf32, #tpu.memory_space<vmem>>) dst(%dma_wait3A_742 : memref<8x128xf32, #tpu.memory_space<hbm>>)
        } else {
        }
        %add3A_473 = arith.constant 0 : i32
        %add3A_474 = vector.broadcast %add3A_473 : i32 to vector<16xi32>
        %add3A_475 = arith.addi %iota3A, %add3A_474 : vector<16xi32>
        %add3A_476 = arith.constant 16 : i32
        %add3A_477 = vector.broadcast %add3A_476 : i32 to vector<16xi32>
        %add3A_478 = arith.addi %iota3A, %add3A_477 : vector<16xi32>
        %add3A_479 = arith.constant 32 : i32
        %add3A_480 = vector.broadcast %add3A_479 : i32 to vector<16xi32>
        %add3A_481 = arith.addi %iota3A, %add3A_480 : vector<16xi32>
        %add3A_482 = arith.constant 48 : i32
        %add3A_483 = vector.broadcast %add3A_482 : i32 to vector<16xi32>
        %add3A_484 = arith.addi %iota3A, %add3A_483 : vector<16xi32>
        %parallel_loop3A_485 = arith.constant 0 : i32
        %parallel_loop3A_486 = arith.constant 128 : i32
        %parallel_loop3A_487 = arith.constant 1 : i32
        scf.for %parallel_loop3A_610 = %parallel_loop3A_485 to %parallel_loop3A_486 step %parallel_loop3A_487  : i32 {
          %parallel_loop3A_611 = vector.broadcast %parallel_loop3A_610 : i32 to vector<16xi32>
          %parallel_loop3A_612 = arith.index_cast %parallel_loop3A_610 : i32 to index
          %parallel_loop3A_613 = arith.constant 0 : index
          %parallel_loop3A_614 = tpu.vector_load %arg8[%parallel_loop3A_612, %parallel_loop3A_613] {strides = array<i32>} : memref<128x64xf32, #tpu.memory_space<vmem>>, vector<16xf32>,
          %parallel_loop3A_615 = arith.index_cast %parallel_loop3A_610 : i32 to index
          %parallel_loop3A_616 = arith.constant 16 : index
          %parallel_loop3A_617 = tpu.vector_load %arg8[%parallel_loop3A_615, %parallel_loop3A_616] {strides = array<i32>} : memref<128x64xf32, #tpu.memory_space<vmem>>, vector<16xf32>,
          %parallel_loop3A_618 = arith.index_cast %parallel_loop3A_610 : i32 to index
          %parallel_loop3A_619 = arith.constant 32 : index
          %parallel_loop3A_620 = tpu.vector_load %arg8[%parallel_loop3A_618, %parallel_loop3A_619] {strides = array<i32>} : memref<128x64xf32, #tpu.memory_space<vmem>>, vector<16xf32>,
          %parallel_loop3A_621 = arith.index_cast %parallel_loop3A_610 : i32 to index
          %parallel_loop3A_622 = arith.constant 48 : index
          %parallel_loop3A_623 = tpu.vector_load %arg8[%parallel_loop3A_621, %parallel_loop3A_622] {strides = array<i32>} : memref<128x64xf32, #tpu.memory_space<vmem>>, vector<16xf32>,
          tpu.vector_store_idx %arg10[%add3A_475, %parallel_loop3A_611], %parallel_loop3A_614 : memref<64x136xf32, #tpu.memory_space<vmem>>[vector<16xi32>, vector<16xi32>], vector<16xf32>,
          tpu.vector_store_idx %arg10[%add3A_478, %parallel_loop3A_611], %parallel_loop3A_617 : memref<64x136xf32, #tpu.memory_space<vmem>>[vector<16xi32>, vector<16xi32>], vector<16xf32>,
          tpu.vector_store_idx %arg10[%add3A_481, %parallel_loop3A_611], %parallel_loop3A_620 : memref<64x136xf32, #tpu.memory_space<vmem>>[vector<16xi32>, vector<16xi32>], vector<16xf32>,
          tpu.vector_store_idx %arg10[%add3A_484, %parallel_loop3A_611], %parallel_loop3A_623 : memref<64x136xf32, #tpu.memory_space<vmem>>[vector<16xi32>, vector<16xi32>], vector<16xf32>,
        } {sc.loop_unroll_factor = 4 : i64, sc.parallel_access}
        %add3A_488 = arith.constant 1 : i32
        %add3A_489 = arith.addi %mul3A_304, %add3A_488 : i32
        %dma_start3A_490 = arith.constant 0 : i32
        %dma_start3A_491 = arith.constant 0 : i32
        %dma_start3A_492 = arith.constant 0 : i32
        %dma_start3A_493 = tpu.memref_slice %arg10[%dma_start3A_491, %dma_start3A_492] : memref<64x136xf32, #tpu.memory_space<vmem>> -> memref<8x128xf32, #tpu.memory_space<vmem>>
        %dma_start3A_494 = arith.constant 0 : i32
        %dma_start3A_495 = arith.constant 0 : i32
        %dma_start3A_496 = tpu.memref_slice %arg4[%add3A_489, %dma_start3A_490, %while3A_15, %dma_start3A_494, %dma_start3A_495] : memref<50x8x128x8x128xf32, #tpu.memory_space<hbm>> -> memref<1x1x1x8x128xf32, #tpu.memory_space<hbm>>
        %dma_start3A_497 = tpu.memref_squeeze %dma_start3A_496 : memref<1x1x1x8x128xf32, #tpu.memory_space<hbm>> -> memref<8x128xf32, #tpu.memory_space<hbm>>
        %dma_start3A_498 = arith.constant 0 : i32
        %dma_start3A_499 = arith.constant 0 : i32
        %dma_start3A_500 = tpu.memref_slice %arg4[%add3A_489, %dma_start3A_490, %while3A_15, %dma_start3A_498, %dma_start3A_499] : memref<50x8x128x8x128xf32, #tpu.memory_space<hbm>> -> memref<1x1x1x8x128xf32, #tpu.memory_space<hbm>>
        %dma_start3A_501 = tpu.memref_squeeze %dma_start3A_500 : memref<1x1x1x8x128xf32, #tpu.memory_space<hbm>> -> memref<8x128xf32, #tpu.memory_space<hbm>>
        %dma_start3A_502 = arith.constant 0 : i32
        %dma_start3A_503 = arith.constant 0 : i32
        %dma_start3A_504 = tpu.memref_slice %arg10[%dma_start3A_502, %dma_start3A_503] : memref<64x136xf32, #tpu.memory_space<vmem>> -> memref<8x128xf32, #tpu.memory_space<vmem>>
        tpu.enqueue_dma source(%dma_start3A_504 : memref<8x128xf32, #tpu.memory_space<vmem>>) target(%dma_start3A_501 : memref<8x128xf32, #tpu.memory_space<hbm>>) target_semaphore(%arg12 : memref<!tpu.dma_semaphore, #tpu.memory_space<semaphore_mem>>)
        %dma_start3A_505 = arith.constant 1 : i32
        %dma_start3A_506 = arith.constant 8 : i32
        %dma_start3A_507 = arith.constant 0 : i32
        %dma_start3A_508 = tpu.memref_slice %arg10[%dma_start3A_506, %dma_start3A_507] : memref<64x136xf32, #tpu.memory_space<vmem>> -> memref<8x128xf32, #tpu.memory_space<vmem>>
        %dma_start3A_509 = arith.constant 0 : i32
        %dma_start3A_510 = arith.constant 0 : i32
        %dma_start3A_511 = tpu.memref_slice %arg4[%add3A_489, %dma_start3A_505, %while3A_15, %dma_start3A_509, %dma_start3A_510] : memref<50x8x128x8x128xf32, #tpu.memory_space<hbm>> -> memref<1x1x1x8x128xf32, #tpu.memory_space<hbm>>
        %dma_start3A_512 = tpu.memref_squeeze %dma_start3A_511 : memref<1x1x1x8x128xf32, #tpu.memory_space<hbm>> -> memref<8x128xf32, #tpu.memory_space<hbm>>
        %dma_start3A_513 = arith.constant 0 : i32
        %dma_start3A_514 = arith.constant 0 : i32
        %dma_start3A_515 = tpu.memref_slice %arg4[%add3A_489, %dma_start3A_505, %while3A_15, %dma_start3A_513, %dma_start3A_514] : memref<50x8x128x8x128xf32, #tpu.memory_space<hbm>> -> memref<1x1x1x8x128xf32, #tpu.memory_space<hbm>>
        %dma_start3A_516 = tpu.memref_squeeze %dma_start3A_515 : memref<1x1x1x8x128xf32, #tpu.memory_space<hbm>> -> memref<8x128xf32, #tpu.memory_space<hbm>>
        %dma_start3A_517 = arith.constant 8 : i32
        %dma_start3A_518 = arith.constant 0 : i32
        %dma_start3A_519 = tpu.memref_slice %arg10[%dma_start3A_517, %dma_start3A_518] : memref<64x136xf32, #tpu.memory_space<vmem>> -> memref<8x128xf32, #tpu.memory_space<vmem>>
        tpu.enqueue_dma source(%dma_start3A_519 : memref<8x128xf32, #tpu.memory_space<vmem>>) target(%dma_start3A_516 : memref<8x128xf32, #tpu.memory_space<hbm>>) target_semaphore(%arg12 : memref<!tpu.dma_semaphore, #tpu.memory_space<semaphore_mem>>)
        %dma_start3A_520 = arith.constant 2 : i32
        %dma_start3A_521 = arith.constant 16 : i32
        %dma_start3A_522 = arith.constant 0 : i32
        %dma_start3A_523 = tpu.memref_slice %arg10[%dma_start3A_521, %dma_start3A_522] : memref<64x136xf32, #tpu.memory_space<vmem>> -> memref<8x128xf32, #tpu.memory_space<vmem>>
        %dma_start3A_524 = arith.constant 0 : i32
        %dma_start3A_525 = arith.constant 0 : i32
        %dma_start3A_526 = tpu.memref_slice %arg4[%add3A_489, %dma_start3A_520, %while3A_15, %dma_start3A_524, %dma_start3A_525] : memref<50x8x128x8x128xf32, #tpu.memory_space<hbm>> -> memref<1x1x1x8x128xf32, #tpu.memory_space<hbm>>
        %dma_start3A_527 = tpu.memref_squeeze %dma_start3A_526 : memref<1x1x1x8x128xf32, #tpu.memory_space<hbm>> -> memref<8x128xf32, #tpu.memory_space<hbm>>
        %dma_start3A_528 = arith.constant 0 : i32
        %dma_start3A_529 = arith.constant 0 : i32
        %dma_start3A_530 = tpu.memref_slice %arg4[%add3A_489, %dma_start3A_520, %while3A_15, %dma_start3A_528, %dma_start3A_529] : memref<50x8x128x8x128xf32, #tpu.memory_space<hbm>> -> memref<1x1x1x8x128xf32, #tpu.memory_space<hbm>>
        %dma_start3A_531 = tpu.memref_squeeze %dma_start3A_530 : memref<1x1x1x8x128xf32, #tpu.memory_space<hbm>> -> memref<8x128xf32, #tpu.memory_space<hbm>>
        %dma_start3A_532 = arith.constant 16 : i32
        %dma_start3A_533 = arith.constant 0 : i32
        %dma_start3A_534 = tpu.memref_slice %arg10[%dma_start3A_532, %dma_start3A_533] : memref<64x136xf32, #tpu.memory_space<vmem>> -> memref<8x128xf32, #tpu.memory_space<vmem>>
        tpu.enqueue_dma source(%dma_start3A_534 : memref<8x128xf32, #tpu.memory_space<vmem>>) target(%dma_start3A_531 : memref<8x128xf32, #tpu.memory_space<hbm>>) target_semaphore(%arg12 : memref<!tpu.dma_semaphore, #tpu.memory_space<semaphore_mem>>)
        %dma_start3A_535 = arith.constant 3 : i32
        %dma_start3A_536 = arith.constant 24 : i32
        %dma_start3A_537 = arith.constant 0 : i32
        %dma_start3A_538 = tpu.memref_slice %arg10[%dma_start3A_536, %dma_start3A_537] : memref<64x136xf32, #tpu.memory_space<vmem>> -> memref<8x128xf32, #tpu.memory_space<vmem>>
        %dma_start3A_539 = arith.constant 0 : i32
        %dma_start3A_540 = arith.constant 0 : i32
        %dma_start3A_541 = tpu.memref_slice %arg4[%add3A_489, %dma_start3A_535, %while3A_15, %dma_start3A_539, %dma_start3A_540] : memref<50x8x128x8x128xf32, #tpu.memory_space<hbm>> -> memref<1x1x1x8x128xf32, #tpu.memory_space<hbm>>
        %dma_start3A_542 = tpu.memref_squeeze %dma_start3A_541 : memref<1x1x1x8x128xf32, #tpu.memory_space<hbm>> -> memref<8x128xf32, #tpu.memory_space<hbm>>
        %dma_start3A_543 = arith.constant 0 : i32
        %dma_start3A_544 = arith.constant 0 : i32
        %dma_start3A_545 = tpu.memref_slice %arg4[%add3A_489, %dma_start3A_535, %while3A_15, %dma_start3A_543, %dma_start3A_544] : memref<50x8x128x8x128xf32, #tpu.memory_space<hbm>> -> memref<1x1x1x8x128xf32, #tpu.memory_space<hbm>>
        %dma_start3A_546 = tpu.memref_squeeze %dma_start3A_545 : memref<1x1x1x8x128xf32, #tpu.memory_space<hbm>> -> memref<8x128xf32, #tpu.memory_space<hbm>>
        %dma_start3A_547 = arith.constant 24 : i32
        %dma_start3A_548 = arith.constant 0 : i32
        %dma_start3A_549 = tpu.memref_slice %arg10[%dma_start3A_547, %dma_start3A_548] : memref<64x136xf32, #tpu.memory_space<vmem>> -> memref<8x128xf32, #tpu.memory_space<vmem>>
        tpu.enqueue_dma source(%dma_start3A_549 : memref<8x128xf32, #tpu.memory_space<vmem>>) target(%dma_start3A_546 : memref<8x128xf32, #tpu.memory_space<hbm>>) target_semaphore(%arg12 : memref<!tpu.dma_semaphore, #tpu.memory_space<semaphore_mem>>)
        %dma_start3A_550 = arith.constant 4 : i32
        %dma_start3A_551 = arith.constant 32 : i32
        %dma_start3A_552 = arith.constant 0 : i32
        %dma_start3A_553 = tpu.memref_slice %arg10[%dma_start3A_551, %dma_start3A_552] : memref<64x136xf32, #tpu.memory_space<vmem>> -> memref<8x128xf32, #tpu.memory_space<vmem>>
        %dma_start3A_554 = arith.constant 0 : i32
        %dma_start3A_555 = arith.constant 0 : i32
        %dma_start3A_556 = tpu.memref_slice %arg4[%add3A_489, %dma_start3A_550, %while3A_15, %dma_start3A_554, %dma_start3A_555] : memref<50x8x128x8x128xf32, #tpu.memory_space<hbm>> -> memref<1x1x1x8x128xf32, #tpu.memory_space<hbm>>
        %dma_start3A_557 = tpu.memref_squeeze %dma_start3A_556 : memref<1x1x1x8x128xf32, #tpu.memory_space<hbm>> -> memref<8x128xf32, #tpu.memory_space<hbm>>
        %dma_start3A_558 = arith.constant 0 : i32
        %dma_start3A_559 = arith.constant 0 : i32
        %dma_start3A_560 = tpu.memref_slice %arg4[%add3A_489, %dma_start3A_550, %while3A_15, %dma_start3A_558, %dma_start3A_559] : memref<50x8x128x8x128xf32, #tpu.memory_space<hbm>> -> memref<1x1x1x8x128xf32, #tpu.memory_space<hbm>>
        %dma_start3A_561 = tpu.memref_squeeze %dma_start3A_560 : memref<1x1x1x8x128xf32, #tpu.memory_space<hbm>> -> memref<8x128xf32, #tpu.memory_space<hbm>>
        %dma_start3A_562 = arith.constant 32 : i32
        %dma_start3A_563 = arith.constant 0 : i32
        %dma_start3A_564 = tpu.memref_slice %arg10[%dma_start3A_562, %dma_start3A_563] : memref<64x136xf32, #tpu.memory_space<vmem>> -> memref<8x128xf32, #tpu.memory_space<vmem>>
        tpu.enqueue_dma source(%dma_start3A_564 : memref<8x128xf32, #tpu.memory_space<vmem>>) target(%dma_start3A_561 : memref<8x128xf32, #tpu.memory_space<hbm>>) target_semaphore(%arg12 : memref<!tpu.dma_semaphore, #tpu.memory_space<semaphore_mem>>)
        %dma_start3A_565 = arith.constant 5 : i32
        %dma_start3A_566 = arith.constant 40 : i32
        %dma_start3A_567 = arith.constant 0 : i32
        %dma_start3A_568 = tpu.memref_slice %arg10[%dma_start3A_566, %dma_start3A_567] : memref<64x136xf32, #tpu.memory_space<vmem>> -> memref<8x128xf32, #tpu.memory_space<vmem>>
        %dma_start3A_569 = arith.constant 0 : i32
        %dma_start3A_570 = arith.constant 0 : i32
        %dma_start3A_571 = tpu.memref_slice %arg4[%add3A_489, %dma_start3A_565, %while3A_15, %dma_start3A_569, %dma_start3A_570] : memref<50x8x128x8x128xf32, #tpu.memory_space<hbm>> -> memref<1x1x1x8x128xf32, #tpu.memory_space<hbm>>
        %dma_start3A_572 = tpu.memref_squeeze %dma_start3A_571 : memref<1x1x1x8x128xf32, #tpu.memory_space<hbm>> -> memref<8x128xf32, #tpu.memory_space<hbm>>
        %dma_start3A_573 = arith.constant 0 : i32
        %dma_start3A_574 = arith.constant 0 : i32
        %dma_start3A_575 = tpu.memref_slice %arg4[%add3A_489, %dma_start3A_565, %while3A_15, %dma_start3A_573, %dma_start3A_574] : memref<50x8x128x8x128xf32, #tpu.memory_space<hbm>> -> memref<1x1x1x8x128xf32, #tpu.memory_space<hbm>>
        %dma_start3A_576 = tpu.memref_squeeze %dma_start3A_575 : memref<1x1x1x8x128xf32, #tpu.memory_space<hbm>> -> memref<8x128xf32, #tpu.memory_space<hbm>>
        %dma_start3A_577 = arith.constant 40 : i32
        %dma_start3A_578 = arith.constant 0 : i32
        %dma_start3A_579 = tpu.memref_slice %arg10[%dma_start3A_577, %dma_start3A_578] : memref<64x136xf32, #tpu.memory_space<vmem>> -> memref<8x128xf32, #tpu.memory_space<vmem>>
        tpu.enqueue_dma source(%dma_start3A_579 : memref<8x128xf32, #tpu.memory_space<vmem>>) target(%dma_start3A_576 : memref<8x128xf32, #tpu.memory_space<hbm>>) target_semaphore(%arg12 : memref<!tpu.dma_semaphore, #tpu.memory_space<semaphore_mem>>)
        %dma_start3A_580 = arith.constant 6 : i32
        %dma_start3A_581 = arith.constant 48 : i32
        %dma_start3A_582 = arith.constant 0 : i32
        %dma_start3A_583 = tpu.memref_slice %arg10[%dma_start3A_581, %dma_start3A_582] : memref<64x136xf32, #tpu.memory_space<vmem>> -> memref<8x128xf32, #tpu.memory_space<vmem>>
        %dma_start3A_584 = arith.constant 0 : i32
        %dma_start3A_585 = arith.constant 0 : i32
        %dma_start3A_586 = tpu.memref_slice %arg4[%add3A_489, %dma_start3A_580, %while3A_15, %dma_start3A_584, %dma_start3A_585] : memref<50x8x128x8x128xf32, #tpu.memory_space<hbm>> -> memref<1x1x1x8x128xf32, #tpu.memory_space<hbm>>
        %dma_start3A_587 = tpu.memref_squeeze %dma_start3A_586 : memref<1x1x1x8x128xf32, #tpu.memory_space<hbm>> -> memref<8x128xf32, #tpu.memory_space<hbm>>
        %dma_start3A_588 = arith.constant 0 : i32
        %dma_start3A_589 = arith.constant 0 : i32
        %dma_start3A_590 = tpu.memref_slice %arg4[%add3A_489, %dma_start3A_580, %while3A_15, %dma_start3A_588, %dma_start3A_589] : memref<50x8x128x8x128xf32, #tpu.memory_space<hbm>> -> memref<1x1x1x8x128xf32, #tpu.memory_space<hbm>>
        %dma_start3A_591 = tpu.memref_squeeze %dma_start3A_590 : memref<1x1x1x8x128xf32, #tpu.memory_space<hbm>> -> memref<8x128xf32, #tpu.memory_space<hbm>>
        %dma_start3A_592 = arith.constant 48 : i32
        %dma_start3A_593 = arith.constant 0 : i32
        %dma_start3A_594 = tpu.memref_slice %arg10[%dma_start3A_592, %dma_start3A_593] : memref<64x136xf32, #tpu.memory_space<vmem>> -> memref<8x128xf32, #tpu.memory_space<vmem>>
        tpu.enqueue_dma source(%dma_start3A_594 : memref<8x128xf32, #tpu.memory_space<vmem>>) target(%dma_start3A_591 : memref<8x128xf32, #tpu.memory_space<hbm>>) target_semaphore(%arg12 : memref<!tpu.dma_semaphore, #tpu.memory_space<semaphore_mem>>)
        %dma_start3A_595 = arith.constant 7 : i32
        %dma_start3A_596 = arith.constant 56 : i32
        %dma_start3A_597 = arith.constant 0 : i32
        %dma_start3A_598 = tpu.memref_slice %arg10[%dma_start3A_596, %dma_start3A_597] : memref<64x136xf32, #tpu.memory_space<vmem>> -> memref<8x128xf32, #tpu.memory_space<vmem>>
        %dma_start3A_599 = arith.constant 0 : i32
        %dma_start3A_600 = arith.constant 0 : i32
        %dma_start3A_601 = tpu.memref_slice %arg4[%add3A_489, %dma_start3A_595, %while3A_15, %dma_start3A_599, %dma_start3A_600] : memref<50x8x128x8x128xf32, #tpu.memory_space<hbm>> -> memref<1x1x1x8x128xf32, #tpu.memory_space<hbm>>
        %dma_start3A_602 = tpu.memref_squeeze %dma_start3A_601 : memref<1x1x1x8x128xf32, #tpu.memory_space<hbm>> -> memref<8x128xf32, #tpu.memory_space<hbm>>
        %dma_start3A_603 = arith.constant 0 : i32
        %dma_start3A_604 = arith.constant 0 : i32
        %dma_start3A_605 = tpu.memref_slice %arg4[%add3A_489, %dma_start3A_595, %while3A_15, %dma_start3A_603, %dma_start3A_604] : memref<50x8x128x8x128xf32, #tpu.memory_space<hbm>> -> memref<1x1x1x8x128xf32, #tpu.memory_space<hbm>>
        %dma_start3A_606 = tpu.memref_squeeze %dma_start3A_605 : memref<1x1x1x8x128xf32, #tpu.memory_space<hbm>> -> memref<8x128xf32, #tpu.memory_space<hbm>>
        %dma_start3A_607 = arith.constant 56 : i32
        %dma_start3A_608 = arith.constant 0 : i32
        %dma_start3A_609 = tpu.memref_slice %arg10[%dma_start3A_607, %dma_start3A_608] : memref<64x136xf32, #tpu.memory_space<vmem>> -> memref<8x128xf32, #tpu.memory_space<vmem>>
        tpu.enqueue_dma source(%dma_start3A_609 : memref<8x128xf32, #tpu.memory_space<vmem>>) target(%dma_start3A_606 : memref<8x128xf32, #tpu.memory_space<hbm>>) target_semaphore(%arg12 : memref<!tpu.dma_semaphore, #tpu.memory_space<semaphore_mem>>)
      }
      %scan3A_30 = arith.constant 25 : i32
      %dma_wait3A = arith.constant 0 : i32
      %dma_wait3A_31 = arith.constant 0 : i32
      %dma_wait3A_32 = arith.constant 0 : i32
      %dma_wait3A_33 = arith.constant 0 : i32
      %dma_wait3A_34 = arith.constant 0 : i32
      %dma_wait3A_35 = tpu.memref_slice %arg9[%dma_wait3A_33, %dma_wait3A_34] : memref<64x136xf32, #tpu.memory_space<vmem>> -> memref<8x128xf32, #tpu.memory_space<vmem>>
      %dma_wait3A_36 = arith.constant 0 : i32
      %dma_wait3A_37 = arith.constant 0 : i32
      %dma_wait3A_38 = tpu.memref_slice %arg4[%dma_wait3A, %dma_wait3A_31, %dma_wait3A_32, %dma_wait3A_36, %dma_wait3A_37] : memref<50x8x128x8x128xf32, #tpu.memory_space<hbm>> -> memref<1x1x1x8x128xf32, #tpu.memory_space<hbm>>
      %dma_wait3A_39 = tpu.memref_squeeze %dma_wait3A_38 : memref<1x1x1x8x128xf32, #tpu.memory_space<hbm>> -> memref<8x128xf32, #tpu.memory_space<hbm>>
      %dma_wait3A_40 = arith.constant 0 : i32
      %dma_wait3A_41 = arith.constant 0 : i32
      %dma_wait3A_42 = tpu.memref_slice %arg4[%dma_wait3A, %dma_wait3A_31, %dma_wait3A_32, %dma_wait3A_40, %dma_wait3A_41] : memref<50x8x128x8x128xf32, #tpu.memory_space<hbm>> -> memref<1x1x1x8x128xf32, #tpu.memory_space<hbm>>
      %dma_wait3A_43 = tpu.memref_squeeze %dma_wait3A_42 : memref<1x1x1x8x128xf32, #tpu.memory_space<hbm>> -> memref<8x128xf32, #tpu.memory_space<hbm>>
      %dma_wait3A_44 = arith.constant 0 : i32
      %dma_wait3A_45 = arith.constant 0 : i32
      %dma_wait3A_46 = tpu.memref_slice %arg9[%dma_wait3A_44, %dma_wait3A_45] : memref<64x136xf32, #tpu.memory_space<vmem>> -> memref<8x128xf32, #tpu.memory_space<vmem>>
      tpu.wait_dma2 semaphore(%arg12 : memref<!tpu.dma_semaphore, #tpu.memory_space<semaphore_mem>>) src(%dma_wait3A_46 : memref<8x128xf32, #tpu.memory_space<vmem>>) dst(%dma_wait3A_43 : memref<8x128xf32, #tpu.memory_space<hbm>>)
      %dma_wait3A_47 = arith.constant 0 : i32
      %dma_wait3A_48 = arith.constant 0 : i32
      %dma_wait3A_49 = arith.constant 0 : i32
      %dma_wait3A_50 = arith.constant 8 : i32
      %dma_wait3A_51 = arith.constant 0 : i32
      %dma_wait3A_52 = tpu.memref_slice %arg9[%dma_wait3A_50, %dma_wait3A_51] : memref<64x136xf32, #tpu.memory_space<vmem>> -> memref<8x128xf32, #tpu.memory_space<vmem>>
      %dma_wait3A_53 = arith.constant 0 : i32
      %dma_wait3A_54 = arith.constant 0 : i32
      %dma_wait3A_55 = tpu.memref_slice %arg4[%dma_wait3A_47, %dma_wait3A_48, %dma_wait3A_49, %dma_wait3A_53, %dma_wait3A_54] : memref<50x8x128x8x128xf32, #tpu.memory_space<hbm>> -> memref<1x1x1x8x128xf32, #tpu.memory_space<hbm>>
      %dma_wait3A_56 = tpu.memref_squeeze %dma_wait3A_55 : memref<1x1x1x8x128xf32, #tpu.memory_space<hbm>> -> memref<8x128xf32, #tpu.memory_space<hbm>>
      %dma_wait3A_57 = arith.constant 0 : i32
      %dma_wait3A_58 = arith.constant 0 : i32
      %dma_wait3A_59 = tpu.memref_slice %arg4[%dma_wait3A_47, %dma_wait3A_48, %dma_wait3A_49, %dma_wait3A_57, %dma_wait3A_58] : memref<50x8x128x8x128xf32, #tpu.memory_space<hbm>> -> memref<1x1x1x8x128xf32, #tpu.memory_space<hbm>>
      %dma_wait3A_60 = tpu.memref_squeeze %dma_wait3A_59 : memref<1x1x1x8x128xf32, #tpu.memory_space<hbm>> -> memref<8x128xf32, #tpu.memory_space<hbm>>
      %dma_wait3A_61 = arith.constant 8 : i32
      %dma_wait3A_62 = arith.constant 0 : i32
      %dma_wait3A_63 = tpu.memref_slice %arg9[%dma_wait3A_61, %dma_wait3A_62] : memref<64x136xf32, #tpu.memory_space<vmem>> -> memref<8x128xf32, #tpu.memory_space<vmem>>
      tpu.wait_dma2 semaphore(%arg12 : memref<!tpu.dma_semaphore, #tpu.memory_space<semaphore_mem>>) src(%dma_wait3A_63 : memref<8x128xf32, #tpu.memory_space<vmem>>) dst(%dma_wait3A_60 : memref<8x128xf32, #tpu.memory_space<hbm>>)
      %dma_wait3A_64 = arith.constant 0 : i32
      %dma_wait3A_65 = arith.constant 0 : i32
      %dma_wait3A_66 = arith.constant 0 : i32
      %dma_wait3A_67 = arith.constant 16 : i32
      %dma_wait3A_68 = arith.constant 0 : i32
      %dma_wait3A_69 = tpu.memref_slice %arg9[%dma_wait3A_67, %dma_wait3A_68] : memref<64x136xf32, #tpu.memory_space<vmem>> -> memref<8x128xf32, #tpu.memory_space<vmem>>
      %dma_wait3A_70 = arith.constant 0 : i32
      %dma_wait3A_71 = arith.constant 0 : i32
      %dma_wait3A_72 = tpu.memref_slice %arg4[%dma_wait3A_64, %dma_wait3A_65, %dma_wait3A_66, %dma_wait3A_70, %dma_wait3A_71] : memref<50x8x128x8x128xf32, #tpu.memory_space<hbm>> -> memref<1x1x1x8x128xf32, #tpu.memory_space<hbm>>
      %dma_wait3A_73 = tpu.memref_squeeze %dma_wait3A_72 : memref<1x1x1x8x128xf32, #tpu.memory_space<hbm>> -> memref<8x128xf32, #tpu.memory_space<hbm>>
      %dma_wait3A_74 = arith.constant 0 : i32
      %dma_wait3A_75 = arith.constant 0 : i32
      %dma_wait3A_76 = tpu.memref_slice %arg4[%dma_wait3A_64, %dma_wait3A_65, %dma_wait3A_66, %dma_wait3A_74, %dma_wait3A_75] : memref<50x8x128x8x128xf32, #tpu.memory_space<hbm>> -> memref<1x1x1x8x128xf32, #tpu.memory_space<hbm>>
      %dma_wait3A_77 = tpu.memref_squeeze %dma_wait3A_76 : memref<1x1x1x8x128xf32, #tpu.memory_space<hbm>> -> memref<8x128xf32, #tpu.memory_space<hbm>>
      %dma_wait3A_78 = arith.constant 16 : i32
      %dma_wait3A_79 = arith.constant 0 : i32
      %dma_wait3A_80 = tpu.memref_slice %arg9[%dma_wait3A_78, %dma_wait3A_79] : memref<64x136xf32, #tpu.memory_space<vmem>> -> memref<8x128xf32, #tpu.memory_space<vmem>>
      tpu.wait_dma2 semaphore(%arg12 : memref<!tpu.dma_semaphore, #tpu.memory_space<semaphore_mem>>) src(%dma_wait3A_80 : memref<8x128xf32, #tpu.memory_space<vmem>>) dst(%dma_wait3A_77 : memref<8x128xf32, #tpu.memory_space<hbm>>)
      %dma_wait3A_81 = arith.constant 0 : i32
      %dma_wait3A_82 = arith.constant 0 : i32
      %dma_wait3A_83 = arith.constant 0 : i32
      %dma_wait3A_84 = arith.constant 24 : i32
      %dma_wait3A_85 = arith.constant 0 : i32
      %dma_wait3A_86 = tpu.memref_slice %arg9[%dma_wait3A_84, %dma_wait3A_85] : memref<64x136xf32, #tpu.memory_space<vmem>> -> memref<8x128xf32, #tpu.memory_space<vmem>>
      %dma_wait3A_87 = arith.constant 0 : i32
      %dma_wait3A_88 = arith.constant 0 : i32
      %dma_wait3A_89 = tpu.memref_slice %arg4[%dma_wait3A_81, %dma_wait3A_82, %dma_wait3A_83, %dma_wait3A_87, %dma_wait3A_88] : memref<50x8x128x8x128xf32, #tpu.memory_space<hbm>> -> memref<1x1x1x8x128xf32, #tpu.memory_space<hbm>>
      %dma_wait3A_90 = tpu.memref_squeeze %dma_wait3A_89 : memref<1x1x1x8x128xf32, #tpu.memory_space<hbm>> -> memref<8x128xf32, #tpu.memory_space<hbm>>
      %dma_wait3A_91 = arith.constant 0 : i32
      %dma_wait3A_92 = arith.constant 0 : i32
      %dma_wait3A_93 = tpu.memref_slice %arg4[%dma_wait3A_81, %dma_wait3A_82, %dma_wait3A_83, %dma_wait3A_91, %dma_wait3A_92] : memref<50x8x128x8x128xf32, #tpu.memory_space<hbm>> -> memref<1x1x1x8x128xf32, #tpu.memory_space<hbm>>
      %dma_wait3A_94 = tpu.memref_squeeze %dma_wait3A_93 : memref<1x1x1x8x128xf32, #tpu.memory_space<hbm>> -> memref<8x128xf32, #tpu.memory_space<hbm>>
      %dma_wait3A_95 = arith.constant 24 : i32
      %dma_wait3A_96 = arith.constant 0 : i32
      %dma_wait3A_97 = tpu.memref_slice %arg9[%dma_wait3A_95, %dma_wait3A_96] : memref<64x136xf32, #tpu.memory_space<vmem>> -> memref<8x128xf32, #tpu.memory_space<vmem>>
      tpu.wait_dma2 semaphore(%arg12 : memref<!tpu.dma_semaphore, #tpu.memory_space<semaphore_mem>>) src(%dma_wait3A_97 : memref<8x128xf32, #tpu.memory_space<vmem>>) dst(%dma_wait3A_94 : memref<8x128xf32, #tpu.memory_space<hbm>>)
      %dma_wait3A_98 = arith.constant 0 : i32
      %dma_wait3A_99 = arith.constant 0 : i32
      %dma_wait3A_100 = arith.constant 0 : i32
      %dma_wait3A_101 = arith.constant 32 : i32
      %dma_wait3A_102 = arith.constant 0 : i32
      %dma_wait3A_103 = tpu.memref_slice %arg9[%dma_wait3A_101, %dma_wait3A_102] : memref<64x136xf32, #tpu.memory_space<vmem>> -> memref<8x128xf32, #tpu.memory_space<vmem>>
      %dma_wait3A_104 = arith.constant 0 : i32
      %dma_wait3A_105 = arith.constant 0 : i32
      %dma_wait3A_106 = tpu.memref_slice %arg4[%dma_wait3A_98, %dma_wait3A_99, %dma_wait3A_100, %dma_wait3A_104, %dma_wait3A_105] : memref<50x8x128x8x128xf32, #tpu.memory_space<hbm>> -> memref<1x1x1x8x128xf32, #tpu.memory_space<hbm>>
      %dma_wait3A_107 = tpu.memref_squeeze %dma_wait3A_106 : memref<1x1x1x8x128xf32, #tpu.memory_space<hbm>> -> memref<8x128xf32, #tpu.memory_space<hbm>>
      %dma_wait3A_108 = arith.constant 0 : i32
      %dma_wait3A_109 = arith.constant 0 : i32
      %dma_wait3A_110 = tpu.memref_slice %arg4[%dma_wait3A_98, %dma_wait3A_99, %dma_wait3A_100, %dma_wait3A_108, %dma_wait3A_109] : memref<50x8x128x8x128xf32, #tpu.memory_space<hbm>> -> memref<1x1x1x8x128xf32, #tpu.memory_space<hbm>>
      %dma_wait3A_111 = tpu.memref_squeeze %dma_wait3A_110 : memref<1x1x1x8x128xf32, #tpu.memory_space<hbm>> -> memref<8x128xf32, #tpu.memory_space<hbm>>
      %dma_wait3A_112 = arith.constant 32 : i32
      %dma_wait3A_113 = arith.constant 0 : i32
      %dma_wait3A_114 = tpu.memref_slice %arg9[%dma_wait3A_112, %dma_wait3A_113] : memref<64x136xf32, #tpu.memory_space<vmem>> -> memref<8x128xf32, #tpu.memory_space<vmem>>
      tpu.wait_dma2 semaphore(%arg12 : memref<!tpu.dma_semaphore, #tpu.memory_space<semaphore_mem>>) src(%dma_wait3A_114 : memref<8x128xf32, #tpu.memory_space<vmem>>) dst(%dma_wait3A_111 : memref<8x128xf32, #tpu.memory_space<hbm>>)
      %dma_wait3A_115 = arith.constant 0 : i32
      %dma_wait3A_116 = arith.constant 0 : i32
      %dma_wait3A_117 = arith.constant 0 : i32
      %dma_wait3A_118 = arith.constant 40 : i32
      %dma_wait3A_119 = arith.constant 0 : i32
      %dma_wait3A_120 = tpu.memref_slice %arg9[%dma_wait3A_118, %dma_wait3A_119] : memref<64x136xf32, #tpu.memory_space<vmem>> -> memref<8x128xf32, #tpu.memory_space<vmem>>
      %dma_wait3A_121 = arith.constant 0 : i32
      %dma_wait3A_122 = arith.constant 0 : i32
      %dma_wait3A_123 = tpu.memref_slice %arg4[%dma_wait3A_115, %dma_wait3A_116, %dma_wait3A_117, %dma_wait3A_121, %dma_wait3A_122] : memref<50x8x128x8x128xf32, #tpu.memory_space<hbm>> -> memref<1x1x1x8x128xf32, #tpu.memory_space<hbm>>
      %dma_wait3A_124 = tpu.memref_squeeze %dma_wait3A_123 : memref<1x1x1x8x128xf32, #tpu.memory_space<hbm>> -> memref<8x128xf32, #tpu.memory_space<hbm>>
      %dma_wait3A_125 = arith.constant 0 : i32
      %dma_wait3A_126 = arith.constant 0 : i32
      %dma_wait3A_127 = tpu.memref_slice %arg4[%dma_wait3A_115, %dma_wait3A_116, %dma_wait3A_117, %dma_wait3A_125, %dma_wait3A_126] : memref<50x8x128x8x128xf32, #tpu.memory_space<hbm>> -> memref<1x1x1x8x128xf32, #tpu.memory_space<hbm>>
      %dma_wait3A_128 = tpu.memref_squeeze %dma_wait3A_127 : memref<1x1x1x8x128xf32, #tpu.memory_space<hbm>> -> memref<8x128xf32, #tpu.memory_space<hbm>>
      %dma_wait3A_129 = arith.constant 40 : i32
      %dma_wait3A_130 = arith.constant 0 : i32
      %dma_wait3A_131 = tpu.memref_slice %arg9[%dma_wait3A_129, %dma_wait3A_130] : memref<64x136xf32, #tpu.memory_space<vmem>> -> memref<8x128xf32, #tpu.memory_space<vmem>>
      tpu.wait_dma2 semaphore(%arg12 : memref<!tpu.dma_semaphore, #tpu.memory_space<semaphore_mem>>) src(%dma_wait3A_131 : memref<8x128xf32, #tpu.memory_space<vmem>>) dst(%dma_wait3A_128 : memref<8x128xf32, #tpu.memory_space<hbm>>)
      %dma_wait3A_132 = arith.constant 0 : i32
      %dma_wait3A_133 = arith.constant 0 : i32
      %dma_wait3A_134 = arith.constant 0 : i32
      %dma_wait3A_135 = arith.constant 48 : i32
      %dma_wait3A_136 = arith.constant 0 : i32
      %dma_wait3A_137 = tpu.memref_slice %arg9[%dma_wait3A_135, %dma_wait3A_136] : memref<64x136xf32, #tpu.memory_space<vmem>> -> memref<8x128xf32, #tpu.memory_space<vmem>>
      %dma_wait3A_138 = arith.constant 0 : i32
      %dma_wait3A_139 = arith.constant 0 : i32
      %dma_wait3A_140 = tpu.memref_slice %arg4[%dma_wait3A_132, %dma_wait3A_133, %dma_wait3A_134, %dma_wait3A_138, %dma_wait3A_139] : memref<50x8x128x8x128xf32, #tpu.memory_space<hbm>> -> memref<1x1x1x8x128xf32, #tpu.memory_space<hbm>>
      %dma_wait3A_141 = tpu.memref_squeeze %dma_wait3A_140 : memref<1x1x1x8x128xf32, #tpu.memory_space<hbm>> -> memref<8x128xf32, #tpu.memory_space<hbm>>
      %dma_wait3A_142 = arith.constant 0 : i32
      %dma_wait3A_143 = arith.constant 0 : i32
      %dma_wait3A_144 = tpu.memref_slice %arg4[%dma_wait3A_132, %dma_wait3A_133, %dma_wait3A_134, %dma_wait3A_142, %dma_wait3A_143] : memref<50x8x128x8x128xf32, #tpu.memory_space<hbm>> -> memref<1x1x1x8x128xf32, #tpu.memory_space<hbm>>
      %dma_wait3A_145 = tpu.memref_squeeze %dma_wait3A_144 : memref<1x1x1x8x128xf32, #tpu.memory_space<hbm>> -> memref<8x128xf32, #tpu.memory_space<hbm>>
      %dma_wait3A_146 = arith.constant 48 : i32
      %dma_wait3A_147 = arith.constant 0 : i32
      %dma_wait3A_148 = tpu.memref_slice %arg9[%dma_wait3A_146, %dma_wait3A_147] : memref<64x136xf32, #tpu.memory_space<vmem>> -> memref<8x128xf32, #tpu.memory_space<vmem>>
      tpu.wait_dma2 semaphore(%arg12 : memref<!tpu.dma_semaphore, #tpu.memory_space<semaphore_mem>>) src(%dma_wait3A_148 : memref<8x128xf32, #tpu.memory_space<vmem>>) dst(%dma_wait3A_145 : memref<8x128xf32, #tpu.memory_space<hbm>>)
      %dma_wait3A_149 = arith.constant 0 : i32
      %dma_wait3A_150 = arith.constant 0 : i32
      %dma_wait3A_151 = arith.constant 0 : i32
      %dma_wait3A_152 = arith.constant 56 : i32
      %dma_wait3A_153 = arith.constant 0 : i32
      %dma_wait3A_154 = tpu.memref_slice %arg9[%dma_wait3A_152, %dma_wait3A_153] : memref<64x136xf32, #tpu.memory_space<vmem>> -> memref<8x128xf32, #tpu.memory_space<vmem>>
      %dma_wait3A_155 = arith.constant 0 : i32
      %dma_wait3A_156 = arith.constant 0 : i32
      %dma_wait3A_157 = tpu.memref_slice %arg4[%dma_wait3A_149, %dma_wait3A_150, %dma_wait3A_151, %dma_wait3A_155, %dma_wait3A_156] : memref<50x8x128x8x128xf32, #tpu.memory_space<hbm>> -> memref<1x1x1x8x128xf32, #tpu.memory_space<hbm>>
      %dma_wait3A_158 = tpu.memref_squeeze %dma_wait3A_157 : memref<1x1x1x8x128xf32, #tpu.memory_space<hbm>> -> memref<8x128xf32, #tpu.memory_space<hbm>>
      %dma_wait3A_159 = arith.constant 0 : i32
      %dma_wait3A_160 = arith.constant 0 : i32
      %dma_wait3A_161 = tpu.memref_slice %arg4[%dma_wait3A_149, %dma_wait3A_150, %dma_wait3A_151, %dma_wait3A_159, %dma_wait3A_160] : memref<50x8x128x8x128xf32, #tpu.memory_space<hbm>> -> memref<1x1x1x8x128xf32, #tpu.memory_space<hbm>>
      %dma_wait3A_162 = tpu.memref_squeeze %dma_wait3A_161 : memref<1x1x1x8x128xf32, #tpu.memory_space<hbm>> -> memref<8x128xf32, #tpu.memory_space<hbm>>
      %dma_wait3A_163 = arith.constant 56 : i32
      %dma_wait3A_164 = arith.constant 0 : i32
      %dma_wait3A_165 = tpu.memref_slice %arg9[%dma_wait3A_163, %dma_wait3A_164] : memref<64x136xf32, #tpu.memory_space<vmem>> -> memref<8x128xf32, #tpu.memory_space<vmem>>
      tpu.wait_dma2 semaphore(%arg12 : memref<!tpu.dma_semaphore, #tpu.memory_space<semaphore_mem>>) src(%dma_wait3A_165 : memref<8x128xf32, #tpu.memory_space<vmem>>) dst(%dma_wait3A_162 : memref<8x128xf32, #tpu.memory_space<hbm>>)
      %dma_wait3A_166 = arith.constant 0 : i32
      %dma_wait3A_167 = arith.constant 0 : i32
      %dma_wait3A_168 = arith.constant 0 : i32
      %dma_wait3A_169 = arith.constant 0 : i32
      %dma_wait3A_170 = arith.constant 0 : i32
      %dma_wait3A_171 = tpu.memref_slice %arg10[%dma_wait3A_169, %dma_wait3A_170] : memref<64x136xf32, #tpu.memory_space<vmem>> -> memref<8x128xf32, #tpu.memory_space<vmem>>
      %dma_wait3A_172 = arith.constant 0 : i32
      %dma_wait3A_173 = arith.constant 0 : i32
      %dma_wait3A_174 = tpu.memref_slice %arg4[%dma_wait3A_166, %dma_wait3A_167, %dma_wait3A_168, %dma_wait3A_172, %dma_wait3A_173] : memref<50x8x128x8x128xf32, #tpu.memory_space<hbm>> -> memref<1x1x1x8x128xf32, #tpu.memory_space<hbm>>
      %dma_wait3A_175 = tpu.memref_squeeze %dma_wait3A_174 : memref<1x1x1x8x128xf32, #tpu.memory_space<hbm>> -> memref<8x128xf32, #tpu.memory_space<hbm>>
      %dma_wait3A_176 = arith.constant 0 : i32
      %dma_wait3A_177 = arith.constant 0 : i32
      %dma_wait3A_178 = tpu.memref_slice %arg4[%dma_wait3A_166, %dma_wait3A_167, %dma_wait3A_168, %dma_wait3A_176, %dma_wait3A_177] : memref<50x8x128x8x128xf32, #tpu.memory_space<hbm>> -> memref<1x1x1x8x128xf32, #tpu.memory_space<hbm>>
      %dma_wait3A_179 = tpu.memref_squeeze %dma_wait3A_178 : memref<1x1x1x8x128xf32, #tpu.memory_space<hbm>> -> memref<8x128xf32, #tpu.memory_space<hbm>>
      %dma_wait3A_180 = arith.constant 0 : i32
      %dma_wait3A_181 = arith.constant 0 : i32
      %dma_wait3A_182 = tpu.memref_slice %arg10[%dma_wait3A_180, %dma_wait3A_181] : memref<64x136xf32, #tpu.memory_space<vmem>> -> memref<8x128xf32, #tpu.memory_space<vmem>>
      tpu.wait_dma2 semaphore(%arg12 : memref<!tpu.dma_semaphore, #tpu.memory_space<semaphore_mem>>) src(%dma_wait3A_182 : memref<8x128xf32, #tpu.memory_space<vmem>>) dst(%dma_wait3A_179 : memref<8x128xf32, #tpu.memory_space<hbm>>)
      %dma_wait3A_183 = arith.constant 0 : i32
      %dma_wait3A_184 = arith.constant 0 : i32
      %dma_wait3A_185 = arith.constant 0 : i32
      %dma_wait3A_186 = arith.constant 8 : i32
      %dma_wait3A_187 = arith.constant 0 : i32
      %dma_wait3A_188 = tpu.memref_slice %arg10[%dma_wait3A_186, %dma_wait3A_187] : memref<64x136xf32, #tpu.memory_space<vmem>> -> memref<8x128xf32, #tpu.memory_space<vmem>>
      %dma_wait3A_189 = arith.constant 0 : i32
      %dma_wait3A_190 = arith.constant 0 : i32
      %dma_wait3A_191 = tpu.memref_slice %arg4[%dma_wait3A_183, %dma_wait3A_184, %dma_wait3A_185, %dma_wait3A_189, %dma_wait3A_190] : memref<50x8x128x8x128xf32, #tpu.memory_space<hbm>> -> memref<1x1x1x8x128xf32, #tpu.memory_space<hbm>>
      %dma_wait3A_192 = tpu.memref_squeeze %dma_wait3A_191 : memref<1x1x1x8x128xf32, #tpu.memory_space<hbm>> -> memref<8x128xf32, #tpu.memory_space<hbm>>
      %dma_wait3A_193 = arith.constant 0 : i32
      %dma_wait3A_194 = arith.constant 0 : i32
      %dma_wait3A_195 = tpu.memref_slice %arg4[%dma_wait3A_183, %dma_wait3A_184, %dma_wait3A_185, %dma_wait3A_193, %dma_wait3A_194] : memref<50x8x128x8x128xf32, #tpu.memory_space<hbm>> -> memref<1x1x1x8x128xf32, #tpu.memory_space<hbm>>
      %dma_wait3A_196 = tpu.memref_squeeze %dma_wait3A_195 : memref<1x1x1x8x128xf32, #tpu.memory_space<hbm>> -> memref<8x128xf32, #tpu.memory_space<hbm>>
      %dma_wait3A_197 = arith.constant 8 : i32
      %dma_wait3A_198 = arith.constant 0 : i32
      %dma_wait3A_199 = tpu.memref_slice %arg10[%dma_wait3A_197, %dma_wait3A_198] : memref<64x136xf32, #tpu.memory_space<vmem>> -> memref<8x128xf32, #tpu.memory_space<vmem>>
      tpu.wait_dma2 semaphore(%arg12 : memref<!tpu.dma_semaphore, #tpu.memory_space<semaphore_mem>>) src(%dma_wait3A_199 : memref<8x128xf32, #tpu.memory_space<vmem>>) dst(%dma_wait3A_196 : memref<8x128xf32, #tpu.memory_space<hbm>>)
      %dma_wait3A_200 = arith.constant 0 : i32
      %dma_wait3A_201 = arith.constant 0 : i32
      %dma_wait3A_202 = arith.constant 0 : i32
      %dma_wait3A_203 = arith.constant 16 : i32
      %dma_wait3A_204 = arith.constant 0 : i32
      %dma_wait3A_205 = tpu.memref_slice %arg10[%dma_wait3A_203, %dma_wait3A_204] : memref<64x136xf32, #tpu.memory_space<vmem>> -> memref<8x128xf32, #tpu.memory_space<vmem>>
      %dma_wait3A_206 = arith.constant 0 : i32
      %dma_wait3A_207 = arith.constant 0 : i32
      %dma_wait3A_208 = tpu.memref_slice %arg4[%dma_wait3A_200, %dma_wait3A_201, %dma_wait3A_202, %dma_wait3A_206, %dma_wait3A_207] : memref<50x8x128x8x128xf32, #tpu.memory_space<hbm>> -> memref<1x1x1x8x128xf32, #tpu.memory_space<hbm>>
      %dma_wait3A_209 = tpu.memref_squeeze %dma_wait3A_208 : memref<1x1x1x8x128xf32, #tpu.memory_space<hbm>> -> memref<8x128xf32, #tpu.memory_space<hbm>>
      %dma_wait3A_210 = arith.constant 0 : i32
      %dma_wait3A_211 = arith.constant 0 : i32
      %dma_wait3A_212 = tpu.memref_slice %arg4[%dma_wait3A_200, %dma_wait3A_201, %dma_wait3A_202, %dma_wait3A_210, %dma_wait3A_211] : memref<50x8x128x8x128xf32, #tpu.memory_space<hbm>> -> memref<1x1x1x8x128xf32, #tpu.memory_space<hbm>>
      %dma_wait3A_213 = tpu.memref_squeeze %dma_wait3A_212 : memref<1x1x1x8x128xf32, #tpu.memory_space<hbm>> -> memref<8x128xf32, #tpu.memory_space<hbm>>
      %dma_wait3A_214 = arith.constant 16 : i32
      %dma_wait3A_215 = arith.constant 0 : i32
      %dma_wait3A_216 = tpu.memref_slice %arg10[%dma_wait3A_214, %dma_wait3A_215] : memref<64x136xf32, #tpu.memory_space<vmem>> -> memref<8x128xf32, #tpu.memory_space<vmem>>
      tpu.wait_dma2 semaphore(%arg12 : memref<!tpu.dma_semaphore, #tpu.memory_space<semaphore_mem>>) src(%dma_wait3A_216 : memref<8x128xf32, #tpu.memory_space<vmem>>) dst(%dma_wait3A_213 : memref<8x128xf32, #tpu.memory_space<hbm>>)
      %dma_wait3A_217 = arith.constant 0 : i32
      %dma_wait3A_218 = arith.constant 0 : i32
      %dma_wait3A_219 = arith.constant 0 : i32
      %dma_wait3A_220 = arith.constant 24 : i32
      %dma_wait3A_221 = arith.constant 0 : i32
      %dma_wait3A_222 = tpu.memref_slice %arg10[%dma_wait3A_220, %dma_wait3A_221] : memref<64x136xf32, #tpu.memory_space<vmem>> -> memref<8x128xf32, #tpu.memory_space<vmem>>
      %dma_wait3A_223 = arith.constant 0 : i32
      %dma_wait3A_224 = arith.constant 0 : i32
      %dma_wait3A_225 = tpu.memref_slice %arg4[%dma_wait3A_217, %dma_wait3A_218, %dma_wait3A_219, %dma_wait3A_223, %dma_wait3A_224] : memref<50x8x128x8x128xf32, #tpu.memory_space<hbm>> -> memref<1x1x1x8x128xf32, #tpu.memory_space<hbm>>
      %dma_wait3A_226 = tpu.memref_squeeze %dma_wait3A_225 : memref<1x1x1x8x128xf32, #tpu.memory_space<hbm>> -> memref<8x128xf32, #tpu.memory_space<hbm>>
      %dma_wait3A_227 = arith.constant 0 : i32
      %dma_wait3A_228 = arith.constant 0 : i32
      %dma_wait3A_229 = tpu.memref_slice %arg4[%dma_wait3A_217, %dma_wait3A_218, %dma_wait3A_219, %dma_wait3A_227, %dma_wait3A_228] : memref<50x8x128x8x128xf32, #tpu.memory_space<hbm>> -> memref<1x1x1x8x128xf32, #tpu.memory_space<hbm>>
      %dma_wait3A_230 = tpu.memref_squeeze %dma_wait3A_229 : memref<1x1x1x8x128xf32, #tpu.memory_space<hbm>> -> memref<8x128xf32, #tpu.memory_space<hbm>>
      %dma_wait3A_231 = arith.constant 24 : i32
      %dma_wait3A_232 = arith.constant 0 : i32
      %dma_wait3A_233 = tpu.memref_slice %arg10[%dma_wait3A_231, %dma_wait3A_232] : memref<64x136xf32, #tpu.memory_space<vmem>> -> memref<8x128xf32, #tpu.memory_space<vmem>>
      tpu.wait_dma2 semaphore(%arg12 : memref<!tpu.dma_semaphore, #tpu.memory_space<semaphore_mem>>) src(%dma_wait3A_233 : memref<8x128xf32, #tpu.memory_space<vmem>>) dst(%dma_wait3A_230 : memref<8x128xf32, #tpu.memory_space<hbm>>)
      %dma_wait3A_234 = arith.constant 0 : i32
      %dma_wait3A_235 = arith.constant 0 : i32
      %dma_wait3A_236 = arith.constant 0 : i32
      %dma_wait3A_237 = arith.constant 32 : i32
      %dma_wait3A_238 = arith.constant 0 : i32
      %dma_wait3A_239 = tpu.memref_slice %arg10[%dma_wait3A_237, %dma_wait3A_238] : memref<64x136xf32, #tpu.memory_space<vmem>> -> memref<8x128xf32, #tpu.memory_space<vmem>>
      %dma_wait3A_240 = arith.constant 0 : i32
      %dma_wait3A_241 = arith.constant 0 : i32
      %dma_wait3A_242 = tpu.memref_slice %arg4[%dma_wait3A_234, %dma_wait3A_235, %dma_wait3A_236, %dma_wait3A_240, %dma_wait3A_241] : memref<50x8x128x8x128xf32, #tpu.memory_space<hbm>> -> memref<1x1x1x8x128xf32, #tpu.memory_space<hbm>>
      %dma_wait3A_243 = tpu.memref_squeeze %dma_wait3A_242 : memref<1x1x1x8x128xf32, #tpu.memory_space<hbm>> -> memref<8x128xf32, #tpu.memory_space<hbm>>
      %dma_wait3A_244 = arith.constant 0 : i32
      %dma_wait3A_245 = arith.constant 0 : i32
      %dma_wait3A_246 = tpu.memref_slice %arg4[%dma_wait3A_234, %dma_wait3A_235, %dma_wait3A_236, %dma_wait3A_244, %dma_wait3A_245] : memref<50x8x128x8x128xf32, #tpu.memory_space<hbm>> -> memref<1x1x1x8x128xf32, #tpu.memory_space<hbm>>
      %dma_wait3A_247 = tpu.memref_squeeze %dma_wait3A_246 : memref<1x1x1x8x128xf32, #tpu.memory_space<hbm>> -> memref<8x128xf32, #tpu.memory_space<hbm>>
      %dma_wait3A_248 = arith.constant 32 : i32
      %dma_wait3A_249 = arith.constant 0 : i32
      %dma_wait3A_250 = tpu.memref_slice %arg10[%dma_wait3A_248, %dma_wait3A_249] : memref<64x136xf32, #tpu.memory_space<vmem>> -> memref<8x128xf32, #tpu.memory_space<vmem>>
      tpu.wait_dma2 semaphore(%arg12 : memref<!tpu.dma_semaphore, #tpu.memory_space<semaphore_mem>>) src(%dma_wait3A_250 : memref<8x128xf32, #tpu.memory_space<vmem>>) dst(%dma_wait3A_247 : memref<8x128xf32, #tpu.memory_space<hbm>>)
      %dma_wait3A_251 = arith.constant 0 : i32
      %dma_wait3A_252 = arith.constant 0 : i32
      %dma_wait3A_253 = arith.constant 0 : i32
      %dma_wait3A_254 = arith.constant 40 : i32
      %dma_wait3A_255 = arith.constant 0 : i32
      %dma_wait3A_256 = tpu.memref_slice %arg10[%dma_wait3A_254, %dma_wait3A_255] : memref<64x136xf32, #tpu.memory_space<vmem>> -> memref<8x128xf32, #tpu.memory_space<vmem>>
      %dma_wait3A_257 = arith.constant 0 : i32
      %dma_wait3A_258 = arith.constant 0 : i32
      %dma_wait3A_259 = tpu.memref_slice %arg4[%dma_wait3A_251, %dma_wait3A_252, %dma_wait3A_253, %dma_wait3A_257, %dma_wait3A_258] : memref<50x8x128x8x128xf32, #tpu.memory_space<hbm>> -> memref<1x1x1x8x128xf32, #tpu.memory_space<hbm>>
      %dma_wait3A_260 = tpu.memref_squeeze %dma_wait3A_259 : memref<1x1x1x8x128xf32, #tpu.memory_space<hbm>> -> memref<8x128xf32, #tpu.memory_space<hbm>>
      %dma_wait3A_261 = arith.constant 0 : i32
      %dma_wait3A_262 = arith.constant 0 : i32
      %dma_wait3A_263 = tpu.memref_slice %arg4[%dma_wait3A_251, %dma_wait3A_252, %dma_wait3A_253, %dma_wait3A_261, %dma_wait3A_262] : memref<50x8x128x8x128xf32, #tpu.memory_space<hbm>> -> memref<1x1x1x8x128xf32, #tpu.memory_space<hbm>>
      %dma_wait3A_264 = tpu.memref_squeeze %dma_wait3A_263 : memref<1x1x1x8x128xf32, #tpu.memory_space<hbm>> -> memref<8x128xf32, #tpu.memory_space<hbm>>
      %dma_wait3A_265 = arith.constant 40 : i32
      %dma_wait3A_266 = arith.constant 0 : i32
      %dma_wait3A_267 = tpu.memref_slice %arg10[%dma_wait3A_265, %dma_wait3A_266] : memref<64x136xf32, #tpu.memory_space<vmem>> -> memref<8x128xf32, #tpu.memory_space<vmem>>
      tpu.wait_dma2 semaphore(%arg12 : memref<!tpu.dma_semaphore, #tpu.memory_space<semaphore_mem>>) src(%dma_wait3A_267 : memref<8x128xf32, #tpu.memory_space<vmem>>) dst(%dma_wait3A_264 : memref<8x128xf32, #tpu.memory_space<hbm>>)
      %dma_wait3A_268 = arith.constant 0 : i32
      %dma_wait3A_269 = arith.constant 0 : i32
      %dma_wait3A_270 = arith.constant 0 : i32
      %dma_wait3A_271 = arith.constant 48 : i32
      %dma_wait3A_272 = arith.constant 0 : i32
      %dma_wait3A_273 = tpu.memref_slice %arg10[%dma_wait3A_271, %dma_wait3A_272] : memref<64x136xf32, #tpu.memory_space<vmem>> -> memref<8x128xf32, #tpu.memory_space<vmem>>
      %dma_wait3A_274 = arith.constant 0 : i32
      %dma_wait3A_275 = arith.constant 0 : i32
      %dma_wait3A_276 = tpu.memref_slice %arg4[%dma_wait3A_268, %dma_wait3A_269, %dma_wait3A_270, %dma_wait3A_274, %dma_wait3A_275] : memref<50x8x128x8x128xf32, #tpu.memory_space<hbm>> -> memref<1x1x1x8x128xf32, #tpu.memory_space<hbm>>
      %dma_wait3A_277 = tpu.memref_squeeze %dma_wait3A_276 : memref<1x1x1x8x128xf32, #tpu.memory_space<hbm>> -> memref<8x128xf32, #tpu.memory_space<hbm>>
      %dma_wait3A_278 = arith.constant 0 : i32
      %dma_wait3A_279 = arith.constant 0 : i32
      %dma_wait3A_280 = tpu.memref_slice %arg4[%dma_wait3A_268, %dma_wait3A_269, %dma_wait3A_270, %dma_wait3A_278, %dma_wait3A_279] : memref<50x8x128x8x128xf32, #tpu.memory_space<hbm>> -> memref<1x1x1x8x128xf32, #tpu.memory_space<hbm>>
      %dma_wait3A_281 = tpu.memref_squeeze %dma_wait3A_280 : memref<1x1x1x8x128xf32, #tpu.memory_space<hbm>> -> memref<8x128xf32, #tpu.memory_space<hbm>>
      %dma_wait3A_282 = arith.constant 48 : i32
      %dma_wait3A_283 = arith.constant 0 : i32
      %dma_wait3A_284 = tpu.memref_slice %arg10[%dma_wait3A_282, %dma_wait3A_283] : memref<64x136xf32, #tpu.memory_space<vmem>> -> memref<8x128xf32, #tpu.memory_space<vmem>>
      tpu.wait_dma2 semaphore(%arg12 : memref<!tpu.dma_semaphore, #tpu.memory_space<semaphore_mem>>) src(%dma_wait3A_284 : memref<8x128xf32, #tpu.memory_space<vmem>>) dst(%dma_wait3A_281 : memref<8x128xf32, #tpu.memory_space<hbm>>)
      %dma_wait3A_285 = arith.constant 0 : i32
      %dma_wait3A_286 = arith.constant 0 : i32
      %dma_wait3A_287 = arith.constant 0 : i32
      %dma_wait3A_288 = arith.constant 56 : i32
      %dma_wait3A_289 = arith.constant 0 : i32
      %dma_wait3A_290 = tpu.memref_slice %arg10[%dma_wait3A_288, %dma_wait3A_289] : memref<64x136xf32, #tpu.memory_space<vmem>> -> memref<8x128xf32, #tpu.memory_space<vmem>>
      %dma_wait3A_291 = arith.constant 0 : i32
      %dma_wait3A_292 = arith.constant 0 : i32
      %dma_wait3A_293 = tpu.memref_slice %arg4[%dma_wait3A_285, %dma_wait3A_286, %dma_wait3A_287, %dma_wait3A_291, %dma_wait3A_292] : memref<50x8x128x8x128xf32, #tpu.memory_space<hbm>> -> memref<1x1x1x8x128xf32, #tpu.memory_space<hbm>>
      %dma_wait3A_294 = tpu.memref_squeeze %dma_wait3A_293 : memref<1x1x1x8x128xf32, #tpu.memory_space<hbm>> -> memref<8x128xf32, #tpu.memory_space<hbm>>
      %dma_wait3A_295 = arith.constant 0 : i32
      %dma_wait3A_296 = arith.constant 0 : i32
      %dma_wait3A_297 = tpu.memref_slice %arg4[%dma_wait3A_285, %dma_wait3A_286, %dma_wait3A_287, %dma_wait3A_295, %dma_wait3A_296] : memref<50x8x128x8x128xf32, #tpu.memory_space<hbm>> -> memref<1x1x1x8x128xf32, #tpu.memory_space<hbm>>
      %dma_wait3A_298 = tpu.memref_squeeze %dma_wait3A_297 : memref<1x1x1x8x128xf32, #tpu.memory_space<hbm>> -> memref<8x128xf32, #tpu.memory_space<hbm>>
      %dma_wait3A_299 = arith.constant 56 : i32
      %dma_wait3A_300 = arith.constant 0 : i32
      %dma_wait3A_301 = tpu.memref_slice %arg10[%dma_wait3A_299, %dma_wait3A_300] : memref<64x136xf32, #tpu.memory_space<vmem>> -> memref<8x128xf32, #tpu.memory_space<vmem>>
      tpu.wait_dma2 semaphore(%arg12 : memref<!tpu.dma_semaphore, #tpu.memory_space<semaphore_mem>>) src(%dma_wait3A_301 : memref<8x128xf32, #tpu.memory_space<vmem>>) dst(%dma_wait3A_298 : memref<8x128xf32, #tpu.memory_space<hbm>>)
    }
    %while3A_14 = arith.constant 1 : i32
    scf.for %while3A_15 = %while3A_12 to %while3A_8 step %while3A_14  : i32 {
      %mul3A_16 = arith.constant 6400 : i32
      %mul3A_17 = arith.muli %while3A_15, %mul3A_16 : i32
      "tpu.region"() ({
        %run_scoped3A = tpu.sem_alloc : memref<!tpu.dma_semaphore, #tpu.memory_space<semaphore_mem>>
        %dma_start3A_302 = tpu.memref_slice %arg2[%mul3A_17] : memref<819200xi32, #tpu.memory_space<hbm>> -> memref<6400xi32, #tpu.memory_space<hbm>>
        %dma_start3A_303 = tpu.memref_slice %arg2[%mul3A_17] : memref<819200xi32, #tpu.memory_space<hbm>> -> memref<6400xi32, #tpu.memory_space<hbm>>
        tpu.enqueue_dma source(%dma_start3A_303 : memref<6400xi32, #tpu.memory_space<hbm>>) target(%arg5 : memref<6400xi32, #tpu.memory_space<vmem>>) target_semaphore(%run_scoped3A : memref<!tpu.dma_semaphore, #tpu.memory_space<semaphore_mem>>)
        %dma_wait3A_304 = tpu.memref_slice %arg2[%mul3A_17] : memref<819200xi32, #tpu.memory_space<hbm>> -> memref<6400xi32, #tpu.memory_space<hbm>>
        %dma_wait3A_305 = tpu.memref_slice %arg2[%mul3A_17] : memref<819200xi32, #tpu.memory_space<hbm>> -> memref<6400xi32, #tpu.memory_space<hbm>>
        tpu.wait_dma2 semaphore(%run_scoped3A : memref<!tpu.dma_semaphore, #tpu.memory_space<semaphore_mem>>) src(%dma_wait3A_305 : memref<6400xi32, #tpu.memory_space<hbm>>) dst(%arg5 : memref<6400xi32, #tpu.memory_space<vmem>>)
        tpu.yield
      }) : () -> ()
      %parallel_loop3A = arith.constant 0 : i32
      %parallel_loop3A_18 = arith.constant 50 : i32
      %parallel_loop3A_19 = arith.constant 1 : i32
      scf.for %parallel_loop3A_302 = %parallel_loop3A to %parallel_loop3A_18 step %parallel_loop3A_19  : i32 {
        %parallel_loop3A_303 = vector.broadcast %parallel_loop3A_302 : i32 to vector<16xi32>
        %parallel_loop3A_304 = arith.constant 0 : i32
        %parallel_loop3A_305 = vector.broadcast %parallel_loop3A_304 : i32 to vector<16xi32>
        %parallel_loop3A_306 = arith.addi %iota3A, %parallel_loop3A_305 : vector<16xi32>
        %parallel_loop3A_307 = arith.constant 50 : i32
        %parallel_loop3A_308 = vector.broadcast %parallel_loop3A_307 : i32 to vector<16xi32>
        %parallel_loop3A_309 = arith.muli %parallel_loop3A_306, %parallel_loop3A_308 : vector<16xi32>
        %parallel_loop3A_310 = arith.addi %parallel_loop3A_309, %parallel_loop3A_303 : vector<16xi32>
        %parallel_loop3A_311 = tpu.vector_load_idx %arg5[%parallel_loop3A_310] : memref<6400xi32, #tpu.memory_space<vmem>>[vector<16xi32>], vector<16xi32>,
        %parallel_loop3A_312 = arith.index_cast %parallel_loop3A_302 : i32 to index
        %parallel_loop3A_313 = arith.constant 0 : index
        %parallel_loop3A_314 = tpu.vector_load %arg6[%parallel_loop3A_312, %parallel_loop3A_313] {strides = array<i32>} : memref<50x128xi32, #tpu.memory_space<vmem>>, vector<16xi32>,
        tpu.vector_store %arg6[%parallel_loop3A_312, %parallel_loop3A_313], %parallel_loop3A_311 {strides = array<i32>} : memref<50x128xi32, #tpu.memory_space<vmem>>, vector<16xi32>,
        %parallel_loop3A_315 = arith.constant 16 : i32
        %parallel_loop3A_316 = vector.broadcast %parallel_loop3A_315 : i32 to vector<16xi32>
        %parallel_loop3A_317 = arith.addi %iota3A, %parallel_loop3A_316 : vector<16xi32>
        %parallel_loop3A_318 = arith.constant 50 : i32
        %parallel_loop3A_319 = vector.broadcast %parallel_loop3A_318 : i32 to vector<16xi32>
        %parallel_loop3A_320 = arith.muli %parallel_loop3A_317, %parallel_loop3A_319 : vector<16xi32>
        %parallel_loop3A_321 = arith.addi %parallel_loop3A_320, %parallel_loop3A_303 : vector<16xi32>
        %parallel_loop3A_322 = tpu.vector_load_idx %arg5[%parallel_loop3A_321] : memref<6400xi32, #tpu.memory_space<vmem>>[vector<16xi32>], vector<16xi32>,
        %parallel_loop3A_323 = arith.index_cast %parallel_loop3A_302 : i32 to index
        %parallel_loop3A_324 = arith.constant 16 : index
        %parallel_loop3A_325 = tpu.vector_load %arg6[%parallel_loop3A_323, %parallel_loop3A_324] {strides = array<i32>} : memref<50x128xi32, #tpu.memory_space<vmem>>, vector<16xi32>,
        tpu.vector_store %arg6[%parallel_loop3A_323, %parallel_loop3A_324], %parallel_loop3A_322 {strides = array<i32>} : memref<50x128xi32, #tpu.memory_space<vmem>>, vector<16xi32>,
        %parallel_loop3A_326 = arith.constant 32 : i32
        %parallel_loop3A_327 = vector.broadcast %parallel_loop3A_326 : i32 to vector<16xi32>
        %parallel_loop3A_328 = arith.addi %iota3A, %parallel_loop3A_327 : vector<16xi32>
        %parallel_loop3A_329 = arith.constant 50 : i32
        %parallel_loop3A_330 = vector.broadcast %parallel_loop3A_329 : i32 to vector<16xi32>
        %parallel_loop3A_331 = arith.muli %parallel_loop3A_328, %parallel_loop3A_330 : vector<16xi32>
        %parallel_loop3A_332 = arith.addi %parallel_loop3A_331, %parallel_loop3A_303 : vector<16xi32>
        %parallel_loop3A_333 = tpu.vector_load_idx %arg5[%parallel_loop3A_332] : memref<6400xi32, #tpu.memory_space<vmem>>[vector<16xi32>], vector<16xi32>,
        %parallel_loop3A_334 = arith.index_cast %parallel_loop3A_302 : i32 to index
        %parallel_loop3A_335 = arith.constant 32 : index
        %parallel_loop3A_336 = tpu.vector_load %arg6[%parallel_loop3A_334, %parallel_loop3A_335] {strides = array<i32>} : memref<50x128xi32, #tpu.memory_space<vmem>>, vector<16xi32>,
        tpu.vector_store %arg6[%parallel_loop3A_334, %parallel_loop3A_335], %parallel_loop3A_333 {strides = array<i32>} : memref<50x128xi32, #tpu.memory_space<vmem>>, vector<16xi32>,
        %parallel_loop3A_337 = arith.constant 48 : i32
        %parallel_loop3A_338 = vector.broadcast %parallel_loop3A_337 : i32 to vector<16xi32>
        %parallel_loop3A_339 = arith.addi %iota3A, %parallel_loop3A_338 : vector<16xi32>
        %parallel_loop3A_340 = arith.constant 50 : i32
        %parallel_loop3A_341 = vector.broadcast %parallel_loop3A_340 : i32 to vector<16xi32>
        %parallel_loop3A_342 = arith.muli %parallel_loop3A_339, %parallel_loop3A_341 : vector<16xi32>
        %parallel_loop3A_343 = arith.addi %parallel_loop3A_342, %parallel_loop3A_303 : vector<16xi32>
        %parallel_loop3A_344 = tpu.vector_load_idx %arg5[%parallel_loop3A_343] : memref<6400xi32, #tpu.memory_space<vmem>>[vector<16xi32>], vector<16xi32>,
        %parallel_loop3A_345 = arith.index_cast %parallel_loop3A_302 : i32 to index
        %parallel_loop3A_346 = arith.constant 48 : index
        %parallel_loop3A_347 = tpu.vector_load %arg6[%parallel_loop3A_345, %parallel_loop3A_346] {strides = array<i32>} : memref<50x128xi32, #tpu.memory_space<vmem>>, vector<16xi32>,
        tpu.vector_store %arg6[%parallel_loop3A_345, %parallel_loop3A_346], %parallel_loop3A_344 {strides = array<i32>} : memref<50x128xi32, #tpu.memory_space<vmem>>, vector<16xi32>,
        %parallel_loop3A_348 = arith.constant 64 : i32
        %parallel_loop3A_349 = vector.broadcast %parallel_loop3A_348 : i32 to vector<16xi32>
        %parallel_loop3A_350 = arith.addi %iota3A, %parallel_loop3A_349 : vector<16xi32>
        %parallel_loop3A_351 = arith.constant 50 : i32
        %parallel_loop3A_352 = vector.broadcast %parallel_loop3A_351 : i32 to vector<16xi32>
        %parallel_loop3A_353 = arith.muli %parallel_loop3A_350, %parallel_loop3A_352 : vector<16xi32>
        %parallel_loop3A_354 = arith.addi %parallel_loop3A_353, %parallel_loop3A_303 : vector<16xi32>
        %parallel_loop3A_355 = tpu.vector_load_idx %arg5[%parallel_loop3A_354] : memref<6400xi32, #tpu.memory_space<vmem>>[vector<16xi32>], vector<16xi32>,
        %parallel_loop3A_356 = arith.index_cast %parallel_loop3A_302 : i32 to index
        %parallel_loop3A_357 = arith.constant 64 : index
        %parallel_loop3A_358 = tpu.vector_load %arg6[%parallel_loop3A_356, %parallel_loop3A_357] {strides = array<i32>} : memref<50x128xi32, #tpu.memory_space<vmem>>, vector<16xi32>,
        tpu.vector_store %arg6[%parallel_loop3A_356, %parallel_loop3A_357], %parallel_loop3A_355 {strides = array<i32>} : memref<50x128xi32, #tpu.memory_space<vmem>>, vector<16xi32>,
        %parallel_loop3A_359 = arith.constant 80 : i32
        %parallel_loop3A_360 = vector.broadcast %parallel_loop3A_359 : i32 to vector<16xi32>
        %parallel_loop3A_361 = arith.addi %iota3A, %parallel_loop3A_360 : vector<16xi32>
        %parallel_loop3A_362 = arith.constant 50 : i32
        %parallel_loop3A_363 = vector.broadcast %parallel_loop3A_362 : i32 to vector<16xi32>
        %parallel_loop3A_364 = arith.muli %parallel_loop3A_361, %parallel_loop3A_363 : vector<16xi32>
        %parallel_loop3A_365 = arith.addi %parallel_loop3A_364, %parallel_loop3A_303 : vector<16xi32>
        %parallel_loop3A_366 = tpu.vector_load_idx %arg5[%parallel_loop3A_365] : memref<6400xi32, #tpu.memory_space<vmem>>[vector<16xi32>], vector<16xi32>,
        %parallel_loop3A_367 = arith.index_cast %parallel_loop3A_302 : i32 to index
        %parallel_loop3A_368 = arith.constant 80 : index
        %parallel_loop3A_369 = tpu.vector_load %arg6[%parallel_loop3A_367, %parallel_loop3A_368] {strides = array<i32>} : memref<50x128xi32, #tpu.memory_space<vmem>>, vector<16xi32>,
        tpu.vector_store %arg6[%parallel_loop3A_367, %parallel_loop3A_368], %parallel_loop3A_366 {strides = array<i32>} : memref<50x128xi32, #tpu.memory_space<vmem>>, vector<16xi32>,
        %parallel_loop3A_370 = arith.constant 96 : i32
        %parallel_loop3A_371 = vector.broadcast %parallel_loop3A_370 : i32 to vector<16xi32>
        %parallel_loop3A_372 = arith.addi %iota3A, %parallel_loop3A_371 : vector<16xi32>
        %parallel_loop3A_373 = arith.constant 50 : i32
        %parallel_loop3A_374 = vector.broadcast %parallel_loop3A_373 : i32 to vector<16xi32>
        %parallel_loop3A_375 = arith.muli %parallel_loop3A_372, %parallel_loop3A_374 : vector<16xi32>
        %parallel_loop3A_376 = arith.addi %parallel_loop3A_375, %parallel_loop3A_303 : vector<16xi32>
        %parallel_loop3A_377 = tpu.vector_load_idx %arg5[%parallel_loop3A_376] : memref<6400xi32, #tpu.memory_space<vmem>>[vector<16xi32>], vector<16xi32>,
        %parallel_loop3A_378 = arith.index_cast %parallel_loop3A_302 : i32 to index
        %parallel_loop3A_379 = arith.constant 96 : index
        %parallel_loop3A_380 = tpu.vector_load %arg6[%parallel_loop3A_378, %parallel_loop3A_379] {strides = array<i32>} : memref<50x128xi32, #tpu.memory_space<vmem>>, vector<16xi32>,
        tpu.vector_store %arg6[%parallel_loop3A_378, %parallel_loop3A_379], %parallel_loop3A_377 {strides = array<i32>} : memref<50x128xi32, #tpu.memory_space<vmem>>, vector<16xi32>,
        %parallel_loop3A_381 = arith.constant 112 : i32
        %parallel_loop3A_382 = vector.broadcast %parallel_loop3A_381 : i32 to vector<16xi32>
        %parallel_loop3A_383 = arith.addi %iota3A, %parallel_loop3A_382 : vector<16xi32>
        %parallel_loop3A_384 = arith.constant 50 : i32
        %parallel_loop3A_385 = vector.broadcast %parallel_loop3A_384 : i32 to vector<16xi32>
        %parallel_loop3A_386 = arith.muli %parallel_loop3A_383, %parallel_loop3A_385 : vector<16xi32>
        %parallel_loop3A_387 = arith.addi %parallel_loop3A_386, %parallel_loop3A_303 : vector<16xi32>
        %parallel_loop3A_388 = tpu.vector_load_idx %arg5[%parallel_loop3A_387] : memref<6400xi32, #tpu.memory_space<vmem>>[vector<16xi32>], vector<16xi32>,
        %parallel_loop3A_389 = arith.index_cast %parallel_loop3A_302 : i32 to index
        %parallel_loop3A_390 = arith.constant 112 : index
        %parallel_loop3A_391 = tpu.vector_load %arg6[%parallel_loop3A_389, %parallel_loop3A_390] {strides = array<i32>} : memref<50x128xi32, #tpu.memory_space<vmem>>, vector<16xi32>,
        tpu.vector_store %arg6[%parallel_loop3A_389, %parallel_loop3A_390], %parallel_loop3A_388 {strides = array<i32>} : memref<50x128xi32, #tpu.memory_space<vmem>>, vector<16xi32>,
      } {sc.loop_unroll_factor = 2 : i64, sc.parallel_access}
      %dma_start3A = arith.constant 0 : i32
      %dma_start3A_20 = arith.constant 0 : i32
      %dma_start3A_21 = tpu.memref_slice %arg6[%dma_start3A, %dma_start3A_20] : memref<50x128xi32, #tpu.memory_space<vmem>> -> memref<1x128xi32, #tpu.memory_space<vmem>>
      %dma_start3A_22 = tpu.memref_squeeze %dma_start3A_21 : memref<1x128xi32, #tpu.memory_space<vmem>> -> memref<128xi32, #tpu.memory_space<vmem>>
      %dma_start3A_23 = arith.constant 0 : i32
      %dma_start3A_24 = arith.constant 0 : i32
      %dma_start3A_25 = tpu.memref_slice %arg3[%dma_start3A_23, %dma_start3A_24] : memref<1000001x64xf32, #tpu.memory_space<hbm>> -> memref<1000001x64xf32, #tpu.memory_space<hbm>>
      tpu.enqueue_indirect_dma source(%dma_start3A_25 : memref<1000001x64xf32, #tpu.memory_space<hbm>>) target(%arg7 : memref<128x64xf32, #tpu.memory_space<vmem>>) offsets(%dma_start3A_22 : memref<128xi32, #tpu.memory_space<vmem>>) semaphore(%arg11 : memref<!tpu.dma_semaphore, #tpu.memory_space<semaphore_mem>>)
      %scan3A = arith.constant 0 : i32
      %scan3A_26 = arith.constant 0 : i32
      %scan3A_27 = arith.constant 25 : i32
      %scan3A_28 = arith.addi %scan3A_26, %scan3A_27 : i32
      %scan3A_29 = arith.constant 1 : i32
      scf.for %scan3A_302 = %scan3A_26 to %scan3A_28 step %scan3A_29  : i32 {
        %mul3A_303 = arith.constant 2 : i32
        %mul3A_304 = arith.muli %mul3A_303, %scan3A_302 : i32
        %dma_wait3A_305 = arith.constant 0 : i32
        %dma_wait3A_306 = arith.constant 0 : i32
        %dma_wait3A_307 = tpu.memref_slice %arg6[%dma_wait3A_305, %dma_wait3A_306] : memref<50x128xi32, #tpu.memory_space<vmem>> -> memref<1x128xi32, #tpu.memory_space<vmem>>
        %dma_wait3A_308 = tpu.memref_squeeze %dma_wait3A_307 : memref<1x128xi32, #tpu.memory_space<vmem>> -> memref<128xi32, #tpu.memory_space<vmem>>
        %dma_wait3A_309 = arith.constant 0 : i32
        %dma_wait3A_310 = arith.constant 0 : i32
        %dma_wait3A_311 = tpu.memref_slice %arg3[%dma_wait3A_309, %dma_wait3A_310] : memref<1000001x64xf32, #tpu.memory_space<hbm>> -> memref<1000001x64xf32, #tpu.memory_space<hbm>>
        tpu.wait_indirect_dma semaphore(%arg11 : memref<!tpu.dma_semaphore, #tpu.memory_space<semaphore_mem>>) src(%dma_wait3A_311 : memref<1000001x64xf32, #tpu.memory_space<hbm>>) dst(%arg7 : memref<128x64xf32, #tpu.memory_space<vmem>>)
        %add3A_312 = arith.constant 1 : i32
        %add3A_313 = arith.addi %mul3A_304, %add3A_312 : i32
        %dma_start3A_314 = arith.constant 0 : i32
        %dma_start3A_315 = tpu.memref_slice %arg6[%add3A_313, %dma_start3A_314] : memref<50x128xi32, #tpu.memory_space<vmem>> -> memref<1x128xi32, #tpu.memory_space<vmem>>
        %dma_start3A_316 = tpu.memref_squeeze %dma_start3A_315 : memref<1x128xi32, #tpu.memory_space<vmem>> -> memref<128xi32, #tpu.memory_space<vmem>>
        %dma_start3A_317 = arith.constant 0 : i32
        %dma_start3A_318 = arith.constant 0 : i32
        %dma_start3A_319 = tpu.memref_slice %arg3[%dma_start3A_317, %dma_start3A_318] : memref<1000001x64xf32, #tpu.memory_space<hbm>> -> memref<1000001x64xf32, #tpu.memory_space<hbm>>
        tpu.enqueue_indirect_dma source(%dma_start3A_319 : memref<1000001x64xf32, #tpu.memory_space<hbm>>) target(%arg8 : memref<128x64xf32, #tpu.memory_space<vmem>>) offsets(%dma_start3A_316 : memref<128xi32, #tpu.memory_space<vmem>>) semaphore(%arg11 : memref<!tpu.dma_semaphore, #tpu.memory_space<semaphore_mem>>)
        %gt3A = arith.constant 0 : i32
        %gt3A_320 = arith.cmpi sgt, %scan3A_302, %gt3A : i32
        %convert_element_type3A = arith.extui %gt3A_320 : i1 to i32
        %cond3A = arith.constant 0 : i32
        %cond3A_321 = arith.cmpi ne, %convert_element_type3A, %cond3A : i32
        scf.if %cond3A_321 {
          %dma_wait3A_610 = arith.constant 0 : i32
          %dma_wait3A_611 = arith.constant 0 : i32
          %dma_wait3A_612 = arith.constant 0 : i32
          %dma_wait3A_613 = arith.constant 0 : i32
          %dma_wait3A_614 = arith.constant 0 : i32
          %dma_wait3A_615 = tpu.memref_slice %arg9[%dma_wait3A_613, %dma_wait3A_614] : memref<64x136xf32, #tpu.memory_space<vmem>> -> memref<8x128xf32, #tpu.memory_space<vmem>>
          %dma_wait3A_616 = arith.constant 0 : i32
          %dma_wait3A_617 = arith.constant 0 : i32
          %dma_wait3A_618 = tpu.memref_slice %arg4[%dma_wait3A_610, %dma_wait3A_611, %dma_wait3A_612, %dma_wait3A_616, %dma_wait3A_617] : memref<50x8x128x8x128xf32, #tpu.memory_space<hbm>> -> memref<1x1x1x8x128xf32, #tpu.memory_space<hbm>>
          %dma_wait3A_619 = tpu.memref_squeeze %dma_wait3A_618 : memref<1x1x1x8x128xf32, #tpu.memory_space<hbm>> -> memref<8x128xf32, #tpu.memory_space<hbm>>
          %dma_wait3A_620 = arith.constant 0 : i32
          %dma_wait3A_621 = arith.constant 0 : i32
          %dma_wait3A_622 = tpu.memref_slice %arg4[%dma_wait3A_610, %dma_wait3A_611, %dma_wait3A_612, %dma_wait3A_620, %dma_wait3A_621] : memref<50x8x128x8x128xf32, #tpu.memory_space<hbm>> -> memref<1x1x1x8x128xf32, #tpu.memory_space<hbm>>
          %dma_wait3A_623 = tpu.memref_squeeze %dma_wait3A_622 : memref<1x1x1x8x128xf32, #tpu.memory_space<hbm>> -> memref<8x128xf32, #tpu.memory_space<hbm>>
          %dma_wait3A_624 = arith.constant 0 : i32
          %dma_wait3A_625 = arith.constant 0 : i32
          %dma_wait3A_626 = tpu.memref_slice %arg9[%dma_wait3A_624, %dma_wait3A_625] : memref<64x136xf32, #tpu.memory_space<vmem>> -> memref<8x128xf32, #tpu.memory_space<vmem>>
          tpu.wait_dma2 semaphore(%arg12 : memref<!tpu.dma_semaphore, #tpu.memory_space<semaphore_mem>>) src(%dma_wait3A_626 : memref<8x128xf32, #tpu.memory_space<vmem>>) dst(%dma_wait3A_623 : memref<8x128xf32, #tpu.memory_space<hbm>>)
          %dma_wait3A_627 = arith.constant 0 : i32
          %dma_wait3A_628 = arith.constant 0 : i32
          %dma_wait3A_629 = arith.constant 0 : i32
          %dma_wait3A_630 = arith.constant 8 : i32
          %dma_wait3A_631 = arith.constant 0 : i32
          %dma_wait3A_632 = tpu.memref_slice %arg9[%dma_wait3A_630, %dma_wait3A_631] : memref<64x136xf32, #tpu.memory_space<vmem>> -> memref<8x128xf32, #tpu.memory_space<vmem>>
          %dma_wait3A_633 = arith.constant 0 : i32
          %dma_wait3A_634 = arith.constant 0 : i32
          %dma_wait3A_635 = tpu.memref_slice %arg4[%dma_wait3A_627, %dma_wait3A_628, %dma_wait3A_629, %dma_wait3A_633, %dma_wait3A_634] : memref<50x8x128x8x128xf32, #tpu.memory_space<hbm>> -> memref<1x1x1x8x128xf32, #tpu.memory_space<hbm>>
          %dma_wait3A_636 = tpu.memref_squeeze %dma_wait3A_635 : memref<1x1x1x8x128xf32, #tpu.memory_space<hbm>> -> memref<8x128xf32, #tpu.memory_space<hbm>>
          %dma_wait3A_637 = arith.constant 0 : i32
          %dma_wait3A_638 = arith.constant 0 : i32
          %dma_wait3A_639 = tpu.memref_slice %arg4[%dma_wait3A_627, %dma_wait3A_628, %dma_wait3A_629, %dma_wait3A_637, %dma_wait3A_638] : memref<50x8x128x8x128xf32, #tpu.memory_space<hbm>> -> memref<1x1x1x8x128xf32, #tpu.memory_space<hbm>>
          %dma_wait3A_640 = tpu.memref_squeeze %dma_wait3A_639 : memref<1x1x1x8x128xf32, #tpu.memory_space<hbm>> -> memref<8x128xf32, #tpu.memory_space<hbm>>
          %dma_wait3A_641 = arith.constant 8 : i32
          %dma_wait3A_642 = arith.constant 0 : i32
          %dma_wait3A_643 = tpu.memref_slice %arg9[%dma_wait3A_641, %dma_wait3A_642] : memref<64x136xf32, #tpu.memory_space<vmem>> -> memref<8x128xf32, #tpu.memory_space<vmem>>
          tpu.wait_dma2 semaphore(%arg12 : memref<!tpu.dma_semaphore, #tpu.memory_space<semaphore_mem>>) src(%dma_wait3A_643 : memref<8x128xf32, #tpu.memory_space<vmem>>) dst(%dma_wait3A_640 : memref<8x128xf32, #tpu.memory_space<hbm>>)
          %dma_wait3A_644 = arith.constant 0 : i32
          %dma_wait3A_645 = arith.constant 0 : i32
          %dma_wait3A_646 = arith.constant 0 : i32
          %dma_wait3A_647 = arith.constant 16 : i32
          %dma_wait3A_648 = arith.constant 0 : i32
          %dma_wait3A_649 = tpu.memref_slice %arg9[%dma_wait3A_647, %dma_wait3A_648] : memref<64x136xf32, #tpu.memory_space<vmem>> -> memref<8x128xf32, #tpu.memory_space<vmem>>
          %dma_wait3A_650 = arith.constant 0 : i32
          %dma_wait3A_651 = arith.constant 0 : i32
          %dma_wait3A_652 = tpu.memref_slice %arg4[%dma_wait3A_644, %dma_wait3A_645, %dma_wait3A_646, %dma_wait3A_650, %dma_wait3A_651] : memref<50x8x128x8x128xf32, #tpu.memory_space<hbm>> -> memref<1x1x1x8x128xf32, #tpu.memory_space<hbm>>
          %dma_wait3A_653 = tpu.memref_squeeze %dma_wait3A_652 : memref<1x1x1x8x128xf32, #tpu.memory_space<hbm>> -> memref<8x128xf32, #tpu.memory_space<hbm>>
          %dma_wait3A_654 = arith.constant 0 : i32
          %dma_wait3A_655 = arith.constant 0 : i32
          %dma_wait3A_656 = tpu.memref_slice %arg4[%dma_wait3A_644, %dma_wait3A_645, %dma_wait3A_646, %dma_wait3A_654, %dma_wait3A_655] : memref<50x8x128x8x128xf32, #tpu.memory_space<hbm>> -> memref<1x1x1x8x128xf32, #tpu.memory_space<hbm>>
          %dma_wait3A_657 = tpu.memref_squeeze %dma_wait3A_656 : memref<1x1x1x8x128xf32, #tpu.memory_space<hbm>> -> memref<8x128xf32, #tpu.memory_space<hbm>>
          %dma_wait3A_658 = arith.constant 16 : i32
          %dma_wait3A_659 = arith.constant 0 : i32
          %dma_wait3A_660 = tpu.memref_slice %arg9[%dma_wait3A_658, %dma_wait3A_659] : memref<64x136xf32, #tpu.memory_space<vmem>> -> memref<8x128xf32, #tpu.memory_space<vmem>>
          tpu.wait_dma2 semaphore(%arg12 : memref<!tpu.dma_semaphore, #tpu.memory_space<semaphore_mem>>) src(%dma_wait3A_660 : memref<8x128xf32, #tpu.memory_space<vmem>>) dst(%dma_wait3A_657 : memref<8x128xf32, #tpu.memory_space<hbm>>)
          %dma_wait3A_661 = arith.constant 0 : i32
          %dma_wait3A_662 = arith.constant 0 : i32
          %dma_wait3A_663 = arith.constant 0 : i32
          %dma_wait3A_664 = arith.constant 24 : i32
          %dma_wait3A_665 = arith.constant 0 : i32
          %dma_wait3A_666 = tpu.memref_slice %arg9[%dma_wait3A_664, %dma_wait3A_665] : memref<64x136xf32, #tpu.memory_space<vmem>> -> memref<8x128xf32, #tpu.memory_space<vmem>>
          %dma_wait3A_667 = arith.constant 0 : i32
          %dma_wait3A_668 = arith.constant 0 : i32
          %dma_wait3A_669 = tpu.memref_slice %arg4[%dma_wait3A_661, %dma_wait3A_662, %dma_wait3A_663, %dma_wait3A_667, %dma_wait3A_668] : memref<50x8x128x8x128xf32, #tpu.memory_space<hbm>> -> memref<1x1x1x8x128xf32, #tpu.memory_space<hbm>>
          %dma_wait3A_670 = tpu.memref_squeeze %dma_wait3A_669 : memref<1x1x1x8x128xf32, #tpu.memory_space<hbm>> -> memref<8x128xf32, #tpu.memory_space<hbm>>
          %dma_wait3A_671 = arith.constant 0 : i32
          %dma_wait3A_672 = arith.constant 0 : i32
          %dma_wait3A_673 = tpu.memref_slice %arg4[%dma_wait3A_661, %dma_wait3A_662, %dma_wait3A_663, %dma_wait3A_671, %dma_wait3A_672] : memref<50x8x128x8x128xf32, #tpu.memory_space<hbm>> -> memref<1x1x1x8x128xf32, #tpu.memory_space<hbm>>
          %dma_wait3A_674 = tpu.memref_squeeze %dma_wait3A_673 : memref<1x1x1x8x128xf32, #tpu.memory_space<hbm>> -> memref<8x128xf32, #tpu.memory_space<hbm>>
          %dma_wait3A_675 = arith.constant 24 : i32
          %dma_wait3A_676 = arith.constant 0 : i32
          %dma_wait3A_677 = tpu.memref_slice %arg9[%dma_wait3A_675, %dma_wait3A_676] : memref<64x136xf32, #tpu.memory_space<vmem>> -> memref<8x128xf32, #tpu.memory_space<vmem>>
          tpu.wait_dma2 semaphore(%arg12 : memref<!tpu.dma_semaphore, #tpu.memory_space<semaphore_mem>>) src(%dma_wait3A_677 : memref<8x128xf32, #tpu.memory_space<vmem>>) dst(%dma_wait3A_674 : memref<8x128xf32, #tpu.memory_space<hbm>>)
          %dma_wait3A_678 = arith.constant 0 : i32
          %dma_wait3A_679 = arith.constant 0 : i32
          %dma_wait3A_680 = arith.constant 0 : i32
          %dma_wait3A_681 = arith.constant 32 : i32
          %dma_wait3A_682 = arith.constant 0 : i32
          %dma_wait3A_683 = tpu.memref_slice %arg9[%dma_wait3A_681, %dma_wait3A_682] : memref<64x136xf32, #tpu.memory_space<vmem>> -> memref<8x128xf32, #tpu.memory_space<vmem>>
          %dma_wait3A_684 = arith.constant 0 : i32
          %dma_wait3A_685 = arith.constant 0 : i32
          %dma_wait3A_686 = tpu.memref_slice %arg4[%dma_wait3A_678, %dma_wait3A_679, %dma_wait3A_680, %dma_wait3A_684, %dma_wait3A_685] : memref<50x8x128x8x128xf32, #tpu.memory_space<hbm>> -> memref<1x1x1x8x128xf32, #tpu.memory_space<hbm>>
          %dma_wait3A_687 = tpu.memref_squeeze %dma_wait3A_686 : memref<1x1x1x8x128xf32, #tpu.memory_space<hbm>> -> memref<8x128xf32, #tpu.memory_space<hbm>>
          %dma_wait3A_688 = arith.constant 0 : i32
          %dma_wait3A_689 = arith.constant 0 : i32
          %dma_wait3A_690 = tpu.memref_slice %arg4[%dma_wait3A_678, %dma_wait3A_679, %dma_wait3A_680, %dma_wait3A_688, %dma_wait3A_689] : memref<50x8x128x8x128xf32, #tpu.memory_space<hbm>> -> memref<1x1x1x8x128xf32, #tpu.memory_space<hbm>>
          %dma_wait3A_691 = tpu.memref_squeeze %dma_wait3A_690 : memref<1x1x1x8x128xf32, #tpu.memory_space<hbm>> -> memref<8x128xf32, #tpu.memory_space<hbm>>
          %dma_wait3A_692 = arith.constant 32 : i32
          %dma_wait3A_693 = arith.constant 0 : i32
          %dma_wait3A_694 = tpu.memref_slice %arg9[%dma_wait3A_692, %dma_wait3A_693] : memref<64x136xf32, #tpu.memory_space<vmem>> -> memref<8x128xf32, #tpu.memory_space<vmem>>
          tpu.wait_dma2 semaphore(%arg12 : memref<!tpu.dma_semaphore, #tpu.memory_space<semaphore_mem>>) src(%dma_wait3A_694 : memref<8x128xf32, #tpu.memory_space<vmem>>) dst(%dma_wait3A_691 : memref<8x128xf32, #tpu.memory_space<hbm>>)
          %dma_wait3A_695 = arith.constant 0 : i32
          %dma_wait3A_696 = arith.constant 0 : i32
          %dma_wait3A_697 = arith.constant 0 : i32
          %dma_wait3A_698 = arith.constant 40 : i32
          %dma_wait3A_699 = arith.constant 0 : i32
          %dma_wait3A_700 = tpu.memref_slice %arg9[%dma_wait3A_698, %dma_wait3A_699] : memref<64x136xf32, #tpu.memory_space<vmem>> -> memref<8x128xf32, #tpu.memory_space<vmem>>
          %dma_wait3A_701 = arith.constant 0 : i32
          %dma_wait3A_702 = arith.constant 0 : i32
          %dma_wait3A_703 = tpu.memref_slice %arg4[%dma_wait3A_695, %dma_wait3A_696, %dma_wait3A_697, %dma_wait3A_701, %dma_wait3A_702] : memref<50x8x128x8x128xf32, #tpu.memory_space<hbm>> -> memref<1x1x1x8x128xf32, #tpu.memory_space<hbm>>
          %dma_wait3A_704 = tpu.memref_squeeze %dma_wait3A_703 : memref<1x1x1x8x128xf32, #tpu.memory_space<hbm>> -> memref<8x128xf32, #tpu.memory_space<hbm>>
          %dma_wait3A_705 = arith.constant 0 : i32
          %dma_wait3A_706 = arith.constant 0 : i32
          %dma_wait3A_707 = tpu.memref_slice %arg4[%dma_wait3A_695, %dma_wait3A_696, %dma_wait3A_697, %dma_wait3A_705, %dma_wait3A_706] : memref<50x8x128x8x128xf32, #tpu.memory_space<hbm>> -> memref<1x1x1x8x128xf32, #tpu.memory_space<hbm>>
          %dma_wait3A_708 = tpu.memref_squeeze %dma_wait3A_707 : memref<1x1x1x8x128xf32, #tpu.memory_space<hbm>> -> memref<8x128xf32, #tpu.memory_space<hbm>>
          %dma_wait3A_709 = arith.constant 40 : i32
          %dma_wait3A_710 = arith.constant 0 : i32
          %dma_wait3A_711 = tpu.memref_slice %arg9[%dma_wait3A_709, %dma_wait3A_710] : memref<64x136xf32, #tpu.memory_space<vmem>> -> memref<8x128xf32, #tpu.memory_space<vmem>>
          tpu.wait_dma2 semaphore(%arg12 : memref<!tpu.dma_semaphore, #tpu.memory_space<semaphore_mem>>) src(%dma_wait3A_711 : memref<8x128xf32, #tpu.memory_space<vmem>>) dst(%dma_wait3A_708 : memref<8x128xf32, #tpu.memory_space<hbm>>)
          %dma_wait3A_712 = arith.constant 0 : i32
          %dma_wait3A_713 = arith.constant 0 : i32
          %dma_wait3A_714 = arith.constant 0 : i32
          %dma_wait3A_715 = arith.constant 48 : i32
          %dma_wait3A_716 = arith.constant 0 : i32
          %dma_wait3A_717 = tpu.memref_slice %arg9[%dma_wait3A_715, %dma_wait3A_716] : memref<64x136xf32, #tpu.memory_space<vmem>> -> memref<8x128xf32, #tpu.memory_space<vmem>>
          %dma_wait3A_718 = arith.constant 0 : i32
          %dma_wait3A_719 = arith.constant 0 : i32
          %dma_wait3A_720 = tpu.memref_slice %arg4[%dma_wait3A_712, %dma_wait3A_713, %dma_wait3A_714, %dma_wait3A_718, %dma_wait3A_719] : memref<50x8x128x8x128xf32, #tpu.memory_space<hbm>> -> memref<1x1x1x8x128xf32, #tpu.memory_space<hbm>>
          %dma_wait3A_721 = tpu.memref_squeeze %dma_wait3A_720 : memref<1x1x1x8x128xf32, #tpu.memory_space<hbm>> -> memref<8x128xf32, #tpu.memory_space<hbm>>
          %dma_wait3A_722 = arith.constant 0 : i32
          %dma_wait3A_723 = arith.constant 0 : i32
          %dma_wait3A_724 = tpu.memref_slice %arg4[%dma_wait3A_712, %dma_wait3A_713, %dma_wait3A_714, %dma_wait3A_722, %dma_wait3A_723] : memref<50x8x128x8x128xf32, #tpu.memory_space<hbm>> -> memref<1x1x1x8x128xf32, #tpu.memory_space<hbm>>
          %dma_wait3A_725 = tpu.memref_squeeze %dma_wait3A_724 : memref<1x1x1x8x128xf32, #tpu.memory_space<hbm>> -> memref<8x128xf32, #tpu.memory_space<hbm>>
          %dma_wait3A_726 = arith.constant 48 : i32
          %dma_wait3A_727 = arith.constant 0 : i32
          %dma_wait3A_728 = tpu.memref_slice %arg9[%dma_wait3A_726, %dma_wait3A_727] : memref<64x136xf32, #tpu.memory_space<vmem>> -> memref<8x128xf32, #tpu.memory_space<vmem>>
          tpu.wait_dma2 semaphore(%arg12 : memref<!tpu.dma_semaphore, #tpu.memory_space<semaphore_mem>>) src(%dma_wait3A_728 : memref<8x128xf32, #tpu.memory_space<vmem>>) dst(%dma_wait3A_725 : memref<8x128xf32, #tpu.memory_space<hbm>>)
          %dma_wait3A_729 = arith.constant 0 : i32
          %dma_wait3A_730 = arith.constant 0 : i32
          %dma_wait3A_731 = arith.constant 0 : i32
          %dma_wait3A_732 = arith.constant 56 : i32
          %dma_wait3A_733 = arith.constant 0 : i32
          %dma_wait3A_734 = tpu.memref_slice %arg9[%dma_wait3A_732, %dma_wait3A_733] : memref<64x136xf32, #tpu.memory_space<vmem>> -> memref<8x128xf32, #tpu.memory_space<vmem>>
          %dma_wait3A_735 = arith.constant 0 : i32
          %dma_wait3A_736 = arith.constant 0 : i32
          %dma_wait3A_737 = tpu.memref_slice %arg4[%dma_wait3A_729, %dma_wait3A_730, %dma_wait3A_731, %dma_wait3A_735, %dma_wait3A_736] : memref<50x8x128x8x128xf32, #tpu.memory_space<hbm>> -> memref<1x1x1x8x128xf32, #tpu.memory_space<hbm>>
          %dma_wait3A_738 = tpu.memref_squeeze %dma_wait3A_737 : memref<1x1x1x8x128xf32, #tpu.memory_space<hbm>> -> memref<8x128xf32, #tpu.memory_space<hbm>>
          %dma_wait3A_739 = arith.constant 0 : i32
          %dma_wait3A_740 = arith.constant 0 : i32
          %dma_wait3A_741 = tpu.memref_slice %arg4[%dma_wait3A_729, %dma_wait3A_730, %dma_wait3A_731, %dma_wait3A_739, %dma_wait3A_740] : memref<50x8x128x8x128xf32, #tpu.memory_space<hbm>> -> memref<1x1x1x8x128xf32, #tpu.memory_space<hbm>>
          %dma_wait3A_742 = tpu.memref_squeeze %dma_wait3A_741 : memref<1x1x1x8x128xf32, #tpu.memory_space<hbm>> -> memref<8x128xf32, #tpu.memory_space<hbm>>
          %dma_wait3A_743 = arith.constant 56 : i32
          %dma_wait3A_744 = arith.constant 0 : i32
          %dma_wait3A_745 = tpu.memref_slice %arg9[%dma_wait3A_743, %dma_wait3A_744] : memref<64x136xf32, #tpu.memory_space<vmem>> -> memref<8x128xf32, #tpu.memory_space<vmem>>
          tpu.wait_dma2 semaphore(%arg12 : memref<!tpu.dma_semaphore, #tpu.memory_space<semaphore_mem>>) src(%dma_wait3A_745 : memref<8x128xf32, #tpu.memory_space<vmem>>) dst(%dma_wait3A_742 : memref<8x128xf32, #tpu.memory_space<hbm>>)
        } else {
        }
        %add3A_322 = arith.constant 0 : i32
        %add3A_323 = vector.broadcast %add3A_322 : i32 to vector<16xi32>
        %add3A_324 = arith.addi %iota3A, %add3A_323 : vector<16xi32>
        %add3A_325 = arith.constant 16 : i32
        %add3A_326 = vector.broadcast %add3A_325 : i32 to vector<16xi32>
        %add3A_327 = arith.addi %iota3A, %add3A_326 : vector<16xi32>
        %add3A_328 = arith.constant 32 : i32
        %add3A_329 = vector.broadcast %add3A_328 : i32 to vector<16xi32>
        %add3A_330 = arith.addi %iota3A, %add3A_329 : vector<16xi32>
        %add3A_331 = arith.constant 48 : i32
        %add3A_332 = vector.broadcast %add3A_331 : i32 to vector<16xi32>
        %add3A_333 = arith.addi %iota3A, %add3A_332 : vector<16xi32>
        %parallel_loop3A_334 = arith.constant 0 : i32
        %parallel_loop3A_335 = arith.constant 128 : i32
        %parallel_loop3A_336 = arith.constant 1 : i32
        scf.for %parallel_loop3A_610 = %parallel_loop3A_334 to %parallel_loop3A_335 step %parallel_loop3A_336  : i32 {
          %parallel_loop3A_611 = vector.broadcast %parallel_loop3A_610 : i32 to vector<16xi32>
          %parallel_loop3A_612 = arith.index_cast %parallel_loop3A_610 : i32 to index
          %parallel_loop3A_613 = arith.constant 0 : index
          %parallel_loop3A_614 = tpu.vector_load %arg7[%parallel_loop3A_612, %parallel_loop3A_613] {strides = array<i32>} : memref<128x64xf32, #tpu.memory_space<vmem>>, vector<16xf32>,
          %parallel_loop3A_615 = arith.index_cast %parallel_loop3A_610 : i32 to index
          %parallel_loop3A_616 = arith.constant 16 : index
          %parallel_loop3A_617 = tpu.vector_load %arg7[%parallel_loop3A_615, %parallel_loop3A_616] {strides = array<i32>} : memref<128x64xf32, #tpu.memory_space<vmem>>, vector<16xf32>,
          %parallel_loop3A_618 = arith.index_cast %parallel_loop3A_610 : i32 to index
          %parallel_loop3A_619 = arith.constant 32 : index
          %parallel_loop3A_620 = tpu.vector_load %arg7[%parallel_loop3A_618, %parallel_loop3A_619] {strides = array<i32>} : memref<128x64xf32, #tpu.memory_space<vmem>>, vector<16xf32>,
          %parallel_loop3A_621 = arith.index_cast %parallel_loop3A_610 : i32 to index
          %parallel_loop3A_622 = arith.constant 48 : index
          %parallel_loop3A_623 = tpu.vector_load %arg7[%parallel_loop3A_621, %parallel_loop3A_622] {strides = array<i32>} : memref<128x64xf32, #tpu.memory_space<vmem>>, vector<16xf32>,
          tpu.vector_store_idx %arg9[%add3A_324, %parallel_loop3A_611], %parallel_loop3A_614 : memref<64x136xf32, #tpu.memory_space<vmem>>[vector<16xi32>, vector<16xi32>], vector<16xf32>,
          tpu.vector_store_idx %arg9[%add3A_327, %parallel_loop3A_611], %parallel_loop3A_617 : memref<64x136xf32, #tpu.memory_space<vmem>>[vector<16xi32>, vector<16xi32>], vector<16xf32>,
          tpu.vector_store_idx %arg9[%add3A_330, %parallel_loop3A_611], %parallel_loop3A_620 : memref<64x136xf32, #tpu.memory_space<vmem>>[vector<16xi32>, vector<16xi32>], vector<16xf32>,
          tpu.vector_store_idx %arg9[%add3A_333, %parallel_loop3A_611], %parallel_loop3A_623 : memref<64x136xf32, #tpu.memory_space<vmem>>[vector<16xi32>, vector<16xi32>], vector<16xf32>,
        } {sc.loop_unroll_factor = 4 : i64, sc.parallel_access}
        %dma_start3A_337 = arith.constant 0 : i32
        %dma_start3A_338 = arith.constant 0 : i32
        %dma_start3A_339 = arith.constant 0 : i32
        %dma_start3A_340 = tpu.memref_slice %arg9[%dma_start3A_338, %dma_start3A_339] : memref<64x136xf32, #tpu.memory_space<vmem>> -> memref<8x128xf32, #tpu.memory_space<vmem>>
        %dma_start3A_341 = arith.constant 0 : i32
        %dma_start3A_342 = arith.constant 0 : i32
        %dma_start3A_343 = tpu.memref_slice %arg4[%mul3A_304, %dma_start3A_337, %while3A_15, %dma_start3A_341, %dma_start3A_342] : memref<50x8x128x8x128xf32, #tpu.memory_space<hbm>> -> memref<1x1x1x8x128xf32, #tpu.memory_space<hbm>>
        %dma_start3A_344 = tpu.memref_squeeze %dma_start3A_343 : memref<1x1x1x8x128xf32, #tpu.memory_space<hbm>> -> memref<8x128xf32, #tpu.memory_space<hbm>>
        %dma_start3A_345 = arith.constant 0 : i32
        %dma_start3A_346 = arith.constant 0 : i32
        %dma_start3A_347 = tpu.memref_slice %arg4[%mul3A_304, %dma_start3A_337, %while3A_15, %dma_start3A_345, %dma_start3A_346] : memref<50x8x128x8x128xf32, #tpu.memory_space<hbm>> -> memref<1x1x1x8x128xf32, #tpu.memory_space<hbm>>
        %dma_start3A_348 = tpu.memref_squeeze %dma_start3A_347 : memref<1x1x1x8x128xf32, #tpu.memory_space<hbm>> -> memref<8x128xf32, #tpu.memory_space<hbm>>
        %dma_start3A_349 = arith.constant 0 : i32
        %dma_start3A_350 = arith.constant 0 : i32
        %dma_start3A_351 = tpu.memref_slice %arg9[%dma_start3A_349, %dma_start3A_350] : memref<64x136xf32, #tpu.memory_space<vmem>> -> memref<8x128xf32, #tpu.memory_space<vmem>>
        tpu.enqueue_dma source(%dma_start3A_351 : memref<8x128xf32, #tpu.memory_space<vmem>>) target(%dma_start3A_348 : memref<8x128xf32, #tpu.memory_space<hbm>>) target_semaphore(%arg12 : memref<!tpu.dma_semaphore, #tpu.memory_space<semaphore_mem>>)
        %dma_start3A_352 = arith.constant 1 : i32
        %dma_start3A_353 = arith.constant 8 : i32
        %dma_start3A_354 = arith.constant 0 : i32
        %dma_start3A_355 = tpu.memref_slice %arg9[%dma_start3A_353, %dma_start3A_354] : memref<64x136xf32, #tpu.memory_space<vmem>> -> memref<8x128xf32, #tpu.memory_space<vmem>>
        %dma_start3A_356 = arith.constant 0 : i32
        %dma_start3A_357 = arith.constant 0 : i32
        %dma_start3A_358 = tpu.memref_slice %arg4[%mul3A_304, %dma_start3A_352, %while3A_15, %dma_start3A_356, %dma_start3A_357] : memref<50x8x128x8x128xf32, #tpu.memory_space<hbm>> -> memref<1x1x1x8x128xf32, #tpu.memory_space<hbm>>
        %dma_start3A_359 = tpu.memref_squeeze %dma_start3A_358 : memref<1x1x1x8x128xf32, #tpu.memory_space<hbm>> -> memref<8x128xf32, #tpu.memory_space<hbm>>
        %dma_start3A_360 = arith.constant 0 : i32
        %dma_start3A_361 = arith.constant 0 : i32
        %dma_start3A_362 = tpu.memref_slice %arg4[%mul3A_304, %dma_start3A_352, %while3A_15, %dma_start3A_360, %dma_start3A_361] : memref<50x8x128x8x128xf32, #tpu.memory_space<hbm>> -> memref<1x1x1x8x128xf32, #tpu.memory_space<hbm>>
        %dma_start3A_363 = tpu.memref_squeeze %dma_start3A_362 : memref<1x1x1x8x128xf32, #tpu.memory_space<hbm>> -> memref<8x128xf32, #tpu.memory_space<hbm>>
        %dma_start3A_364 = arith.constant 8 : i32
        %dma_start3A_365 = arith.constant 0 : i32
        %dma_start3A_366 = tpu.memref_slice %arg9[%dma_start3A_364, %dma_start3A_365] : memref<64x136xf32, #tpu.memory_space<vmem>> -> memref<8x128xf32, #tpu.memory_space<vmem>>
        tpu.enqueue_dma source(%dma_start3A_366 : memref<8x128xf32, #tpu.memory_space<vmem>>) target(%dma_start3A_363 : memref<8x128xf32, #tpu.memory_space<hbm>>) target_semaphore(%arg12 : memref<!tpu.dma_semaphore, #tpu.memory_space<semaphore_mem>>)
        %dma_start3A_367 = arith.constant 2 : i32
        %dma_start3A_368 = arith.constant 16 : i32
        %dma_start3A_369 = arith.constant 0 : i32
        %dma_start3A_370 = tpu.memref_slice %arg9[%dma_start3A_368, %dma_start3A_369] : memref<64x136xf32, #tpu.memory_space<vmem>> -> memref<8x128xf32, #tpu.memory_space<vmem>>
        %dma_start3A_371 = arith.constant 0 : i32
        %dma_start3A_372 = arith.constant 0 : i32
        %dma_start3A_373 = tpu.memref_slice %arg4[%mul3A_304, %dma_start3A_367, %while3A_15, %dma_start3A_371, %dma_start3A_372] : memref<50x8x128x8x128xf32, #tpu.memory_space<hbm>> -> memref<1x1x1x8x128xf32, #tpu.memory_space<hbm>>
        %dma_start3A_374 = tpu.memref_squeeze %dma_start3A_373 : memref<1x1x1x8x128xf32, #tpu.memory_space<hbm>> -> memref<8x128xf32, #tpu.memory_space<hbm>>
        %dma_start3A_375 = arith.constant 0 : i32
        %dma_start3A_376 = arith.constant 0 : i32
        %dma_start3A_377 = tpu.memref_slice %arg4[%mul3A_304, %dma_start3A_367, %while3A_15, %dma_start3A_375, %dma_start3A_376] : memref<50x8x128x8x128xf32, #tpu.memory_space<hbm>> -> memref<1x1x1x8x128xf32, #tpu.memory_space<hbm>>
        %dma_start3A_378 = tpu.memref_squeeze %dma_start3A_377 : memref<1x1x1x8x128xf32, #tpu.memory_space<hbm>> -> memref<8x128xf32, #tpu.memory_space<hbm>>
        %dma_start3A_379 = arith.constant 16 : i32
        %dma_start3A_380 = arith.constant 0 : i32
        %dma_start3A_381 = tpu.memref_slice %arg9[%dma_start3A_379, %dma_start3A_380] : memref<64x136xf32, #tpu.memory_space<vmem>> -> memref<8x128xf32, #tpu.memory_space<vmem>>
        tpu.enqueue_dma source(%dma_start3A_381 : memref<8x128xf32, #tpu.memory_space<vmem>>) target(%dma_start3A_378 : memref<8x128xf32, #tpu.memory_space<hbm>>) target_semaphore(%arg12 : memref<!tpu.dma_semaphore, #tpu.memory_space<semaphore_mem>>)
        %dma_start3A_382 = arith.constant 3 : i32
        %dma_start3A_383 = arith.constant 24 : i32
        %dma_start3A_384 = arith.constant 0 : i32
        %dma_start3A_385 = tpu.memref_slice %arg9[%dma_start3A_383, %dma_start3A_384] : memref<64x136xf32, #tpu.memory_space<vmem>> -> memref<8x128xf32, #tpu.memory_space<vmem>>
        %dma_start3A_386 = arith.constant 0 : i32
        %dma_start3A_387 = arith.constant 0 : i32
        %dma_start3A_388 = tpu.memref_slice %arg4[%mul3A_304, %dma_start3A_382, %while3A_15, %dma_start3A_386, %dma_start3A_387] : memref<50x8x128x8x128xf32, #tpu.memory_space<hbm>> -> memref<1x1x1x8x128xf32, #tpu.memory_space<hbm>>
        %dma_start3A_389 = tpu.memref_squeeze %dma_start3A_388 : memref<1x1x1x8x128xf32, #tpu.memory_space<hbm>> -> memref<8x128xf32, #tpu.memory_space<hbm>>
        %dma_start3A_390 = arith.constant 0 : i32
        %dma_start3A_391 = arith.constant 0 : i32
        %dma_start3A_392 = tpu.memref_slice %arg4[%mul3A_304, %dma_start3A_382, %while3A_15, %dma_start3A_390, %dma_start3A_391] : memref<50x8x128x8x128xf32, #tpu.memory_space<hbm>> -> memref<1x1x1x8x128xf32, #tpu.memory_space<hbm>>
        %dma_start3A_393 = tpu.memref_squeeze %dma_start3A_392 : memref<1x1x1x8x128xf32, #tpu.memory_space<hbm>> -> memref<8x128xf32, #tpu.memory_space<hbm>>
        %dma_start3A_394 = arith.constant 24 : i32
        %dma_start3A_395 = arith.constant 0 : i32
        %dma_start3A_396 = tpu.memref_slice %arg9[%dma_start3A_394, %dma_start3A_395] : memref<64x136xf32, #tpu.memory_space<vmem>> -> memref<8x128xf32, #tpu.memory_space<vmem>>
        tpu.enqueue_dma source(%dma_start3A_396 : memref<8x128xf32, #tpu.memory_space<vmem>>) target(%dma_start3A_393 : memref<8x128xf32, #tpu.memory_space<hbm>>) target_semaphore(%arg12 : memref<!tpu.dma_semaphore, #tpu.memory_space<semaphore_mem>>)
        %dma_start3A_397 = arith.constant 4 : i32
        %dma_start3A_398 = arith.constant 32 : i32
        %dma_start3A_399 = arith.constant 0 : i32
        %dma_start3A_400 = tpu.memref_slice %arg9[%dma_start3A_398, %dma_start3A_399] : memref<64x136xf32, #tpu.memory_space<vmem>> -> memref<8x128xf32, #tpu.memory_space<vmem>>
        %dma_start3A_401 = arith.constant 0 : i32
        %dma_start3A_402 = arith.constant 0 : i32
        %dma_start3A_403 = tpu.memref_slice %arg4[%mul3A_304, %dma_start3A_397, %while3A_15, %dma_start3A_401, %dma_start3A_402] : memref<50x8x128x8x128xf32, #tpu.memory_space<hbm>> -> memref<1x1x1x8x128xf32, #tpu.memory_space<hbm>>
        %dma_start3A_404 = tpu.memref_squeeze %dma_start3A_403 : memref<1x1x1x8x128xf32, #tpu.memory_space<hbm>> -> memref<8x128xf32, #tpu.memory_space<hbm>>
        %dma_start3A_405 = arith.constant 0 : i32
        %dma_start3A_406 = arith.constant 0 : i32
        %dma_start3A_407 = tpu.memref_slice %arg4[%mul3A_304, %dma_start3A_397, %while3A_15, %dma_start3A_405, %dma_start3A_406] : memref<50x8x128x8x128xf32, #tpu.memory_space<hbm>> -> memref<1x1x1x8x128xf32, #tpu.memory_space<hbm>>
        %dma_start3A_408 = tpu.memref_squeeze %dma_start3A_407 : memref<1x1x1x8x128xf32, #tpu.memory_space<hbm>> -> memref<8x128xf32, #tpu.memory_space<hbm>>
        %dma_start3A_409 = arith.constant 32 : i32
        %dma_start3A_410 = arith.constant 0 : i32
        %dma_start3A_411 = tpu.memref_slice %arg9[%dma_start3A_409, %dma_start3A_410] : memref<64x136xf32, #tpu.memory_space<vmem>> -> memref<8x128xf32, #tpu.memory_space<vmem>>
        tpu.enqueue_dma source(%dma_start3A_411 : memref<8x128xf32, #tpu.memory_space<vmem>>) target(%dma_start3A_408 : memref<8x128xf32, #tpu.memory_space<hbm>>) target_semaphore(%arg12 : memref<!tpu.dma_semaphore, #tpu.memory_space<semaphore_mem>>)
        %dma_start3A_412 = arith.constant 5 : i32
        %dma_start3A_413 = arith.constant 40 : i32
        %dma_start3A_414 = arith.constant 0 : i32
        %dma_start3A_415 = tpu.memref_slice %arg9[%dma_start3A_413, %dma_start3A_414] : memref<64x136xf32, #tpu.memory_space<vmem>> -> memref<8x128xf32, #tpu.memory_space<vmem>>
        %dma_start3A_416 = arith.constant 0 : i32
        %dma_start3A_417 = arith.constant 0 : i32
        %dma_start3A_418 = tpu.memref_slice %arg4[%mul3A_304, %dma_start3A_412, %while3A_15, %dma_start3A_416, %dma_start3A_417] : memref<50x8x128x8x128xf32, #tpu.memory_space<hbm>> -> memref<1x1x1x8x128xf32, #tpu.memory_space<hbm>>
        %dma_start3A_419 = tpu.memref_squeeze %dma_start3A_418 : memref<1x1x1x8x128xf32, #tpu.memory_space<hbm>> -> memref<8x128xf32, #tpu.memory_space<hbm>>
        %dma_start3A_420 = arith.constant 0 : i32
        %dma_start3A_421 = arith.constant 0 : i32
        %dma_start3A_422 = tpu.memref_slice %arg4[%mul3A_304, %dma_start3A_412, %while3A_15, %dma_start3A_420, %dma_start3A_421] : memref<50x8x128x8x128xf32, #tpu.memory_space<hbm>> -> memref<1x1x1x8x128xf32, #tpu.memory_space<hbm>>
        %dma_start3A_423 = tpu.memref_squeeze %dma_start3A_422 : memref<1x1x1x8x128xf32, #tpu.memory_space<hbm>> -> memref<8x128xf32, #tpu.memory_space<hbm>>
        %dma_start3A_424 = arith.constant 40 : i32
        %dma_start3A_425 = arith.constant 0 : i32
        %dma_start3A_426 = tpu.memref_slice %arg9[%dma_start3A_424, %dma_start3A_425] : memref<64x136xf32, #tpu.memory_space<vmem>> -> memref<8x128xf32, #tpu.memory_space<vmem>>
        tpu.enqueue_dma source(%dma_start3A_426 : memref<8x128xf32, #tpu.memory_space<vmem>>) target(%dma_start3A_423 : memref<8x128xf32, #tpu.memory_space<hbm>>) target_semaphore(%arg12 : memref<!tpu.dma_semaphore, #tpu.memory_space<semaphore_mem>>)
        %dma_start3A_427 = arith.constant 6 : i32
        %dma_start3A_428 = arith.constant 48 : i32
        %dma_start3A_429 = arith.constant 0 : i32
        %dma_start3A_430 = tpu.memref_slice %arg9[%dma_start3A_428, %dma_start3A_429] : memref<64x136xf32, #tpu.memory_space<vmem>> -> memref<8x128xf32, #tpu.memory_space<vmem>>
        %dma_start3A_431 = arith.constant 0 : i32
        %dma_start3A_432 = arith.constant 0 : i32
        %dma_start3A_433 = tpu.memref_slice %arg4[%mul3A_304, %dma_start3A_427, %while3A_15, %dma_start3A_431, %dma_start3A_432] : memref<50x8x128x8x128xf32, #tpu.memory_space<hbm>> -> memref<1x1x1x8x128xf32, #tpu.memory_space<hbm>>
        %dma_start3A_434 = tpu.memref_squeeze %dma_start3A_433 : memref<1x1x1x8x128xf32, #tpu.memory_space<hbm>> -> memref<8x128xf32, #tpu.memory_space<hbm>>
        %dma_start3A_435 = arith.constant 0 : i32
        %dma_start3A_436 = arith.constant 0 : i32
        %dma_start3A_437 = tpu.memref_slice %arg4[%mul3A_304, %dma_start3A_427, %while3A_15, %dma_start3A_435, %dma_start3A_436] : memref<50x8x128x8x128xf32, #tpu.memory_space<hbm>> -> memref<1x1x1x8x128xf32, #tpu.memory_space<hbm>>
        %dma_start3A_438 = tpu.memref_squeeze %dma_start3A_437 : memref<1x1x1x8x128xf32, #tpu.memory_space<hbm>> -> memref<8x128xf32, #tpu.memory_space<hbm>>
        %dma_start3A_439 = arith.constant 48 : i32
        %dma_start3A_440 = arith.constant 0 : i32
        %dma_start3A_441 = tpu.memref_slice %arg9[%dma_start3A_439, %dma_start3A_440] : memref<64x136xf32, #tpu.memory_space<vmem>> -> memref<8x128xf32, #tpu.memory_space<vmem>>
        tpu.enqueue_dma source(%dma_start3A_441 : memref<8x128xf32, #tpu.memory_space<vmem>>) target(%dma_start3A_438 : memref<8x128xf32, #tpu.memory_space<hbm>>) target_semaphore(%arg12 : memref<!tpu.dma_semaphore, #tpu.memory_space<semaphore_mem>>)
        %dma_start3A_442 = arith.constant 7 : i32
        %dma_start3A_443 = arith.constant 56 : i32
        %dma_start3A_444 = arith.constant 0 : i32
        %dma_start3A_445 = tpu.memref_slice %arg9[%dma_start3A_443, %dma_start3A_444] : memref<64x136xf32, #tpu.memory_space<vmem>> -> memref<8x128xf32, #tpu.memory_space<vmem>>
        %dma_start3A_446 = arith.constant 0 : i32
        %dma_start3A_447 = arith.constant 0 : i32
        %dma_start3A_448 = tpu.memref_slice %arg4[%mul3A_304, %dma_start3A_442, %while3A_15, %dma_start3A_446, %dma_start3A_447] : memref<50x8x128x8x128xf32, #tpu.memory_space<hbm>> -> memref<1x1x1x8x128xf32, #tpu.memory_space<hbm>>
        %dma_start3A_449 = tpu.memref_squeeze %dma_start3A_448 : memref<1x1x1x8x128xf32, #tpu.memory_space<hbm>> -> memref<8x128xf32, #tpu.memory_space<hbm>>
        %dma_start3A_450 = arith.constant 0 : i32
        %dma_start3A_451 = arith.constant 0 : i32
        %dma_start3A_452 = tpu.memref_slice %arg4[%mul3A_304, %dma_start3A_442, %while3A_15, %dma_start3A_450, %dma_start3A_451] : memref<50x8x128x8x128xf32, #tpu.memory_space<hbm>> -> memref<1x1x1x8x128xf32, #tpu.memory_space<hbm>>
        %dma_start3A_453 = tpu.memref_squeeze %dma_start3A_452 : memref<1x1x1x8x128xf32, #tpu.memory_space<hbm>> -> memref<8x128xf32, #tpu.memory_space<hbm>>
        %dma_start3A_454 = arith.constant 56 : i32
        %dma_start3A_455 = arith.constant 0 : i32
        %dma_start3A_456 = tpu.memref_slice %arg9[%dma_start3A_454, %dma_start3A_455] : memref<64x136xf32, #tpu.memory_space<vmem>> -> memref<8x128xf32, #tpu.memory_space<vmem>>
        tpu.enqueue_dma source(%dma_start3A_456 : memref<8x128xf32, #tpu.memory_space<vmem>>) target(%dma_start3A_453 : memref<8x128xf32, #tpu.memory_space<hbm>>) target_semaphore(%arg12 : memref<!tpu.dma_semaphore, #tpu.memory_space<semaphore_mem>>)
        %dma_wait3A_457 = arith.constant 0 : i32
        %dma_wait3A_458 = arith.constant 0 : i32
        %dma_wait3A_459 = tpu.memref_slice %arg6[%dma_wait3A_457, %dma_wait3A_458] : memref<50x128xi32, #tpu.memory_space<vmem>> -> memref<1x128xi32, #tpu.memory_space<vmem>>
        %dma_wait3A_460 = tpu.memref_squeeze %dma_wait3A_459 : memref<1x128xi32, #tpu.memory_space<vmem>> -> memref<128xi32, #tpu.memory_space<vmem>>
        %dma_wait3A_461 = arith.constant 0 : i32
        %dma_wait3A_462 = arith.constant 0 : i32
        %dma_wait3A_463 = tpu.memref_slice %arg3[%dma_wait3A_461, %dma_wait3A_462] : memref<1000001x64xf32, #tpu.memory_space<hbm>> -> memref<1000001x64xf32, #tpu.memory_space<hbm>>
        tpu.wait_indirect_dma semaphore(%arg11 : memref<!tpu.dma_semaphore, #tpu.memory_space<semaphore_mem>>) src(%dma_wait3A_463 : memref<1000001x64xf32, #tpu.memory_space<hbm>>) dst(%arg8 : memref<128x64xf32, #tpu.memory_space<vmem>>)
        %lt3A = arith.constant 24 : i32
        %lt3A_464 = arith.cmpi slt, %scan3A_302, %lt3A : i32
        %convert_element_type3A_465 = arith.extui %lt3A_464 : i1 to i32
        %cond3A_466 = arith.constant 0 : i32
        %cond3A_467 = arith.cmpi ne, %convert_element_type3A_465, %cond3A_466 : i32
        scf.if %cond3A_467 {
          %add3A_610 = arith.constant 2 : i32
          %add3A_611 = arith.addi %mul3A_304, %add3A_610 : i32
          %dma_start3A_612 = arith.constant 0 : i32
          %dma_start3A_613 = tpu.memref_slice %arg6[%add3A_611, %dma_start3A_612] : memref<50x128xi32, #tpu.memory_space<vmem>> -> memref<1x128xi32, #tpu.memory_space<vmem>>
          %dma_start3A_614 = tpu.memref_squeeze %dma_start3A_613 : memref<1x128xi32, #tpu.memory_space<vmem>> -> memref<128xi32, #tpu.memory_space<vmem>>
          %dma_start3A_615 = arith.constant 0 : i32
          %dma_start3A_616 = arith.constant 0 : i32
          %dma_start3A_617 = tpu.memref_slice %arg3[%dma_start3A_615, %dma_start3A_616] : memref<1000001x64xf32, #tpu.memory_space<hbm>> -> memref<1000001x64xf32, #tpu.memory_space<hbm>>
          tpu.enqueue_indirect_dma source(%dma_start3A_617 : memref<1000001x64xf32, #tpu.memory_space<hbm>>) target(%arg7 : memref<128x64xf32, #tpu.memory_space<vmem>>) offsets(%dma_start3A_614 : memref<128xi32, #tpu.memory_space<vmem>>) semaphore(%arg11 : memref<!tpu.dma_semaphore, #tpu.memory_space<semaphore_mem>>)
        } else {
        }
        %gt3A_468 = arith.constant 0 : i32
        %gt3A_469 = arith.cmpi sgt, %scan3A_302, %gt3A_468 : i32
        %convert_element_type3A_470 = arith.extui %gt3A_469 : i1 to i32
        %cond3A_471 = arith.constant 0 : i32
        %cond3A_472 = arith.cmpi ne, %convert_element_type3A_470, %cond3A_471 : i32
        scf.if %cond3A_472 {
          %dma_wait3A_610 = arith.constant 0 : i32
          %dma_wait3A_611 = arith.constant 0 : i32
          %dma_wait3A_612 = arith.constant 0 : i32
          %dma_wait3A_613 = arith.constant 0 : i32
          %dma_wait3A_614 = arith.constant 0 : i32
          %dma_wait3A_615 = tpu.memref_slice %arg10[%dma_wait3A_613, %dma_wait3A_614] : memref<64x136xf32, #tpu.memory_space<vmem>> -> memref<8x128xf32, #tpu.memory_space<vmem>>
          %dma_wait3A_616 = arith.constant 0 : i32
          %dma_wait3A_617 = arith.constant 0 : i32
          %dma_wait3A_618 = tpu.memref_slice %arg4[%dma_wait3A_610, %dma_wait3A_611, %dma_wait3A_612, %dma_wait3A_616, %dma_wait3A_617] : memref<50x8x128x8x128xf32, #tpu.memory_space<hbm>> -> memref<1x1x1x8x128xf32, #tpu.memory_space<hbm>>
          %dma_wait3A_619 = tpu.memref_squeeze %dma_wait3A_618 : memref<1x1x1x8x128xf32, #tpu.memory_space<hbm>> -> memref<8x128xf32, #tpu.memory_space<hbm>>
          %dma_wait3A_620 = arith.constant 0 : i32
          %dma_wait3A_621 = arith.constant 0 : i32
          %dma_wait3A_622 = tpu.memref_slice %arg4[%dma_wait3A_610, %dma_wait3A_611, %dma_wait3A_612, %dma_wait3A_620, %dma_wait3A_621] : memref<50x8x128x8x128xf32, #tpu.memory_space<hbm>> -> memref<1x1x1x8x128xf32, #tpu.memory_space<hbm>>
          %dma_wait3A_623 = tpu.memref_squeeze %dma_wait3A_622 : memref<1x1x1x8x128xf32, #tpu.memory_space<hbm>> -> memref<8x128xf32, #tpu.memory_space<hbm>>
          %dma_wait3A_624 = arith.constant 0 : i32
          %dma_wait3A_625 = arith.constant 0 : i32
          %dma_wait3A_626 = tpu.memref_slice %arg10[%dma_wait3A_624, %dma_wait3A_625] : memref<64x136xf32, #tpu.memory_space<vmem>> -> memref<8x128xf32, #tpu.memory_space<vmem>>
          tpu.wait_dma2 semaphore(%arg12 : memref<!tpu.dma_semaphore, #tpu.memory_space<semaphore_mem>>) src(%dma_wait3A_626 : memref<8x128xf32, #tpu.memory_space<vmem>>) dst(%dma_wait3A_623 : memref<8x128xf32, #tpu.memory_space<hbm>>)
          %dma_wait3A_627 = arith.constant 0 : i32
          %dma_wait3A_628 = arith.constant 0 : i32
          %dma_wait3A_629 = arith.constant 0 : i32
          %dma_wait3A_630 = arith.constant 8 : i32
          %dma_wait3A_631 = arith.constant 0 : i32
          %dma_wait3A_632 = tpu.memref_slice %arg10[%dma_wait3A_630, %dma_wait3A_631] : memref<64x136xf32, #tpu.memory_space<vmem>> -> memref<8x128xf32, #tpu.memory_space<vmem>>
          %dma_wait3A_633 = arith.constant 0 : i32
          %dma_wait3A_634 = arith.constant 0 : i32
          %dma_wait3A_635 = tpu.memref_slice %arg4[%dma_wait3A_627, %dma_wait3A_628, %dma_wait3A_629, %dma_wait3A_633, %dma_wait3A_634] : memref<50x8x128x8x128xf32, #tpu.memory_space<hbm>> -> memref<1x1x1x8x128xf32, #tpu.memory_space<hbm>>
          %dma_wait3A_636 = tpu.memref_squeeze %dma_wait3A_635 : memref<1x1x1x8x128xf32, #tpu.memory_space<hbm>> -> memref<8x128xf32, #tpu.memory_space<hbm>>
          %dma_wait3A_637 = arith.constant 0 : i32
          %dma_wait3A_638 = arith.constant 0 : i32
          %dma_wait3A_639 = tpu.memref_slice %arg4[%dma_wait3A_627, %dma_wait3A_628, %dma_wait3A_629, %dma_wait3A_637, %dma_wait3A_638] : memref<50x8x128x8x128xf32, #tpu.memory_space<hbm>> -> memref<1x1x1x8x128xf32, #tpu.memory_space<hbm>>
          %dma_wait3A_640 = tpu.memref_squeeze %dma_wait3A_639 : memref<1x1x1x8x128xf32, #tpu.memory_space<hbm>> -> memref<8x128xf32, #tpu.memory_space<hbm>>
          %dma_wait3A_641 = arith.constant 8 : i32
          %dma_wait3A_642 = arith.constant 0 : i32
          %dma_wait3A_643 = tpu.memref_slice %arg10[%dma_wait3A_641, %dma_wait3A_642] : memref<64x136xf32, #tpu.memory_space<vmem>> -> memref<8x128xf32, #tpu.memory_space<vmem>>
          tpu.wait_dma2 semaphore(%arg12 : memref<!tpu.dma_semaphore, #tpu.memory_space<semaphore_mem>>) src(%dma_wait3A_643 : memref<8x128xf32, #tpu.memory_space<vmem>>) dst(%dma_wait3A_640 : memref<8x128xf32, #tpu.memory_space<hbm>>)
          %dma_wait3A_644 = arith.constant 0 : i32
          %dma_wait3A_645 = arith.constant 0 : i32
          %dma_wait3A_646 = arith.constant 0 : i32
          %dma_wait3A_647 = arith.constant 16 : i32
          %dma_wait3A_648 = arith.constant 0 : i32
          %dma_wait3A_649 = tpu.memref_slice %arg10[%dma_wait3A_647, %dma_wait3A_648] : memref<64x136xf32, #tpu.memory_space<vmem>> -> memref<8x128xf32, #tpu.memory_space<vmem>>
          %dma_wait3A_650 = arith.constant 0 : i32
          %dma_wait3A_651 = arith.constant 0 : i32
          %dma_wait3A_652 = tpu.memref_slice %arg4[%dma_wait3A_644, %dma_wait3A_645, %dma_wait3A_646, %dma_wait3A_650, %dma_wait3A_651] : memref<50x8x128x8x128xf32, #tpu.memory_space<hbm>> -> memref<1x1x1x8x128xf32, #tpu.memory_space<hbm>>
          %dma_wait3A_653 = tpu.memref_squeeze %dma_wait3A_652 : memref<1x1x1x8x128xf32, #tpu.memory_space<hbm>> -> memref<8x128xf32, #tpu.memory_space<hbm>>
          %dma_wait3A_654 = arith.constant 0 : i32
          %dma_wait3A_655 = arith.constant 0 : i32
          %dma_wait3A_656 = tpu.memref_slice %arg4[%dma_wait3A_644, %dma_wait3A_645, %dma_wait3A_646, %dma_wait3A_654, %dma_wait3A_655] : memref<50x8x128x8x128xf32, #tpu.memory_space<hbm>> -> memref<1x1x1x8x128xf32, #tpu.memory_space<hbm>>
          %dma_wait3A_657 = tpu.memref_squeeze %dma_wait3A_656 : memref<1x1x1x8x128xf32, #tpu.memory_space<hbm>> -> memref<8x128xf32, #tpu.memory_space<hbm>>
          %dma_wait3A_658 = arith.constant 16 : i32
          %dma_wait3A_659 = arith.constant 0 : i32
          %dma_wait3A_660 = tpu.memref_slice %arg10[%dma_wait3A_658, %dma_wait3A_659] : memref<64x136xf32, #tpu.memory_space<vmem>> -> memref<8x128xf32, #tpu.memory_space<vmem>>
          tpu.wait_dma2 semaphore(%arg12 : memref<!tpu.dma_semaphore, #tpu.memory_space<semaphore_mem>>) src(%dma_wait3A_660 : memref<8x128xf32, #tpu.memory_space<vmem>>) dst(%dma_wait3A_657 : memref<8x128xf32, #tpu.memory_space<hbm>>)
          %dma_wait3A_661 = arith.constant 0 : i32
          %dma_wait3A_662 = arith.constant 0 : i32
          %dma_wait3A_663 = arith.constant 0 : i32
          %dma_wait3A_664 = arith.constant 24 : i32
          %dma_wait3A_665 = arith.constant 0 : i32
          %dma_wait3A_666 = tpu.memref_slice %arg10[%dma_wait3A_664, %dma_wait3A_665] : memref<64x136xf32, #tpu.memory_space<vmem>> -> memref<8x128xf32, #tpu.memory_space<vmem>>
          %dma_wait3A_667 = arith.constant 0 : i32
          %dma_wait3A_668 = arith.constant 0 : i32
          %dma_wait3A_669 = tpu.memref_slice %arg4[%dma_wait3A_661, %dma_wait3A_662, %dma_wait3A_663, %dma_wait3A_667, %dma_wait3A_668] : memref<50x8x128x8x128xf32, #tpu.memory_space<hbm>> -> memref<1x1x1x8x128xf32, #tpu.memory_space<hbm>>
          %dma_wait3A_670 = tpu.memref_squeeze %dma_wait3A_669 : memref<1x1x1x8x128xf32, #tpu.memory_space<hbm>> -> memref<8x128xf32, #tpu.memory_space<hbm>>
          %dma_wait3A_671 = arith.constant 0 : i32
          %dma_wait3A_672 = arith.constant 0 : i32
          %dma_wait3A_673 = tpu.memref_slice %arg4[%dma_wait3A_661, %dma_wait3A_662, %dma_wait3A_663, %dma_wait3A_671, %dma_wait3A_672] : memref<50x8x128x8x128xf32, #tpu.memory_space<hbm>> -> memref<1x1x1x8x128xf32, #tpu.memory_space<hbm>>
          %dma_wait3A_674 = tpu.memref_squeeze %dma_wait3A_673 : memref<1x1x1x8x128xf32, #tpu.memory_space<hbm>> -> memref<8x128xf32, #tpu.memory_space<hbm>>
          %dma_wait3A_675 = arith.constant 24 : i32
          %dma_wait3A_676 = arith.constant 0 : i32
          %dma_wait3A_677 = tpu.memref_slice %arg10[%dma_wait3A_675, %dma_wait3A_676] : memref<64x136xf32, #tpu.memory_space<vmem>> -> memref<8x128xf32, #tpu.memory_space<vmem>>
          tpu.wait_dma2 semaphore(%arg12 : memref<!tpu.dma_semaphore, #tpu.memory_space<semaphore_mem>>) src(%dma_wait3A_677 : memref<8x128xf32, #tpu.memory_space<vmem>>) dst(%dma_wait3A_674 : memref<8x128xf32, #tpu.memory_space<hbm>>)
          %dma_wait3A_678 = arith.constant 0 : i32
          %dma_wait3A_679 = arith.constant 0 : i32
          %dma_wait3A_680 = arith.constant 0 : i32
          %dma_wait3A_681 = arith.constant 32 : i32
          %dma_wait3A_682 = arith.constant 0 : i32
          %dma_wait3A_683 = tpu.memref_slice %arg10[%dma_wait3A_681, %dma_wait3A_682] : memref<64x136xf32, #tpu.memory_space<vmem>> -> memref<8x128xf32, #tpu.memory_space<vmem>>
          %dma_wait3A_684 = arith.constant 0 : i32
          %dma_wait3A_685 = arith.constant 0 : i32
          %dma_wait3A_686 = tpu.memref_slice %arg4[%dma_wait3A_678, %dma_wait3A_679, %dma_wait3A_680, %dma_wait3A_684, %dma_wait3A_685] : memref<50x8x128x8x128xf32, #tpu.memory_space<hbm>> -> memref<1x1x1x8x128xf32, #tpu.memory_space<hbm>>
          %dma_wait3A_687 = tpu.memref_squeeze %dma_wait3A_686 : memref<1x1x1x8x128xf32, #tpu.memory_space<hbm>> -> memref<8x128xf32, #tpu.memory_space<hbm>>
          %dma_wait3A_688 = arith.constant 0 : i32
          %dma_wait3A_689 = arith.constant 0 : i32
          %dma_wait3A_690 = tpu.memref_slice %arg4[%dma_wait3A_678, %dma_wait3A_679, %dma_wait3A_680, %dma_wait3A_688, %dma_wait3A_689] : memref<50x8x128x8x128xf32, #tpu.memory_space<hbm>> -> memref<1x1x1x8x128xf32, #tpu.memory_space<hbm>>
          %dma_wait3A_691 = tpu.memref_squeeze %dma_wait3A_690 : memref<1x1x1x8x128xf32, #tpu.memory_space<hbm>> -> memref<8x128xf32, #tpu.memory_space<hbm>>
          %dma_wait3A_692 = arith.constant 32 : i32
          %dma_wait3A_693 = arith.constant 0 : i32
          %dma_wait3A_694 = tpu.memref_slice %arg10[%dma_wait3A_692, %dma_wait3A_693] : memref<64x136xf32, #tpu.memory_space<vmem>> -> memref<8x128xf32, #tpu.memory_space<vmem>>
          tpu.wait_dma2 semaphore(%arg12 : memref<!tpu.dma_semaphore, #tpu.memory_space<semaphore_mem>>) src(%dma_wait3A_694 : memref<8x128xf32, #tpu.memory_space<vmem>>) dst(%dma_wait3A_691 : memref<8x128xf32, #tpu.memory_space<hbm>>)
          %dma_wait3A_695 = arith.constant 0 : i32
          %dma_wait3A_696 = arith.constant 0 : i32
          %dma_wait3A_697 = arith.constant 0 : i32
          %dma_wait3A_698 = arith.constant 40 : i32
          %dma_wait3A_699 = arith.constant 0 : i32
          %dma_wait3A_700 = tpu.memref_slice %arg10[%dma_wait3A_698, %dma_wait3A_699] : memref<64x136xf32, #tpu.memory_space<vmem>> -> memref<8x128xf32, #tpu.memory_space<vmem>>
          %dma_wait3A_701 = arith.constant 0 : i32
          %dma_wait3A_702 = arith.constant 0 : i32
          %dma_wait3A_703 = tpu.memref_slice %arg4[%dma_wait3A_695, %dma_wait3A_696, %dma_wait3A_697, %dma_wait3A_701, %dma_wait3A_702] : memref<50x8x128x8x128xf32, #tpu.memory_space<hbm>> -> memref<1x1x1x8x128xf32, #tpu.memory_space<hbm>>
          %dma_wait3A_704 = tpu.memref_squeeze %dma_wait3A_703 : memref<1x1x1x8x128xf32, #tpu.memory_space<hbm>> -> memref<8x128xf32, #tpu.memory_space<hbm>>
          %dma_wait3A_705 = arith.constant 0 : i32
          %dma_wait3A_706 = arith.constant 0 : i32
          %dma_wait3A_707 = tpu.memref_slice %arg4[%dma_wait3A_695, %dma_wait3A_696, %dma_wait3A_697, %dma_wait3A_705, %dma_wait3A_706] : memref<50x8x128x8x128xf32, #tpu.memory_space<hbm>> -> memref<1x1x1x8x128xf32, #tpu.memory_space<hbm>>
          %dma_wait3A_708 = tpu.memref_squeeze %dma_wait3A_707 : memref<1x1x1x8x128xf32, #tpu.memory_space<hbm>> -> memref<8x128xf32, #tpu.memory_space<hbm>>
          %dma_wait3A_709 = arith.constant 40 : i32
          %dma_wait3A_710 = arith.constant 0 : i32
          %dma_wait3A_711 = tpu.memref_slice %arg10[%dma_wait3A_709, %dma_wait3A_710] : memref<64x136xf32, #tpu.memory_space<vmem>> -> memref<8x128xf32, #tpu.memory_space<vmem>>
          tpu.wait_dma2 semaphore(%arg12 : memref<!tpu.dma_semaphore, #tpu.memory_space<semaphore_mem>>) src(%dma_wait3A_711 : memref<8x128xf32, #tpu.memory_space<vmem>>) dst(%dma_wait3A_708 : memref<8x128xf32, #tpu.memory_space<hbm>>)
          %dma_wait3A_712 = arith.constant 0 : i32
          %dma_wait3A_713 = arith.constant 0 : i32
          %dma_wait3A_714 = arith.constant 0 : i32
          %dma_wait3A_715 = arith.constant 48 : i32
          %dma_wait3A_716 = arith.constant 0 : i32
          %dma_wait3A_717 = tpu.memref_slice %arg10[%dma_wait3A_715, %dma_wait3A_716] : memref<64x136xf32, #tpu.memory_space<vmem>> -> memref<8x128xf32, #tpu.memory_space<vmem>>
          %dma_wait3A_718 = arith.constant 0 : i32
          %dma_wait3A_719 = arith.constant 0 : i32
          %dma_wait3A_720 = tpu.memref_slice %arg4[%dma_wait3A_712, %dma_wait3A_713, %dma_wait3A_714, %dma_wait3A_718, %dma_wait3A_719] : memref<50x8x128x8x128xf32, #tpu.memory_space<hbm>> -> memref<1x1x1x8x128xf32, #tpu.memory_space<hbm>>
          %dma_wait3A_721 = tpu.memref_squeeze %dma_wait3A_720 : memref<1x1x1x8x128xf32, #tpu.memory_space<hbm>> -> memref<8x128xf32, #tpu.memory_space<hbm>>
          %dma_wait3A_722 = arith.constant 0 : i32
          %dma_wait3A_723 = arith.constant 0 : i32
          %dma_wait3A_724 = tpu.memref_slice %arg4[%dma_wait3A_712, %dma_wait3A_713, %dma_wait3A_714, %dma_wait3A_722, %dma_wait3A_723] : memref<50x8x128x8x128xf32, #tpu.memory_space<hbm>> -> memref<1x1x1x8x128xf32, #tpu.memory_space<hbm>>
          %dma_wait3A_725 = tpu.memref_squeeze %dma_wait3A_724 : memref<1x1x1x8x128xf32, #tpu.memory_space<hbm>> -> memref<8x128xf32, #tpu.memory_space<hbm>>
          %dma_wait3A_726 = arith.constant 48 : i32
          %dma_wait3A_727 = arith.constant 0 : i32
          %dma_wait3A_728 = tpu.memref_slice %arg10[%dma_wait3A_726, %dma_wait3A_727] : memref<64x136xf32, #tpu.memory_space<vmem>> -> memref<8x128xf32, #tpu.memory_space<vmem>>
          tpu.wait_dma2 semaphore(%arg12 : memref<!tpu.dma_semaphore, #tpu.memory_space<semaphore_mem>>) src(%dma_wait3A_728 : memref<8x128xf32, #tpu.memory_space<vmem>>) dst(%dma_wait3A_725 : memref<8x128xf32, #tpu.memory_space<hbm>>)
          %dma_wait3A_729 = arith.constant 0 : i32
          %dma_wait3A_730 = arith.constant 0 : i32
          %dma_wait3A_731 = arith.constant 0 : i32
          %dma_wait3A_732 = arith.constant 56 : i32
          %dma_wait3A_733 = arith.constant 0 : i32
          %dma_wait3A_734 = tpu.memref_slice %arg10[%dma_wait3A_732, %dma_wait3A_733] : memref<64x136xf32, #tpu.memory_space<vmem>> -> memref<8x128xf32, #tpu.memory_space<vmem>>
          %dma_wait3A_735 = arith.constant 0 : i32
          %dma_wait3A_736 = arith.constant 0 : i32
          %dma_wait3A_737 = tpu.memref_slice %arg4[%dma_wait3A_729, %dma_wait3A_730, %dma_wait3A_731, %dma_wait3A_735, %dma_wait3A_736] : memref<50x8x128x8x128xf32, #tpu.memory_space<hbm>> -> memref<1x1x1x8x128xf32, #tpu.memory_space<hbm>>
          %dma_wait3A_738 = tpu.memref_squeeze %dma_wait3A_737 : memref<1x1x1x8x128xf32, #tpu.memory_space<hbm>> -> memref<8x128xf32, #tpu.memory_space<hbm>>
          %dma_wait3A_739 = arith.constant 0 : i32
          %dma_wait3A_740 = arith.constant 0 : i32
          %dma_wait3A_741 = tpu.memref_slice %arg4[%dma_wait3A_729, %dma_wait3A_730, %dma_wait3A_731, %dma_wait3A_739, %dma_wait3A_740] : memref<50x8x128x8x128xf32, #tpu.memory_space<hbm>> -> memref<1x1x1x8x128xf32, #tpu.memory_space<hbm>>
          %dma_wait3A_742 = tpu.memref_squeeze %dma_wait3A_741 : memref<1x1x1x8x128xf32, #tpu.memory_space<hbm>> -> memref<8x128xf32, #tpu.memory_space<hbm>>
          %dma_wait3A_743 = arith.constant 56 : i32
          %dma_wait3A_744 = arith.constant 0 : i32
          %dma_wait3A_745 = tpu.memref_slice %arg10[%dma_wait3A_743, %dma_wait3A_744] : memref<64x136xf32, #tpu.memory_space<vmem>> -> memref<8x128xf32, #tpu.memory_space<vmem>>
          tpu.wait_dma2 semaphore(%arg12 : memref<!tpu.dma_semaphore, #tpu.memory_space<semaphore_mem>>) src(%dma_wait3A_745 : memref<8x128xf32, #tpu.memory_space<vmem>>) dst(%dma_wait3A_742 : memref<8x128xf32, #tpu.memory_space<hbm>>)
        } else {
        }
        %add3A_473 = arith.constant 0 : i32
        %add3A_474 = vector.broadcast %add3A_473 : i32 to vector<16xi32>
        %add3A_475 = arith.addi %iota3A, %add3A_474 : vector<16xi32>
        %add3A_476 = arith.constant 16 : i32
        %add3A_477 = vector.broadcast %add3A_476 : i32 to vector<16xi32>
        %add3A_478 = arith.addi %iota3A, %add3A_477 : vector<16xi32>
        %add3A_479 = arith.constant 32 : i32
        %add3A_480 = vector.broadcast %add3A_479 : i32 to vector<16xi32>
        %add3A_481 = arith.addi %iota3A, %add3A_480 : vector<16xi32>
        %add3A_482 = arith.constant 48 : i32
        %add3A_483 = vector.broadcast %add3A_482 : i32 to vector<16xi32>
        %add3A_484 = arith.addi %iota3A, %add3A_483 : vector<16xi32>
        %parallel_loop3A_485 = arith.constant 0 : i32
        %parallel_loop3A_486 = arith.constant 128 : i32
        %parallel_loop3A_487 = arith.constant 1 : i32
        scf.for %parallel_loop3A_610 = %parallel_loop3A_485 to %parallel_loop3A_486 step %parallel_loop3A_487  : i32 {
          %parallel_loop3A_611 = vector.broadcast %parallel_loop3A_610 : i32 to vector<16xi32>
          %parallel_loop3A_612 = arith.index_cast %parallel_loop3A_610 : i32 to index
          %parallel_loop3A_613 = arith.constant 0 : index
          %parallel_loop3A_614 = tpu.vector_load %arg8[%parallel_loop3A_612, %parallel_loop3A_613] {strides = array<i32>} : memref<128x64xf32, #tpu.memory_space<vmem>>, vector<16xf32>,
          %parallel_loop3A_615 = arith.index_cast %parallel_loop3A_610 : i32 to index
          %parallel_loop3A_616 = arith.constant 16 : index
          %parallel_loop3A_617 = tpu.vector_load %arg8[%parallel_loop3A_615, %parallel_loop3A_616] {strides = array<i32>} : memref<128x64xf32, #tpu.memory_space<vmem>>, vector<16xf32>,
          %parallel_loop3A_618 = arith.index_cast %parallel_loop3A_610 : i32 to index
          %parallel_loop3A_619 = arith.constant 32 : index
          %parallel_loop3A_620 = tpu.vector_load %arg8[%parallel_loop3A_618, %parallel_loop3A_619] {strides = array<i32>} : memref<128x64xf32, #tpu.memory_space<vmem>>, vector<16xf32>,
          %parallel_loop3A_621 = arith.index_cast %parallel_loop3A_610 : i32 to index
          %parallel_loop3A_622 = arith.constant 48 : index
          %parallel_loop3A_623 = tpu.vector_load %arg8[%parallel_loop3A_621, %parallel_loop3A_622] {strides = array<i32>} : memref<128x64xf32, #tpu.memory_space<vmem>>, vector<16xf32>,
          tpu.vector_store_idx %arg10[%add3A_475, %parallel_loop3A_611], %parallel_loop3A_614 : memref<64x136xf32, #tpu.memory_space<vmem>>[vector<16xi32>, vector<16xi32>], vector<16xf32>,
          tpu.vector_store_idx %arg10[%add3A_478, %parallel_loop3A_611], %parallel_loop3A_617 : memref<64x136xf32, #tpu.memory_space<vmem>>[vector<16xi32>, vector<16xi32>], vector<16xf32>,
          tpu.vector_store_idx %arg10[%add3A_481, %parallel_loop3A_611], %parallel_loop3A_620 : memref<64x136xf32, #tpu.memory_space<vmem>>[vector<16xi32>, vector<16xi32>], vector<16xf32>,
          tpu.vector_store_idx %arg10[%add3A_484, %parallel_loop3A_611], %parallel_loop3A_623 : memref<64x136xf32, #tpu.memory_space<vmem>>[vector<16xi32>, vector<16xi32>], vector<16xf32>,
        } {sc.loop_unroll_factor = 4 : i64, sc.parallel_access}
        %add3A_488 = arith.constant 1 : i32
        %add3A_489 = arith.addi %mul3A_304, %add3A_488 : i32
        %dma_start3A_490 = arith.constant 0 : i32
        %dma_start3A_491 = arith.constant 0 : i32
        %dma_start3A_492 = arith.constant 0 : i32
        %dma_start3A_493 = tpu.memref_slice %arg10[%dma_start3A_491, %dma_start3A_492] : memref<64x136xf32, #tpu.memory_space<vmem>> -> memref<8x128xf32, #tpu.memory_space<vmem>>
        %dma_start3A_494 = arith.constant 0 : i32
        %dma_start3A_495 = arith.constant 0 : i32
        %dma_start3A_496 = tpu.memref_slice %arg4[%add3A_489, %dma_start3A_490, %while3A_15, %dma_start3A_494, %dma_start3A_495] : memref<50x8x128x8x128xf32, #tpu.memory_space<hbm>> -> memref<1x1x1x8x128xf32, #tpu.memory_space<hbm>>
        %dma_start3A_497 = tpu.memref_squeeze %dma_start3A_496 : memref<1x1x1x8x128xf32, #tpu.memory_space<hbm>> -> memref<8x128xf32, #tpu.memory_space<hbm>>
        %dma_start3A_498 = arith.constant 0 : i32
        %dma_start3A_499 = arith.constant 0 : i32
        %dma_start3A_500 = tpu.memref_slice %arg4[%add3A_489, %dma_start3A_490, %while3A_15, %dma_start3A_498, %dma_start3A_499] : memref<50x8x128x8x128xf32, #tpu.memory_space<hbm>> -> memref<1x1x1x8x128xf32, #tpu.memory_space<hbm>>
        %dma_start3A_501 = tpu.memref_squeeze %dma_start3A_500 : memref<1x1x1x8x128xf32, #tpu.memory_space<hbm>> -> memref<8x128xf32, #tpu.memory_space<hbm>>
        %dma_start3A_502 = arith.constant 0 : i32
        %dma_start3A_503 = arith.constant 0 : i32
        %dma_start3A_504 = tpu.memref_slice %arg10[%dma_start3A_502, %dma_start3A_503] : memref<64x136xf32, #tpu.memory_space<vmem>> -> memref<8x128xf32, #tpu.memory_space<vmem>>
        tpu.enqueue_dma source(%dma_start3A_504 : memref<8x128xf32, #tpu.memory_space<vmem>>) target(%dma_start3A_501 : memref<8x128xf32, #tpu.memory_space<hbm>>) target_semaphore(%arg12 : memref<!tpu.dma_semaphore, #tpu.memory_space<semaphore_mem>>)
        %dma_start3A_505 = arith.constant 1 : i32
        %dma_start3A_506 = arith.constant 8 : i32
        %dma_start3A_507 = arith.constant 0 : i32
        %dma_start3A_508 = tpu.memref_slice %arg10[%dma_start3A_506, %dma_start3A_507] : memref<64x136xf32, #tpu.memory_space<vmem>> -> memref<8x128xf32, #tpu.memory_space<vmem>>
        %dma_start3A_509 = arith.constant 0 : i32
        %dma_start3A_510 = arith.constant 0 : i32
        %dma_start3A_511 = tpu.memref_slice %arg4[%add3A_489, %dma_start3A_505, %while3A_15, %dma_start3A_509, %dma_start3A_510] : memref<50x8x128x8x128xf32, #tpu.memory_space<hbm>> -> memref<1x1x1x8x128xf32, #tpu.memory_space<hbm>>
        %dma_start3A_512 = tpu.memref_squeeze %dma_start3A_511 : memref<1x1x1x8x128xf32, #tpu.memory_space<hbm>> -> memref<8x128xf32, #tpu.memory_space<hbm>>
        %dma_start3A_513 = arith.constant 0 : i32
        %dma_start3A_514 = arith.constant 0 : i32
        %dma_start3A_515 = tpu.memref_slice %arg4[%add3A_489, %dma_start3A_505, %while3A_15, %dma_start3A_513, %dma_start3A_514] : memref<50x8x128x8x128xf32, #tpu.memory_space<hbm>> -> memref<1x1x1x8x128xf32, #tpu.memory_space<hbm>>
        %dma_start3A_516 = tpu.memref_squeeze %dma_start3A_515 : memref<1x1x1x8x128xf32, #tpu.memory_space<hbm>> -> memref<8x128xf32, #tpu.memory_space<hbm>>
        %dma_start3A_517 = arith.constant 8 : i32
        %dma_start3A_518 = arith.constant 0 : i32
        %dma_start3A_519 = tpu.memref_slice %arg10[%dma_start3A_517, %dma_start3A_518] : memref<64x136xf32, #tpu.memory_space<vmem>> -> memref<8x128xf32, #tpu.memory_space<vmem>>
        tpu.enqueue_dma source(%dma_start3A_519 : memref<8x128xf32, #tpu.memory_space<vmem>>) target(%dma_start3A_516 : memref<8x128xf32, #tpu.memory_space<hbm>>) target_semaphore(%arg12 : memref<!tpu.dma_semaphore, #tpu.memory_space<semaphore_mem>>)
        %dma_start3A_520 = arith.constant 2 : i32
        %dma_start3A_521 = arith.constant 16 : i32
        %dma_start3A_522 = arith.constant 0 : i32
        %dma_start3A_523 = tpu.memref_slice %arg10[%dma_start3A_521, %dma_start3A_522] : memref<64x136xf32, #tpu.memory_space<vmem>> -> memref<8x128xf32, #tpu.memory_space<vmem>>
        %dma_start3A_524 = arith.constant 0 : i32
        %dma_start3A_525 = arith.constant 0 : i32
        %dma_start3A_526 = tpu.memref_slice %arg4[%add3A_489, %dma_start3A_520, %while3A_15, %dma_start3A_524, %dma_start3A_525] : memref<50x8x128x8x128xf32, #tpu.memory_space<hbm>> -> memref<1x1x1x8x128xf32, #tpu.memory_space<hbm>>
        %dma_start3A_527 = tpu.memref_squeeze %dma_start3A_526 : memref<1x1x1x8x128xf32, #tpu.memory_space<hbm>> -> memref<8x128xf32, #tpu.memory_space<hbm>>
        %dma_start3A_528 = arith.constant 0 : i32
        %dma_start3A_529 = arith.constant 0 : i32
        %dma_start3A_530 = tpu.memref_slice %arg4[%add3A_489, %dma_start3A_520, %while3A_15, %dma_start3A_528, %dma_start3A_529] : memref<50x8x128x8x128xf32, #tpu.memory_space<hbm>> -> memref<1x1x1x8x128xf32, #tpu.memory_space<hbm>>
        %dma_start3A_531 = tpu.memref_squeeze %dma_start3A_530 : memref<1x1x1x8x128xf32, #tpu.memory_space<hbm>> -> memref<8x128xf32, #tpu.memory_space<hbm>>
        %dma_start3A_532 = arith.constant 16 : i32
        %dma_start3A_533 = arith.constant 0 : i32
        %dma_start3A_534 = tpu.memref_slice %arg10[%dma_start3A_532, %dma_start3A_533] : memref<64x136xf32, #tpu.memory_space<vmem>> -> memref<8x128xf32, #tpu.memory_space<vmem>>
        tpu.enqueue_dma source(%dma_start3A_534 : memref<8x128xf32, #tpu.memory_space<vmem>>) target(%dma_start3A_531 : memref<8x128xf32, #tpu.memory_space<hbm>>) target_semaphore(%arg12 : memref<!tpu.dma_semaphore, #tpu.memory_space<semaphore_mem>>)
        %dma_start3A_535 = arith.constant 3 : i32
        %dma_start3A_536 = arith.constant 24 : i32
        %dma_start3A_537 = arith.constant 0 : i32
        %dma_start3A_538 = tpu.memref_slice %arg10[%dma_start3A_536, %dma_start3A_537] : memref<64x136xf32, #tpu.memory_space<vmem>> -> memref<8x128xf32, #tpu.memory_space<vmem>>
        %dma_start3A_539 = arith.constant 0 : i32
        %dma_start3A_540 = arith.constant 0 : i32
        %dma_start3A_541 = tpu.memref_slice %arg4[%add3A_489, %dma_start3A_535, %while3A_15, %dma_start3A_539, %dma_start3A_540] : memref<50x8x128x8x128xf32, #tpu.memory_space<hbm>> -> memref<1x1x1x8x128xf32, #tpu.memory_space<hbm>>
        %dma_start3A_542 = tpu.memref_squeeze %dma_start3A_541 : memref<1x1x1x8x128xf32, #tpu.memory_space<hbm>> -> memref<8x128xf32, #tpu.memory_space<hbm>>
        %dma_start3A_543 = arith.constant 0 : i32
        %dma_start3A_544 = arith.constant 0 : i32
        %dma_start3A_545 = tpu.memref_slice %arg4[%add3A_489, %dma_start3A_535, %while3A_15, %dma_start3A_543, %dma_start3A_544] : memref<50x8x128x8x128xf32, #tpu.memory_space<hbm>> -> memref<1x1x1x8x128xf32, #tpu.memory_space<hbm>>
        %dma_start3A_546 = tpu.memref_squeeze %dma_start3A_545 : memref<1x1x1x8x128xf32, #tpu.memory_space<hbm>> -> memref<8x128xf32, #tpu.memory_space<hbm>>
        %dma_start3A_547 = arith.constant 24 : i32
        %dma_start3A_548 = arith.constant 0 : i32
        %dma_start3A_549 = tpu.memref_slice %arg10[%dma_start3A_547, %dma_start3A_548] : memref<64x136xf32, #tpu.memory_space<vmem>> -> memref<8x128xf32, #tpu.memory_space<vmem>>
        tpu.enqueue_dma source(%dma_start3A_549 : memref<8x128xf32, #tpu.memory_space<vmem>>) target(%dma_start3A_546 : memref<8x128xf32, #tpu.memory_space<hbm>>) target_semaphore(%arg12 : memref<!tpu.dma_semaphore, #tpu.memory_space<semaphore_mem>>)
        %dma_start3A_550 = arith.constant 4 : i32
        %dma_start3A_551 = arith.constant 32 : i32
        %dma_start3A_552 = arith.constant 0 : i32
        %dma_start3A_553 = tpu.memref_slice %arg10[%dma_start3A_551, %dma_start3A_552] : memref<64x136xf32, #tpu.memory_space<vmem>> -> memref<8x128xf32, #tpu.memory_space<vmem>>
        %dma_start3A_554 = arith.constant 0 : i32
        %dma_start3A_555 = arith.constant 0 : i32
        %dma_start3A_556 = tpu.memref_slice %arg4[%add3A_489, %dma_start3A_550, %while3A_15, %dma_start3A_554, %dma_start3A_555] : memref<50x8x128x8x128xf32, #tpu.memory_space<hbm>> -> memref<1x1x1x8x128xf32, #tpu.memory_space<hbm>>
        %dma_start3A_557 = tpu.memref_squeeze %dma_start3A_556 : memref<1x1x1x8x128xf32, #tpu.memory_space<hbm>> -> memref<8x128xf32, #tpu.memory_space<hbm>>
        %dma_start3A_558 = arith.constant 0 : i32
        %dma_start3A_559 = arith.constant 0 : i32
        %dma_start3A_560 = tpu.memref_slice %arg4[%add3A_489, %dma_start3A_550, %while3A_15, %dma_start3A_558, %dma_start3A_559] : memref<50x8x128x8x128xf32, #tpu.memory_space<hbm>> -> memref<1x1x1x8x128xf32, #tpu.memory_space<hbm>>
        %dma_start3A_561 = tpu.memref_squeeze %dma_start3A_560 : memref<1x1x1x8x128xf32, #tpu.memory_space<hbm>> -> memref<8x128xf32, #tpu.memory_space<hbm>>
        %dma_start3A_562 = arith.constant 32 : i32
        %dma_start3A_563 = arith.constant 0 : i32
        %dma_start3A_564 = tpu.memref_slice %arg10[%dma_start3A_562, %dma_start3A_563] : memref<64x136xf32, #tpu.memory_space<vmem>> -> memref<8x128xf32, #tpu.memory_space<vmem>>
        tpu.enqueue_dma source(%dma_start3A_564 : memref<8x128xf32, #tpu.memory_space<vmem>>) target(%dma_start3A_561 : memref<8x128xf32, #tpu.memory_space<hbm>>) target_semaphore(%arg12 : memref<!tpu.dma_semaphore, #tpu.memory_space<semaphore_mem>>)
        %dma_start3A_565 = arith.constant 5 : i32
        %dma_start3A_566 = arith.constant 40 : i32
        %dma_start3A_567 = arith.constant 0 : i32
        %dma_start3A_568 = tpu.memref_slice %arg10[%dma_start3A_566, %dma_start3A_567] : memref<64x136xf32, #tpu.memory_space<vmem>> -> memref<8x128xf32, #tpu.memory_space<vmem>>
        %dma_start3A_569 = arith.constant 0 : i32
        %dma_start3A_570 = arith.constant 0 : i32
        %dma_start3A_571 = tpu.memref_slice %arg4[%add3A_489, %dma_start3A_565, %while3A_15, %dma_start3A_569, %dma_start3A_570] : memref<50x8x128x8x128xf32, #tpu.memory_space<hbm>> -> memref<1x1x1x8x128xf32, #tpu.memory_space<hbm>>
        %dma_start3A_572 = tpu.memref_squeeze %dma_start3A_571 : memref<1x1x1x8x128xf32, #tpu.memory_space<hbm>> -> memref<8x128xf32, #tpu.memory_space<hbm>>
        %dma_start3A_573 = arith.constant 0 : i32
        %dma_start3A_574 = arith.constant 0 : i32
        %dma_start3A_575 = tpu.memref_slice %arg4[%add3A_489, %dma_start3A_565, %while3A_15, %dma_start3A_573, %dma_start3A_574] : memref<50x8x128x8x128xf32, #tpu.memory_space<hbm>> -> memref<1x1x1x8x128xf32, #tpu.memory_space<hbm>>
        %dma_start3A_576 = tpu.memref_squeeze %dma_start3A_575 : memref<1x1x1x8x128xf32, #tpu.memory_space<hbm>> -> memref<8x128xf32, #tpu.memory_space<hbm>>
        %dma_start3A_577 = arith.constant 40 : i32
        %dma_start3A_578 = arith.constant 0 : i32
        %dma_start3A_579 = tpu.memref_slice %arg10[%dma_start3A_577, %dma_start3A_578] : memref<64x136xf32, #tpu.memory_space<vmem>> -> memref<8x128xf32, #tpu.memory_space<vmem>>
        tpu.enqueue_dma source(%dma_start3A_579 : memref<8x128xf32, #tpu.memory_space<vmem>>) target(%dma_start3A_576 : memref<8x128xf32, #tpu.memory_space<hbm>>) target_semaphore(%arg12 : memref<!tpu.dma_semaphore, #tpu.memory_space<semaphore_mem>>)
        %dma_start3A_580 = arith.constant 6 : i32
        %dma_start3A_581 = arith.constant 48 : i32
        %dma_start3A_582 = arith.constant 0 : i32
        %dma_start3A_583 = tpu.memref_slice %arg10[%dma_start3A_581, %dma_start3A_582] : memref<64x136xf32, #tpu.memory_space<vmem>> -> memref<8x128xf32, #tpu.memory_space<vmem>>
        %dma_start3A_584 = arith.constant 0 : i32
        %dma_start3A_585 = arith.constant 0 : i32
        %dma_start3A_586 = tpu.memref_slice %arg4[%add3A_489, %dma_start3A_580, %while3A_15, %dma_start3A_584, %dma_start3A_585] : memref<50x8x128x8x128xf32, #tpu.memory_space<hbm>> -> memref<1x1x1x8x128xf32, #tpu.memory_space<hbm>>
        %dma_start3A_587 = tpu.memref_squeeze %dma_start3A_586 : memref<1x1x1x8x128xf32, #tpu.memory_space<hbm>> -> memref<8x128xf32, #tpu.memory_space<hbm>>
        %dma_start3A_588 = arith.constant 0 : i32
        %dma_start3A_589 = arith.constant 0 : i32
        %dma_start3A_590 = tpu.memref_slice %arg4[%add3A_489, %dma_start3A_580, %while3A_15, %dma_start3A_588, %dma_start3A_589] : memref<50x8x128x8x128xf32, #tpu.memory_space<hbm>> -> memref<1x1x1x8x128xf32, #tpu.memory_space<hbm>>
        %dma_start3A_591 = tpu.memref_squeeze %dma_start3A_590 : memref<1x1x1x8x128xf32, #tpu.memory_space<hbm>> -> memref<8x128xf32, #tpu.memory_space<hbm>>
        %dma_start3A_592 = arith.constant 48 : i32
        %dma_start3A_593 = arith.constant 0 : i32
        %dma_start3A_594 = tpu.memref_slice %arg10[%dma_start3A_592, %dma_start3A_593] : memref<64x136xf32, #tpu.memory_space<vmem>> -> memref<8x128xf32, #tpu.memory_space<vmem>>
        tpu.enqueue_dma source(%dma_start3A_594 : memref<8x128xf32, #tpu.memory_space<vmem>>) target(%dma_start3A_591 : memref<8x128xf32, #tpu.memory_space<hbm>>) target_semaphore(%arg12 : memref<!tpu.dma_semaphore, #tpu.memory_space<semaphore_mem>>)
        %dma_start3A_595 = arith.constant 7 : i32
        %dma_start3A_596 = arith.constant 56 : i32
        %dma_start3A_597 = arith.constant 0 : i32
        %dma_start3A_598 = tpu.memref_slice %arg10[%dma_start3A_596, %dma_start3A_597] : memref<64x136xf32, #tpu.memory_space<vmem>> -> memref<8x128xf32, #tpu.memory_space<vmem>>
        %dma_start3A_599 = arith.constant 0 : i32
        %dma_start3A_600 = arith.constant 0 : i32
        %dma_start3A_601 = tpu.memref_slice %arg4[%add3A_489, %dma_start3A_595, %while3A_15, %dma_start3A_599, %dma_start3A_600] : memref<50x8x128x8x128xf32, #tpu.memory_space<hbm>> -> memref<1x1x1x8x128xf32, #tpu.memory_space<hbm>>
        %dma_start3A_602 = tpu.memref_squeeze %dma_start3A_601 : memref<1x1x1x8x128xf32, #tpu.memory_space<hbm>> -> memref<8x128xf32, #tpu.memory_space<hbm>>
        %dma_start3A_603 = arith.constant 0 : i32
        %dma_start3A_604 = arith.constant 0 : i32
        %dma_start3A_605 = tpu.memref_slice %arg4[%add3A_489, %dma_start3A_595, %while3A_15, %dma_start3A_603, %dma_start3A_604] : memref<50x8x128x8x128xf32, #tpu.memory_space<hbm>> -> memref<1x1x1x8x128xf32, #tpu.memory_space<hbm>>
        %dma_start3A_606 = tpu.memref_squeeze %dma_start3A_605 : memref<1x1x1x8x128xf32, #tpu.memory_space<hbm>> -> memref<8x128xf32, #tpu.memory_space<hbm>>
        %dma_start3A_607 = arith.constant 56 : i32
        %dma_start3A_608 = arith.constant 0 : i32
        %dma_start3A_609 = tpu.memref_slice %arg10[%dma_start3A_607, %dma_start3A_608] : memref<64x136xf32, #tpu.memory_space<vmem>> -> memref<8x128xf32, #tpu.memory_space<vmem>>
        tpu.enqueue_dma source(%dma_start3A_609 : memref<8x128xf32, #tpu.memory_space<vmem>>) target(%dma_start3A_606 : memref<8x128xf32, #tpu.memory_space<hbm>>) target_semaphore(%arg12 : memref<!tpu.dma_semaphore, #tpu.memory_space<semaphore_mem>>)
      }
      %scan3A_30 = arith.constant 25 : i32
      %dma_wait3A = arith.constant 0 : i32
      %dma_wait3A_31 = arith.constant 0 : i32
      %dma_wait3A_32 = arith.constant 0 : i32
      %dma_wait3A_33 = arith.constant 0 : i32
      %dma_wait3A_34 = arith.constant 0 : i32
      %dma_wait3A_35 = tpu.memref_slice %arg9[%dma_wait3A_33, %dma_wait3A_34] : memref<64x136xf32, #tpu.memory_space<vmem>> -> memref<8x128xf32, #tpu.memory_space<vmem>>
      %dma_wait3A_36 = arith.constant 0 : i32
      %dma_wait3A_37 = arith.constant 0 : i32
      %dma_wait3A_38 = tpu.memref_slice %arg4[%dma_wait3A, %dma_wait3A_31, %dma_wait3A_32, %dma_wait3A_36, %dma_wait3A_37] : memref<50x8x128x8x128xf32, #tpu.memory_space<hbm>> -> memref<1x1x1x8x128xf32, #tpu.memory_space<hbm>>
      %dma_wait3A_39 = tpu.memref_squeeze %dma_wait3A_38 : memref<1x1x1x8x128xf32, #tpu.memory_space<hbm>> -> memref<8x128xf32, #tpu.memory_space<hbm>>
      %dma_wait3A_40 = arith.constant 0 : i32
      %dma_wait3A_41 = arith.constant 0 : i32
      %dma_wait3A_42 = tpu.memref_slice %arg4[%dma_wait3A, %dma_wait3A_31, %dma_wait3A_32, %dma_wait3A_40, %dma_wait3A_41] : memref<50x8x128x8x128xf32, #tpu.memory_space<hbm>> -> memref<1x1x1x8x128xf32, #tpu.memory_space<hbm>>
      %dma_wait3A_43 = tpu.memref_squeeze %dma_wait3A_42 : memref<1x1x1x8x128xf32, #tpu.memory_space<hbm>> -> memref<8x128xf32, #tpu.memory_space<hbm>>
      %dma_wait3A_44 = arith.constant 0 : i32
      %dma_wait3A_45 = arith.constant 0 : i32
      %dma_wait3A_46 = tpu.memref_slice %arg9[%dma_wait3A_44, %dma_wait3A_45] : memref<64x136xf32, #tpu.memory_space<vmem>> -> memref<8x128xf32, #tpu.memory_space<vmem>>
      tpu.wait_dma2 semaphore(%arg12 : memref<!tpu.dma_semaphore, #tpu.memory_space<semaphore_mem>>) src(%dma_wait3A_46 : memref<8x128xf32, #tpu.memory_space<vmem>>) dst(%dma_wait3A_43 : memref<8x128xf32, #tpu.memory_space<hbm>>)
      %dma_wait3A_47 = arith.constant 0 : i32
      %dma_wait3A_48 = arith.constant 0 : i32
      %dma_wait3A_49 = arith.constant 0 : i32
      %dma_wait3A_50 = arith.constant 8 : i32
      %dma_wait3A_51 = arith.constant 0 : i32
      %dma_wait3A_52 = tpu.memref_slice %arg9[%dma_wait3A_50, %dma_wait3A_51] : memref<64x136xf32, #tpu.memory_space<vmem>> -> memref<8x128xf32, #tpu.memory_space<vmem>>
      %dma_wait3A_53 = arith.constant 0 : i32
      %dma_wait3A_54 = arith.constant 0 : i32
      %dma_wait3A_55 = tpu.memref_slice %arg4[%dma_wait3A_47, %dma_wait3A_48, %dma_wait3A_49, %dma_wait3A_53, %dma_wait3A_54] : memref<50x8x128x8x128xf32, #tpu.memory_space<hbm>> -> memref<1x1x1x8x128xf32, #tpu.memory_space<hbm>>
      %dma_wait3A_56 = tpu.memref_squeeze %dma_wait3A_55 : memref<1x1x1x8x128xf32, #tpu.memory_space<hbm>> -> memref<8x128xf32, #tpu.memory_space<hbm>>
      %dma_wait3A_57 = arith.constant 0 : i32
      %dma_wait3A_58 = arith.constant 0 : i32
      %dma_wait3A_59 = tpu.memref_slice %arg4[%dma_wait3A_47, %dma_wait3A_48, %dma_wait3A_49, %dma_wait3A_57, %dma_wait3A_58] : memref<50x8x128x8x128xf32, #tpu.memory_space<hbm>> -> memref<1x1x1x8x128xf32, #tpu.memory_space<hbm>>
      %dma_wait3A_60 = tpu.memref_squeeze %dma_wait3A_59 : memref<1x1x1x8x128xf32, #tpu.memory_space<hbm>> -> memref<8x128xf32, #tpu.memory_space<hbm>>
      %dma_wait3A_61 = arith.constant 8 : i32
      %dma_wait3A_62 = arith.constant 0 : i32
      %dma_wait3A_63 = tpu.memref_slice %arg9[%dma_wait3A_61, %dma_wait3A_62] : memref<64x136xf32, #tpu.memory_space<vmem>> -> memref<8x128xf32, #tpu.memory_space<vmem>>
      tpu.wait_dma2 semaphore(%arg12 : memref<!tpu.dma_semaphore, #tpu.memory_space<semaphore_mem>>) src(%dma_wait3A_63 : memref<8x128xf32, #tpu.memory_space<vmem>>) dst(%dma_wait3A_60 : memref<8x128xf32, #tpu.memory_space<hbm>>)
      %dma_wait3A_64 = arith.constant 0 : i32
      %dma_wait3A_65 = arith.constant 0 : i32
      %dma_wait3A_66 = arith.constant 0 : i32
      %dma_wait3A_67 = arith.constant 16 : i32
      %dma_wait3A_68 = arith.constant 0 : i32
      %dma_wait3A_69 = tpu.memref_slice %arg9[%dma_wait3A_67, %dma_wait3A_68] : memref<64x136xf32, #tpu.memory_space<vmem>> -> memref<8x128xf32, #tpu.memory_space<vmem>>
      %dma_wait3A_70 = arith.constant 0 : i32
      %dma_wait3A_71 = arith.constant 0 : i32
      %dma_wait3A_72 = tpu.memref_slice %arg4[%dma_wait3A_64, %dma_wait3A_65, %dma_wait3A_66, %dma_wait3A_70, %dma_wait3A_71] : memref<50x8x128x8x128xf32, #tpu.memory_space<hbm>> -> memref<1x1x1x8x128xf32, #tpu.memory_space<hbm>>
      %dma_wait3A_73 = tpu.memref_squeeze %dma_wait3A_72 : memref<1x1x1x8x128xf32, #tpu.memory_space<hbm>> -> memref<8x128xf32, #tpu.memory_space<hbm>>
      %dma_wait3A_74 = arith.constant 0 : i32
      %dma_wait3A_75 = arith.constant 0 : i32
      %dma_wait3A_76 = tpu.memref_slice %arg4[%dma_wait3A_64, %dma_wait3A_65, %dma_wait3A_66, %dma_wait3A_74, %dma_wait3A_75] : memref<50x8x128x8x128xf32, #tpu.memory_space<hbm>> -> memref<1x1x1x8x128xf32, #tpu.memory_space<hbm>>
      %dma_wait3A_77 = tpu.memref_squeeze %dma_wait3A_76 : memref<1x1x1x8x128xf32, #tpu.memory_space<hbm>> -> memref<8x128xf32, #tpu.memory_space<hbm>>
      %dma_wait3A_78 = arith.constant 16 : i32
      %dma_wait3A_79 = arith.constant 0 : i32
      %dma_wait3A_80 = tpu.memref_slice %arg9[%dma_wait3A_78, %dma_wait3A_79] : memref<64x136xf32, #tpu.memory_space<vmem>> -> memref<8x128xf32, #tpu.memory_space<vmem>>
      tpu.wait_dma2 semaphore(%arg12 : memref<!tpu.dma_semaphore, #tpu.memory_space<semaphore_mem>>) src(%dma_wait3A_80 : memref<8x128xf32, #tpu.memory_space<vmem>>) dst(%dma_wait3A_77 : memref<8x128xf32, #tpu.memory_space<hbm>>)
      %dma_wait3A_81 = arith.constant 0 : i32
      %dma_wait3A_82 = arith.constant 0 : i32
      %dma_wait3A_83 = arith.constant 0 : i32
      %dma_wait3A_84 = arith.constant 24 : i32
      %dma_wait3A_85 = arith.constant 0 : i32
      %dma_wait3A_86 = tpu.memref_slice %arg9[%dma_wait3A_84, %dma_wait3A_85] : memref<64x136xf32, #tpu.memory_space<vmem>> -> memref<8x128xf32, #tpu.memory_space<vmem>>
      %dma_wait3A_87 = arith.constant 0 : i32
      %dma_wait3A_88 = arith.constant 0 : i32
      %dma_wait3A_89 = tpu.memref_slice %arg4[%dma_wait3A_81, %dma_wait3A_82, %dma_wait3A_83, %dma_wait3A_87, %dma_wait3A_88] : memref<50x8x128x8x128xf32, #tpu.memory_space<hbm>> -> memref<1x1x1x8x128xf32, #tpu.memory_space<hbm>>
      %dma_wait3A_90 = tpu.memref_squeeze %dma_wait3A_89 : memref<1x1x1x8x128xf32, #tpu.memory_space<hbm>> -> memref<8x128xf32, #tpu.memory_space<hbm>>
      %dma_wait3A_91 = arith.constant 0 : i32
      %dma_wait3A_92 = arith.constant 0 : i32
      %dma_wait3A_93 = tpu.memref_slice %arg4[%dma_wait3A_81, %dma_wait3A_82, %dma_wait3A_83, %dma_wait3A_91, %dma_wait3A_92] : memref<50x8x128x8x128xf32, #tpu.memory_space<hbm>> -> memref<1x1x1x8x128xf32, #tpu.memory_space<hbm>>
      %dma_wait3A_94 = tpu.memref_squeeze %dma_wait3A_93 : memref<1x1x1x8x128xf32, #tpu.memory_space<hbm>> -> memref<8x128xf32, #tpu.memory_space<hbm>>
      %dma_wait3A_95 = arith.constant 24 : i32
      %dma_wait3A_96 = arith.constant 0 : i32
      %dma_wait3A_97 = tpu.memref_slice %arg9[%dma_wait3A_95, %dma_wait3A_96] : memref<64x136xf32, #tpu.memory_space<vmem>> -> memref<8x128xf32, #tpu.memory_space<vmem>>
      tpu.wait_dma2 semaphore(%arg12 : memref<!tpu.dma_semaphore, #tpu.memory_space<semaphore_mem>>) src(%dma_wait3A_97 : memref<8x128xf32, #tpu.memory_space<vmem>>) dst(%dma_wait3A_94 : memref<8x128xf32, #tpu.memory_space<hbm>>)
      %dma_wait3A_98 = arith.constant 0 : i32
      %dma_wait3A_99 = arith.constant 0 : i32
      %dma_wait3A_100 = arith.constant 0 : i32
      %dma_wait3A_101 = arith.constant 32 : i32
      %dma_wait3A_102 = arith.constant 0 : i32
      %dma_wait3A_103 = tpu.memref_slice %arg9[%dma_wait3A_101, %dma_wait3A_102] : memref<64x136xf32, #tpu.memory_space<vmem>> -> memref<8x128xf32, #tpu.memory_space<vmem>>
      %dma_wait3A_104 = arith.constant 0 : i32
      %dma_wait3A_105 = arith.constant 0 : i32
      %dma_wait3A_106 = tpu.memref_slice %arg4[%dma_wait3A_98, %dma_wait3A_99, %dma_wait3A_100, %dma_wait3A_104, %dma_wait3A_105] : memref<50x8x128x8x128xf32, #tpu.memory_space<hbm>> -> memref<1x1x1x8x128xf32, #tpu.memory_space<hbm>>
      %dma_wait3A_107 = tpu.memref_squeeze %dma_wait3A_106 : memref<1x1x1x8x128xf32, #tpu.memory_space<hbm>> -> memref<8x128xf32, #tpu.memory_space<hbm>>
      %dma_wait3A_108 = arith.constant 0 : i32
      %dma_wait3A_109 = arith.constant 0 : i32
      %dma_wait3A_110 = tpu.memref_slice %arg4[%dma_wait3A_98, %dma_wait3A_99, %dma_wait3A_100, %dma_wait3A_108, %dma_wait3A_109] : memref<50x8x128x8x128xf32, #tpu.memory_space<hbm>> -> memref<1x1x1x8x128xf32, #tpu.memory_space<hbm>>
      %dma_wait3A_111 = tpu.memref_squeeze %dma_wait3A_110 : memref<1x1x1x8x128xf32, #tpu.memory_space<hbm>> -> memref<8x128xf32, #tpu.memory_space<hbm>>
      %dma_wait3A_112 = arith.constant 32 : i32
      %dma_wait3A_113 = arith.constant 0 : i32
      %dma_wait3A_114 = tpu.memref_slice %arg9[%dma_wait3A_112, %dma_wait3A_113] : memref<64x136xf32, #tpu.memory_space<vmem>> -> memref<8x128xf32, #tpu.memory_space<vmem>>
      tpu.wait_dma2 semaphore(%arg12 : memref<!tpu.dma_semaphore, #tpu.memory_space<semaphore_mem>>) src(%dma_wait3A_114 : memref<8x128xf32, #tpu.memory_space<vmem>>) dst(%dma_wait3A_111 : memref<8x128xf32, #tpu.memory_space<hbm>>)
      %dma_wait3A_115 = arith.constant 0 : i32
      %dma_wait3A_116 = arith.constant 0 : i32
      %dma_wait3A_117 = arith.constant 0 : i32
      %dma_wait3A_118 = arith.constant 40 : i32
      %dma_wait3A_119 = arith.constant 0 : i32
      %dma_wait3A_120 = tpu.memref_slice %arg9[%dma_wait3A_118, %dma_wait3A_119] : memref<64x136xf32, #tpu.memory_space<vmem>> -> memref<8x128xf32, #tpu.memory_space<vmem>>
      %dma_wait3A_121 = arith.constant 0 : i32
      %dma_wait3A_122 = arith.constant 0 : i32
      %dma_wait3A_123 = tpu.memref_slice %arg4[%dma_wait3A_115, %dma_wait3A_116, %dma_wait3A_117, %dma_wait3A_121, %dma_wait3A_122] : memref<50x8x128x8x128xf32, #tpu.memory_space<hbm>> -> memref<1x1x1x8x128xf32, #tpu.memory_space<hbm>>
      %dma_wait3A_124 = tpu.memref_squeeze %dma_wait3A_123 : memref<1x1x1x8x128xf32, #tpu.memory_space<hbm>> -> memref<8x128xf32, #tpu.memory_space<hbm>>
      %dma_wait3A_125 = arith.constant 0 : i32
      %dma_wait3A_126 = arith.constant 0 : i32
      %dma_wait3A_127 = tpu.memref_slice %arg4[%dma_wait3A_115, %dma_wait3A_116, %dma_wait3A_117, %dma_wait3A_125, %dma_wait3A_126] : memref<50x8x128x8x128xf32, #tpu.memory_space<hbm>> -> memref<1x1x1x8x128xf32, #tpu.memory_space<hbm>>
      %dma_wait3A_128 = tpu.memref_squeeze %dma_wait3A_127 : memref<1x1x1x8x128xf32, #tpu.memory_space<hbm>> -> memref<8x128xf32, #tpu.memory_space<hbm>>
      %dma_wait3A_129 = arith.constant 40 : i32
      %dma_wait3A_130 = arith.constant 0 : i32
      %dma_wait3A_131 = tpu.memref_slice %arg9[%dma_wait3A_129, %dma_wait3A_130] : memref<64x136xf32, #tpu.memory_space<vmem>> -> memref<8x128xf32, #tpu.memory_space<vmem>>
      tpu.wait_dma2 semaphore(%arg12 : memref<!tpu.dma_semaphore, #tpu.memory_space<semaphore_mem>>) src(%dma_wait3A_131 : memref<8x128xf32, #tpu.memory_space<vmem>>) dst(%dma_wait3A_128 : memref<8x128xf32, #tpu.memory_space<hbm>>)
      %dma_wait3A_132 = arith.constant 0 : i32
      %dma_wait3A_133 = arith.constant 0 : i32
      %dma_wait3A_134 = arith.constant 0 : i32
      %dma_wait3A_135 = arith.constant 48 : i32
      %dma_wait3A_136 = arith.constant 0 : i32
      %dma_wait3A_137 = tpu.memref_slice %arg9[%dma_wait3A_135, %dma_wait3A_136] : memref<64x136xf32, #tpu.memory_space<vmem>> -> memref<8x128xf32, #tpu.memory_space<vmem>>
      %dma_wait3A_138 = arith.constant 0 : i32
      %dma_wait3A_139 = arith.constant 0 : i32
      %dma_wait3A_140 = tpu.memref_slice %arg4[%dma_wait3A_132, %dma_wait3A_133, %dma_wait3A_134, %dma_wait3A_138, %dma_wait3A_139] : memref<50x8x128x8x128xf32, #tpu.memory_space<hbm>> -> memref<1x1x1x8x128xf32, #tpu.memory_space<hbm>>
      %dma_wait3A_141 = tpu.memref_squeeze %dma_wait3A_140 : memref<1x1x1x8x128xf32, #tpu.memory_space<hbm>> -> memref<8x128xf32, #tpu.memory_space<hbm>>
      %dma_wait3A_142 = arith.constant 0 : i32
      %dma_wait3A_143 = arith.constant 0 : i32
      %dma_wait3A_144 = tpu.memref_slice %arg4[%dma_wait3A_132, %dma_wait3A_133, %dma_wait3A_134, %dma_wait3A_142, %dma_wait3A_143] : memref<50x8x128x8x128xf32, #tpu.memory_space<hbm>> -> memref<1x1x1x8x128xf32, #tpu.memory_space<hbm>>
      %dma_wait3A_145 = tpu.memref_squeeze %dma_wait3A_144 : memref<1x1x1x8x128xf32, #tpu.memory_space<hbm>> -> memref<8x128xf32, #tpu.memory_space<hbm>>
      %dma_wait3A_146 = arith.constant 48 : i32
      %dma_wait3A_147 = arith.constant 0 : i32
      %dma_wait3A_148 = tpu.memref_slice %arg9[%dma_wait3A_146, %dma_wait3A_147] : memref<64x136xf32, #tpu.memory_space<vmem>> -> memref<8x128xf32, #tpu.memory_space<vmem>>
      tpu.wait_dma2 semaphore(%arg12 : memref<!tpu.dma_semaphore, #tpu.memory_space<semaphore_mem>>) src(%dma_wait3A_148 : memref<8x128xf32, #tpu.memory_space<vmem>>) dst(%dma_wait3A_145 : memref<8x128xf32, #tpu.memory_space<hbm>>)
      %dma_wait3A_149 = arith.constant 0 : i32
      %dma_wait3A_150 = arith.constant 0 : i32
      %dma_wait3A_151 = arith.constant 0 : i32
      %dma_wait3A_152 = arith.constant 56 : i32
      %dma_wait3A_153 = arith.constant 0 : i32
      %dma_wait3A_154 = tpu.memref_slice %arg9[%dma_wait3A_152, %dma_wait3A_153] : memref<64x136xf32, #tpu.memory_space<vmem>> -> memref<8x128xf32, #tpu.memory_space<vmem>>
      %dma_wait3A_155 = arith.constant 0 : i32
      %dma_wait3A_156 = arith.constant 0 : i32
      %dma_wait3A_157 = tpu.memref_slice %arg4[%dma_wait3A_149, %dma_wait3A_150, %dma_wait3A_151, %dma_wait3A_155, %dma_wait3A_156] : memref<50x8x128x8x128xf32, #tpu.memory_space<hbm>> -> memref<1x1x1x8x128xf32, #tpu.memory_space<hbm>>
      %dma_wait3A_158 = tpu.memref_squeeze %dma_wait3A_157 : memref<1x1x1x8x128xf32, #tpu.memory_space<hbm>> -> memref<8x128xf32, #tpu.memory_space<hbm>>
      %dma_wait3A_159 = arith.constant 0 : i32
      %dma_wait3A_160 = arith.constant 0 : i32
      %dma_wait3A_161 = tpu.memref_slice %arg4[%dma_wait3A_149, %dma_wait3A_150, %dma_wait3A_151, %dma_wait3A_159, %dma_wait3A_160] : memref<50x8x128x8x128xf32, #tpu.memory_space<hbm>> -> memref<1x1x1x8x128xf32, #tpu.memory_space<hbm>>
      %dma_wait3A_162 = tpu.memref_squeeze %dma_wait3A_161 : memref<1x1x1x8x128xf32, #tpu.memory_space<hbm>> -> memref<8x128xf32, #tpu.memory_space<hbm>>
      %dma_wait3A_163 = arith.constant 56 : i32
      %dma_wait3A_164 = arith.constant 0 : i32
      %dma_wait3A_165 = tpu.memref_slice %arg9[%dma_wait3A_163, %dma_wait3A_164] : memref<64x136xf32, #tpu.memory_space<vmem>> -> memref<8x128xf32, #tpu.memory_space<vmem>>
      tpu.wait_dma2 semaphore(%arg12 : memref<!tpu.dma_semaphore, #tpu.memory_space<semaphore_mem>>) src(%dma_wait3A_165 : memref<8x128xf32, #tpu.memory_space<vmem>>) dst(%dma_wait3A_162 : memref<8x128xf32, #tpu.memory_space<hbm>>)
      %dma_wait3A_166 = arith.constant 0 : i32
      %dma_wait3A_167 = arith.constant 0 : i32
      %dma_wait3A_168 = arith.constant 0 : i32
      %dma_wait3A_169 = arith.constant 0 : i32
      %dma_wait3A_170 = arith.constant 0 : i32
      %dma_wait3A_171 = tpu.memref_slice %arg10[%dma_wait3A_169, %dma_wait3A_170] : memref<64x136xf32, #tpu.memory_space<vmem>> -> memref<8x128xf32, #tpu.memory_space<vmem>>
      %dma_wait3A_172 = arith.constant 0 : i32
      %dma_wait3A_173 = arith.constant 0 : i32
      %dma_wait3A_174 = tpu.memref_slice %arg4[%dma_wait3A_166, %dma_wait3A_167, %dma_wait3A_168, %dma_wait3A_172, %dma_wait3A_173] : memref<50x8x128x8x128xf32, #tpu.memory_space<hbm>> -> memref<1x1x1x8x128xf32, #tpu.memory_space<hbm>>
      %dma_wait3A_175 = tpu.memref_squeeze %dma_wait3A_174 : memref<1x1x1x8x128xf32, #tpu.memory_space<hbm>> -> memref<8x128xf32, #tpu.memory_space<hbm>>
      %dma_wait3A_176 = arith.constant 0 : i32
      %dma_wait3A_177 = arith.constant 0 : i32
      %dma_wait3A_178 = tpu.memref_slice %arg4[%dma_wait3A_166, %dma_wait3A_167, %dma_wait3A_168, %dma_wait3A_176, %dma_wait3A_177] : memref<50x8x128x8x128xf32, #tpu.memory_space<hbm>> -> memref<1x1x1x8x128xf32, #tpu.memory_space<hbm>>
      %dma_wait3A_179 = tpu.memref_squeeze %dma_wait3A_178 : memref<1x1x1x8x128xf32, #tpu.memory_space<hbm>> -> memref<8x128xf32, #tpu.memory_space<hbm>>
      %dma_wait3A_180 = arith.constant 0 : i32
      %dma_wait3A_181 = arith.constant 0 : i32
      %dma_wait3A_182 = tpu.memref_slice %arg10[%dma_wait3A_180, %dma_wait3A_181] : memref<64x136xf32, #tpu.memory_space<vmem>> -> memref<8x128xf32, #tpu.memory_space<vmem>>
      tpu.wait_dma2 semaphore(%arg12 : memref<!tpu.dma_semaphore, #tpu.memory_space<semaphore_mem>>) src(%dma_wait3A_182 : memref<8x128xf32, #tpu.memory_space<vmem>>) dst(%dma_wait3A_179 : memref<8x128xf32, #tpu.memory_space<hbm>>)
      %dma_wait3A_183 = arith.constant 0 : i32
      %dma_wait3A_184 = arith.constant 0 : i32
      %dma_wait3A_185 = arith.constant 0 : i32
      %dma_wait3A_186 = arith.constant 8 : i32
      %dma_wait3A_187 = arith.constant 0 : i32
      %dma_wait3A_188 = tpu.memref_slice %arg10[%dma_wait3A_186, %dma_wait3A_187] : memref<64x136xf32, #tpu.memory_space<vmem>> -> memref<8x128xf32, #tpu.memory_space<vmem>>
      %dma_wait3A_189 = arith.constant 0 : i32
      %dma_wait3A_190 = arith.constant 0 : i32
      %dma_wait3A_191 = tpu.memref_slice %arg4[%dma_wait3A_183, %dma_wait3A_184, %dma_wait3A_185, %dma_wait3A_189, %dma_wait3A_190] : memref<50x8x128x8x128xf32, #tpu.memory_space<hbm>> -> memref<1x1x1x8x128xf32, #tpu.memory_space<hbm>>
      %dma_wait3A_192 = tpu.memref_squeeze %dma_wait3A_191 : memref<1x1x1x8x128xf32, #tpu.memory_space<hbm>> -> memref<8x128xf32, #tpu.memory_space<hbm>>
      %dma_wait3A_193 = arith.constant 0 : i32
      %dma_wait3A_194 = arith.constant 0 : i32
      %dma_wait3A_195 = tpu.memref_slice %arg4[%dma_wait3A_183, %dma_wait3A_184, %dma_wait3A_185, %dma_wait3A_193, %dma_wait3A_194] : memref<50x8x128x8x128xf32, #tpu.memory_space<hbm>> -> memref<1x1x1x8x128xf32, #tpu.memory_space<hbm>>
      %dma_wait3A_196 = tpu.memref_squeeze %dma_wait3A_195 : memref<1x1x1x8x128xf32, #tpu.memory_space<hbm>> -> memref<8x128xf32, #tpu.memory_space<hbm>>
      %dma_wait3A_197 = arith.constant 8 : i32
      %dma_wait3A_198 = arith.constant 0 : i32
      %dma_wait3A_199 = tpu.memref_slice %arg10[%dma_wait3A_197, %dma_wait3A_198] : memref<64x136xf32, #tpu.memory_space<vmem>> -> memref<8x128xf32, #tpu.memory_space<vmem>>
      tpu.wait_dma2 semaphore(%arg12 : memref<!tpu.dma_semaphore, #tpu.memory_space<semaphore_mem>>) src(%dma_wait3A_199 : memref<8x128xf32, #tpu.memory_space<vmem>>) dst(%dma_wait3A_196 : memref<8x128xf32, #tpu.memory_space<hbm>>)
      %dma_wait3A_200 = arith.constant 0 : i32
      %dma_wait3A_201 = arith.constant 0 : i32
      %dma_wait3A_202 = arith.constant 0 : i32
      %dma_wait3A_203 = arith.constant 16 : i32
      %dma_wait3A_204 = arith.constant 0 : i32
      %dma_wait3A_205 = tpu.memref_slice %arg10[%dma_wait3A_203, %dma_wait3A_204] : memref<64x136xf32, #tpu.memory_space<vmem>> -> memref<8x128xf32, #tpu.memory_space<vmem>>
      %dma_wait3A_206 = arith.constant 0 : i32
      %dma_wait3A_207 = arith.constant 0 : i32
      %dma_wait3A_208 = tpu.memref_slice %arg4[%dma_wait3A_200, %dma_wait3A_201, %dma_wait3A_202, %dma_wait3A_206, %dma_wait3A_207] : memref<50x8x128x8x128xf32, #tpu.memory_space<hbm>> -> memref<1x1x1x8x128xf32, #tpu.memory_space<hbm>>
      %dma_wait3A_209 = tpu.memref_squeeze %dma_wait3A_208 : memref<1x1x1x8x128xf32, #tpu.memory_space<hbm>> -> memref<8x128xf32, #tpu.memory_space<hbm>>
      %dma_wait3A_210 = arith.constant 0 : i32
      %dma_wait3A_211 = arith.constant 0 : i32
      %dma_wait3A_212 = tpu.memref_slice %arg4[%dma_wait3A_200, %dma_wait3A_201, %dma_wait3A_202, %dma_wait3A_210, %dma_wait3A_211] : memref<50x8x128x8x128xf32, #tpu.memory_space<hbm>> -> memref<1x1x1x8x128xf32, #tpu.memory_space<hbm>>
      %dma_wait3A_213 = tpu.memref_squeeze %dma_wait3A_212 : memref<1x1x1x8x128xf32, #tpu.memory_space<hbm>> -> memref<8x128xf32, #tpu.memory_space<hbm>>
      %dma_wait3A_214 = arith.constant 16 : i32
      %dma_wait3A_215 = arith.constant 0 : i32
      %dma_wait3A_216 = tpu.memref_slice %arg10[%dma_wait3A_214, %dma_wait3A_215] : memref<64x136xf32, #tpu.memory_space<vmem>> -> memref<8x128xf32, #tpu.memory_space<vmem>>
      tpu.wait_dma2 semaphore(%arg12 : memref<!tpu.dma_semaphore, #tpu.memory_space<semaphore_mem>>) src(%dma_wait3A_216 : memref<8x128xf32, #tpu.memory_space<vmem>>) dst(%dma_wait3A_213 : memref<8x128xf32, #tpu.memory_space<hbm>>)
      %dma_wait3A_217 = arith.constant 0 : i32
      %dma_wait3A_218 = arith.constant 0 : i32
      %dma_wait3A_219 = arith.constant 0 : i32
      %dma_wait3A_220 = arith.constant 24 : i32
      %dma_wait3A_221 = arith.constant 0 : i32
      %dma_wait3A_222 = tpu.memref_slice %arg10[%dma_wait3A_220, %dma_wait3A_221] : memref<64x136xf32, #tpu.memory_space<vmem>> -> memref<8x128xf32, #tpu.memory_space<vmem>>
      %dma_wait3A_223 = arith.constant 0 : i32
      %dma_wait3A_224 = arith.constant 0 : i32
      %dma_wait3A_225 = tpu.memref_slice %arg4[%dma_wait3A_217, %dma_wait3A_218, %dma_wait3A_219, %dma_wait3A_223, %dma_wait3A_224] : memref<50x8x128x8x128xf32, #tpu.memory_space<hbm>> -> memref<1x1x1x8x128xf32, #tpu.memory_space<hbm>>
      %dma_wait3A_226 = tpu.memref_squeeze %dma_wait3A_225 : memref<1x1x1x8x128xf32, #tpu.memory_space<hbm>> -> memref<8x128xf32, #tpu.memory_space<hbm>>
      %dma_wait3A_227 = arith.constant 0 : i32
      %dma_wait3A_228 = arith.constant 0 : i32
      %dma_wait3A_229 = tpu.memref_slice %arg4[%dma_wait3A_217, %dma_wait3A_218, %dma_wait3A_219, %dma_wait3A_227, %dma_wait3A_228] : memref<50x8x128x8x128xf32, #tpu.memory_space<hbm>> -> memref<1x1x1x8x128xf32, #tpu.memory_space<hbm>>
      %dma_wait3A_230 = tpu.memref_squeeze %dma_wait3A_229 : memref<1x1x1x8x128xf32, #tpu.memory_space<hbm>> -> memref<8x128xf32, #tpu.memory_space<hbm>>
      %dma_wait3A_231 = arith.constant 24 : i32
      %dma_wait3A_232 = arith.constant 0 : i32
      %dma_wait3A_233 = tpu.memref_slice %arg10[%dma_wait3A_231, %dma_wait3A_232] : memref<64x136xf32, #tpu.memory_space<vmem>> -> memref<8x128xf32, #tpu.memory_space<vmem>>
      tpu.wait_dma2 semaphore(%arg12 : memref<!tpu.dma_semaphore, #tpu.memory_space<semaphore_mem>>) src(%dma_wait3A_233 : memref<8x128xf32, #tpu.memory_space<vmem>>) dst(%dma_wait3A_230 : memref<8x128xf32, #tpu.memory_space<hbm>>)
      %dma_wait3A_234 = arith.constant 0 : i32
      %dma_wait3A_235 = arith.constant 0 : i32
      %dma_wait3A_236 = arith.constant 0 : i32
      %dma_wait3A_237 = arith.constant 32 : i32
      %dma_wait3A_238 = arith.constant 0 : i32
      %dma_wait3A_239 = tpu.memref_slice %arg10[%dma_wait3A_237, %dma_wait3A_238] : memref<64x136xf32, #tpu.memory_space<vmem>> -> memref<8x128xf32, #tpu.memory_space<vmem>>
      %dma_wait3A_240 = arith.constant 0 : i32
      %dma_wait3A_241 = arith.constant 0 : i32
      %dma_wait3A_242 = tpu.memref_slice %arg4[%dma_wait3A_234, %dma_wait3A_235, %dma_wait3A_236, %dma_wait3A_240, %dma_wait3A_241] : memref<50x8x128x8x128xf32, #tpu.memory_space<hbm>> -> memref<1x1x1x8x128xf32, #tpu.memory_space<hbm>>
      %dma_wait3A_243 = tpu.memref_squeeze %dma_wait3A_242 : memref<1x1x1x8x128xf32, #tpu.memory_space<hbm>> -> memref<8x128xf32, #tpu.memory_space<hbm>>
      %dma_wait3A_244 = arith.constant 0 : i32
      %dma_wait3A_245 = arith.constant 0 : i32
      %dma_wait3A_246 = tpu.memref_slice %arg4[%dma_wait3A_234, %dma_wait3A_235, %dma_wait3A_236, %dma_wait3A_244, %dma_wait3A_245] : memref<50x8x128x8x128xf32, #tpu.memory_space<hbm>> -> memref<1x1x1x8x128xf32, #tpu.memory_space<hbm>>
      %dma_wait3A_247 = tpu.memref_squeeze %dma_wait3A_246 : memref<1x1x1x8x128xf32, #tpu.memory_space<hbm>> -> memref<8x128xf32, #tpu.memory_space<hbm>>
      %dma_wait3A_248 = arith.constant 32 : i32
      %dma_wait3A_249 = arith.constant 0 : i32
      %dma_wait3A_250 = tpu.memref_slice %arg10[%dma_wait3A_248, %dma_wait3A_249] : memref<64x136xf32, #tpu.memory_space<vmem>> -> memref<8x128xf32, #tpu.memory_space<vmem>>
      tpu.wait_dma2 semaphore(%arg12 : memref<!tpu.dma_semaphore, #tpu.memory_space<semaphore_mem>>) src(%dma_wait3A_250 : memref<8x128xf32, #tpu.memory_space<vmem>>) dst(%dma_wait3A_247 : memref<8x128xf32, #tpu.memory_space<hbm>>)
      %dma_wait3A_251 = arith.constant 0 : i32
      %dma_wait3A_252 = arith.constant 0 : i32
      %dma_wait3A_253 = arith.constant 0 : i32
      %dma_wait3A_254 = arith.constant 40 : i32
      %dma_wait3A_255 = arith.constant 0 : i32
      %dma_wait3A_256 = tpu.memref_slice %arg10[%dma_wait3A_254, %dma_wait3A_255] : memref<64x136xf32, #tpu.memory_space<vmem>> -> memref<8x128xf32, #tpu.memory_space<vmem>>
      %dma_wait3A_257 = arith.constant 0 : i32
      %dma_wait3A_258 = arith.constant 0 : i32
      %dma_wait3A_259 = tpu.memref_slice %arg4[%dma_wait3A_251, %dma_wait3A_252, %dma_wait3A_253, %dma_wait3A_257, %dma_wait3A_258] : memref<50x8x128x8x128xf32, #tpu.memory_space<hbm>> -> memref<1x1x1x8x128xf32, #tpu.memory_space<hbm>>
      %dma_wait3A_260 = tpu.memref_squeeze %dma_wait3A_259 : memref<1x1x1x8x128xf32, #tpu.memory_space<hbm>> -> memref<8x128xf32, #tpu.memory_space<hbm>>
      %dma_wait3A_261 = arith.constant 0 : i32
      %dma_wait3A_262 = arith.constant 0 : i32
      %dma_wait3A_263 = tpu.memref_slice %arg4[%dma_wait3A_251, %dma_wait3A_252, %dma_wait3A_253, %dma_wait3A_261, %dma_wait3A_262] : memref<50x8x128x8x128xf32, #tpu.memory_space<hbm>> -> memref<1x1x1x8x128xf32, #tpu.memory_space<hbm>>
      %dma_wait3A_264 = tpu.memref_squeeze %dma_wait3A_263 : memref<1x1x1x8x128xf32, #tpu.memory_space<hbm>> -> memref<8x128xf32, #tpu.memory_space<hbm>>
      %dma_wait3A_265 = arith.constant 40 : i32
      %dma_wait3A_266 = arith.constant 0 : i32
      %dma_wait3A_267 = tpu.memref_slice %arg10[%dma_wait3A_265, %dma_wait3A_266] : memref<64x136xf32, #tpu.memory_space<vmem>> -> memref<8x128xf32, #tpu.memory_space<vmem>>
      tpu.wait_dma2 semaphore(%arg12 : memref<!tpu.dma_semaphore, #tpu.memory_space<semaphore_mem>>) src(%dma_wait3A_267 : memref<8x128xf32, #tpu.memory_space<vmem>>) dst(%dma_wait3A_264 : memref<8x128xf32, #tpu.memory_space<hbm>>)
      %dma_wait3A_268 = arith.constant 0 : i32
      %dma_wait3A_269 = arith.constant 0 : i32
      %dma_wait3A_270 = arith.constant 0 : i32
      %dma_wait3A_271 = arith.constant 48 : i32
      %dma_wait3A_272 = arith.constant 0 : i32
      %dma_wait3A_273 = tpu.memref_slice %arg10[%dma_wait3A_271, %dma_wait3A_272] : memref<64x136xf32, #tpu.memory_space<vmem>> -> memref<8x128xf32, #tpu.memory_space<vmem>>
      %dma_wait3A_274 = arith.constant 0 : i32
      %dma_wait3A_275 = arith.constant 0 : i32
      %dma_wait3A_276 = tpu.memref_slice %arg4[%dma_wait3A_268, %dma_wait3A_269, %dma_wait3A_270, %dma_wait3A_274, %dma_wait3A_275] : memref<50x8x128x8x128xf32, #tpu.memory_space<hbm>> -> memref<1x1x1x8x128xf32, #tpu.memory_space<hbm>>
      %dma_wait3A_277 = tpu.memref_squeeze %dma_wait3A_276 : memref<1x1x1x8x128xf32, #tpu.memory_space<hbm>> -> memref<8x128xf32, #tpu.memory_space<hbm>>
      %dma_wait3A_278 = arith.constant 0 : i32
      %dma_wait3A_279 = arith.constant 0 : i32
      %dma_wait3A_280 = tpu.memref_slice %arg4[%dma_wait3A_268, %dma_wait3A_269, %dma_wait3A_270, %dma_wait3A_278, %dma_wait3A_279] : memref<50x8x128x8x128xf32, #tpu.memory_space<hbm>> -> memref<1x1x1x8x128xf32, #tpu.memory_space<hbm>>
      %dma_wait3A_281 = tpu.memref_squeeze %dma_wait3A_280 : memref<1x1x1x8x128xf32, #tpu.memory_space<hbm>> -> memref<8x128xf32, #tpu.memory_space<hbm>>
      %dma_wait3A_282 = arith.constant 48 : i32
      %dma_wait3A_283 = arith.constant 0 : i32
      %dma_wait3A_284 = tpu.memref_slice %arg10[%dma_wait3A_282, %dma_wait3A_283] : memref<64x136xf32, #tpu.memory_space<vmem>> -> memref<8x128xf32, #tpu.memory_space<vmem>>
      tpu.wait_dma2 semaphore(%arg12 : memref<!tpu.dma_semaphore, #tpu.memory_space<semaphore_mem>>) src(%dma_wait3A_284 : memref<8x128xf32, #tpu.memory_space<vmem>>) dst(%dma_wait3A_281 : memref<8x128xf32, #tpu.memory_space<hbm>>)
      %dma_wait3A_285 = arith.constant 0 : i32
      %dma_wait3A_286 = arith.constant 0 : i32
      %dma_wait3A_287 = arith.constant 0 : i32
      %dma_wait3A_288 = arith.constant 56 : i32
      %dma_wait3A_289 = arith.constant 0 : i32
      %dma_wait3A_290 = tpu.memref_slice %arg10[%dma_wait3A_288, %dma_wait3A_289] : memref<64x136xf32, #tpu.memory_space<vmem>> -> memref<8x128xf32, #tpu.memory_space<vmem>>
      %dma_wait3A_291 = arith.constant 0 : i32
      %dma_wait3A_292 = arith.constant 0 : i32
      %dma_wait3A_293 = tpu.memref_slice %arg4[%dma_wait3A_285, %dma_wait3A_286, %dma_wait3A_287, %dma_wait3A_291, %dma_wait3A_292] : memref<50x8x128x8x128xf32, #tpu.memory_space<hbm>> -> memref<1x1x1x8x128xf32, #tpu.memory_space<hbm>>
      %dma_wait3A_294 = tpu.memref_squeeze %dma_wait3A_293 : memref<1x1x1x8x128xf32, #tpu.memory_space<hbm>> -> memref<8x128xf32, #tpu.memory_space<hbm>>
      %dma_wait3A_295 = arith.constant 0 : i32
      %dma_wait3A_296 = arith.constant 0 : i32
      %dma_wait3A_297 = tpu.memref_slice %arg4[%dma_wait3A_285, %dma_wait3A_286, %dma_wait3A_287, %dma_wait3A_295, %dma_wait3A_296] : memref<50x8x128x8x128xf32, #tpu.memory_space<hbm>> -> memref<1x1x1x8x128xf32, #tpu.memory_space<hbm>>
      %dma_wait3A_298 = tpu.memref_squeeze %dma_wait3A_297 : memref<1x1x1x8x128xf32, #tpu.memory_space<hbm>> -> memref<8x128xf32, #tpu.memory_space<hbm>>
      %dma_wait3A_299 = arith.constant 56 : i32
      %dma_wait3A_300 = arith.constant 0 : i32
      %dma_wait3A_301 = tpu.memref_slice %arg10[%dma_wait3A_299, %dma_wait3A_300] : memref<64x136xf32, #tpu.memory_space<vmem>> -> memref<8x128xf32, #tpu.memory_space<vmem>>
      tpu.wait_dma2 semaphore(%arg12 : memref<!tpu.dma_semaphore, #tpu.memory_space<semaphore_mem>>) src(%dma_wait3A_301 : memref<8x128xf32, #tpu.memory_space<vmem>>) dst(%dma_wait3A_298 : memref<8x128xf32, #tpu.memory_space<hbm>>)
    }
    return
  }
}

</mosaic_0001>

<sc_bundles>
// kernel: kernel.3.cloned.1.call-start
scs
__scs_entry_jumppad:
0x0: {  	(pc) =	sbr.rel $0x88, $3  }
0x1: {  	(tag) =	ssettag $0x0;
	lr =	simm.s32 $0x1  }
0x2: {  	[smem:$0x3F9F] =	sst lr;
	_ =	strace $0xD0000000  }
0x3: {  	_ = 	snop  }
0x4: {  	_ = 	snop  }
0x5: {  	_ = 	snop  }
0x6: {  	_ = 	snop  }
0x7: {  	_ = 	snop  }
__scs_overlays_trampoline_lowered:
0x8: {  	[smem:$0x3FAE] =	sst s0  }
0x9: {  	[smem:$0x3FAF] =	sst s1  }
0xa: {  	[smem:$0x3FB0] =	sst s2  }
0xb: {  	[smem:$0x3FB1] =	sst s3  }
0xc: {  	[smem:$0x3FB2] =	sst s4  }
0xd: {  	[smem:$0x3FB3] =	sst s5  }
0xe: {  	[smem:$0x3FB4] =	sst s6  }
0xf: {  	[smem:$0x3FB5] =	sst s7  }
0x10: {  	[smem:$0x3FB6] =	sst s8  }
0x11: {  	[smem:$0x3FB7] =	sst s9;
	s0 =	simm.s32 @!p0 $0x0  }
0x12: {  	s1 =	sld [smem:$0x3F9D];
	s0 =	simm.s32 @p0 $0x1  }
0x13: {  	[smem:$0x3FB8] =	sst s0;
	s0 =	simm.s32 @!p1 $0x0  }
0x14: {  	s2 =	sld [smem:$0x3F9C];
	s0 =	simm.s32 @p1 $0x1  }
0x15: {  	[smem:$0x3FB9] =	sst s0;
	s0 =	simm.s32 @!p2 $0x0  }
0x16: {  	s3 =	sld [smem:$0x3FDB];
	s0 =	simm.s32 @p2 $0x1  }
0x17: {  	s4 =	simm.s32 $0x1BF5;
	[smem:$0x3FBB] =	sst s0  }
0x18: {  	s0 =	sld [smem:$0x3F9E];
	_ =	swait.ge [sflag:s4], $0x0  }
0x19: {  	s7 =	sld [smem:$0x3F9F]  }
0x1a: {  	s8 =	sadd.s32 $0xFFFFE003, lr  }
0x1b: {  	s9 =	sadd.s32 $0xFFFFFEF7, lr;
	s5 =	simm.s32 $0xFFFFFFFF;
	p2 =	slt.u32 s8, $0xFFFFF086  }
0x1c: {  	p1 =	slt.u32 s9, $0xF7A;
	s5 =	simm.s32 @!p2 $0x0  }
0x1d: {  	s5 =	simm.s32 @p1 $0x1;
	p0 =	seq.s32 s7, s2  }
0x1e: {  	s7 =	smul.u32 @!p0 $0xF7A, s2;
	p2 =	seq.s32 @!p0 s5, $0x0  }
0x1f: {  	s9 =	smul.u32 $0xF7A, s1;
	s8 =	simm.s32 @!p0 $0x1BF5;
	p2 =	por !p2, p0  }
0x20: {  	[sflag:s8] =	ssyncset.s32 @!p0 $0xFFFFF086;
	s6 =	sadd.s32 @!p0 s3, s7;
	s7 =	simm.s32 @!p0 $0x108  }
0x21: {  	s3 =	sadd.s32 s3, s9;
	s6 =	sadd.s32 @!p0 $0x88, s6;
	s7 =	simm.s32 @p2 $0x1082  }
0x22: {  	[simem:s7], [sflag:s8] =	dma.local @!p0 [hbm:s6], $0xF7A  }
0x23: {  	s9 =	sor.u32 $0xD0000000, s2;
	s6 =	simm.s32 $0x108;
	_ =	swait.ge @!p0 [sflag:s8], $0x0  }
0x24: {  	s3 =	sadd.s32 $0x88, s3;
	s6 =	simm.s32 @!p1 $0x1082;
	[sflag:s4] =	ssyncset.s32 $0xFFFFF086  }
0x25: {  	[simem:s6], [sflag:s4] =	dma.local [hbm:s3], $0xF7A  }
0x26: {  	[smem:$0x3F9F] =	sst s1;
	(tag) =	ssettag s2;
	_ =	strace s9  }
0x27: {  	s1 =	sld [smem:$0x3FAF]  }
0x28: {  	s2 =	sld [smem:$0x3FB0]  }
0x29: {  	s4 =	sld [smem:$0x3FB2]  }
0x2a: {  	p0 =	seq.s32 s5, $0x0;
	s5 =	sld [smem:$0x3FB3]  }
0x2b: {  	s6 =	sld [smem:$0x3FB4]  }
0x2c: {  	s7 =	sld [smem:$0x3FB5]  }
0x2d: {  	s3 =	simm.s32 $0x108;
	s8 =	sld [smem:$0x3FB6]  }
0x2e: {  	s3 =	simm.s32 @!p0 $0x1082;
	s9 =	sld [smem:$0x3FB7]  }
0x2f: {  	lr =	sadd.s32 s0, s3;
	s0 =	sld [smem:$0x3FAE]  }
0x30: {  	s3 =	sld [smem:$0x3FB1]  }
0x31: {  	[smem:$0x3FBA] =	sst s10  }
0x32: {  	s10 =	sld [smem:$0x3FB8];
	_ =	sdelay $0x3  }
0x33: {  	p0 =	seq.s32 s10, $0x1;
	s10 =	sld [smem:$0x3FBA];
	_ =	sdelay $0x3  }
0x34: {  	[smem:$0x3FBA] =	sst s10  }
0x35: {  	s10 =	sld [smem:$0x3FB9];
	_ =	sdelay $0x3  }
0x36: {  	p1 =	seq.s32 s10, $0x1;
	s10 =	sld [smem:$0x3FBA];
	_ =	sdelay $0x3  }
0x37: {  	[smem:$0x3FBA] =	sst s10  }
0x38: {  	s10 =	sld [smem:$0x3FBB]  }
0x39: {  	_ = 	snop;
	(pc) =	sbr.ind lr, $3  }
0x3a: {  	_ = 	snop  }
0x3b: {  	_ = 	snop  }
0x3c: {  	p2 =	seq.s32 s10, $0x1;
	s10 =	sld [smem:$0x3FBA]  }
0x3d: {  	_ =	shalt  }
0x3e: {  	_ =	shalt  }
0x3f: {  	_ =	shalt  }
0x40: {  	_ =	shalt  }
0x41: {  	_ =	shalt  }
0x42: {  	_ =	shalt  }
0x43: {  	_ =	shalt  }
0x44: {  	_ =	shalt  }
0x45: {  	_ =	shalt  }
0x46: {  	_ =	shalt  }
0x47: {  	_ =	shalt  }
0x48: {  	_ =	shalt  }
0x49: {  	_ =	shalt  }
0x4a: {  	_ =	shalt  }
0x4b: {  	_ =	shalt  }
0x4c: {  	_ =	shalt  }
0x4d: {  	_ =	shalt  }
0x4e: {  	_ =	shalt  }
0x4f: {  	_ =	shalt  }
0x50: {  	_ =	shalt  }
0x51: {  	_ =	shalt  }
0x52: {  	_ =	shalt  }
0x53: {  	_ =	shalt  }
0x54: {  	_ =	shalt  }
0x55: {  	_ =	shalt  }
0x56: {  	_ =	shalt  }
0x57: {  	_ =	shalt  }
0x58: {  	_ =	shalt  }
0x59: {  	_ =	shalt  }
0x5a: {  	_ =	shalt  }
0x5b: {  	_ =	shalt  }
0x5c: {  	_ =	shalt  }
0x5d: {  	_ =	shalt  }
0x5e: {  	_ =	shalt  }
0x5f: {  	_ =	shalt  }
0x60: {  	_ =	shalt  }
0x61: {  	_ =	shalt  }
0x62: {  	_ =	shalt  }
0x63: {  	_ =	shalt  }
0x64: {  	_ =	shalt  }
0x65: {  	_ =	shalt  }
0x66: {  	_ =	shalt  }
0x67: {  	_ =	shalt  }
0x68: {  	_ =	shalt  }
0x69: {  	_ =	shalt  }
0x6a: {  	_ =	shalt  }
0x6b: {  	_ =	shalt  }
0x6c: {  	_ =	shalt  }
0x6d: {  	_ =	shalt  }
0x6e: {  	_ =	shalt  }
0x6f: {  	_ =	shalt  }
0x70: {  	_ =	shalt  }
0x71: {  	_ =	shalt  }
0x72: {  	_ =	shalt  }
0x73: {  	_ =	shalt  }
0x74: {  	_ =	shalt  }
0x75: {  	_ =	shalt  }
0x76: {  	_ =	shalt  }
0x77: {  	_ =	shalt  }
0x78: {  	_ =	shalt  }
0x79: {  	_ =	shalt  }
0x7a: {  	_ =	shalt  }
0x7b: {  	_ =	shalt  }
0x7c: {  	_ =	shalt  }
0x7d: {  	_ =	shalt  }
0x7e: {  	_ =	shalt  }
0x7f: {  	_ =	shalt  }
0x80: {  	_ =	shalt  }
0x81: {  	_ =	shalt  }
0x82: {  	_ =	shalt  }
0x83: {  	_ =	shalt  }
0x84: {  	_ =	shalt  }
0x85: {  	_ =	shalt  }
0x86: {  	_ =	shalt  }
0x87: {  	_ =	shalt  }
.Lfunc_end0:
.L_simem_size_0:
called_computation_lowered:
.L_overlay_start_0:
0x88: {  	s2 =	sld [smem:$0x3FD9]  }
0x89: {  	s3 =	sld [smem:$0x3FFE];
	_ =	sdelay $0x1  }
0x8a: {  	s1 =	srdreg.scid  }
0x8b: {  	s0 =	sand.u32 $0x1, s1  }
0x8c: {  	s17 =	sshll.u32 s0, $0xA;
	s2 =	sadd.s32 s3, s2  }
0x8d: {  	s2 =	sadd.s32 s2, s17  }
0x8e: {  	[smem:$0x3FC6] =	sst s2  }
0x8f: {  	_ = 	snop  }
0x90: {  	s2 =	sld [smem:$0x3FD0];
	(tm) =	ssettm $0x1  }
0x91: {  	s18 =	sld [smem:$0x3FFB];
	_ =	sdelay $0x3  }
0x92: {  	_ =	strace s18  }
0x93: {  	s3 =	sld [smem:$0x3FFC];
	_ =	sdelay $0x3  }
0x94: {  	_ =	strace s3  }
0x95: {  	s3 =	sld [smem:$0x3FFD];
	_ =	sdelay $0x3  }
0x96: {  	_ =	strace s3  }
0x97: {  	_ =	strace $0x8FFFFFFF  }
0x98: {  	s19 =	sld [smem:$0x3FDB];
	_ =	sdelay $0x1  }
0x99: {  	s4 =	simm.s32 $_scs_section_size  }
0x9a: {  	s5 =	simm.s32 $_size__tile_overlayer_lowered;
	s6 =	simm.s32 $_tile_overlayer_lowered  }
0x9b: {  	s22 =	simm.s32 $0x1BFF;
	s21 =	sshll.u32 s6, $0x1;
	s3 =	sadd.s32 s4, s19  }
0x9c: {  	s7 =	simm.s32 $0x0;
	s20 =	sshll.u32 s5, $0x1;
	s5 =	sadd.s32 s21, s3  }
0x9d: {  	[timem:s7], [sflag:s22] =	dma.local [hbm:s5], s20  }
0x9e: {  	_ =	swait.ge [sflag:s22], s20  }
0x9f: {  	s4 =	ssub.s32 $0x0, s20;
	[sflag:s22] =	ssyncset.done $0x0  }
0xa0: {  	[sflag:s22] =	ssyncadd.s32 s4;
	_ =	sdelay $0x1  }
0xa1: {  	s23 =	simm.s32 $0x1B8B  }
0xa2: {  	_ =	swait.ge [sflag:s23], $0x1  }
0xa3: {  	[sflag:s23] =	ssyncset.done $0x0  }
0xa4: {  	s25 =	simm.s32 $0x1B8E;
	s24 =	sld [smem:$0x3FFE];
	[sflag:s23] =	ssyncadd.s32 $0xFFFFFFFF  }
0xa5: {  	s26 =	simm.s32 $execute0_lowered;
	[smem:$0x3FD2] =	sst s25  }
0xa6: {  	s5 =	sshll.u32 s26, $0x1;
	_ =	strace $0x80000046;
	[dreg:$0x1] =	wrdreg $0xFFFFFFFF  }
0xa7: {  	s28 =	simm.s32 $_size_execute0_lowered;
	s3 =	sadd.s32 s3, s5;
	[dreg:$0x0] =	wrdreg $0x0  }
0xa8: {  	s5 =	sshll.u32 s28, $0x1;
	[dreg:$0x2] =	wrdreg s3  }
0xa9: {  	[dreg:$0x3] =	wrdreg s5  }
0xaa: {  	[dreg:$0x4] =	wrdreg $0xC0  }
0xab: {  	_ =	task [dreg:s7], $0x5FFFF  }
0xac: {  	[dreg:$0x1] =	wrdreg $0xFFFFFFFF  }
0xad: {  	[dreg:$0x0] =	wrdreg $0x60  }
0xae: {  	[dreg:$0x2] =	wrdreg s24  }
0xaf: {  	[dreg:$0x3] =	wrdreg s2  }
0xb0: {  	[dreg:$0x4] =	wrdreg $0x9  }
0xb1: {  	_ =	task.clear_ibuf [dreg:s7], $0x5FFFF;
	_ =	strace $0x90000046  }
0xb2: {  	s29 =	simm.s32 $0x9;
	_ =	strace $0x80000048  }
0xb3: {  	_ =	swait.ge [sflag:s29], $0x1  }
0xb4: {  	[sflag:s29] =	ssyncadd.s32 $0xFFFFFFFF  }
0xb5: {  	_ =	strace $0x90000048  }
0xb6: {  	_ =	sfence  }
0xb7: {  	s30 =	sld [smem:$0x0];
	_ =	sdelay $0x2  }
0xb8: {  	s31 =	sshll.u32 s1, $0xD;
	s1 =	sshrl.u32 s1, $0x2  }
0xb9: {  	s3 =	sand.u32 $0x4000, s31;
	s1 =	sadd.s32 s1, s30  }
0xba: {  	s0 =	sor.u32 s3, s0;
	s1 =	sshll.u32 s1, $0x11  }
0xbb: {  	s0 =	sor.u32 s1, s0  }
0xbc: {  	s0 =	sadd.s32 $0x8F2B, s0  }
0xbd: {  	[sflag:s0] =	ssyncadd.remote.s32 $0x1  }
0xbe: {  	_ =	sfence.sel $0xFFFF  }
0xbf: {  	[dreg:$0x0] =	wrdreg $0xFFFFFFFF;
	(pc) =	sbr.abs _section_cstart, $3  }
0xc0: {  	[dreg:$0x1] =	wrdreg $0xFFFFFFFF  }
0xc1: {  	_ =	task.clear_ibuf [dreg:s7], $0x2FFFF;
	_ =	strace $0x9FFFFFFF  }
0xc2: {  	(tm) =	ssettm $0x7FFFFFFF  }
0xc3: {  	_ =	shalt  }
tec
execute0_lowered:
.L_overlay_start_1:
0x0: {  	(tag) =	ssettag $0x1  }
0x1: {  	s0 =	rddreg [dreg:$0x0]  }
0x2: {  	s1 =	rddreg [dreg:$0x1];
	s2 =	simm.s32 $0x0  }
0x3: {  	s3 =	srdreg.scid;
	s5 =	stileid.u32;
	s13 =	simm.s32 $0x1  }
0x4: {  	s15 =	simm.s32 $0x7200;
	s29 =	simm.s32 $0x9400;
	s8 =	simm.s32 $0xB138  }
0x5: {  	s11 =	simm.s32 $0xB248;
	s12 =	simm.s32 $0xB2D0;
	s9 =	simm.s32 $0xB468  }
0x6: {  	s14 =	simm.s32 $0xB4F0;
	s16 =	simm.s32 $0xB578;
	s17 =	simm.s32 $0x2  }
0x7: {  	v5 =	vlaneseq.u32;
	[smem:$0x7FF] =	sst s2;
	s3 =	sand.u32 $0x1, s3;
	s4 =	sadd.s32 $0x600, s0  }
0x8: {  	s7 =	sshll.u32 s5, $0x3;
	s5 =	sadd.s32 $0xF42C00, s0;
	v0 =	vmul.u32 $0x32, v5;
	_ =	strace $0x80000047  }
0x9: {  	[dreg:$0x3] =	wrdreg s4;
	s30 =	ssub.s32 $0x2, s3;
	s3 =	sshll.u32 s3, $0x2  }
0xa: {  	v5 =	vmul.u32 $0x88, v5;
	s4 =	simm.s32 $0xB358;
	s6 =	sshrl.u32 s30, $0x1;
	s3 =	sor.u32 s3, s7;
	v1 =	vadd.s32 $0x320, v0  }
0xb: {  	v2 =	vadd.s32 $0x640, v0;
	v3 =	vadd.s32 $0x960, v0;
	v4 =	vadd.s32 $0xC80, v0;
	s31 =	ssub.s32 s30, s6;
	[dreg:$0x4] =	wrdreg s3;
	s3 =	sadd.s32 $0x4, s3  }
0xc: {  	v6 =	vadd.s32 $0xFA0, v0;
	v7 =	vadd.s32 $0x12C0, v0;
	v8 =	vadd.s32 $0x15E0, v0;
	s7 =	simm.s32 $0xB3E0;
	[dreg:$0x5] =	wrdreg s3;
	s0 =	smax.u32 s31, $0x1  }
0xd: {  	v9 =	vadd.s32 $0x880, v5;
	v10 =	vadd.s32 $0x1100, v5;
	v11 =	vadd.s32 $0x1980, v5;
	s6 =	simm.s32 $0xB1C0;
	s3 =	simm.s32 $0x0;
	[dreg:$0x6] =	wrdreg s0  }
.LBB2_1:
0xe: {  	[dreg:$0x7] =	wrdreg s3  }
0xf: {  	s3 =	rddreg [dreg:$0x4]  }
.LBB2_2:
0x10: {  	s0 =	smul.u32 $0x1900, s3  }
0x11: {  	[dreg:$0x8] =	wrdreg s3  }
0x12: {  	s10 =	rddreg [dreg:$0x3];
	s3 =	sshrl.u32 s0, $0x3;
	s0 =	simm.s32 $0x1  }
0x13: {  	s28 =	simm.s32 $0x0;
	s26 =	simm.s32 $0x3;
	s3 =	sadd.s32 s10, s3;
	v12 =	vadd.s32 s0, v0  }
0x14: {  	[tilespmem:s28], [sflag:$0x3] =	stream.linear.gather [hbm4b:s3+s28], $0x1900, $0x38;
	[tilespmem:$0xB600] =	vst v63  }
0x15: {  	_ =	swait.ge [sflag:s26], $0x1900  }
0x16: {  	[sflag:s26] =	ssyncset.done $0x0  }
0x17: {  	[sflag:s26] =	ssyncadd.s32 $0xFFFFE700  }
0x18: {  	v12 =	vld.idx.msk [tilespmem:v12+s2+$0x0], $0xffff  }
0x19: {  	v13 =	vadd.s32 s0, v1  }
0x1a: {  	v14 =	vadd.s32 s28, v0;
	_ =	sdelay $0x1  }
0x1b: {  	s24 =	simm.s32 $0x1980;
	s26 =	simm.s32 $0x3  }
0x1c: {  	v16 =	vadd.s32 s26, v0;
	[tilespmem:s24+$0x0] =	vst v12  }
0x1d: {  	v12 =	vld.idx.msk [tilespmem:v13+s2+$0x0], $0xffff  }
0x1e: {  	v13 =	vld.idx.msk [tilespmem:v14+s2+$0x0], $0xffff;
	v14 =	vadd.s32 s0, v2  }
0x1f: {  	v15 =	vadd.s32 s28, v1;
	_ =	sdelay $0x1  }
0x20: {  	v16 =	vld.idx.msk [tilespmem:v16+s2+$0x0], $0xffff  }
0x21: {  	s19 =	simm.s32 $0x2;
	v18 =	vadd.s32 s26, v1;
	[tilespmem:s24+$0x10] =	vst v12  }
0x22: {  	v12 =	vadd.s32 s19, v0;
	[tilespmem:s24+$0xFFFFFF80] =	vst v13;
	v13 =	vld.idx.msk [tilespmem:v14+s2+$0x0], $0xffff  }
0x23: {  	v14 =	vld.idx.msk [tilespmem:v15+s2+$0x0], $0xffff;
	v15 =	vadd.s32 s0, v3  }
0x24: {  	s18 =	simm.s32 $0x1A80  }
0x25: {  	v17 =	vadd.s32 s28, v2;
	[tilespmem:s18+$0x0] =	vst v16  }
0x26: {  	v18 =	vld.idx.msk [tilespmem:v18+s2+$0x0], $0xffff  }
0x27: {  	v19 =	vadd.s32 s26, v2;
	v12 =	vld.idx.msk [tilespmem:v12+s2+$0x0], $0xffff;
	[tilespmem:s24+$0x20] =	vst v13  }
0x28: {  	[tilespmem:s24+$0xFFFFFF90] =	vst v14;
	v13 =	vadd.s32 s19, v1;
	v14 =	vld.idx.msk [tilespmem:v15+s2+$0x0], $0xffff  }
0x29: {  	v16 =	vadd.s32 s0, v4  }
0x2a: {  	v15 =	vld.idx.msk [tilespmem:v17+s2+$0x0], $0xffff  }
0x2b: {  	s21 =	simm.s32 $0x5;
	[tilespmem:s18+$0x10] =	vst v18;
	v17 =	vadd.s32 s28, v3  }
0x2c: {  	s20 =	simm.s32 $0x4;
	v18 =	vld.idx.msk [tilespmem:v19+s2+$0x0], $0xffff;
	[tilespmem:s18+$0xFFFFFF80] =	vst v12;
	v12 =	vadd.s32 s21, v0  }
0x2d: {  	v20 =	vadd.s32 s20, v0;
	v13 =	vld.idx.msk [tilespmem:v13+s2+$0x0], $0xffff;
	[tilespmem:s24+$0x30] =	vst v14  }
0x2e: {  	v21 =	vadd.s32 s26, v3;
	v14 =	vld.idx.msk [tilespmem:v16+s2+$0x0], $0xffff  }
0x2f: {  	[tilespmem:s24+$0xFFFFFFA0] =	vst v15;
	v15 =	vadd.s32 s19, v2  }
0x30: {  	v16 =	vld.idx.msk [tilespmem:v17+s2+$0x0], $0xffff;
	v17 =	vadd.s32 s0, v6  }
0x31: {  	v19 =	vadd.s32 s28, v4;
	[tilespmem:s18+$0x20] =	vst v18;
	v12 =	vld.idx.msk [tilespmem:v12+s2+$0x0], $0xffff  }
0x32: {  	s23 =	simm.s32 $0x6;
	v20 =	vld.idx.msk [tilespmem:v20+s2+$0x0], $0xffff;
	[tilespmem:s18+$0xFFFFFF90] =	vst v13;
	v13 =	vadd.s32 s21, v1  }
0x33: {  	v21 =	vld.idx.msk [tilespmem:v21+s2+$0x0], $0xffff;
	[tilespmem:s24+$0x40] =	vst v14;
	v14 =	vadd.s32 s23, v0  }
0x34: {  	v22 =	vadd.s32 s26, v4;
	v15 =	vld.idx.msk [tilespmem:v15+s2+$0x0], $0xffff  }
0x35: {  	s22 =	simm.s32 $0x1B80;
	[tilespmem:s24+$0xFFFFFFB0] =	vst v16;
	v16 =	vld.idx.msk [tilespmem:v17+s2+$0x0], $0xffff;
	v17 =	vadd.s32 s20, v1  }
0x36: {  	v18 =	vld.idx.msk [tilespmem:v19+s2+$0x0], $0xffff;
	v19 =	vadd.s32 s0, v7;
	[tilespmem:s22+$0x0] =	vst v12  }
0x37: {  	[tilespmem:s22+$0xFFFFFF80] =	vst v20;
	v12 =	vadd.s32 s19, v3;
	v13 =	vld.idx.msk [tilespmem:v13+s2+$0x0], $0xffff  }
0x38: {  	[tilespmem:s18+$0x30] =	vst v21;
	v23 =	vld.idx.msk [tilespmem:v14+s2+$0x0], $0xffff;
	v14 =	vadd.s32 s28, v6  }
0x39: {  	s25 =	simm.s32 $0x7;
	v20 =	vadd.s32 s21, v2;
	v21 =	vld.idx.msk [tilespmem:v22+s2+$0x0], $0xffff;
	[tilespmem:s18+$0xFFFFFFA0] =	vst v15  }
0x3a: {  	v17 =	vld.idx.msk [tilespmem:v17+s2+$0x0], $0xffff;
	[tilespmem:s24+$0x50] =	vst v16;
	v16 =	vadd.s32 s25, v0  }
0x3b: {  	[tilespmem:s24+$0xFFFFFFC0] =	vst v18;
	v18 =	vadd.s32 s20, v2;
	v15 =	vld.idx.msk [tilespmem:v19+s2+$0x0], $0xffff  }
0x3c: {  	v12 =	vld.idx.msk [tilespmem:v12+s2+$0x0], $0xffff;
	v19 =	vadd.s32 s0, v8  }
0x3d: {  	[tilespmem:s22+$0x10] =	vst v13;
	v13 =	vld.idx.msk [tilespmem:v14+s2+$0x0], $0xffff;
	v14 =	vadd.s32 s26, v6  }
0x3e: {  	v22 =	vadd.s32 s19, v4;
	[tilespmem:s18+$0x40] =	vst v21;
	v20 =	vld.idx.msk [tilespmem:v20+s2+$0x0], $0xffff  }
0x3f: {  	v24 =	vadd.s32 s21, v3;
	v16 =	vld.idx.msk [tilespmem:v16+s2+$0x0], $0xffff;
	[tilespmem:s22+$0xFFFFFF90] =	vst v17  }
0x40: {  	s30 =	simm.s32 $0x1C80;
	v27 =	vadd.s32 s23, v1;
	[tilespmem:s24+$0x60] =	vst v15;
	v26 =	vld.idx.msk [tilespmem:v18+s2+$0x0], $0xffff  }
0x41: {  	[tilespmem:s30+$0xFFFFFF80] =	vst v23;
	v15 =	vadd.s32 s28, v7;
	v25 =	vld.idx.msk [tilespmem:v19+s2+$0x0], $0xffff  }
0x42: {  	s10 =	simm.s32 $0x8;
	[tilespmem:s18+$0xFFFFFFB0] =	vst v12;
	v19 =	vadd.s32 s25, v1;
	v21 =	vld.idx.msk [tilespmem:v14+s2+$0x0], $0xffff  }
0x43: {  	v12 =	vadd.s32 s10, v0;
	[tilespmem:s22+$0x20] =	vst v20;
	v14 =	vld.idx.msk [tilespmem:v22+s2+$0x0], $0xffff  }
0x44: {  	v20 =	vadd.s32 s26, v7;
	[tilespmem:s24+$0xFFFFFFD0] =	vst v13;
	v17 =	vld.idx.msk [tilespmem:v24+s2+$0x0], $0xffff  }
0x45: {  	v22 =	vadd.s32 s20, v3;
	[tilespmem:s30+$0x0] =	vst v16;
	v16 =	vld.idx.msk [tilespmem:v27+s2+$0x0], $0xffff  }
0x46: {  	v23 =	vadd.s32 s21, v4;
	v13 =	vld.idx.msk [tilespmem:v15+s2+$0x0], $0xffff  }
0x47: {  	v18 =	vadd.s32 s19, v6;
	[tilespmem:s22+$0xFFFFFFA0] =	vst v26;
	v19 =	vld.idx.msk [tilespmem:v19+s2+$0x0], $0xffff  }
0x48: {  	v12 =	vld.idx.msk [tilespmem:v12+s2+$0x0], $0xffff;
	v15 =	vadd.s32 s25, v2;
	[tilespmem:s18+$0x50] =	vst v21  }
0x49: {  	s31 =	simm.s32 $0x9;
	s0 =	simm.s32 $0xA;
	[tilespmem:s24+$0x70] =	vst v25;
	v21 =	vld.idx.msk [tilespmem:v20+s2+$0x0], $0xffff;
	v20 =	vadd.s32 s28, v8;
	s28 =	simm.s32 $0x1C80  }
.LBB2_3:
0x4a: {  	p0 =	slt.u32 s0, $0x30;
	v24 =	vadd.s32 s31, v0;
	v22 =	vld.idx.msk [tilespmem:v22+s2+$0x0], $0xffff;
	[tilespmem:s22+$0x30] =	vst v17;
	s3 =	smov.u32 s20;
	s20 =	smov.u32 s23  }
0x4b: {  	v17 =	vld.idx.msk [tilespmem:v23+s2+$0x0], $0xffff;
	[tilespmem:s18+$0xFFFFFFC0] =	vst v14;
	v14 =	vadd.s32 s26, v8;
	s26 =	smov.u32 s21;
	s21 =	smov.u32 s25;
	s25 =	smov.u32 s31  }
0x4c: {  	s23 =	smov.u32 s10;
	s10 =	smov.u32 s0;
	v23 =	vadd.s32 s20, v2;
	[tilespmem:s30+$0x10] =	vst v19;
	v18 =	vld.idx.msk [tilespmem:v18+s2+$0x0], $0xffff  }
0x4d: {  	v19 =	vadd.s32 s26, v6;
	v15 =	vld.idx.msk [tilespmem:v15+s2+$0x0], $0xffff;
	[tilespmem:s24+$0xFFFFFFE0] =	vst v13  }
0x4e: {  	v13 =	vadd.s32 s3, v4;
	[tilespmem:s30+$0xFFFFFF90] =	vst v16;
	v16 =	vld.idx.msk [tilespmem:v20+s2+$0x0], $0xffff  }
0x4f: {  	v20 =	vld.idx.msk [tilespmem:v24+s2+$0x0], $0xffff;
	v24 =	vadd.s32 s21, v3;
	[tilespmem:s18+$0x60] =	vst v21  }
0x50: {  	v21 =	vadd.s32 s19, v7;
	[tilespmem:s22+$0xFFFFFFB0] =	vst v22;
	v25 =	vld.idx.msk [tilespmem:v14+s2+$0x0], $0xffff  }
0x51: {  	v26 =	vadd.s32 s25, v1;
	v27 =	vld.idx.msk [tilespmem:v23+s2+$0x0], $0xffff;
	[tilespmem:s22+$0x40] =	vst v17  }
0x52: {  	v28 =	vadd.s32 s0, v0;
	v29 =	vld.idx.msk [tilespmem:v19+s2+$0x0], $0xffff;
	[tilespmem:s18+$0xFFFFFFD0] =	vst v18  }
0x53: {  	v30 =	vadd.s32 s23, v1;
	[tilespmem:s30+$0x20] =	vst v15;
	v14 =	vld.idx.msk [tilespmem:v13+s2+$0x0], $0xffff  }
0x54: {  	s30 =	sadd.s32 $0x100, s30;
	v17 =	vld.idx.msk [tilespmem:v24+s2+$0x0], $0xffff;
	v24 =	vadd.s32 s26, v7;
	[tilespmem:s24+$0xFFFFFFF0] =	vst v16;
	s24 =	smov.u32 s18;
	s18 =	smov.u32 s22  }
.Ltmp0:
0x55: {  	v22 =	vadd.s32 s20, v3;
	s22 =	smov.u32 s28;
	s28 =	smov.u32 s30;
	[tilespmem:s30+$0x0] =	vst v20;
	v13 =	vld.idx.msk [tilespmem:v21+s2+$0x0], $0xffff;
	(pc) =	sbr.rel @p0 .LBB2_3-.Ltmp0, $4  }
0x56: {  	v23 =	vadd.s32 s21, v4;
	v19 =	vld.idx.msk [tilespmem:v26+s2+$0x0], $0xffff;
	[tilespmem:s24+$0x70] =	vst v25  }
0x57: {  	v18 =	vadd.s32 s3, v6;
	[tilespmem:s30+$0xFFFFFF80] =	vst v12;
	v12 =	vld.idx.msk [tilespmem:v28+s2+$0x0], $0xffff  }
0x58: {  	v15 =	vadd.s32 s25, v2;
	v16 =	vld.idx.msk [tilespmem:v30+s2+$0x0], $0xffff;
	[tilespmem:s18+$0x50] =	vst v29  }
0x59: {  	s0 =	sadd.s32 $0x2, s0;
	s31 =	sadd.s32 $0x1, s10;
	v20 =	vadd.s32 s19, v8;
	s19 =	smov.u32 s3;
	[tilespmem:s22+$0xFFFFFFA0] =	vst v27;
	v21 =	vld.idx.msk [tilespmem:v24+s2+$0x0], $0xffff  }
0x5a: {  	v24 =	vadd.s32 s31, v0;
	_ =	sdelay $0x4  }
0x5b: {  	[tilespmem:s22+$0x30] =	vst v17;
	v58 =	vadd.s32 s10, v1;
	v24 =	vld.idx.msk [tilespmem:v24+s2+$0x0], $0xffff  }
0x5c: {  	v57 =	vadd.s32 s31, v1;
	[tilespmem:s18+$0xFFFFFFC0] =	vst v14  }
0x5d: {  	[tilespmem:s24+$0xFFFFFFE0] =	vst v13  }
0x5e: {  	v59 =	vld.idx.msk [tilespmem:v22+s2+$0x0], $0xffff;
	s0 =	sadd.s32 $0x100, s30;
	[tilespmem:s30+$0x10] =	vst v19  }
0x5f: {  	v60 =	vld.idx.msk [tilespmem:v23+s2+$0x0], $0xffff;
	[tilespmem:s0+$0xFFFFFF80] =	vst v12  }
0x60: {  	v61 =	vadd.s32 s23, v2;
	v12 =	vld.idx.msk [tilespmem:v58+s2+$0x0], $0xffff;
	[tilespmem:s0+$0x0] =	vst v24  }
0x61: {  	[tilespmem:s30+$0xFFFFFF90] =	vst v16;
	v24 =	vadd.s32 s10, v2;
	v17 =	vld.idx.msk [tilespmem:v57+s2+$0x0], $0xffff  }
0x62: {  	v62 =	vadd.s32 s31, v2;
	v63 =	vld.idx.msk [tilespmem:v18+s2+$0x0], $0xffff;
	[tilespmem:s18+$0x60] =	vst v21  }
0x63: {  	v25 =	vadd.s32 s26, v8;
	v20 =	vld.idx.msk [tilespmem:v20+s2+$0x0], $0xffff;
	[tilespmem:s22+$0xFFFFFFB0] =	vst v59  }
0x64: {  	v33 =	vadd.s32 s20, v4;
	v15 =	vld.idx.msk [tilespmem:v15+s2+$0x0], $0xffff;
	[tilespmem:s22+$0x40] =	vst v60  }
0x65: {  	v27 =	vadd.s32 s25, v3;
	v22 =	vld.idx.msk [tilespmem:v61+s2+$0x0], $0xffff;
	[tilespmem:s0+$0xFFFFFF90] =	vst v12  }
0x66: {  	v28 =	vadd.s32 s23, v3;
	v30 =	vld.idx.msk [tilespmem:v24+s2+$0x0], $0xffff;
	[tilespmem:s0+$0x10] =	vst v17  }
0x67: {  	v32 =	vadd.s32 s10, v3;
	[tilespmem:s18+$0xFFFFFFD0] =	vst v63;
	v14 =	vld.idx.msk [tilespmem:v62+s2+$0x0], $0xffff  }
0x68: {  	v29 =	vadd.s32 s31, v3;
	v31 =	vld.idx.msk [tilespmem:v25+s2+$0x0], $0xffff;
	[tilespmem:s24+$0xFFFFFFF0] =	vst v20  }
0x69: {  	v26 =	vadd.s32 s21, v6;
	v38 =	vld.idx.msk [tilespmem:v33+s2+$0x0], $0xffff;
	[tilespmem:s30+$0x20] =	vst v15  }
0x6a: {  	v34 =	vadd.s32 s19, v7;
	v13 =	vld.idx.msk [tilespmem:v27+s2+$0x0], $0xffff;
	[tilespmem:s28+$0xFFFFFFA0] =	vst v22  }
0x6b: {  	v35 =	vadd.s32 s25, v4;
	v17 =	vld.idx.msk [tilespmem:v28+s2+$0x0], $0xffff;
	[tilespmem:s0+$0xFFFFFFA0] =	vst v30  }
0x6c: {  	v36 =	vadd.s32 s23, v4;
	v15 =	vld.idx.msk [tilespmem:v32+s2+$0x0], $0xffff;
	[tilespmem:s0+$0x20] =	vst v14  }
0x6d: {  	v39 =	vadd.s32 s10, v4;
	[tilespmem:s18+$0x70] =	vst v31;
	v12 =	vld.idx.msk [tilespmem:v29+s2+$0x0], $0xffff  }
0x6e: {  	v37 =	vadd.s32 s31, v4;
	v19 =	vld.idx.msk [tilespmem:v26+s2+$0x0], $0xffff;
	[tilespmem:s22+$0xFFFFFFC0] =	vst v38  }
0x6f: {  	v40 =	vadd.s32 s21, v7;
	v20 =	vld.idx.msk [tilespmem:v34+s2+$0x0], $0xffff;
	[tilespmem:s28+$0x30] =	vst v13  }
0x70: {  	v41 =	vadd.s32 s20, v6;
	v22 =	vld.idx.msk [tilespmem:v35+s2+$0x0], $0xffff;
	[tilespmem:s28+$0xFFFFFFB0] =	vst v17  }
0x71: {  	v42 =	vadd.s32 s25, v6;
	v14 =	vld.idx.msk [tilespmem:v36+s2+$0x0], $0xffff;
	[tilespmem:s0+$0xFFFFFFB0] =	vst v15  }
0x72: {  	v43 =	vadd.s32 s23, v6;
	v45 =	vld.idx.msk [tilespmem:v39+s2+$0x0], $0xffff;
	[tilespmem:s0+$0x30] =	vst v12  }
0x73: {  	v47 =	vadd.s32 s10, v6;
	[tilespmem:s22+$0x50] =	vst v19;
	v16 =	vld.idx.msk [tilespmem:v37+s2+$0x0], $0xffff  }
0x74: {  	v44 =	vadd.s32 s31, v6;
	[tilespmem:s18+$0xFFFFFFE0] =	vst v20;
	v46 =	vld.idx.msk [tilespmem:v40+s2+$0x0], $0xffff  }
0x75: {  	v48 =	vadd.s32 s19, v8;
	v13 =	vld.idx.msk [tilespmem:v41+s2+$0x0], $0xffff;
	[tilespmem:s28+$0x40] =	vst v22  }
0x76: {  	v49 =	vadd.s32 s20, v7;
	v17 =	vld.idx.msk [tilespmem:v42+s2+$0x0], $0xffff;
	[tilespmem:s28+$0xFFFFFFC0] =	vst v14  }
0x77: {  	v50 =	vadd.s32 s25, v7;
	v12 =	vld.idx.msk [tilespmem:v43+s2+$0x0], $0xffff;
	[tilespmem:s0+$0xFFFFFFC0] =	vst v45  }
0x78: {  	v51 =	vadd.s32 s23, v7;
	v53 =	vld.idx.msk [tilespmem:v47+s2+$0x0], $0xffff;
	[tilespmem:s0+$0x40] =	vst v16  }
0x79: {  	v55 =	vadd.s32 s10, v7;
	[tilespmem:s22+$0x60] =	vst v46;
	v15 =	vld.idx.msk [tilespmem:v44+s2+$0x0], $0xffff  }
0x7a: {  	v52 =	vadd.s32 s31, v7;
	v54 =	vld.idx.msk [tilespmem:v48+s2+$0x0], $0xffff;
	[tilespmem:s22+$0xFFFFFFD0] =	vst v13  }
0x7b: {  	v56 =	vadd.s32 s21, v8;
	v22 =	vld.idx.msk [tilespmem:v49+s2+$0x0], $0xffff;
	[tilespmem:s28+$0x50] =	vst v17  }
0x7c: {  	v57 =	vadd.s32 s20, v8;
	v14 =	vld.idx.msk [tilespmem:v50+s2+$0x0], $0xffff;
	[tilespmem:s28+$0xFFFFFFD0] =	vst v12  }
0x7d: {  	v58 =	vadd.s32 s25, v8;
	v16 =	vld.idx.msk [tilespmem:v51+s2+$0x0], $0xffff;
	[tilespmem:s0+$0xFFFFFFD0] =	vst v53  }
0x7e: {  	v59 =	vadd.s32 s23, v8;
	v13 =	vld.idx.msk [tilespmem:v55+s2+$0x0], $0xffff;
	[tilespmem:s0+$0x50] =	vst v15  }
0x7f: {  	v62 =	vadd.s32 s10, v8;
	[tilespmem:s18+$0xFFFFFFF0] =	vst v54;
	v15 =	vld.idx.msk [tilespmem:v52+s2+$0x0], $0xffff  }
0x80: {  	v60 =	vadd.s32 s31, v8;
	v61 =	vld.idx.msk [tilespmem:v56+s2+$0x0], $0xffff;
	[tilespmem:s22+$0xFFFFFFE0] =	vst v22  }
0x81: {  	v17 =	vld.idx.msk [tilespmem:v57+s2+$0x0], $0xffff;
	[tilespmem:s28+$0x60] =	vst v14  }
0x82: {  	v12 =	vld.idx.msk [tilespmem:v58+s2+$0x0], $0xffff;
	[tilespmem:s28+$0xFFFFFFE0] =	vst v16  }
0x83: {  	v63 =	vld.idx.msk [tilespmem:v59+s2+$0x0], $0xffff;
	[tilespmem:s0+$0xFFFFFFE0] =	vst v13  }
0x84: {  	v13 =	vld.idx.msk [tilespmem:v62+s2+$0x0], $0xffff;
	[tilespmem:s0+$0x60] =	vst v15  }
0x85: {  	[tilespmem:s22+$0x70] =	vst v61;
	v15 =	vld.idx.msk [tilespmem:v60+s2+$0x0], $0xffff  }
0x86: {  	[tilespmem:s22+$0xFFFFFFF0] =	vst v17  }
0x87: {  	[tilespmem:s28+$0x70] =	vst v12  }
0x88: {  	s3 =	simm.s32 $0x3200;
	[tilespmem:s28+$0xFFFFFFF0] =	vst v63  }
0x89: {  	s19 =	simm.s32 $0x0;
	s23 =	simm.s32 $0x80;
	s25 =	simm.s32 $0x1900;
	[tilespmem:s0+$0xFFFFFFF0] =	vst v13  }
0x8a: {  	s24 =	simm.s32 $0x5200;
	s31 =	simm.s32 $0x74A8;
	s30 =	simm.s32 $0x7420;
	[tilespmem:s0+$0x70] =	vst v15  }
0x8b: {  	[tilespmem:s3], [sflag:$0x1] =	stream.indirect.gather [hbm4b:s5+s23], $0x40, s25, s23, $0xb8;
	[tilespmem:$0xB600] =	vst v63  }
0x8c: {  	s20 =	simm.s32 $0x0;
	s28 =	simm.s32 $0x7398;
	s26 =	rddreg [dreg:$0x8]  }
0x8d: {  	s25 =	simm.s32 $0x7288;
	s18 =	sshll.u32 s26, $0xA;
	s26 =	simm.s32 $0x7310  }
.LBB2_5:
0x8e: {  	s21 =	sshllo.u32 s20, $0x1  }
0x8f: {  	_ =	swait.ge [sflag:s13], $0x2000;
	s0 =	sshll.u32 s21, $0x7  }
0x90: {  	[sflag:s13] =	ssyncset.done $0x0;
	s0 =	sand.u32 $0x3FFFFF80, s0  }
0x91: {  	p0 =	seq.s32 s20, $0x0;
	[sflag:s13] =	ssyncadd.s32 $0xFFFFE000;
	s0 =	sadd.s32 $0x1900, s0  }
0x92: {  	[tilespmem:s24], [sflag:$0x1] =	stream.indirect.gather [hbm4b:s5+s23], $0x40, s0, s23, $0xb8;
	[tilespmem:$0xB600] =	vst v63  }
0x93: {  	s0 =	simm.s32 @!p0 $0x2  }
0x94: {  	_ =	swait.ge @!p0 [sflag:s0], $0x400  }
0x95: {  	[sflag:s0] =	ssyncset.done @!p0 $0x0  }
0x96: {  	[sflag:s0] =	ssyncadd.s32 @!p0 $0xFFFFFC00  }
0x97: {  	_ =	swait.ge @!p0 [sflag:s0], $0x400  }
0x98: {  	[sflag:s0] =	ssyncset.done @!p0 $0x0  }
0x99: {  	[sflag:s0] =	ssyncadd.s32 @!p0 $0xFFFFFC00  }
0x9a: {  	_ =	swait.ge @!p0 [sflag:s0], $0x400  }
0x9b: {  	[sflag:s0] =	ssyncset.done @!p0 $0x0  }
0x9c: {  	[sflag:s0] =	ssyncadd.s32 @!p0 $0xFFFFFC00  }
0x9d: {  	_ =	swait.ge @!p0 [sflag:s0], $0x400  }
0x9e: {  	[sflag:s0] =	ssyncset.done @!p0 $0x0  }
0x9f: {  	[sflag:s0] =	ssyncadd.s32 @!p0 $0xFFFFFC00  }
0xa0: {  	_ =	swait.ge @!p0 [sflag:s0], $0x400  }
0xa1: {  	[sflag:s0] =	ssyncset.done @!p0 $0x0  }
0xa2: {  	[sflag:s0] =	ssyncadd.s32 @!p0 $0xFFFFFC00  }
0xa3: {  	_ =	swait.ge @!p0 [sflag:s0], $0x400  }
0xa4: {  	[sflag:s0] =	ssyncset.done @!p0 $0x0  }
0xa5: {  	[sflag:s0] =	ssyncadd.s32 @!p0 $0xFFFFFC00  }
0xa6: {  	_ =	swait.ge @!p0 [sflag:s0], $0x400  }
0xa7: {  	[sflag:s0] =	ssyncset.done @!p0 $0x0  }
0xa8: {  	[sflag:s0] =	ssyncadd.s32 @!p0 $0xFFFFFC00  }
0xa9: {  	s3 =	simm.s32 $0x3;
	_ =	swait.ge @!p0 [sflag:s0], $0x400  }
0xaa: {  	v12 =	vmov s3;
	[sflag:s0] =	ssyncset.done @!p0 $0x0  }
0xab: {  	v12 =	vand.u32 $0x7F, v12;
	[sflag:s0] =	ssyncadd.s32 @!p0 $0xFFFFFC00;
	s0 =	simm.s32 $0x3280  }
0xac: {  	v17 =	vmov s19;
	v14 =	vadd.s32 v5, v12;
	v13 =	vld [tilespmem:s0+$0x40]  }
0xad: {  	v17 =	vand.u32 $0x7C, v17;
	v16 =	vadd.s32 v9, v12;
	v15 =	vld [tilespmem:s0+$0x50]  }
0xae: {  	v22 =	vadd.s32 v5, v17;
	v21 =	vld [tilespmem:s0+$0xFFFFFF80]  }
0xaf: {  	v19 =	vadd.s32 v10, v12;
	v18 =	vld [tilespmem:s0+$0x60]  }
0xb0: {  	v12 =	vadd.s32 v11, v12;
	v20 =	vld [tilespmem:s0+$0x70]  }
0xb1: {  	s22 =	simm.s32 $0x1;
	v24 =	vadd.s32 v9, v17;
	v23 =	vld [tilespmem:s0+$0xFFFFFF90];
	[tilespmem:v14+s15+$0x0] =	vst.idx.msk $0xffff, v13  }
0xb2: {  	v25 =	vmov s22;
	v13 =	vld [tilespmem:s0+$0xFFFFFFA0];
	v14 =	vadd.s32 v10, v17;
	[tilespmem:v16+s15+$0x0] =	vst.idx.msk $0xffff, v15  }
0xb3: {  	v15 =	vld [tilespmem:s0+$0xFFFFFFB0];
	v16 =	vadd.s32 v11, v17;
	v17 =	vand.u32 $0x7D, v25;
	[tilespmem:v22+s15+$0x0] =	vst.idx.msk $0xffff, v21  }
0xb4: {  	[tilespmem:v19+s15+$0x0] =	vst.idx.msk $0xffff, v18;
	v18 =	vld [tilespmem:s0+$0xFFFFFFC0];
	v19 =	vadd.s32 v5, v17  }
0xb5: {  	v21 =	vadd.s32 v9, v17;
	[tilespmem:v12+s15+$0x0] =	vst.idx.msk $0xffff, v20;
	v20 =	vld [tilespmem:s0+$0xFFFFFFD0]  }
0xb6: {  	s10 =	simm.s32 $0x2;
	[tilespmem:v24+s15+$0x0] =	vst.idx.msk $0xffff, v23  }
0xb7: {  	v23 =	vld [tilespmem:s0+$0xFFFFFFE0];
	v62 =	vadd.s32 v10, v17;
	[tilespmem:v14+s15+$0x0] =	vst.idx.msk $0xffff, v13;
	v13 =	vmov s10  }
0xb8: {  	v63 =	vld [tilespmem:s0+$0xFFFFFFF0];
	v26 =	vadd.s32 v11, v17;
	[tilespmem:v16+s15+$0x0] =	vst.idx.msk $0xffff, v15;
	v15 =	vand.u32 $0x7E, v13  }
0xb9: {  	v12 =	vld [tilespmem:s0+$0x0];
	[tilespmem:v19+s15+$0x0] =	vst.idx.msk $0xffff, v18;
	v19 =	vadd.s32 v5, v15  }
0xba: {  	s22 =	simm.s32 $0x7;
	v13 =	vld [tilespmem:s0+$0x10];
	[tilespmem:v21+s15+$0x0] =	vst.idx.msk $0xffff, v20;
	v20 =	vadd.s32 v9, v15  }
0xbb: {  	v17 =	vmov s22;
	v14 =	vld [tilespmem:s0+$0x20];
	v16 =	vadd.s32 v10, v15  }
0xbc: {  	v22 =	vand.u32 $0x7F, v17;
	v17 =	vld [tilespmem:s0+$0x30];
	s10 =	simm.s32 $0x3380;
	v21 =	vadd.s32 v11, v15;
	[tilespmem:v62+s15+$0x0] =	vst.idx.msk $0xffff, v23  }
0xbd: {  	s22 =	simm.s32 $0x4;
	s0 =	simm.s32 $0x8;
	v18 =	vadd.s32 v5, v22;
	v15 =	vld [tilespmem:s10+$0x40];
	[tilespmem:v26+s15+$0x0] =	vst.idx.msk $0xffff, v63  }
.LBB2_6:
0xbe: {  	p0 =	slt.u32 s0, $0x7C;
	v23 =	vld [tilespmem:s10+$0x50];
	v24 =	vadd.s32 v9, v22;
	[tilespmem:v19+s15+$0x0] =	vst.idx.msk $0xffff, v12  }
0xbf: {  	v12 =	vmov s22;
	v25 =	vadd.s32 v10, v22;
	v19 =	vld [tilespmem:s10+$0x60];
	[tilespmem:v20+s15+$0x0] =	vst.idx.msk $0xffff, v13  }
0xc0: {  	v12 =	vand.u32 $0x7C, v12;
	v20 =	vadd.s32 v11, v22;
	v13 =	vld [tilespmem:s10+$0x70];
	[tilespmem:v16+s15+$0x0] =	vst.idx.msk $0xffff, v14  }
0xc1: {  	v16 =	vadd.s32 v5, v12;
	v14 =	vld [tilespmem:s10+$0xFFFFFF80];
	[tilespmem:v21+s15+$0x0] =	vst.idx.msk $0xffff, v17  }
0xc2: {  	s3 =	sadd.s32 $0x1, s22;
	v21 =	vadd.s32 v9, v12;
	v17 =	vld [tilespmem:s10+$0xFFFFFF90];
	[tilespmem:v18+s15+$0x0] =	vst.idx.msk $0xffff, v15  }
0xc3: {  	v22 =	vmov s3;
	v18 =	vadd.s32 v10, v12;
	v15 =	vld [tilespmem:s10+$0xFFFFFFA0];
	[tilespmem:v24+s15+$0x0] =	vst.idx.msk $0xffff, v23  }
0xc4: {  	v22 =	vand.u32 $0x7D, v22;
	v12 =	vadd.s32 v11, v12;
	v23 =	vld [tilespmem:s10+$0xFFFFFFB0];
	[tilespmem:v25+s15+$0x0] =	vst.idx.msk $0xffff, v19  }
0xc5: {  	v25 =	vadd.s32 v5, v22;
	v24 =	vld [tilespmem:s10+$0xFFFFFFC0];
	[tilespmem:v20+s15+$0x0] =	vst.idx.msk $0xffff, v13  }
0xc6: {  	s3 =	sadd.s32 $0x2, s22;
	s22 =	smov.u32 s0;
	[tilespmem:v16+s15+$0x0] =	vst.idx.msk $0xffff, v14;
	v14 =	vld [tilespmem:s10+$0xFFFFFFD0];
	v16 =	vadd.s32 v9, v22  }
0xc7: {  	v13 =	vmov s3;
	[tilespmem:v21+s15+$0x0] =	vst.idx.msk $0xffff, v17;
	v17 =	vld [tilespmem:s10+$0xFFFFFFE0];
	v21 =	vadd.s32 v10, v22  }
0xc8: {  	v27 =	vadd.s32 v11, v22;
	[tilespmem:v18+s15+$0x0] =	vst.idx.msk $0xffff, v15;
	v26 =	vld [tilespmem:s10+$0xFFFFFFF0];
	v15 =	vand.u32 $0x7E, v13  }
.Ltmp1:
0xc9: {  	[tilespmem:v12+s15+$0x0] =	vst.idx.msk $0xffff, v23;
	v12 =	vld [tilespmem:s10+$0x0];
	v19 =	vadd.s32 v5, v15;
	(pc) =	sbr.rel @p0 .LBB2_6-.Ltmp1, $4  }
0xca: {  	s3 =	sadd.s32 $0x3, s0;
	v20 =	vadd.s32 v9, v15;
	[tilespmem:v25+s15+$0x0] =	vst.idx.msk $0xffff, v24;
	v13 =	vld [tilespmem:s10+$0x10]  }
0xcb: {  	v18 =	vmov s3;
	[tilespmem:v16+s15+$0x0] =	vst.idx.msk $0xffff, v14;
	v14 =	vld [tilespmem:s10+$0x20];
	v16 =	vadd.s32 v10, v15  }
0xcc: {  	v22 =	vand.u32 $0x7F, v18;
	[tilespmem:v21+s15+$0x0] =	vst.idx.msk $0xffff, v17;
	v17 =	vld [tilespmem:s10+$0x30];
	v21 =	vadd.s32 v11, v15;
	s10 =	sadd.s32 $0x100, s10  }
0xcd: {  	s0 =	sadd.s32 $0x4, s0;
	v18 =	vadd.s32 v5, v22;
	v15 =	vld [tilespmem:s10+$0x40];
	[tilespmem:v27+s15+$0x0] =	vst.idx.msk $0xffff, v26  }
0xce: {  	_ =	sdelay $0x3  }
0xcf: {  	v23 =	vld [tilespmem:s10+$0x50];
	v24 =	vadd.s32 v9, v22;
	[tilespmem:v19+s15+$0x0] =	vst.idx.msk $0xffff, v12  }
0xd0: {  	v12 =	vmov s22;
	v19 =	vld [tilespmem:s10+$0x60];
	v25 =	vadd.s32 v10, v22;
	[tilespmem:v20+s15+$0x0] =	vst.idx.msk $0xffff, v13  }
0xd1: {  	v12 =	vand.u32 $0x7C, v12;
	v13 =	vld [tilespmem:s10+$0x70];
	v20 =	vadd.s32 v11, v22;
	[tilespmem:v16+s15+$0x0] =	vst.idx.msk $0xffff, v14  }
0xd2: {  	v14 =	vld [tilespmem:s10+$0xFFFFFF80];
	v16 =	vadd.s32 v5, v12;
	[tilespmem:v21+s15+$0x0] =	vst.idx.msk $0xffff, v17  }
0xd3: {  	s0 =	sadd.s32 $0x1, s22;
	v17 =	vld [tilespmem:s10+$0xFFFFFF90];
	v21 =	vadd.s32 v9, v12;
	[tilespmem:v18+s15+$0x0] =	vst.idx.msk $0xffff, v15  }
0xd4: {  	v22 =	vmov s0;
	v15 =	vld [tilespmem:s10+$0xFFFFFFA0];
	v18 =	vadd.s32 v10, v12;
	[tilespmem:v24+s15+$0x0] =	vst.idx.msk $0xffff, v23  }
0xd5: {  	v22 =	vand.u32 $0x7D, v22;
	v12 =	vadd.s32 v11, v12;
	v23 =	vld [tilespmem:s10+$0xFFFFFFB0];
	[tilespmem:v25+s15+$0x0] =	vst.idx.msk $0xffff, v19  }
0xd6: {  	v59 =	vadd.s32 v5, v22;
	v19 =	vld [tilespmem:s10+$0xFFFFFFC0];
	[tilespmem:v20+s15+$0x0] =	vst.idx.msk $0xffff, v13  }
0xd7: {  	s22 =	sadd.s32 $0x2, s22;
	[tilespmem:v16+s15+$0x0] =	vst.idx.msk $0xffff, v14;
	v13 =	vld [tilespmem:s10+$0xFFFFFFD0];
	v14 =	vadd.s32 v9, v22  }
0xd8: {  	v16 =	vld [tilespmem:s10+$0xFFFFFFE0];
	v20 =	vmov s22;
	[tilespmem:v21+s15+$0x0] =	vst.idx.msk $0xffff, v17;
	v17 =	vadd.s32 v10, v22  }
0xd9: {  	v20 =	vand.u32 $0x7E, v20;
	[tilespmem:v18+s15+$0x0] =	vst.idx.msk $0xffff, v15;
	v15 =	vld [tilespmem:s10+$0xFFFFFFF0];
	v18 =	vadd.s32 v11, v22  }
0xda: {  	v21 =	vadd.s32 v5, v20;
	[tilespmem:v12+s15+$0x0] =	vst.idx.msk $0xffff, v23;
	v12 =	vld [tilespmem:s10+$0x0]  }
0xdb: {  	v22 =	vadd.s32 v9, v20;
	[tilespmem:v59+s15+$0x0] =	vst.idx.msk $0xffff, v19;
	v19 =	vld [tilespmem:s10+$0x10]  }
0xdc: {  	[tilespmem:v14+s15+$0x0] =	vst.idx.msk $0xffff, v13;
	v13 =	vld [tilespmem:s10+$0x20];
	v14 =	vadd.s32 v10, v20  }
0xdd: {  	[tilespmem:v17+s15+$0x0] =	vst.idx.msk $0xffff, v16;
	v16 =	vld [tilespmem:s10+$0x30];
	v17 =	vadd.s32 v11, v20  }
0xde: {  	[tilespmem:v18+s15+$0x0] =	vst.idx.msk $0xffff, v15  }
0xdf: {  	s3 =	sshll.u32 s20, $0x15;
	[tilespmem:v21+s15+$0x0] =	vst.idx.msk $0xffff, v12  }
0xe0: {  	s0 =	sadd.s32 s18, s3;
	[tilespmem:v22+s15+$0x0] =	vst.idx.msk $0xffff, v19  }
0xe1: {  	s0 =	sshrl.u32 s0, $0x3;
	[tilespmem:v14+s15+$0x0] =	vst.idx.msk $0xffff, v13  }
0xe2: {  	s0 =	sadd.s32 s1, s0;
	[tilespmem:v17+s15+$0x0] =	vst.idx.msk $0xffff, v16  }
0xe3: {  	[hbm4b:s0+s2] =	stream.linear.scatter [tilespmem:s15], [sflag:$0x2], $0x80, $0x38;
	[tilespmem:$0xB600] =	vst v63  }
0xe4: {  	s3 =	sadd.s32 $0x10, s0  }
0xe5: {  	[hbm4b:s3+s2] =	stream.linear.scatter [tilespmem:s25], [sflag:$0x2], $0x80, $0x38;
	[tilespmem:$0xB600] =	vst v63  }
0xe6: {  	s10 =	sadd.s32 $0x20, s0  }
0xe7: {  	[hbm4b:s10+s2] =	stream.linear.scatter [tilespmem:s26], [sflag:$0x2], $0x80, $0x38;
	[tilespmem:$0xB600] =	vst v63  }
0xe8: {  	s22 =	sadd.s32 $0x30, s0  }
0xe9: {  	[hbm4b:s22+s2] =	stream.linear.scatter [tilespmem:s28], [sflag:$0x2], $0x80, $0x38;
	[tilespmem:$0xB600] =	vst v63  }
0xea: {  	s10 =	sadd.s32 $0x40, s0  }
0xeb: {  	[hbm4b:s10+s2] =	stream.linear.scatter [tilespmem:s30], [sflag:$0x2], $0x80, $0x38;
	[tilespmem:$0xB600] =	vst v63  }
0xec: {  	s22 =	sadd.s32 $0x50, s0  }
0xed: {  	[hbm4b:s22+s2] =	stream.linear.scatter [tilespmem:s31], [sflag:$0x2], $0x80, $0x38;
	[tilespmem:$0xB600] =	vst v63  }
0xee: {  	s10 =	sadd.s32 $0x60, s0;
	s22 =	simm.s32 $0x7530  }
0xef: {  	[hbm4b:s10+s2] =	stream.linear.scatter [tilespmem:s22], [sflag:$0x2], $0x80, $0x38;
	[tilespmem:$0xB600] =	vst v63  }
0xf0: {  	s10 =	sadd.s32 $0x70, s0;
	s22 =	simm.s32 $0x75B8  }
0xf1: {  	[hbm4b:s10+s2] =	stream.linear.scatter [tilespmem:s22], [sflag:$0x2], $0x80, $0x38;
	[tilespmem:$0xB600] =	vst v63  }
0xf2: {  	s10 =	sadd.s32 $0x4000, s0;
	s22 =	simm.s32 $0x7640  }
0xf3: {  	[hbm4b:s10+s2] =	stream.linear.scatter [tilespmem:s22], [sflag:$0x2], $0x80, $0x38;
	[tilespmem:$0xB600] =	vst v63  }
0xf4: {  	s10 =	sadd.s32 $0x4010, s0;
	s22 =	simm.s32 $0x76C8  }
0xf5: {  	[hbm4b:s10+s2] =	stream.linear.scatter [tilespmem:s22], [sflag:$0x2], $0x80, $0x38;
	[tilespmem:$0xB600] =	vst v63  }
0xf6: {  	s10 =	sadd.s32 $0x4020, s0;
	s22 =	simm.s32 $0x7750  }
0xf7: {  	[hbm4b:s10+s2] =	stream.linear.scatter [tilespmem:s22], [sflag:$0x2], $0x80, $0x38;
	[tilespmem:$0xB600] =	vst v63  }
0xf8: {  	s10 =	sadd.s32 $0x4030, s0;
	s22 =	simm.s32 $0x77D8  }
0xf9: {  	[hbm4b:s10+s2] =	stream.linear.scatter [tilespmem:s22], [sflag:$0x2], $0x80, $0x38;
	[tilespmem:$0xB600] =	vst v63  }
0xfa: {  	s10 =	sadd.s32 $0x4040, s0;
	s22 =	simm.s32 $0x7860  }
0xfb: {  	[hbm4b:s10+s2] =	stream.linear.scatter [tilespmem:s22], [sflag:$0x2], $0x80, $0x38;
	[tilespmem:$0xB600] =	vst v63  }
0xfc: {  	s10 =	sadd.s32 $0x4050, s0;
	s22 =	simm.s32 $0x78E8  }
0xfd: {  	[hbm4b:s10+s2] =	stream.linear.scatter [tilespmem:s22], [sflag:$0x2], $0x80, $0x38;
	[tilespmem:$0xB600] =	vst v63  }
0xfe: {  	s10 =	sadd.s32 $0x4060, s0;
	s22 =	simm.s32 $0x7970  }
0xff: {  	[hbm4b:s10+s2] =	stream.linear.scatter [tilespmem:s22], [sflag:$0x2], $0x80, $0x38;
	[tilespmem:$0xB600] =	vst v63  }
0x100: {  	s10 =	sadd.s32 $0x4070, s0;
	s22 =	simm.s32 $0x79F8  }
0x101: {  	[hbm4b:s10+s2] =	stream.linear.scatter [tilespmem:s22], [sflag:$0x2], $0x80, $0x38;
	[tilespmem:$0xB600] =	vst v63  }
0x102: {  	s10 =	sadd.s32 $0x8000, s0;
	s22 =	simm.s32 $0x7A80  }
0x103: {  	[hbm4b:s10+s2] =	stream.linear.scatter [tilespmem:s22], [sflag:$0x2], $0x80, $0x38;
	[tilespmem:$0xB600] =	vst v63  }
0x104: {  	s10 =	sadd.s32 $0x8010, s0;
	s22 =	simm.s32 $0x7B08  }
0x105: {  	[hbm4b:s10+s2] =	stream.linear.scatter [tilespmem:s22], [sflag:$0x2], $0x80, $0x38;
	[tilespmem:$0xB600] =	vst v63  }
0x106: {  	s10 =	sadd.s32 $0x8020, s0;
	s22 =	simm.s32 $0x7B90  }
0x107: {  	[hbm4b:s10+s2] =	stream.linear.scatter [tilespmem:s22], [sflag:$0x2], $0x80, $0x38;
	[tilespmem:$0xB600] =	vst v63  }
0x108: {  	s10 =	sadd.s32 $0x8030, s0;
	s22 =	simm.s32 $0x7C18  }
0x109: {  	[hbm4b:s10+s2] =	stream.linear.scatter [tilespmem:s22], [sflag:$0x2], $0x80, $0x38;
	[tilespmem:$0xB600] =	vst v63  }
0x10a: {  	s10 =	sadd.s32 $0x8040, s0;
	s22 =	simm.s32 $0x7CA0  }
0x10b: {  	[hbm4b:s10+s2] =	stream.linear.scatter [tilespmem:s22], [sflag:$0x2], $0x80, $0x38;
	[tilespmem:$0xB600] =	vst v63  }
0x10c: {  	s10 =	sadd.s32 $0x8050, s0;
	s22 =	simm.s32 $0x7D28  }
0x10d: {  	[hbm4b:s10+s2] =	stream.linear.scatter [tilespmem:s22], [sflag:$0x2], $0x80, $0x38;
	[tilespmem:$0xB600] =	vst v63  }
0x10e: {  	s10 =	sadd.s32 $0x8060, s0;
	s22 =	simm.s32 $0x7DB0  }
0x10f: {  	[hbm4b:s10+s2] =	stream.linear.scatter [tilespmem:s22], [sflag:$0x2], $0x80, $0x38;
	[tilespmem:$0xB600] =	vst v63  }
0x110: {  	s10 =	sadd.s32 $0x8070, s0;
	s22 =	simm.s32 $0x7E38  }
0x111: {  	[hbm4b:s10+s2] =	stream.linear.scatter [tilespmem:s22], [sflag:$0x2], $0x80, $0x38;
	[tilespmem:$0xB600] =	vst v63  }
0x112: {  	s10 =	sadd.s32 $0xC000, s0;
	s22 =	simm.s32 $0x7EC0  }
0x113: {  	[hbm4b:s10+s2] =	stream.linear.scatter [tilespmem:s22], [sflag:$0x2], $0x80, $0x38;
	[tilespmem:$0xB600] =	vst v63  }
0x114: {  	s10 =	sadd.s32 $0xC010, s0;
	s22 =	simm.s32 $0x7F48  }
0x115: {  	[hbm4b:s10+s2] =	stream.linear.scatter [tilespmem:s22], [sflag:$0x2], $0x80, $0x38;
	[tilespmem:$0xB600] =	vst v63  }
0x116: {  	s10 =	sadd.s32 $0xC020, s0;
	s22 =	simm.s32 $0x7FD0  }
0x117: {  	[hbm4b:s10+s2] =	stream.linear.scatter [tilespmem:s22], [sflag:$0x2], $0x80, $0x38;
	[tilespmem:$0xB600] =	vst v63  }
0x118: {  	s10 =	sadd.s32 $0xC030, s0;
	s22 =	simm.s32 $0x8058  }
0x119: {  	[hbm4b:s10+s2] =	stream.linear.scatter [tilespmem:s22], [sflag:$0x2], $0x80, $0x38;
	[tilespmem:$0xB600] =	vst v63  }
0x11a: {  	s10 =	sadd.s32 $0xC040, s0;
	s22 =	simm.s32 $0x80E0  }
0x11b: {  	[hbm4b:s10+s2] =	stream.linear.scatter [tilespmem:s22], [sflag:$0x2], $0x80, $0x38;
	[tilespmem:$0xB600] =	vst v63  }
0x11c: {  	s10 =	sadd.s32 $0xC050, s0;
	s22 =	simm.s32 $0x8168  }
0x11d: {  	[hbm4b:s10+s2] =	stream.linear.scatter [tilespmem:s22], [sflag:$0x2], $0x80, $0x38;
	[tilespmem:$0xB600] =	vst v63  }
0x11e: {  	s10 =	sadd.s32 $0xC060, s0;
	s22 =	simm.s32 $0x81F0  }
0x11f: {  	[hbm4b:s10+s2] =	stream.linear.scatter [tilespmem:s22], [sflag:$0x2], $0x80, $0x38;
	[tilespmem:$0xB600] =	vst v63  }
0x120: {  	s10 =	sadd.s32 $0xC070, s0;
	s22 =	simm.s32 $0x8278  }
0x121: {  	[hbm4b:s10+s2] =	stream.linear.scatter [tilespmem:s22], [sflag:$0x2], $0x80, $0x38;
	[tilespmem:$0xB600] =	vst v63  }
0x122: {  	s3 =	sadd.s32 $0x10000, s0;
	s22 =	simm.s32 $0x8300  }
0x123: {  	[hbm4b:s3+s2] =	stream.linear.scatter [tilespmem:s22], [sflag:$0x2], $0x80, $0x38;
	[tilespmem:$0xB600] =	vst v63  }
0x124: {  	s10 =	sadd.s32 $0x10, s3;
	s22 =	simm.s32 $0x8388  }
0x125: {  	[hbm4b:s10+s2] =	stream.linear.scatter [tilespmem:s22], [sflag:$0x2], $0x80, $0x38;
	[tilespmem:$0xB600] =	vst v63  }
0x126: {  	s10 =	sadd.s32 $0x20, s3;
	s22 =	simm.s32 $0x8410  }
0x127: {  	[hbm4b:s10+s2] =	stream.linear.scatter [tilespmem:s22], [sflag:$0x2], $0x80, $0x38;
	[tilespmem:$0xB600] =	vst v63  }
0x128: {  	s10 =	sadd.s32 $0x30, s3;
	s22 =	simm.s32 $0x8498  }
0x129: {  	[hbm4b:s10+s2] =	stream.linear.scatter [tilespmem:s22], [sflag:$0x2], $0x80, $0x38;
	[tilespmem:$0xB600] =	vst v63  }
0x12a: {  	s10 =	sadd.s32 $0x40, s3;
	s22 =	simm.s32 $0x8520  }
0x12b: {  	[hbm4b:s10+s2] =	stream.linear.scatter [tilespmem:s22], [sflag:$0x2], $0x80, $0x38;
	[tilespmem:$0xB600] =	vst v63  }
0x12c: {  	s10 =	sadd.s32 $0x50, s3;
	s22 =	simm.s32 $0x85A8  }
0x12d: {  	[hbm4b:s10+s2] =	stream.linear.scatter [tilespmem:s22], [sflag:$0x2], $0x80, $0x38;
	[tilespmem:$0xB600] =	vst v63  }
0x12e: {  	s10 =	sadd.s32 $0x60, s3;
	s22 =	simm.s32 $0x8630  }
0x12f: {  	[hbm4b:s10+s2] =	stream.linear.scatter [tilespmem:s22], [sflag:$0x2], $0x80, $0x38;
	[tilespmem:$0xB600] =	vst v63  }
0x130: {  	s3 =	sadd.s32 $0x70, s3;
	s22 =	simm.s32 $0x86B8  }
0x131: {  	[hbm4b:s3+s2] =	stream.linear.scatter [tilespmem:s22], [sflag:$0x2], $0x80, $0x38;
	[tilespmem:$0xB600] =	vst v63  }
0x132: {  	s3 =	sadd.s32 $0x14000, s0;
	s22 =	simm.s32 $0x8740  }
0x133: {  	[hbm4b:s3+s2] =	stream.linear.scatter [tilespmem:s22], [sflag:$0x2], $0x80, $0x38;
	[tilespmem:$0xB600] =	vst v63  }
0x134: {  	s10 =	sadd.s32 $0x10, s3;
	s22 =	simm.s32 $0x87C8  }
0x135: {  	[hbm4b:s10+s2] =	stream.linear.scatter [tilespmem:s22], [sflag:$0x2], $0x80, $0x38;
	[tilespmem:$0xB600] =	vst v63  }
0x136: {  	s10 =	sadd.s32 $0x20, s3;
	s22 =	simm.s32 $0x8850  }
0x137: {  	[hbm4b:s10+s2] =	stream.linear.scatter [tilespmem:s22], [sflag:$0x2], $0x80, $0x38;
	[tilespmem:$0xB600] =	vst v63  }
0x138: {  	s10 =	sadd.s32 $0x30, s3;
	s22 =	simm.s32 $0x88D8  }
0x139: {  	[hbm4b:s10+s2] =	stream.linear.scatter [tilespmem:s22], [sflag:$0x2], $0x80, $0x38;
	[tilespmem:$0xB600] =	vst v63  }
0x13a: {  	s10 =	sadd.s32 $0x40, s3;
	s22 =	simm.s32 $0x8960  }
0x13b: {  	[hbm4b:s10+s2] =	stream.linear.scatter [tilespmem:s22], [sflag:$0x2], $0x80, $0x38;
	[tilespmem:$0xB600] =	vst v63  }
0x13c: {  	s10 =	sadd.s32 $0x50, s3;
	s22 =	simm.s32 $0x89E8  }
0x13d: {  	[hbm4b:s10+s2] =	stream.linear.scatter [tilespmem:s22], [sflag:$0x2], $0x80, $0x38;
	[tilespmem:$0xB600] =	vst v63  }
0x13e: {  	s10 =	sadd.s32 $0x60, s3;
	s22 =	simm.s32 $0x8A70  }
0x13f: {  	[hbm4b:s10+s2] =	stream.linear.scatter [tilespmem:s22], [sflag:$0x2], $0x80, $0x38;
	[tilespmem:$0xB600] =	vst v63  }
0x140: {  	s3 =	sadd.s32 $0x70, s3;
	s22 =	simm.s32 $0x8AF8  }
0x141: {  	[hbm4b:s3+s2] =	stream.linear.scatter [tilespmem:s22], [sflag:$0x2], $0x80, $0x38;
	[tilespmem:$0xB600] =	vst v63  }
0x142: {  	s3 =	sadd.s32 $0x18000, s0;
	s22 =	simm.s32 $0x8B80  }
0x143: {  	[hbm4b:s3+s2] =	stream.linear.scatter [tilespmem:s22], [sflag:$0x2], $0x80, $0x38;
	[tilespmem:$0xB600] =	vst v63  }
0x144: {  	s10 =	sadd.s32 $0x10, s3;
	s22 =	simm.s32 $0x8C08  }
0x145: {  	[hbm4b:s10+s2] =	stream.linear.scatter [tilespmem:s22], [sflag:$0x2], $0x80, $0x38;
	[tilespmem:$0xB600] =	vst v63  }
0x146: {  	s10 =	sadd.s32 $0x20, s3;
	s22 =	simm.s32 $0x8C90  }
0x147: {  	[hbm4b:s10+s2] =	stream.linear.scatter [tilespmem:s22], [sflag:$0x2], $0x80, $0x38;
	[tilespmem:$0xB600] =	vst v63  }
0x148: {  	s10 =	sadd.s32 $0x30, s3;
	s22 =	simm.s32 $0x8D18  }
0x149: {  	[hbm4b:s10+s2] =	stream.linear.scatter [tilespmem:s22], [sflag:$0x2], $0x80, $0x38;
	[tilespmem:$0xB600] =	vst v63  }
0x14a: {  	s10 =	sadd.s32 $0x40, s3;
	s22 =	simm.s32 $0x8DA0  }
0x14b: {  	[hbm4b:s10+s2] =	stream.linear.scatter [tilespmem:s22], [sflag:$0x2], $0x80, $0x38;
	[tilespmem:$0xB600] =	vst v63  }
0x14c: {  	s10 =	sadd.s32 $0x50, s3;
	s22 =	simm.s32 $0x8E28  }
0x14d: {  	[hbm4b:s10+s2] =	stream.linear.scatter [tilespmem:s22], [sflag:$0x2], $0x80, $0x38;
	[tilespmem:$0xB600] =	vst v63  }
0x14e: {  	s10 =	sadd.s32 $0x60, s3;
	s22 =	simm.s32 $0x8EB0  }
0x14f: {  	[hbm4b:s10+s2] =	stream.linear.scatter [tilespmem:s22], [sflag:$0x2], $0x80, $0x38;
	[tilespmem:$0xB600] =	vst v63  }
0x150: {  	s3 =	sadd.s32 $0x70, s3;
	s22 =	simm.s32 $0x8F38  }
0x151: {  	[hbm4b:s3+s2] =	stream.linear.scatter [tilespmem:s22], [sflag:$0x2], $0x80, $0x38;
	[tilespmem:$0xB600] =	vst v63  }
0x152: {  	s0 =	sadd.s32 $0x1C000, s0;
	s22 =	simm.s32 $0x8FC0  }
0x153: {  	[hbm4b:s0+s2] =	stream.linear.scatter [tilespmem:s22], [sflag:$0x2], $0x80, $0x38;
	[tilespmem:$0xB600] =	vst v63  }
0x154: {  	s10 =	sadd.s32 $0x10, s0;
	s22 =	simm.s32 $0x9048  }
0x155: {  	[hbm4b:s10+s2] =	stream.linear.scatter [tilespmem:s22], [sflag:$0x2], $0x80, $0x38;
	[tilespmem:$0xB600] =	vst v63  }
0x156: {  	s10 =	sadd.s32 $0x20, s0;
	s22 =	simm.s32 $0x90D0  }
0x157: {  	[hbm4b:s10+s2] =	stream.linear.scatter [tilespmem:s22], [sflag:$0x2], $0x80, $0x38;
	[tilespmem:$0xB600] =	vst v63  }
0x158: {  	s10 =	sadd.s32 $0x30, s0;
	s22 =	simm.s32 $0x9158  }
0x159: {  	[hbm4b:s10+s2] =	stream.linear.scatter [tilespmem:s22], [sflag:$0x2], $0x80, $0x38;
	[tilespmem:$0xB600] =	vst v63  }
0x15a: {  	s10 =	sadd.s32 $0x40, s0;
	s22 =	simm.s32 $0x91E0  }
0x15b: {  	[hbm4b:s10+s2] =	stream.linear.scatter [tilespmem:s22], [sflag:$0x2], $0x80, $0x38;
	[tilespmem:$0xB600] =	vst v63  }
0x15c: {  	s10 =	sadd.s32 $0x50, s0;
	s22 =	simm.s32 $0x9268  }
0x15d: {  	[hbm4b:s10+s2] =	stream.linear.scatter [tilespmem:s22], [sflag:$0x2], $0x80, $0x38;
	[tilespmem:$0xB600] =	vst v63  }
0x15e: {  	s10 =	sadd.s32 $0x60, s0;
	s22 =	simm.s32 $0x92F0  }
0x15f: {  	[hbm4b:s10+s2] =	stream.linear.scatter [tilespmem:s22], [sflag:$0x2], $0x80, $0x38;
	[tilespmem:$0xB600] =	vst v63  }
0x160: {  	p0 =	seq.s32 s20, $0x18;
	s0 =	sadd.s32 $0x70, s0;
	s22 =	simm.s32 $0x9378  }
0x161: {  	[hbm4b:s0+s2] =	stream.linear.scatter [tilespmem:s22], [sflag:$0x2], $0x80, $0x38;
	[tilespmem:$0xB600] =	vst v63  }
0x162: {  	p1 =	seq.s32 @!p0 s20, $0x0;
	s0 =	sshll.u32 @!p0 s20, $0x8;
	_ =	swait.ge [sflag:s13], $0x2000  }
0x163: {  	s3 =	simm.s32 @!p0 $0x80;
	s0 =	sand.u32 @!p0 $0x3FFFFF00, s0;
	[sflag:s13] =	ssyncset.done $0x0  }
0x164: {  	s10 =	simm.s32 @!p0 $0x3200;
	s0 =	sadd.s32 @!p0 $0x1A00, s0;
	[sflag:s13] =	ssyncadd.s32 $0xFFFFE000  }
0x165: {  	[tilespmem:s10], [sflag:$0x1] =	stream.indirect.gather @!p0 [hbm4b:s5+s3], $0x40, s0, s3, $0xb8;
	[tilespmem:$0xB600] =	vst v63  }
0x166: {  	p0 =	por p0, !p1  }
0x167: {  	_ =	swait.ge @p0 [sflag:s17], $0x400  }
0x168: {  	[sflag:s17] =	ssyncset.done @p0 $0x0  }
0x169: {  	[sflag:s17] =	ssyncadd.s32 @p0 $0xFFFFFC00  }
0x16a: {  	_ =	swait.ge @p0 [sflag:s17], $0x400  }
0x16b: {  	[sflag:s17] =	ssyncset.done @p0 $0x0  }
0x16c: {  	[sflag:s17] =	ssyncadd.s32 @p0 $0xFFFFFC00  }
0x16d: {  	_ =	swait.ge @p0 [sflag:s17], $0x400  }
0x16e: {  	[sflag:s17] =	ssyncset.done @p0 $0x0  }
0x16f: {  	[sflag:s17] =	ssyncadd.s32 @p0 $0xFFFFFC00  }
0x170: {  	_ =	swait.ge @p0 [sflag:s17], $0x400  }
0x171: {  	[sflag:s17] =	ssyncset.done @p0 $0x0  }
0x172: {  	[sflag:s17] =	ssyncadd.s32 @p0 $0xFFFFFC00  }
0x173: {  	_ =	swait.ge @p0 [sflag:s17], $0x400  }
0x174: {  	[sflag:s17] =	ssyncset.done @p0 $0x0  }
0x175: {  	[sflag:s17] =	ssyncadd.s32 @p0 $0xFFFFFC00  }
0x176: {  	_ =	swait.ge @p0 [sflag:s17], $0x400  }
0x177: {  	[sflag:s17] =	ssyncset.done @p0 $0x0  }
0x178: {  	[sflag:s17] =	ssyncadd.s32 @p0 $0xFFFFFC00  }
0x179: {  	_ =	swait.ge @p0 [sflag:s17], $0x400  }
0x17a: {  	[sflag:s17] =	ssyncset.done @p0 $0x0  }
0x17b: {  	[sflag:s17] =	ssyncadd.s32 @p0 $0xFFFFFC00  }
0x17c: {  	s3 =	simm.s32 $0x3;
	_ =	swait.ge @p0 [sflag:s17], $0x400  }
0x17d: {  	v12 =	vmov s3;
	[sflag:s17] =	ssyncset.done @p0 $0x0  }
0x17e: {  	s0 =	simm.s32 $0x5280;
	s10 =	simm.s32 $0x0;
	v12 =	vand.u32 $0x7F, v12;
	[sflag:s17] =	ssyncadd.s32 @p0 $0xFFFFFC00  }
0x17f: {  	v17 =	vmov s10;
	v14 =	vadd.s32 v5, v12;
	v13 =	vld [tilespmem:s0+$0x40]  }
0x180: {  	v17 =	vand.u32 $0x7C, v17;
	v16 =	vadd.s32 v9, v12;
	v15 =	vld [tilespmem:s0+$0x50]  }
0x181: {  	v22 =	vadd.s32 v5, v17;
	v21 =	vld [tilespmem:s0+$0xFFFFFF80]  }
0x182: {  	v19 =	vadd.s32 v10, v12;
	v18 =	vld [tilespmem:s0+$0x60]  }
0x183: {  	v12 =	vadd.s32 v11, v12;
	v20 =	vld [tilespmem:s0+$0x70]  }
0x184: {  	s22 =	simm.s32 $0x1;
	v60 =	vadd.s32 v9, v17;
	v23 =	vld [tilespmem:s0+$0xFFFFFF90];
	[tilespmem:v14+s29+$0x0] =	vst.idx.msk $0xffff, v13  }
0x185: {  	v61 =	vmov s22;
	v13 =	vld [tilespmem:s0+$0xFFFFFFA0];
	v14 =	vadd.s32 v10, v17;
	[tilespmem:v16+s29+$0x0] =	vst.idx.msk $0xffff, v15  }
0x186: {  	v15 =	vld [tilespmem:s0+$0xFFFFFFB0];
	v16 =	vadd.s32 v11, v17;
	v17 =	vand.u32 $0x7D, v61;
	[tilespmem:v22+s29+$0x0] =	vst.idx.msk $0xffff, v21  }
0x187: {  	[tilespmem:v19+s29+$0x0] =	vst.idx.msk $0xffff, v18;
	v18 =	vld [tilespmem:s0+$0xFFFFFFC0];
	v19 =	vadd.s32 v5, v17  }
0x188: {  	v21 =	vadd.s32 v9, v17;
	[tilespmem:v12+s29+$0x0] =	vst.idx.msk $0xffff, v20;
	v20 =	vld [tilespmem:s0+$0xFFFFFFD0]  }
0x189: {  	s10 =	simm.s32 $0x2;
	[tilespmem:v60+s29+$0x0] =	vst.idx.msk $0xffff, v23  }
0x18a: {  	v23 =	vld [tilespmem:s0+$0xFFFFFFE0];
	v62 =	vadd.s32 v10, v17;
	[tilespmem:v14+s29+$0x0] =	vst.idx.msk $0xffff, v13;
	v13 =	vmov s10  }
0x18b: {  	v63 =	vld [tilespmem:s0+$0xFFFFFFF0];
	v26 =	vadd.s32 v11, v17;
	[tilespmem:v16+s29+$0x0] =	vst.idx.msk $0xffff, v15;
	v15 =	vand.u32 $0x7E, v13  }
0x18c: {  	v12 =	vld [tilespmem:s0+$0x0];
	[tilespmem:v19+s29+$0x0] =	vst.idx.msk $0xffff, v18;
	v19 =	vadd.s32 v5, v15  }
0x18d: {  	s22 =	simm.s32 $0x7;
	v13 =	vld [tilespmem:s0+$0x10];
	[tilespmem:v21+s29+$0x0] =	vst.idx.msk $0xffff, v20;
	v20 =	vadd.s32 v9, v15  }
0x18e: {  	v17 =	vmov s22;
	v14 =	vld [tilespmem:s0+$0x20];
	v16 =	vadd.s32 v10, v15  }
0x18f: {  	v22 =	vand.u32 $0x7F, v17;
	v17 =	vld [tilespmem:s0+$0x30];
	s10 =	simm.s32 $0x5380;
	v21 =	vadd.s32 v11, v15;
	[tilespmem:v62+s29+$0x0] =	vst.idx.msk $0xffff, v23  }
0x190: {  	s22 =	simm.s32 $0x4;
	s0 =	simm.s32 $0x8;
	v18 =	vadd.s32 v5, v22;
	v15 =	vld [tilespmem:s10+$0x40];
	[tilespmem:v26+s29+$0x0] =	vst.idx.msk $0xffff, v63  }
.LBB2_8:
0x191: {  	p0 =	slt.u32 s0, $0x7C;
	v23 =	vld [tilespmem:s10+$0x50];
	v24 =	vadd.s32 v9, v22;
	[tilespmem:v19+s29+$0x0] =	vst.idx.msk $0xffff, v12  }
0x192: {  	v12 =	vmov s22;
	v25 =	vadd.s32 v10, v22;
	v19 =	vld [tilespmem:s10+$0x60];
	[tilespmem:v20+s29+$0x0] =	vst.idx.msk $0xffff, v13  }
0x193: {  	v12 =	vand.u32 $0x7C, v12;
	v20 =	vadd.s32 v11, v22;
	v13 =	vld [tilespmem:s10+$0x70];
	[tilespmem:v16+s29+$0x0] =	vst.idx.msk $0xffff, v14  }
0x194: {  	v16 =	vadd.s32 v5, v12;
	v14 =	vld [tilespmem:s10+$0xFFFFFF80];
	[tilespmem:v21+s29+$0x0] =	vst.idx.msk $0xffff, v17  }
0x195: {  	s3 =	sadd.s32 $0x1, s22;
	v21 =	vadd.s32 v9, v12;
	v17 =	vld [tilespmem:s10+$0xFFFFFF90];
	[tilespmem:v18+s29+$0x0] =	vst.idx.msk $0xffff, v15  }
0x196: {  	v22 =	vmov s3;
	v18 =	vadd.s32 v10, v12;
	v15 =	vld [tilespmem:s10+$0xFFFFFFA0];
	[tilespmem:v24+s29+$0x0] =	vst.idx.msk $0xffff, v23  }
0x197: {  	v22 =	vand.u32 $0x7D, v22;
	v12 =	vadd.s32 v11, v12;
	v23 =	vld [tilespmem:s10+$0xFFFFFFB0];
	[tilespmem:v25+s29+$0x0] =	vst.idx.msk $0xffff, v19  }
0x198: {  	v25 =	vadd.s32 v5, v22;
	v24 =	vld [tilespmem:s10+$0xFFFFFFC0];
	[tilespmem:v20+s29+$0x0] =	vst.idx.msk $0xffff, v13  }
0x199: {  	s3 =	sadd.s32 $0x2, s22;
	s22 =	smov.u32 s0;
	[tilespmem:v16+s29+$0x0] =	vst.idx.msk $0xffff, v14;
	v14 =	vld [tilespmem:s10+$0xFFFFFFD0];
	v16 =	vadd.s32 v9, v22  }
0x19a: {  	v13 =	vmov s3;
	[tilespmem:v21+s29+$0x0] =	vst.idx.msk $0xffff, v17;
	v17 =	vld [tilespmem:s10+$0xFFFFFFE0];
	v21 =	vadd.s32 v10, v22  }
0x19b: {  	v27 =	vadd.s32 v11, v22;
	[tilespmem:v18+s29+$0x0] =	vst.idx.msk $0xffff, v15;
	v26 =	vld [tilespmem:s10+$0xFFFFFFF0];
	v15 =	vand.u32 $0x7E, v13  }
.Ltmp2:
0x19c: {  	[tilespmem:v12+s29+$0x0] =	vst.idx.msk $0xffff, v23;
	v12 =	vld [tilespmem:s10+$0x0];
	v19 =	vadd.s32 v5, v15;
	(pc) =	sbr.rel @p0 .LBB2_8-.Ltmp2, $4  }
0x19d: {  	s3 =	sadd.s32 $0x3, s0;
	v20 =	vadd.s32 v9, v15;
	[tilespmem:v25+s29+$0x0] =	vst.idx.msk $0xffff, v24;
	v13 =	vld [tilespmem:s10+$0x10]  }
0x19e: {  	v18 =	vmov s3;
	[tilespmem:v16+s29+$0x0] =	vst.idx.msk $0xffff, v14;
	v14 =	vld [tilespmem:s10+$0x20];
	v16 =	vadd.s32 v10, v15  }
0x19f: {  	v22 =	vand.u32 $0x7F, v18;
	[tilespmem:v21+s29+$0x0] =	vst.idx.msk $0xffff, v17;
	v17 =	vld [tilespmem:s10+$0x30];
	v21 =	vadd.s32 v11, v15;
	s10 =	sadd.s32 $0x100, s10  }
0x1a0: {  	s0 =	sadd.s32 $0x4, s0;
	v18 =	vadd.s32 v5, v22;
	v15 =	vld [tilespmem:s10+$0x40];
	[tilespmem:v27+s29+$0x0] =	vst.idx.msk $0xffff, v26  }
0x1a1: {  	_ =	sdelay $0x2  }
0x1a2: {  	v23 =	vld [tilespmem:s10+$0x50]  }
0x1a3: {  	v24 =	vadd.s32 v9, v22;
	[tilespmem:v19+s29+$0x0] =	vst.idx.msk $0xffff, v12;
	v37 =	vld [tilespmem:s10+$0x60]  }
0x1a4: {  	v36 =	vmov s22;
	v25 =	vadd.s32 v10, v22;
	v38 =	vld [tilespmem:s10+$0x70];
	[tilespmem:v20+s29+$0x0] =	vst.idx.msk $0xffff, v13  }
0x1a5: {  	v39 =	vadd.s32 v11, v22;
	v40 =	vld [tilespmem:s10+$0xFFFFFF80];
	s3 =	sadd.s32 $0x2, s22;
	v12 =	vand.u32 $0x7C, v36;
	[tilespmem:v16+s29+$0x0] =	vst.idx.msk $0xffff, v14  }
0x1a6: {  	v42 =	vld [tilespmem:s10+$0xFFFFFF90];
	v54 =	vmov s3;
	v41 =	vadd.s32 v5, v12;
	[tilespmem:v21+s29+$0x0] =	vst.idx.msk $0xffff, v17  }
0x1a7: {  	v45 =	vld [tilespmem:s10+$0xFFFFFFA0];
	v43 =	vadd.s32 v9, v12;
	v20 =	vand.u32 $0x7E, v54;
	[tilespmem:v18+s29+$0x0] =	vst.idx.msk $0xffff, v15  }
0x1a8: {  	v56 =	vld [tilespmem:s10+$0x0];
	v57 =	vadd.s32 v5, v20;
	[tilespmem:v24+s29+$0x0] =	vst.idx.msk $0xffff, v23  }
0x1a9: {  	s0 =	sadd.s32 $0x1, s22;
	v47 =	vld [tilespmem:s10+$0xFFFFFFB0];
	v46 =	vadd.s32 v10, v12;
	[tilespmem:v25+s29+$0x0] =	vst.idx.msk $0xffff, v37  }
0x1aa: {  	v58 =	vld [tilespmem:s10+$0x10];
	v44 =	vmov s0;
	v59 =	vadd.s32 v9, v20;
	[tilespmem:v39+s29+$0x0] =	vst.idx.msk $0xffff, v38  }
0x1ab: {  	v48 =	vld [tilespmem:s10+$0xFFFFFFC0];
	v12 =	vadd.s32 v11, v12;
	v15 =	vand.u32 $0x7D, v44;
	[tilespmem:v41+s29+$0x0] =	vst.idx.msk $0xffff, v40  }
0x1ac: {  	v60 =	vld [tilespmem:s10+$0x20];
	v49 =	vadd.s32 v5, v15;
	[tilespmem:v43+s29+$0x0] =	vst.idx.msk $0xffff, v42  }
0x1ad: {  	v62 =	vld [tilespmem:s10+$0x30];
	v61 =	vadd.s32 v10, v20;
	[tilespmem:v57+s29+$0x0] =	vst.idx.msk $0xffff, v56  }
0x1ae: {  	v50 =	vld [tilespmem:s10+$0xFFFFFFD0];
	v51 =	vadd.s32 v9, v15;
	[tilespmem:v46+s29+$0x0] =	vst.idx.msk $0xffff, v45  }
0x1af: {  	v63 =	vadd.s32 v11, v20;
	[tilespmem:v59+s29+$0x0] =	vst.idx.msk $0xffff, v58  }
0x1b0: {  	v52 =	vld [tilespmem:s10+$0xFFFFFFE0];
	v53 =	vadd.s32 v10, v15;
	[tilespmem:v12+s29+$0x0] =	vst.idx.msk $0xffff, v47  }
0x1b1: {  	v55 =	vld [tilespmem:s10+$0xFFFFFFF0];
	v15 =	vadd.s32 v11, v15;
	[tilespmem:v49+s29+$0x0] =	vst.idx.msk $0xffff, v48  }
0x1b2: {  	[tilespmem:v61+s29+$0x0] =	vst.idx.msk $0xffff, v60  }
0x1b3: {  	s21 =	sshll.u32 s21, $0x14;
	[tilespmem:v51+s29+$0x0] =	vst.idx.msk $0xffff, v50  }
0x1b4: {  	s0 =	sadd.s32 s18, s21;
	[tilespmem:v63+s29+$0x0] =	vst.idx.msk $0xffff, v62  }
0x1b5: {  	s0 =	sshrl.u32 s0, $0x3;
	[tilespmem:v53+s29+$0x0] =	vst.idx.msk $0xffff, v52  }
0x1b6: {  	s0 =	sadd.s32 s1, s0;
	[tilespmem:v15+s29+$0x0] =	vst.idx.msk $0xffff, v55  }
0x1b7: {  	[hbm4b:s0+s2] =	stream.linear.scatter [tilespmem:s29], [sflag:$0x2], $0x80, $0x38;
	[tilespmem:$0xB600] =	vst v63  }
0x1b8: {  	s22 =	simm.s32 $0x9488;
	s3 =	sadd.s32 $0x10, s0  }
0x1b9: {  	[hbm4b:s3+s2] =	stream.linear.scatter [tilespmem:s22], [sflag:$0x2], $0x80, $0x38;
	[tilespmem:$0xB600] =	vst v63  }
0x1ba: {  	s21 =	sadd.s32 $0x20, s0;
	s22 =	simm.s32 $0x9510  }
0x1bb: {  	[hbm4b:s21+s2] =	stream.linear.scatter [tilespmem:s22], [sflag:$0x2], $0x80, $0x38;
	[tilespmem:$0xB600] =	vst v63  }
0x1bc: {  	s21 =	sadd.s32 $0x30, s0;
	s22 =	simm.s32 $0x9598  }
0x1bd: {  	[hbm4b:s21+s2] =	stream.linear.scatter [tilespmem:s22], [sflag:$0x2], $0x80, $0x38;
	[tilespmem:$0xB600] =	vst v63  }
0x1be: {  	s21 =	sadd.s32 $0x40, s0;
	s22 =	simm.s32 $0x9620  }
0x1bf: {  	[hbm4b:s21+s2] =	stream.linear.scatter [tilespmem:s22], [sflag:$0x2], $0x80, $0x38;
	[tilespmem:$0xB600] =	vst v63  }
0x1c0: {  	s21 =	sadd.s32 $0x50, s0;
	s22 =	simm.s32 $0x96A8  }
0x1c1: {  	[hbm4b:s21+s2] =	stream.linear.scatter [tilespmem:s22], [sflag:$0x2], $0x80, $0x38;
	[tilespmem:$0xB600] =	vst v63  }
0x1c2: {  	s21 =	sadd.s32 $0x60, s0;
	s22 =	simm.s32 $0x9730  }
0x1c3: {  	[hbm4b:s21+s2] =	stream.linear.scatter [tilespmem:s22], [sflag:$0x2], $0x80, $0x38;
	[tilespmem:$0xB600] =	vst v63  }
0x1c4: {  	s21 =	sadd.s32 $0x70, s0;
	s22 =	simm.s32 $0x97B8  }
0x1c5: {  	[hbm4b:s21+s2] =	stream.linear.scatter [tilespmem:s22], [sflag:$0x2], $0x80, $0x38;
	[tilespmem:$0xB600] =	vst v63  }
0x1c6: {  	s21 =	sadd.s32 $0x4000, s0;
	s22 =	simm.s32 $0x9840  }
0x1c7: {  	[hbm4b:s21+s2] =	stream.linear.scatter [tilespmem:s22], [sflag:$0x2], $0x80, $0x38;
	[tilespmem:$0xB600] =	vst v63  }
0x1c8: {  	s21 =	sadd.s32 $0x4010, s0;
	s22 =	simm.s32 $0x98C8  }
0x1c9: {  	[hbm4b:s21+s2] =	stream.linear.scatter [tilespmem:s22], [sflag:$0x2], $0x80, $0x38;
	[tilespmem:$0xB600] =	vst v63  }
0x1ca: {  	s21 =	sadd.s32 $0x4020, s0;
	s22 =	simm.s32 $0x9950  }
0x1cb: {  	[hbm4b:s21+s2] =	stream.linear.scatter [tilespmem:s22], [sflag:$0x2], $0x80, $0x38;
	[tilespmem:$0xB600] =	vst v63  }
0x1cc: {  	s21 =	sadd.s32 $0x4030, s0;
	s22 =	simm.s32 $0x99D8  }
0x1cd: {  	[hbm4b:s21+s2] =	stream.linear.scatter [tilespmem:s22], [sflag:$0x2], $0x80, $0x38;
	[tilespmem:$0xB600] =	vst v63  }
0x1ce: {  	s21 =	sadd.s32 $0x4040, s0;
	s22 =	simm.s32 $0x9A60  }
0x1cf: {  	[hbm4b:s21+s2] =	stream.linear.scatter [tilespmem:s22], [sflag:$0x2], $0x80, $0x38;
	[tilespmem:$0xB600] =	vst v63  }
0x1d0: {  	s21 =	sadd.s32 $0x4050, s0;
	s22 =	simm.s32 $0x9AE8  }
0x1d1: {  	[hbm4b:s21+s2] =	stream.linear.scatter [tilespmem:s22], [sflag:$0x2], $0x80, $0x38;
	[tilespmem:$0xB600] =	vst v63  }
0x1d2: {  	s21 =	sadd.s32 $0x4060, s0;
	s22 =	simm.s32 $0x9B70  }
0x1d3: {  	[hbm4b:s21+s2] =	stream.linear.scatter [tilespmem:s22], [sflag:$0x2], $0x80, $0x38;
	[tilespmem:$0xB600] =	vst v63  }
0x1d4: {  	s21 =	sadd.s32 $0x4070, s0;
	s22 =	simm.s32 $0x9BF8  }
0x1d5: {  	[hbm4b:s21+s2] =	stream.linear.scatter [tilespmem:s22], [sflag:$0x2], $0x80, $0x38;
	[tilespmem:$0xB600] =	vst v63  }
0x1d6: {  	s21 =	sadd.s32 $0x8000, s0;
	s22 =	simm.s32 $0x9C80  }
0x1d7: {  	[hbm4b:s21+s2] =	stream.linear.scatter [tilespmem:s22], [sflag:$0x2], $0x80, $0x38;
	[tilespmem:$0xB600] =	vst v63  }
0x1d8: {  	s21 =	sadd.s32 $0x8010, s0;
	s22 =	simm.s32 $0x9D08  }
0x1d9: {  	[hbm4b:s21+s2] =	stream.linear.scatter [tilespmem:s22], [sflag:$0x2], $0x80, $0x38;
	[tilespmem:$0xB600] =	vst v63  }
0x1da: {  	s21 =	sadd.s32 $0x8020, s0;
	s22 =	simm.s32 $0x9D90  }
0x1db: {  	[hbm4b:s21+s2] =	stream.linear.scatter [tilespmem:s22], [sflag:$0x2], $0x80, $0x38;
	[tilespmem:$0xB600] =	vst v63  }
0x1dc: {  	s21 =	sadd.s32 $0x8030, s0;
	s22 =	simm.s32 $0x9E18  }
0x1dd: {  	[hbm4b:s21+s2] =	stream.linear.scatter [tilespmem:s22], [sflag:$0x2], $0x80, $0x38;
	[tilespmem:$0xB600] =	vst v63  }
0x1de: {  	s21 =	sadd.s32 $0x8040, s0;
	s22 =	simm.s32 $0x9EA0  }
0x1df: {  	[hbm4b:s21+s2] =	stream.linear.scatter [tilespmem:s22], [sflag:$0x2], $0x80, $0x38;
	[tilespmem:$0xB600] =	vst v63  }
0x1e0: {  	s21 =	sadd.s32 $0x8050, s0;
	s22 =	simm.s32 $0x9F28  }
0x1e1: {  	[hbm4b:s21+s2] =	stream.linear.scatter [tilespmem:s22], [sflag:$0x2], $0x80, $0x38;
	[tilespmem:$0xB600] =	vst v63  }
0x1e2: {  	s21 =	sadd.s32 $0x8060, s0;
	s22 =	simm.s32 $0x9FB0  }
0x1e3: {  	[hbm4b:s21+s2] =	stream.linear.scatter [tilespmem:s22], [sflag:$0x2], $0x80, $0x38;
	[tilespmem:$0xB600] =	vst v63  }
0x1e4: {  	s21 =	sadd.s32 $0x8070, s0;
	s22 =	simm.s32 $0xA038  }
0x1e5: {  	[hbm4b:s21+s2] =	stream.linear.scatter [tilespmem:s22], [sflag:$0x2], $0x80, $0x38;
	[tilespmem:$0xB600] =	vst v63  }
0x1e6: {  	s21 =	sadd.s32 $0xC000, s0;
	s22 =	simm.s32 $0xA0C0  }
0x1e7: {  	[hbm4b:s21+s2] =	stream.linear.scatter [tilespmem:s22], [sflag:$0x2], $0x80, $0x38;
	[tilespmem:$0xB600] =	vst v63  }
0x1e8: {  	s21 =	sadd.s32 $0xC010, s0;
	s22 =	simm.s32 $0xA148  }
0x1e9: {  	[hbm4b:s21+s2] =	stream.linear.scatter [tilespmem:s22], [sflag:$0x2], $0x80, $0x38;
	[tilespmem:$0xB600] =	vst v63  }
0x1ea: {  	s21 =	sadd.s32 $0xC020, s0;
	s22 =	simm.s32 $0xA1D0  }
0x1eb: {  	[hbm4b:s21+s2] =	stream.linear.scatter [tilespmem:s22], [sflag:$0x2], $0x80, $0x38;
	[tilespmem:$0xB600] =	vst v63  }
0x1ec: {  	s21 =	sadd.s32 $0xC030, s0;
	s22 =	simm.s32 $0xA258  }
0x1ed: {  	[hbm4b:s21+s2] =	stream.linear.scatter [tilespmem:s22], [sflag:$0x2], $0x80, $0x38;
	[tilespmem:$0xB600] =	vst v63  }
0x1ee: {  	s21 =	sadd.s32 $0xC040, s0;
	s22 =	simm.s32 $0xA2E0  }
0x1ef: {  	[hbm4b:s21+s2] =	stream.linear.scatter [tilespmem:s22], [sflag:$0x2], $0x80, $0x38;
	[tilespmem:$0xB600] =	vst v63  }
0x1f0: {  	s21 =	sadd.s32 $0xC050, s0;
	s22 =	simm.s32 $0xA368  }
0x1f1: {  	[hbm4b:s21+s2] =	stream.linear.scatter [tilespmem:s22], [sflag:$0x2], $0x80, $0x38;
	[tilespmem:$0xB600] =	vst v63  }
0x1f2: {  	s21 =	sadd.s32 $0xC060, s0;
	s22 =	simm.s32 $0xA3F0  }
0x1f3: {  	[hbm4b:s21+s2] =	stream.linear.scatter [tilespmem:s22], [sflag:$0x2], $0x80, $0x38;
	[tilespmem:$0xB600] =	vst v63  }
0x1f4: {  	s10 =	sadd.s32 $0xC070, s0;
	s21 =	simm.s32 $0xA478  }
0x1f5: {  	[hbm4b:s10+s2] =	stream.linear.scatter [tilespmem:s21], [sflag:$0x2], $0x80, $0x38;
	[tilespmem:$0xB600] =	vst v63  }
0x1f6: {  	s3 =	sadd.s32 $0x10000, s0;
	s22 =	simm.s32 $0xA500  }
0x1f7: {  	[hbm4b:s3+s2] =	stream.linear.scatter [tilespmem:s22], [sflag:$0x2], $0x80, $0x38;
	[tilespmem:$0xB600] =	vst v63  }
0x1f8: {  	s21 =	sadd.s32 $0x10, s3;
	s22 =	simm.s32 $0xA588  }
0x1f9: {  	[hbm4b:s21+s2] =	stream.linear.scatter [tilespmem:s22], [sflag:$0x2], $0x80, $0x38;
	[tilespmem:$0xB600] =	vst v63  }
0x1fa: {  	s21 =	sadd.s32 $0x20, s3;
	s22 =	simm.s32 $0xA610  }
0x1fb: {  	[hbm4b:s21+s2] =	stream.linear.scatter [tilespmem:s22], [sflag:$0x2], $0x80, $0x38;
	[tilespmem:$0xB600] =	vst v63  }
0x1fc: {  	s21 =	sadd.s32 $0x30, s3;
	s22 =	simm.s32 $0xA698  }
0x1fd: {  	[hbm4b:s21+s2] =	stream.linear.scatter [tilespmem:s22], [sflag:$0x2], $0x80, $0x38;
	[tilespmem:$0xB600] =	vst v63  }
0x1fe: {  	s21 =	sadd.s32 $0x40, s3;
	s22 =	simm.s32 $0xA720  }
0x1ff: {  	[hbm4b:s21+s2] =	stream.linear.scatter [tilespmem:s22], [sflag:$0x2], $0x80, $0x38;
	[tilespmem:$0xB600] =	vst v63  }
0x200: {  	s21 =	sadd.s32 $0x50, s3;
	s22 =	simm.s32 $0xA7A8  }
0x201: {  	[hbm4b:s21+s2] =	stream.linear.scatter [tilespmem:s22], [sflag:$0x2], $0x80, $0x38;
	[tilespmem:$0xB600] =	vst v63  }
0x202: {  	s21 =	sadd.s32 $0x60, s3;
	s22 =	simm.s32 $0xA830  }
0x203: {  	[hbm4b:s21+s2] =	stream.linear.scatter [tilespmem:s22], [sflag:$0x2], $0x80, $0x38;
	[tilespmem:$0xB600] =	vst v63  }
0x204: {  	s3 =	sadd.s32 $0x70, s3;
	s21 =	simm.s32 $0xA8B8  }
0x205: {  	[hbm4b:s3+s2] =	stream.linear.scatter [tilespmem:s21], [sflag:$0x2], $0x80, $0x38;
	[tilespmem:$0xB600] =	vst v63  }
0x206: {  	s22 =	simm.s32 $0xA940;
	s3 =	sadd.s32 $0x14000, s0  }
0x207: {  	[hbm4b:s3+s2] =	stream.linear.scatter [tilespmem:s22], [sflag:$0x2], $0x80, $0x38;
	[tilespmem:$0xB600] =	vst v63  }
0x208: {  	s21 =	sadd.s32 $0x10, s3;
	s22 =	simm.s32 $0xA9C8  }
0x209: {  	[hbm4b:s21+s2] =	stream.linear.scatter [tilespmem:s22], [sflag:$0x2], $0x80, $0x38;
	[tilespmem:$0xB600] =	vst v63  }
0x20a: {  	s21 =	sadd.s32 $0x20, s3;
	s22 =	simm.s32 $0xAA50  }
0x20b: {  	[hbm4b:s21+s2] =	stream.linear.scatter [tilespmem:s22], [sflag:$0x2], $0x80, $0x38;
	[tilespmem:$0xB600] =	vst v63  }
0x20c: {  	s21 =	sadd.s32 $0x30, s3;
	s22 =	simm.s32 $0xAAD8  }
0x20d: {  	[hbm4b:s21+s2] =	stream.linear.scatter [tilespmem:s22], [sflag:$0x2], $0x80, $0x38;
	[tilespmem:$0xB600] =	vst v63  }
0x20e: {  	s21 =	sadd.s32 $0x40, s3;
	s22 =	simm.s32 $0xAB60  }
0x20f: {  	[hbm4b:s21+s2] =	stream.linear.scatter [tilespmem:s22], [sflag:$0x2], $0x80, $0x38;
	[tilespmem:$0xB600] =	vst v63  }
0x210: {  	s21 =	sadd.s32 $0x50, s3;
	s22 =	simm.s32 $0xABE8  }
0x211: {  	[hbm4b:s21+s2] =	stream.linear.scatter [tilespmem:s22], [sflag:$0x2], $0x80, $0x38;
	[tilespmem:$0xB600] =	vst v63  }
0x212: {  	s21 =	sadd.s32 $0x60, s3;
	s22 =	simm.s32 $0xAC70  }
0x213: {  	[hbm4b:s21+s2] =	stream.linear.scatter [tilespmem:s22], [sflag:$0x2], $0x80, $0x38;
	[tilespmem:$0xB600] =	vst v63  }
0x214: {  	s3 =	sadd.s32 $0x70, s3;
	s21 =	simm.s32 $0xACF8  }
0x215: {  	[hbm4b:s3+s2] =	stream.linear.scatter [tilespmem:s21], [sflag:$0x2], $0x80, $0x38;
	[tilespmem:$0xB600] =	vst v63  }
0x216: {  	s22 =	simm.s32 $0xAD80;
	s3 =	sadd.s32 $0x18000, s0  }
0x217: {  	[hbm4b:s3+s2] =	stream.linear.scatter [tilespmem:s22], [sflag:$0x2], $0x80, $0x38;
	[tilespmem:$0xB600] =	vst v63  }
0x218: {  	s21 =	sadd.s32 $0x10, s3;
	s22 =	simm.s32 $0xAE08  }
0x219: {  	[hbm4b:s21+s2] =	stream.linear.scatter [tilespmem:s22], [sflag:$0x2], $0x80, $0x38;
	[tilespmem:$0xB600] =	vst v63  }
0x21a: {  	s21 =	sadd.s32 $0x20, s3;
	s22 =	simm.s32 $0xAE90  }
0x21b: {  	[hbm4b:s21+s2] =	stream.linear.scatter [tilespmem:s22], [sflag:$0x2], $0x80, $0x38;
	[tilespmem:$0xB600] =	vst v63  }
0x21c: {  	s21 =	sadd.s32 $0x30, s3;
	s22 =	simm.s32 $0xAF18  }
0x21d: {  	[hbm4b:s21+s2] =	stream.linear.scatter [tilespmem:s22], [sflag:$0x2], $0x80, $0x38;
	[tilespmem:$0xB600] =	vst v63  }
0x21e: {  	s21 =	sadd.s32 $0x40, s3;
	s22 =	simm.s32 $0xAFA0  }
0x21f: {  	[hbm4b:s21+s2] =	stream.linear.scatter [tilespmem:s22], [sflag:$0x2], $0x80, $0x38;
	[tilespmem:$0xB600] =	vst v63  }
0x220: {  	s21 =	sadd.s32 $0x50, s3;
	s22 =	simm.s32 $0xB028  }
0x221: {  	[hbm4b:s21+s2] =	stream.linear.scatter [tilespmem:s22], [sflag:$0x2], $0x80, $0x38;
	[tilespmem:$0xB600] =	vst v63  }
0x222: {  	s21 =	sadd.s32 $0x60, s3;
	s22 =	simm.s32 $0xB0B0  }
0x223: {  	[hbm4b:s21+s2] =	stream.linear.scatter [tilespmem:s22], [sflag:$0x2], $0x80, $0x38;
	[tilespmem:$0xB600] =	vst v63  }
0x224: {  	s3 =	sadd.s32 $0x70, s3  }
0x225: {  	[hbm4b:s3+s2] =	stream.linear.scatter [tilespmem:s8], [sflag:$0x2], $0x80, $0x38;
	[tilespmem:$0xB600] =	vst v63  }
0x226: {  	s0 =	sadd.s32 $0x1C000, s0  }
0x227: {  	[hbm4b:s0+s2] =	stream.linear.scatter [tilespmem:s6], [sflag:$0x2], $0x80, $0x38;
	[tilespmem:$0xB600] =	vst v63  }
0x228: {  	s10 =	sadd.s32 $0x10, s0  }
0x229: {  	[hbm4b:s10+s2] =	stream.linear.scatter [tilespmem:s11], [sflag:$0x2], $0x80, $0x38;
	[tilespmem:$0xB600] =	vst v63  }
0x22a: {  	s21 =	sadd.s32 $0x20, s0  }
0x22b: {  	[hbm4b:s21+s2] =	stream.linear.scatter [tilespmem:s12], [sflag:$0x2], $0x80, $0x38;
	[tilespmem:$0xB600] =	vst v63  }
0x22c: {  	s22 =	sadd.s32 $0x30, s0  }
0x22d: {  	[hbm4b:s22+s2] =	stream.linear.scatter [tilespmem:s4], [sflag:$0x2], $0x80, $0x38;
	[tilespmem:$0xB600] =	vst v63  }
0x22e: {  	s20 =	sadd.s32 $0x1, s20;
	s10 =	sadd.s32 $0x40, s0  }
0x22f: {  	[hbm4b:s10+s2] =	stream.linear.scatter [tilespmem:s7], [sflag:$0x2], $0x80, $0x38;
	[tilespmem:$0xB600] =	vst v63  }
0x230: {  	p0 =	sne.s32 s20, $0x19;
	s21 =	sadd.s32 $0x50, s0  }
0x231: {  	[hbm4b:s21+s2] =	stream.linear.scatter [tilespmem:s9], [sflag:$0x2], $0x80, $0x38;
	[tilespmem:$0xB600] =	vst v63  }
.Ltmp3:
0x232: {  	_ = 	snop;
	(pc) =	sbr.rel @p0 .LBB2_5-.Ltmp3, $4  }
0x233: {  	s22 =	sadd.s32 $0x60, s0  }
0x234: {  	[hbm4b:s22+s2] =	stream.linear.scatter [tilespmem:s14], [sflag:$0x2], $0x80, $0x38;
	[tilespmem:$0xB600] =	vst v63  }
0x235: {  	s0 =	sadd.s32 $0x70, s0  }
0x236: {  	[hbm4b:s0+s2] =	stream.linear.scatter [tilespmem:s16], [sflag:$0x2], $0x80, $0x38;
	[tilespmem:$0xB600] =	vst v63  }
0x237: {  	_ =	swait.ge [sflag:s17], $0x400  }
0x238: {  	[sflag:s17] =	ssyncset.done $0x0  }
0x239: {  	[sflag:s17] =	ssyncadd.s32 $0xFFFFFC00  }
0x23a: {  	_ =	swait.ge [sflag:s17], $0x400  }
0x23b: {  	[sflag:s17] =	ssyncset.done $0x0  }
0x23c: {  	[sflag:s17] =	ssyncadd.s32 $0xFFFFFC00  }
0x23d: {  	_ =	swait.ge [sflag:s17], $0x400  }
0x23e: {  	[sflag:s17] =	ssyncset.done $0x0  }
0x23f: {  	[sflag:s17] =	ssyncadd.s32 $0xFFFFFC00  }
0x240: {  	_ =	swait.ge [sflag:s17], $0x400  }
0x241: {  	[sflag:s17] =	ssyncset.done $0x0  }
0x242: {  	[sflag:s17] =	ssyncadd.s32 $0xFFFFFC00  }
0x243: {  	_ =	swait.ge [sflag:s17], $0x400  }
0x244: {  	[sflag:s17] =	ssyncset.done $0x0  }
0x245: {  	[sflag:s17] =	ssyncadd.s32 $0xFFFFFC00  }
0x246: {  	_ =	swait.ge [sflag:s17], $0x400  }
0x247: {  	[sflag:s17] =	ssyncset.done $0x0  }
0x248: {  	[sflag:s17] =	ssyncadd.s32 $0xFFFFFC00  }
0x249: {  	_ =	swait.ge [sflag:s17], $0x400  }
0x24a: {  	[sflag:s17] =	ssyncset.done $0x0  }
0x24b: {  	[sflag:s17] =	ssyncadd.s32 $0xFFFFFC00  }
0x24c: {  	_ =	swait.ge [sflag:s17], $0x400  }
0x24d: {  	[sflag:s17] =	ssyncset.done $0x0  }
0x24e: {  	[sflag:s17] =	ssyncadd.s32 $0xFFFFFC00  }
0x24f: {  	_ =	swait.ge [sflag:s17], $0x400  }
0x250: {  	[sflag:s17] =	ssyncset.done $0x0  }
0x251: {  	[sflag:s17] =	ssyncadd.s32 $0xFFFFFC00  }
0x252: {  	_ =	swait.ge [sflag:s17], $0x400  }
0x253: {  	[sflag:s17] =	ssyncset.done $0x0  }
0x254: {  	[sflag:s17] =	ssyncadd.s32 $0xFFFFFC00  }
0x255: {  	_ =	swait.ge [sflag:s17], $0x400  }
0x256: {  	[sflag:s17] =	ssyncset.done $0x0  }
0x257: {  	[sflag:s17] =	ssyncadd.s32 $0xFFFFFC00  }
0x258: {  	_ =	swait.ge [sflag:s17], $0x400  }
0x259: {  	[sflag:s17] =	ssyncset.done $0x0  }
0x25a: {  	[sflag:s17] =	ssyncadd.s32 $0xFFFFFC00  }
0x25b: {  	_ =	swait.ge [sflag:s17], $0x400  }
0x25c: {  	[sflag:s17] =	ssyncset.done $0x0  }
0x25d: {  	[sflag:s17] =	ssyncadd.s32 $0xFFFFFC00  }
0x25e: {  	_ =	swait.ge [sflag:s17], $0x400  }
0x25f: {  	[sflag:s17] =	ssyncset.done $0x0  }
0x260: {  	[sflag:s17] =	ssyncadd.s32 $0xFFFFFC00  }
0x261: {  	_ =	swait.ge [sflag:s17], $0x400  }
0x262: {  	[sflag:s17] =	ssyncset.done $0x0  }
0x263: {  	[sflag:s17] =	ssyncadd.s32 $0xFFFFFC00  }
0x264: {  	_ =	swait.ge [sflag:s17], $0x400  }
0x265: {  	s3 =	rddreg [dreg:$0x8]  }
0x266: {  	s0 =	rddreg [dreg:$0x5];
	s3 =	sadd.s32 $0x1, s3  }
0x267: {  	p0 =	slt.u32 s3, s0  }
.Ltmp4:
0x268: {  	_ = 	snop;
	(pc) =	sbr.rel @p0 .LBB2_2-.Ltmp4, $3  }
0x269: {  	_ =	sdelay $0x1  }
0x26a: {  	[sflag:s17] =	ssyncset.done $0x0  }
0x26b: {  	[sflag:s17] =	ssyncadd.s32 $0xFFFFFC00  }
0x26c: {  	s3 =	rddreg [dreg:$0x7]  }
0x26d: {  	s0 =	rddreg [dreg:$0x6];
	s3 =	sadd.s32 $0x1, s3  }
0x26e: {  	p0 =	sne.s32 s3, s0  }
.Ltmp5:
0x26f: {  	_ = 	snop;
	(pc) =	sbr.rel @p0 .LBB2_1-.Ltmp5, $1  }
0x270: {  	_ =	sdelay $0x3  }
0x271: {  	_ =	sfence.sel $0x180000  }
0x272: {  	[bflag:$0x0] =	sbarrier.arrive $0xFFFF  }
0x273: {  	_ =	strace $0x90000047  }
0x274: {  	s0 =	stileid.u32;
	[bflag:$0x2] =	sbarrier.arrive $0xFFFF  }
0x275: {  	p0 =	sne.s32 s0, $0x0;
	s0 =	rddreg [dreg:$0x2]  }
0x276: {  	s0 =	sadd.s32 @!p0 $0x100000, s0  }
0x277: {  	[sflag:s0] =	ssyncadd.tile.s32 @!p0 $0x1;
	_ =	shalt  }
.Lfunc_end2:
_tile_overlayer_lowered:
.L_overlay_start_2:
0x278: {  	(tag) =	ssettag $0x2  }
0x279: {  	s0 =	rddreg [dreg:$0x0];
	s2 =	stileid.u32  }
0x27a: {  	s1 =	rddreg [dreg:$0x1];
	p0 =	sne.s32 s2, $0x0  }
0x27b: {  	s3 =	rddreg [dreg:$0x2];
	[bflag:$0x3] =	sbarrier.arrive $0xFFFF;
	s2 =	simm.s32 @!p0 $0x1C03  }
0x27c: {  	[timem:s3], [sflag:s2] =	dma.local @!p0 [hbm:s0], s1  }
0x27d: {  	s0 =	simm.s32 @!p0 $0x3  }
0x27e: {  	_ =	swait.ge @!p0 [sflag:s0], s1  }
0x27f: {  	s1 =	ssub.s32 @!p0 $0x0, s1;
	[sflag:s0] =	ssyncset.done @!p0 $0x0  }
0x280: {  	[sflag:s0] =	ssyncadd.s32 @!p0 s1  }
0x281: {  	[bflag:$0x3] =	sbarrier.arrive $0xFFFF  }
0x282: {  	_ =	shalt  }

</sc_bundles>
